<compile_context>
chip_gen: v7x
topology: tpu7x:2x2x1
jax: 0.10.2.dev20260603
libtpu: 0.0.44.dev20260713+nightly
codegen_flags: <defaults>
</compile_context>

<pallas_src>
import functools

import jax
import jax.numpy as jnp
from jax import lax
from jax.experimental import pallas as pl
from jax.experimental.pallas import tpu as pltpu
from jax.experimental.pallas import tpu_sc as plsc

B, L, V, D, H1, H2, T = 16, 2048, 20000, 768, 512, 256, 8
TP = 8
BV = 2048


def _mlp_body(emb, w1, b1, w2, b2, w3, b3, out):
    bf = jnp.bfloat16
    x = emb[...].astype(bf)
    h = jnp.maximum(jnp.dot(x, w1[...].astype(bf),
                            preferred_element_type=jnp.float32) + b1[...], 0.0)
    h = jnp.maximum(jnp.dot(h.astype(bf), w2[...].astype(bf),
                            preferred_element_type=jnp.float32) + b2[...], 0.0)
    s = jnp.dot(h, w3[...], preferred_element_type=jnp.float32) + b3[...]
    m = jnp.max(s, axis=1, keepdims=True)
    lse = jnp.log(jnp.sum(jnp.exp(s - m), axis=1, keepdims=True)) + m
    out[...] = s - lse


def _mlp_table(emb, w1, b1, w2, b2, w3, b3):
    grid = (V + BV - 1) // BV
    return pl.pallas_call(
        _mlp_body,
        grid=(grid,),
        in_specs=[
            pl.BlockSpec((BV, D), lambda i: (i, 0)),
            pl.BlockSpec((D, H1), lambda i: (0, 0)),
            pl.BlockSpec((1, H1), lambda i: (0, 0)),
            pl.BlockSpec((H1, H2), lambda i: (0, 0)),
            pl.BlockSpec((1, H2), lambda i: (0, 0)),
            pl.BlockSpec((H2, TP), lambda i: (0, 0)),
            pl.BlockSpec((1, TP), lambda i: (0, 0)),
        ],
        out_specs=pl.BlockSpec((BV, TP), lambda i: (i, 0)),
        out_shape=jax.ShapeDtypeStruct((V, TP), jnp.float32),
    )(emb, w1, b1, w2, b2, w3, b3)


_ROWS = B * L


def _gather_rows(idx3, table):
    info = plsc.get_sparse_core_info()
    nc, ns = info.num_cores, info.num_subcores
    nw = nc * ns
    per_w = _ROWS // nw
    mesh = plsc.VectorSubcoreMesh(core_axis_name="c", subcore_axis_name="s")

    @functools.partial(
        pl.kernel,
        mesh=mesh,
        out_type=jax.ShapeDtypeStruct((_ROWS, TP), jnp.float32),
        scratch_types=[
            pltpu.VMEM((per_w,), jnp.int32),
            pltpu.VMEM((per_w, TP), jnp.float32),
            pltpu.SemaphoreType.DMA,
        ],
        compiler_params=pltpu.CompilerParams(use_tc_tiling_on_sc=False),
    )
    def gath(idx_hbm, table_hbm, out_hbm, idx_v, rows_v, sem):
        wid = lax.axis_index("s") * nc + lax.axis_index("c")
        pltpu.sync_copy(idx_hbm.at[wid], idx_v)
        pltpu.async_copy(table_hbm.at[idx_v], rows_v, sem).wait()
        pltpu.sync_copy(rows_v, out_hbm.at[pl.ds(wid * per_w, per_w)])

    return gath(idx3, table)


_GCH = 128
_RN = 16
LK = 128
_NC = 32
_SC = L // _NC


def _goldpair_body(tgt, slx_r, exp16_r, transx_r, startx_r, endx_r, out):
    slx = slx_r[...]
    exp16 = exp16_r[...]
    transx = transx_r[...]
    startx = startx_r[...]
    endx = endx_r[...]
    lanemod = (lax.broadcasted_iota(jnp.int32, (_GCH, LK), 1) & 7
               ).astype(jnp.float32)
    acc = jnp.zeros((1, LK), jnp.float32)
    for c0 in range(0, L, _GCH):
        tg = jnp.dot(tgt[pl.ds(c0, _GCH)], exp16,
                     preferred_element_type=jnp.float32)
        tgn = jnp.dot(tgt[pl.ds(c0 + 1, _GCH)], exp16,
                      preferred_element_type=jnp.float32)
        tpos = c0 + lax.broadcasted_iota(jnp.int32, (_GCH, LK), 0)
        oh = (lanemod == tg).astype(jnp.float32)
        ohn = (lanemod == tgn).astype(jnp.float32)
        tv = jnp.zeros((_GCH, LK), jnp.float32)
        for i in range(T):
            tv += jnp.where(tg == float(i), transx[i:i + 1, :], 0.0)
        part = jnp.where(tpos == 0, startx * oh, 0.0)
        part += jnp.where(tpos == slx - 1, endx * oh, 0.0)
        part += jnp.where(tpos + 1 < slx, ohn * tv, 0.0)
        acc += jnp.sum(part, axis=0, keepdims=True)
    out[...] = acc


def _goldpair(tgt, slx, exp16, transx, startx, endx):
    return pl.pallas_call(
        _goldpair_body,
        out_shape=jax.ShapeDtypeStruct((1, LK), jnp.float32),
    )(tgt, slx, exp16, transx, startx, endx)


def _crf_body(ltx, lt2, tgt, gp, slx_r, bde_r, bd1_r, exp16_r,
              startx_r, endx_r, sel_r, out):
    slx = slx_r[...]
    bde = bde_r[...]
    bd1 = bd1_r[...]
    startx = startx_r[...]
    endx = endx_r[...]

    ii = lax.broadcasted_iota(jnp.int32, (_NC, T, LK), 1)
    jj = lax.broadcasted_iota(jnp.int32, (_NC, T, LK), 2) & 7
    a0 = (ii == jj).astype(jnp.float32)
    o0 = jnp.zeros((_NC, LK), jnp.float32)
    cvec = 1 + _SC * lax.broadcasted_iota(jnp.int32, (_NC, LK), 0)

    def blk(bi, carry):
        a, o = carry
        for k in range(_RN):
            s = bi * _RN + k
            e = lt2[s]
            an = jnp.dot(a.reshape(_NC * T, LK), bde,
                         preferred_element_type=jnp.float32)
            an = an.reshape(_NC, T, LK) * jnp.exp(e)[:, None, :]
            valid = (cvec + s) < slx
            a = jnp.where(valid[:, None, :], an, a)
        asum = jnp.sum(a, axis=1)
        t = jnp.dot(asum, bd1, preferred_element_type=jnp.float32)
        return a / t[:, None, :], o + jnp.log(t)

    a, o = lax.fori_loop(0, _SC // _RN, blk, (a0, o0))

    q = jnp.exp(ltx[0:1, :] + startx)
    qo = jnp.zeros((1, LK), jnp.float32)
    for c in range(_NC):
        dg = jnp.broadcast_to(a[c][None], (B, T, LK)).reshape(LK, LK) * bd1
        q = jnp.dot(q, dg, preferred_element_type=jnp.float32)
        sq = jnp.dot(q, bd1, preferred_element_type=jnp.float32)
        q = q / sq
        qo = qo + o[c:c + 1, :] + jnp.log(sq)

    zrow = jnp.dot(q * jnp.exp(endx), bd1, preferred_element_type=jnp.float32)
    logz = jnp.log(zrow) + qo

    exp16 = exp16_r[...]
    lanemod = (lax.broadcasted_iota(jnp.int32, (_GCH, LK), 1) & 7
               ).astype(jnp.float32)
    acc = gp[...]
    for c0 in range(0, L, _GCH):
        tg = jnp.dot(tgt[pl.ds(c0, _GCH)], exp16,
                     preferred_element_type=jnp.float32)
        ltc = ltx[pl.ds(c0, _GCH)]
        tpos = c0 + lax.broadcasted_iota(jnp.int32, (_GCH, LK), 0)
        oh = (lanemod == tg).astype(jnp.float32)
        part = jnp.where(tpos < slx, ltc * oh, 0.0)
        acc += jnp.sum(part, axis=0, keepdims=True)
    goldrow = jnp.dot(acc, bd1, preferred_element_type=jnp.float32)

    out[...] = jnp.dot(logz - goldrow, sel_r[...],
                       preferred_element_type=jnp.float32)


def _crf(ltx, lt2, tgt, gp, slx, bde, bd1, exp16, startx, endx, sel):
    return pl.pallas_call(
        _crf_body,
        out_shape=jax.ShapeDtypeStruct((1, B), jnp.float32),
    )(ltx, lt2, tgt, gp, slx, bde, bd1, exp16, startx, endx, sel)


def kernel(chars, seq_len, target, embed_table, W1, b1, W2, b2, W3, b3,
           trans_m, start_scores, end_scores):
    f32 = jnp.float32
    w3p = jnp.concatenate([W3, jnp.zeros((H2, TP - T), f32)], axis=1)
    b3p = jnp.concatenate([b3, jnp.zeros((TP - T,), f32)], axis=0).reshape(1, TP)
    table = _mlp_table(embed_table, W1, b1.reshape(1, H1), W2,
                       b2.reshape(1, H2), w3p, b3p)

    idx3 = chars.T.reshape(32, _ROWS // 32)
    gathered = _gather_rows(idx3, table)

    ltx = gathered.reshape(L, LK)
    lt2 = jnp.concatenate([ltx[1:], jnp.zeros((1, LK), f32)], axis=0
                          ).reshape(_NC, _SC, LK).swapaxes(0, 1)
    tgt = jnp.concatenate(
        [target.T.astype(f32), jnp.zeros((8, B), f32)], axis=0)
    slx = jnp.broadcast_to(seq_len.astype(jnp.int32)[:, None],
                           (B, T)).reshape(1, LK)
    bde = jnp.kron(jnp.eye(B, dtype=f32), jnp.exp(trans_m))
    bd1 = jnp.kron(jnp.eye(B, dtype=f32), jnp.ones((T, T), f32))
    exp16 = jnp.kron(jnp.eye(B, dtype=f32), jnp.ones((1, T), f32))
    transx = jnp.tile(trans_m, (1, B))
    startx = jnp.tile(start_scores, B).reshape(1, LK)
    endx = jnp.tile(end_scores, B).reshape(1, LK)
    sel = (jnp.arange(LK)[:, None] == (jnp.arange(B) * T)[None, :]).astype(f32)
    gp = _goldpair(tgt, slx, exp16, transx, startx, endx)
    loss = _crf(ltx, lt2, tgt, gp, slx, bde, bd1, exp16, startx, endx, sel)
    return loss.reshape(B)

# --- scband reference (transcript-rebuilt; emitter-appended) ---
"""Pipeline reference for scband-char-model-56659208569192 (READ-ONLY COPY).

The authoritative reference and input builder live on the scoring server;
editing this copy changes nothing except your own understanding.
"""

import jax, jax.numpy as jnp
import numpy as np
from jax.scipy.special import logsumexp

B, L, V, D, H1, H2, T = 16, 2048, 20000, 768, 512, 256, 8


def setup_inputs(seed: int = 0) -> dict:
    key = jax.random.key(seed)
    ks = jax.random.split(key, 16)
    seq_len = jax.random.randint(ks[0], (B,), L // 4, L + 1).astype(jnp.int32)
    pos = jnp.arange(L)[None, :]
    valid = pos < seq_len[:, None]
    chars = jax.random.randint(ks[1], (B, L), 1, V)
    chars = jnp.where(valid, chars, 0).astype(jnp.int32)
    target = jnp.where(valid, jax.random.randint(ks[2], (B, L), 0, T), 0).astype(jnp.int32)
    embed_table = (jax.random.normal(ks[3], (V, D)) * 0.02).astype(jnp.float32)
    W1 = (jax.random.normal(ks[4], (D, H1)) * 0.02).astype(jnp.float32)
    b1 = jnp.zeros((H1,), jnp.float32)
    W2 = (jax.random.normal(ks[5], (H1, H2)) * 0.02).astype(jnp.float32)
    b2 = jnp.zeros((H2,), jnp.float32)
    W3 = (jax.random.normal(ks[6], (H2, T)) * 0.02).astype(jnp.float32)
    b3 = jnp.zeros((T,), jnp.float32)
    trans_m = (jax.random.normal(ks[7], (T, T)) * 0.01).astype(jnp.float32)
    start_scores = (jax.random.normal(ks[8], (T,)) * 0.01).astype(jnp.float32)
    end_scores = (jax.random.normal(ks[9], (T,)) * 0.01).astype(jnp.float32)
    return {"chars": chars, "seq_len": seq_len, "target": target,
            "embed_table": embed_table, "W1": W1, "b1": b1, "W2": W2, "b2": b2,
            "W3": W3, "b3": b3, "trans_m": trans_m,
            "start_scores": start_scores, "end_scores": end_scores}


def _crf_nll(logits, target, mask, seq_len, trans_m, start_scores, end_scores):
    # normalizer (forward algorithm), fastNLP-style with include_start_end_trans=True
    lt = jnp.transpose(logits, (1, 0, 2))   # [L, B, T]
    mt = jnp.transpose(mask, (1, 0))        # [L, B]
    alpha0 = lt[0] + start_scores[None, :]

    def step(alpha, x):
        emit, m = x
        new = logsumexp(alpha[:, :, None] + trans_m[None, :, :] + emit[:, None, :], axis=1)
        alpha = jnp.where(m[:, None], new, alpha)
        return alpha, None

    alpha, _ = jax.lax.scan(step, alpha0, (lt[1:], mt[1:]))
    logZ = logsumexp(alpha + end_scores[None, :], axis=1)

    # gold path score
    emit = jnp.take_along_axis(logits, target[..., None].astype(jnp.int32), axis=-1)[..., 0]
    emit_sum = jnp.sum(jnp.where(mask, emit, 0.0), axis=1)
    t_from = target[:, :-1]
    t_to = target[:, 1:]
    pair_valid = mask[:, 1:] & mask[:, :-1]
    trans_sum = jnp.sum(jnp.where(pair_valid, trans_m[t_from, t_to], 0.0), axis=1)
    start = start_scores[target[:, 0]]
    last_idx = jnp.clip(seq_len.astype(jnp.int32) - 1, 0, L - 1)
    last_tag = jnp.take_along_axis(target, last_idx[:, None], axis=1)[:, 0]
    end = end_scores[last_tag]
    gold = emit_sum + trans_sum + start + end
    return logZ - gold


def reference(chars, seq_len, target, embed_table, W1, b1, W2, b2, W3, b3,
              trans_m, start_scores, end_scores):
    # task == 'CWS' branch of CharModel.forward
    mask = chars != 0
    feats = jnp.take(embed_table, chars, axis=0)          # embed(chars, layers)
    h = jax.nn.relu(feats @ W1 + b1)                       # cws_mlp hidden 1
    h = jax.nn.relu(h @ W2 + b2)                           # cws_mlp hidden 2
    scores = h @ W3 + b3                                   # output (no activation)
    logits = jax.nn.log_softmax(scores, axis=-1)
    loss = _crf_nll(logits, target, mask, seq_len, trans_m, start_scores, end_scores)
    return loss

if __name__ == "__main__":
    import jax
    _d = setup_inputs()
    print(jax.jit(kernel)(*tuple(_d.values())))

</pallas_src>

<mosaic_0001>
#map = affine_map<(d0, d1) -> (0, 0)>
module attributes {stable_mosaic.version = 14 : i64} {
  func.func @gath(%arg0: i32, %arg1: i32, %arg2: memref<32x1024xi32, #tpu.memory_space<hbm>>, %arg3: memref<20000x8xf32, #tpu.memory_space<hbm>>, %arg4: memref<32768x8xf32, #tpu.memory_space<hbm>>, %arg5: memref<1024xi32, #tpu.memory_space<vmem>>, %arg6: memref<1024x8xf32, #tpu.memory_space<vmem>>, %arg7: memref<!tpu.dma_semaphore, #tpu.memory_space<semaphore_mem>>) attributes {dimension_semantics = [#tpu.dimension_semantics<core_parallel>, #tpu.dimension_semantics<subcore_parallel>], iteration_bounds = array<i64: 2, 16>, scalar_prefetch = 0 : i64, scratch_operands = 3 : i64, tpu.core_type = #tpu.core_type<sc_vector_subcore>, window_params = [{transform_indices = #map}, {transform_indices = #map}, {transform_indices = #map}]} {
    %mul3A = arith.constant 2 : i32
    %mul3A_0 = arith.muli %arg1, %mul3A : i32
    %add3A = arith.addi %mul3A_0, %arg0 : i32
    "tpu.region"() ({
      %run_scoped3A = tpu.sem_alloc : memref<!tpu.dma_semaphore, #tpu.memory_space<semaphore_mem>>
      %dma_start3A_7 = arith.constant 0 : i32
      %dma_start3A_8 = tpu.memref_slice %arg2[%add3A, %dma_start3A_7] : memref<32x1024xi32, #tpu.memory_space<hbm>> -> memref<1x1024xi32, #tpu.memory_space<hbm>>
      %dma_start3A_9 = tpu.memref_squeeze %dma_start3A_8 : memref<1x1024xi32, #tpu.memory_space<hbm>> -> memref<1024xi32, #tpu.memory_space<hbm>>
      %dma_start3A_10 = arith.constant 0 : i32
      %dma_start3A_11 = tpu.memref_slice %arg2[%add3A, %dma_start3A_10] : memref<32x1024xi32, #tpu.memory_space<hbm>> -> memref<1x1024xi32, #tpu.memory_space<hbm>>
      %dma_start3A_12 = tpu.memref_squeeze %dma_start3A_11 : memref<1x1024xi32, #tpu.memory_space<hbm>> -> memref<1024xi32, #tpu.memory_space<hbm>>
      tpu.enqueue_dma source(%dma_start3A_12 : memref<1024xi32, #tpu.memory_space<hbm>>) target(%arg5 : memref<1024xi32, #tpu.memory_space<vmem>>) target_semaphore(%run_scoped3A : memref<!tpu.dma_semaphore, #tpu.memory_space<semaphore_mem>>)
      %dma_wait3A_13 = arith.constant 0 : i32
      %dma_wait3A_14 = tpu.memref_slice %arg2[%add3A, %dma_wait3A_13] : memref<32x1024xi32, #tpu.memory_space<hbm>> -> memref<1x1024xi32, #tpu.memory_space<hbm>>
      %dma_wait3A_15 = tpu.memref_squeeze %dma_wait3A_14 : memref<1x1024xi32, #tpu.memory_space<hbm>> -> memref<1024xi32, #tpu.memory_space<hbm>>
      %dma_wait3A_16 = arith.constant 0 : i32
      %dma_wait3A_17 = tpu.memref_slice %arg2[%add3A, %dma_wait3A_16] : memref<32x1024xi32, #tpu.memory_space<hbm>> -> memref<1x1024xi32, #tpu.memory_space<hbm>>
      %dma_wait3A_18 = tpu.memref_squeeze %dma_wait3A_17 : memref<1x1024xi32, #tpu.memory_space<hbm>> -> memref<1024xi32, #tpu.memory_space<hbm>>
      tpu.wait_dma2 semaphore(%run_scoped3A : memref<!tpu.dma_semaphore, #tpu.memory_space<semaphore_mem>>) src(%dma_wait3A_18 : memref<1024xi32, #tpu.memory_space<hbm>>) dst(%arg5 : memref<1024xi32, #tpu.memory_space<vmem>>)
      tpu.yield
    }) : () -> ()
    %dma_start3A = arith.constant 0 : i32
    %dma_start3A_1 = arith.constant 0 : i32
    %dma_start3A_2 = tpu.memref_slice %arg3[%dma_start3A, %dma_start3A_1] : memref<20000x8xf32, #tpu.memory_space<hbm>> -> memref<20000x8xf32, #tpu.memory_space<hbm>>
    tpu.enqueue_indirect_dma source(%dma_start3A_2 : memref<20000x8xf32, #tpu.memory_space<hbm>>) target(%arg6 : memref<1024x8xf32, #tpu.memory_space<vmem>>) offsets(%arg5 : memref<1024xi32, #tpu.memory_space<vmem>>) semaphore(%arg7 : memref<!tpu.dma_semaphore, #tpu.memory_space<semaphore_mem>>)
    %dma_wait3A = arith.constant 0 : i32
    %dma_wait3A_3 = arith.constant 0 : i32
    %dma_wait3A_4 = tpu.memref_slice %arg3[%dma_wait3A, %dma_wait3A_3] : memref<20000x8xf32, #tpu.memory_space<hbm>> -> memref<20000x8xf32, #tpu.memory_space<hbm>>
    tpu.wait_indirect_dma semaphore(%arg7 : memref<!tpu.dma_semaphore, #tpu.memory_space<semaphore_mem>>) src(%dma_wait3A_4 : memref<20000x8xf32, #tpu.memory_space<hbm>>) dst(%arg6 : memref<1024x8xf32, #tpu.memory_space<vmem>>)
    %mul3A_5 = arith.constant 1024 : i32
    %mul3A_6 = arith.muli %add3A, %mul3A_5 : i32
    "tpu.region"() ({
      %run_scoped3A = tpu.sem_alloc : memref<!tpu.dma_semaphore, #tpu.memory_space<semaphore_mem>>
      %dma_start3A_7 = arith.constant 0 : i32
      %dma_start3A_8 = tpu.memref_slice %arg4[%mul3A_6, %dma_start3A_7] : memref<32768x8xf32, #tpu.memory_space<hbm>> -> memref<1024x8xf32, #tpu.memory_space<hbm>>
      %dma_start3A_9 = arith.constant 0 : i32
      %dma_start3A_10 = tpu.memref_slice %arg4[%mul3A_6, %dma_start3A_9] : memref<32768x8xf32, #tpu.memory_space<hbm>> -> memref<1024x8xf32, #tpu.memory_space<hbm>>
      tpu.enqueue_dma source(%arg6 : memref<1024x8xf32, #tpu.memory_space<vmem>>) target(%dma_start3A_10 : memref<1024x8xf32, #tpu.memory_space<hbm>>) target_semaphore(%run_scoped3A : memref<!tpu.dma_semaphore, #tpu.memory_space<semaphore_mem>>)
      %dma_wait3A_11 = arith.constant 0 : i32
      %dma_wait3A_12 = tpu.memref_slice %arg4[%mul3A_6, %dma_wait3A_11] : memref<32768x8xf32, #tpu.memory_space<hbm>> -> memref<1024x8xf32, #tpu.memory_space<hbm>>
      %dma_wait3A_13 = arith.constant 0 : i32
      %dma_wait3A_14 = tpu.memref_slice %arg4[%mul3A_6, %dma_wait3A_13] : memref<32768x8xf32, #tpu.memory_space<hbm>> -> memref<1024x8xf32, #tpu.memory_space<hbm>>
      tpu.wait_dma2 semaphore(%run_scoped3A : memref<!tpu.dma_semaphore, #tpu.memory_space<semaphore_mem>>) src(%arg6 : memref<1024x8xf32, #tpu.memory_space<vmem>>) dst(%dma_wait3A_14 : memref<1024x8xf32, #tpu.memory_space<hbm>>)
      tpu.yield
    }) : () -> ()
    return
  }
}

module attributes {stable_mosaic.version = 14 : i64} {
  func.func @_mlp_body(%arg0: i32, %arg1: memref<2048x768xf32, #tpu.memory_space<vmem>>, %arg2: memref<768x512xf32, #tpu.memory_space<vmem>>, %arg3: memref<1x512xf32, #tpu.memory_space<vmem>>, %arg4: memref<512x256xf32, #tpu.memory_space<vmem>>, %arg5: memref<1x256xf32, #tpu.memory_space<vmem>>, %arg6: memref<256x8xf32, #tpu.memory_space<vmem>>, %arg7: memref<1x8xf32, #tpu.memory_space<vmem>>, %arg8: memref<2048x8xf32, #tpu.memory_space<vmem>>) attributes {dimension_semantics = [#tpu.dimension_semantics<arbitrary>], iteration_bounds = array<i64: 10>, scalar_prefetch = 0 : i64, scratch_operands = 0 : i64, tpu.core_type = #tpu.core_type<tc>, window_params = [{transform_indices = @transform_0, window_bounds = array<i64: 2048, 768>}, {pipeline_mode = #tpu.pipeline_mode<synchronous>, transform_indices = @transform_1, window_bounds = array<i64: 768, 512>}, {pipeline_mode = #tpu.pipeline_mode<synchronous>, transform_indices = @transform_2, window_bounds = array<i64: 1, 512>}, {pipeline_mode = #tpu.pipeline_mode<synchronous>, transform_indices = @transform_3, window_bounds = array<i64: 512, 256>}, {pipeline_mode = #tpu.pipeline_mode<synchronous>, transform_indices = @transform_4, window_bounds = array<i64: 1, 256>}, {pipeline_mode = #tpu.pipeline_mode<synchronous>, transform_indices = @transform_5, window_bounds = array<i64: 256, 8>}, {pipeline_mode = #tpu.pipeline_mode<synchronous>, transform_indices = @transform_6, window_bounds = array<i64: 1, 8>}, {transform_indices = @transform_7, window_bounds = array<i64: 2048, 8>}]} {
    %get3A = arith.constant 0 : index
    %get3A_0 = arith.constant 0 : index
    %get3A_1 = vector.load %arg1[%get3A, %get3A_0] : memref<2048x768xf32, #tpu.memory_space<vmem>>, vector<2048x768xf32>
    %convert_element_type3A = arith.truncf %get3A_1 : vector<2048x768xf32> to vector<2048x768xbf16>
    %get3A_2 = arith.constant 0 : index
    %get3A_3 = arith.constant 0 : index
    %get3A_4 = vector.load %arg2[%get3A_2, %get3A_3] : memref<768x512xf32, #tpu.memory_space<vmem>>, vector<768x512xf32>
    %convert_element_type3A_5 = arith.truncf %get3A_4 : vector<768x512xf32> to vector<768x512xbf16>
    %dot_general3A = arith.constant dense<0.000000e+00> : vector<2048x512xf32>
    %dot_general3A_6 = tpu.matmul %convert_element_type3A, %convert_element_type3A_5, %dot_general3A {dimension_numbers = #tpu.dot_dimension_numbers<[1], [0], [0], [1], [0, 0, 1, 1], [], []>, transpose_lhs_hint = false} : vector<2048x768xbf16>, vector<768x512xbf16>, vector<2048x512xf32> -> vector<2048x512xf32>
    %get3A_7 = arith.constant 0 : index
    %get3A_8 = arith.constant 0 : index
    %get3A_9 = vector.load %arg3[%get3A_7, %get3A_8] : memref<1x512xf32, #tpu.memory_space<vmem>>, vector<1x512xf32>
    %add3A = vector.broadcast %get3A_9 : vector<1x512xf32> to vector<2048x512xf32>
    %add3A_10 = arith.addf %dot_general3A_6, %add3A : vector<2048x512xf32>
    %max3A = arith.constant 0.000000e+00 : f32
    %max3A_11 = vector.broadcast %max3A : f32 to vector<2048x512xf32>
    %max3A_12 = arith.maximumf %add3A_10, %max3A_11 : vector<2048x512xf32>
    %convert_element_type3A_13 = arith.truncf %max3A_12 : vector<2048x512xf32> to vector<2048x512xbf16>
    %get3A_14 = arith.constant 0 : index
    %get3A_15 = arith.constant 0 : index
    %get3A_16 = vector.load %arg4[%get3A_14, %get3A_15] : memref<512x256xf32, #tpu.memory_space<vmem>>, vector<512x256xf32>
    %convert_element_type3A_17 = arith.truncf %get3A_16 : vector<512x256xf32> to vector<512x256xbf16>
    %dot_general3A_18 = arith.constant dense<0.000000e+00> : vector<2048x256xf32>
    %dot_general3A_19 = tpu.matmul %convert_element_type3A_13, %convert_element_type3A_17, %dot_general3A_18 {dimension_numbers = #tpu.dot_dimension_numbers<[1], [0], [0], [1], [0, 0, 1, 1], [], []>, transpose_lhs_hint = false} : vector<2048x512xbf16>, vector<512x256xbf16>, vector<2048x256xf32> -> vector<2048x256xf32>
    %get3A_20 = arith.constant 0 : index
    %get3A_21 = arith.constant 0 : index
    %get3A_22 = vector.load %arg5[%get3A_20, %get3A_21] : memref<1x256xf32, #tpu.memory_space<vmem>>, vector<1x256xf32>
    %add3A_23 = vector.broadcast %get3A_22 : vector<1x256xf32> to vector<2048x256xf32>
    %add3A_24 = arith.addf %dot_general3A_19, %add3A_23 : vector<2048x256xf32>
    %max3A_25 = arith.constant 0.000000e+00 : f32
    %max3A_26 = vector.broadcast %max3A_25 : f32 to vector<2048x256xf32>
    %max3A_27 = arith.maximumf %add3A_24, %max3A_26 : vector<2048x256xf32>
    %get3A_28 = arith.constant 0 : index
    %get3A_29 = arith.constant 0 : index
    %get3A_30 = vector.load %arg6[%get3A_28, %get3A_29] : memref<256x8xf32, #tpu.memory_space<vmem>>, vector<256x8xf32>
    %dot_general3A_31 = arith.constant dense<0.000000e+00> : vector<2048x8xf32>
    %dot_general3A_32 = tpu.matmul %max3A_27, %get3A_30, %dot_general3A_31 {dimension_numbers = #tpu.dot_dimension_numbers<[1], [0], [0], [1], [0, 0, 1, 1], [], []>, transpose_lhs_hint = false} : vector<2048x256xf32>, vector<256x8xf32>, vector<2048x8xf32> -> vector<2048x8xf32>
    %get3A_33 = arith.constant 0 : index
    %get3A_34 = arith.constant 0 : index
    %get3A_35 = vector.load %arg7[%get3A_33, %get3A_34] : memref<1x8xf32, #tpu.memory_space<vmem>>, vector<1x8xf32>
    %add3A_36 = vector.broadcast %get3A_35 : vector<1x8xf32> to vector<2048x8xf32>
    %add3A_37 = arith.addf %dot_general3A_32, %add3A_36 : vector<2048x8xf32>
    %reduce_max3A = arith.constant dense<0xFF800000> : vector<2048xf32>
    %reduce_max3A_38 = vector.multi_reduction <maximumf>, %add3A_37, %reduce_max3A [1] : vector<2048x8xf32> to vector<2048xf32>
    %broadcast_in_dim3A = vector.shape_cast %reduce_max3A_38 : vector<2048xf32> to vector<2048x1xf32>
    %sub3A = vector.broadcast %broadcast_in_dim3A : vector<2048x1xf32> to vector<2048x8xf32>
    %sub3A_39 = arith.subf %add3A_37, %sub3A : vector<2048x8xf32>
    %exp3A = math.exp %sub3A_39 : vector<2048x8xf32>
    %reduce_sum3A = arith.constant dense<0.000000e+00> : vector<2048xf32>
    %reduce_sum3A_40 = vector.multi_reduction <add>, %exp3A, %reduce_sum3A [1] : vector<2048x8xf32> to vector<2048xf32>
    %broadcast_in_dim3A_41 = vector.shape_cast %reduce_sum3A_40 : vector<2048xf32> to vector<2048x1xf32>
    %log3A = math.log %broadcast_in_dim3A_41 : vector<2048x1xf32>
    %add3A_42 = arith.addf %log3A, %broadcast_in_dim3A : vector<2048x1xf32>
    %sub3A_43 = vector.broadcast %add3A_42 : vector<2048x1xf32> to vector<2048x8xf32>
    %sub3A_44 = arith.subf %add3A_37, %sub3A_43 : vector<2048x8xf32>
    %swap3A = arith.constant 0 : index
    %swap3A_45 = arith.constant 0 : index
    %swap3A_46 = vector.load %arg8[%swap3A, %swap3A_45] : memref<2048x8xf32, #tpu.memory_space<vmem>>, vector<2048x8xf32>
    tpu.vector_store %arg8[%swap3A, %swap3A_45], %sub3A_44 {strides = array<i32>} : memref<2048x8xf32, #tpu.memory_space<vmem>>, vector<2048x8xf32>,
    return
  }
  func.func @transform_0(%arg0: i32) -> (i32, i32) {
    %c0_i32 = arith.constant 0 : i32
    %c0_i32_0 = arith.constant 0 : i32
    return %arg0, %c0_i32 : i32, i32
  }
  func.func @transform_1(%arg0: i32) -> (i32, i32) {
    %c0_i32 = arith.constant 0 : i32
    %c0_i32_0 = arith.constant 0 : i32
    %c0_i32_1 = arith.constant 0 : i32
    return %c0_i32, %c0_i32_0 : i32, i32
  }
  func.func @transform_2(%arg0: i32) -> (i32, i32) {
    %c0_i32 = arith.constant 0 : i32
    %c0_i32_0 = arith.constant 0 : i32
    %c0_i32_1 = arith.constant 0 : i32
    return %c0_i32, %c0_i32_0 : i32, i32
  }
  func.func @transform_3(%arg0: i32) -> (i32, i32) {
    %c0_i32 = arith.constant 0 : i32
    %c0_i32_0 = arith.constant 0 : i32
    %c0_i32_1 = arith.constant 0 : i32
    return %c0_i32, %c0_i32_0 : i32, i32
  }
  func.func @transform_4(%arg0: i32) -> (i32, i32) {
    %c0_i32 = arith.constant 0 : i32
    %c0_i32_0 = arith.constant 0 : i32
    %c0_i32_1 = arith.constant 0 : i32
    return %c0_i32, %c0_i32_0 : i32, i32
  }
  func.func @transform_5(%arg0: i32) -> (i32, i32) {
    %c0_i32 = arith.constant 0 : i32
    %c0_i32_0 = arith.constant 0 : i32
    %c0_i32_1 = arith.constant 0 : i32
    return %c0_i32, %c0_i32_0 : i32, i32
  }
  func.func @transform_6(%arg0: i32) -> (i32, i32) {
    %c0_i32 = arith.constant 0 : i32
    %c0_i32_0 = arith.constant 0 : i32
    %c0_i32_1 = arith.constant 0 : i32
    return %c0_i32, %c0_i32_0 : i32, i32
  }
  func.func @transform_7(%arg0: i32) -> (i32, i32) {
    %c0_i32 = arith.constant 0 : i32
    %c0_i32_0 = arith.constant 0 : i32
    return %arg0, %c0_i32 : i32, i32
  }
}

module attributes {stable_mosaic.version = 14 : i64} {
  func.func @_goldpair_body(%arg0: memref<2056x16xf32, #tpu.memory_space<vmem>>, %arg1: memref<1x128xi32, #tpu.memory_space<vmem>>, %arg2: memref<16x128xf32, #tpu.memory_space<vmem>>, %arg3: memref<8x128xf32, #tpu.memory_space<vmem>>, %arg4: memref<1x128xf32, #tpu.memory_space<vmem>>, %arg5: memref<1x128xf32, #tpu.memory_space<vmem>>, %arg6: memref<1x128xf32, #tpu.memory_space<vmem>>) attributes {dimension_semantics = [], scalar_prefetch = 0 : i64, scratch_operands = 0 : i64, tpu.core_type = #tpu.core_type<tc>} {
    %get3A = arith.constant 0 : index
    %get3A_0 = arith.constant 0 : index
    %get3A_1 = vector.load %arg1[%get3A, %get3A_0] : memref<1x128xi32, #tpu.memory_space<vmem>>, vector<1x128xi32>
    %get3A_2 = arith.constant 0 : index
    %get3A_3 = arith.constant 0 : index
    %get3A_4 = vector.load %arg2[%get3A_2, %get3A_3] : memref<16x128xf32, #tpu.memory_space<vmem>>, vector<16x128xf32>
    %get3A_5 = arith.constant 0 : index
    %get3A_6 = arith.constant 0 : index
    %get3A_7 = vector.load %arg3[%get3A_5, %get3A_6] : memref<8x128xf32, #tpu.memory_space<vmem>>, vector<8x128xf32>
    %get3A_8 = arith.constant 0 : index
    %get3A_9 = arith.constant 0 : index
    %get3A_10 = vector.load %arg4[%get3A_8, %get3A_9] : memref<1x128xf32, #tpu.memory_space<vmem>>, vector<1x128xf32>
    %get3A_11 = arith.constant 0 : index
    %get3A_12 = arith.constant 0 : index
    %get3A_13 = vector.load %arg5[%get3A_11, %get3A_12] : memref<1x128xf32, #tpu.memory_space<vmem>>, vector<1x128xf32>
    %iota3A = tpu.iota {dimensions = array<i32: 1>} : vector<128x128xi32>
    %and3A = arith.constant 7 : i32
    %and3A_14 = vector.broadcast %and3A : i32 to vector<128x128xi32>
    %and3A_15 = arith.andi %iota3A, %and3A_14 : vector<128x128xi32>
    %convert_element_type3A = arith.sitofp %and3A_15 : vector<128x128xi32> to vector<128x128xf32>
    %broadcast_in_dim3A = arith.constant 0.000000e+00 : f32
    %broadcast_in_dim3A_16 = vector.broadcast %broadcast_in_dim3A : f32 to vector<1x128xf32>
    %get3A_17 = arith.constant 0 : index
    %get3A_18 = arith.constant 0 : index
    %get3A_19 = vector.load %arg0[%get3A_17, %get3A_18] : memref<2056x16xf32, #tpu.memory_space<vmem>>, vector<128x16xf32>
    %dot_general3A = arith.constant dense<0.000000e+00> : vector<128x128xf32>
    %dot_general3A_20 = tpu.matmul %get3A_19, %get3A_4, %dot_general3A {dimension_numbers = #tpu.dot_dimension_numbers<[1], [0], [0], [1], [0, 0, 1, 1], [], []>, transpose_lhs_hint = false} : vector<128x16xf32>, vector<16x128xf32>, vector<128x128xf32> -> vector<128x128xf32>
    %get3A_21 = arith.constant 1 : index
    %get3A_22 = arith.constant 0 : index
    %get3A_23 = vector.load %arg0[%get3A_21, %get3A_22] : memref<2056x16xf32, #tpu.memory_space<vmem>>, vector<128x16xf32>
    %dot_general3A_24 = arith.constant dense<0.000000e+00> : vector<128x128xf32>
    %dot_general3A_25 = tpu.matmul %get3A_23, %get3A_4, %dot_general3A_24 {dimension_numbers = #tpu.dot_dimension_numbers<[1], [0], [0], [1], [0, 0, 1, 1], [], []>, transpose_lhs_hint = false} : vector<128x16xf32>, vector<16x128xf32>, vector<128x128xf32> -> vector<128x128xf32>
    %iota3A_26 = tpu.iota {dimensions = array<i32: 0>} : vector<128x128xi32>
    %add3A = arith.constant 0 : i32
    %add3A_27 = vector.broadcast %add3A : i32 to vector<128x128xi32>
    %add3A_28 = arith.addi %add3A_27, %iota3A_26 : vector<128x128xi32>
    %eq3A = arith.cmpf oeq, %convert_element_type3A, %dot_general3A_20 : vector<128x128xf32>
    %convert_element_type3A_29 = arith.extui %eq3A : vector<128x128xi1> to vector<128x128xi32>
    %convert_element_type3A_30 = arith.sitofp %convert_element_type3A_29 : vector<128x128xi32> to vector<128x128xf32>
    %eq3A_31 = arith.cmpf oeq, %convert_element_type3A, %dot_general3A_25 : vector<128x128xf32>
    %convert_element_type3A_32 = arith.extui %eq3A_31 : vector<128x128xi1> to vector<128x128xi32>
    %convert_element_type3A_33 = arith.sitofp %convert_element_type3A_32 : vector<128x128xi32> to vector<128x128xf32>
    %broadcast_in_dim3A_34 = arith.constant 0.000000e+00 : f32
    %broadcast_in_dim3A_35 = vector.broadcast %broadcast_in_dim3A_34 : f32 to vector<128x128xf32>
    %eq3A_36 = arith.constant 0.000000e+00 : f32
    %eq3A_37 = vector.broadcast %eq3A_36 : f32 to vector<128x128xf32>
    %eq3A_38 = arith.cmpf oeq, %dot_general3A_20, %eq3A_37 : vector<128x128xf32>
    %slice3A = vector.extract_strided_slice %get3A_7 {offsets = [0, 0], sizes = [1, 128], strides = [1, 1]} : vector<8x128xf32> to vector<1x128xf32>
    %jit3A = arith.constant 0.000000e+00 : f32
    %broadcast_in_dim3A_39 = vector.shape_cast %slice3A : vector<1x128xf32> to vector<1x128xf32>
    %broadcast_in_dim3A_40 = vector.broadcast %broadcast_in_dim3A_39 : vector<1x128xf32> to vector<128x128xf32>
    %broadcast_in_dim3A_41 = vector.broadcast %jit3A : f32 to vector<128x128xf32>
    %select_n3A = arith.select %eq3A_38, %broadcast_in_dim3A_40, %broadcast_in_dim3A_41 : vector<128x128xi1>, vector<128x128xf32>
    %add3A_42 = arith.addf %broadcast_in_dim3A_35, %select_n3A : vector<128x128xf32>
    %eq3A_43 = arith.constant 1.000000e+00 : f32
    %eq3A_44 = vector.broadcast %eq3A_43 : f32 to vector<128x128xf32>
    %eq3A_45 = arith.cmpf oeq, %dot_general3A_20, %eq3A_44 : vector<128x128xf32>
    %slice3A_46 = vector.extract_strided_slice %get3A_7 {offsets = [1, 0], sizes = [1, 128], strides = [1, 1]} : vector<8x128xf32> to vector<1x128xf32>
    %jit3A_47 = arith.constant 0.000000e+00 : f32
    %broadcast_in_dim3A_48 = vector.shape_cast %slice3A_46 : vector<1x128xf32> to vector<1x128xf32>
    %broadcast_in_dim3A_49 = vector.broadcast %broadcast_in_dim3A_48 : vector<1x128xf32> to vector<128x128xf32>
    %broadcast_in_dim3A_50 = vector.broadcast %jit3A_47 : f32 to vector<128x128xf32>
    %select_n3A_51 = arith.select %eq3A_45, %broadcast_in_dim3A_49, %broadcast_in_dim3A_50 : vector<128x128xi1>, vector<128x128xf32>
    %add3A_52 = arith.addf %add3A_42, %select_n3A_51 : vector<128x128xf32>
    %eq3A_53 = arith.constant 2.000000e+00 : f32
    %eq3A_54 = vector.broadcast %eq3A_53 : f32 to vector<128x128xf32>
    %eq3A_55 = arith.cmpf oeq, %dot_general3A_20, %eq3A_54 : vector<128x128xf32>
    %slice3A_56 = vector.extract_strided_slice %get3A_7 {offsets = [2, 0], sizes = [1, 128], strides = [1, 1]} : vector<8x128xf32> to vector<1x128xf32>
    %jit3A_57 = arith.constant 0.000000e+00 : f32
    %broadcast_in_dim3A_58 = vector.shape_cast %slice3A_56 : vector<1x128xf32> to vector<1x128xf32>
    %broadcast_in_dim3A_59 = vector.broadcast %broadcast_in_dim3A_58 : vector<1x128xf32> to vector<128x128xf32>
    %broadcast_in_dim3A_60 = vector.broadcast %jit3A_57 : f32 to vector<128x128xf32>
    %select_n3A_61 = arith.select %eq3A_55, %broadcast_in_dim3A_59, %broadcast_in_dim3A_60 : vector<128x128xi1>, vector<128x128xf32>
    %add3A_62 = arith.addf %add3A_52, %select_n3A_61 : vector<128x128xf32>
    %eq3A_63 = arith.constant 3.000000e+00 : f32
    %eq3A_64 = vector.broadcast %eq3A_63 : f32 to vector<128x128xf32>
    %eq3A_65 = arith.cmpf oeq, %dot_general3A_20, %eq3A_64 : vector<128x128xf32>
    %slice3A_66 = vector.extract_strided_slice %get3A_7 {offsets = [3, 0], sizes = [1, 128], strides = [1, 1]} : vector<8x128xf32> to vector<1x128xf32>
    %jit3A_67 = arith.constant 0.000000e+00 : f32
    %broadcast_in_dim3A_68 = vector.shape_cast %slice3A_66 : vector<1x128xf32> to vector<1x128xf32>
    %broadcast_in_dim3A_69 = vector.broadcast %broadcast_in_dim3A_68 : vector<1x128xf32> to vector<128x128xf32>
    %broadcast_in_dim3A_70 = vector.broadcast %jit3A_67 : f32 to vector<128x128xf32>
    %select_n3A_71 = arith.select %eq3A_65, %broadcast_in_dim3A_69, %broadcast_in_dim3A_70 : vector<128x128xi1>, vector<128x128xf32>
    %add3A_72 = arith.addf %add3A_62, %select_n3A_71 : vector<128x128xf32>
    %eq3A_73 = arith.constant 4.000000e+00 : f32
    %eq3A_74 = vector.broadcast %eq3A_73 : f32 to vector<128x128xf32>
    %eq3A_75 = arith.cmpf oeq, %dot_general3A_20, %eq3A_74 : vector<128x128xf32>
    %slice3A_76 = vector.extract_strided_slice %get3A_7 {offsets = [4, 0], sizes = [1, 128], strides = [1, 1]} : vector<8x128xf32> to vector<1x128xf32>
    %jit3A_77 = arith.constant 0.000000e+00 : f32
    %broadcast_in_dim3A_78 = vector.shape_cast %slice3A_76 : vector<1x128xf32> to vector<1x128xf32>
    %broadcast_in_dim3A_79 = vector.broadcast %broadcast_in_dim3A_78 : vector<1x128xf32> to vector<128x128xf32>
    %broadcast_in_dim3A_80 = vector.broadcast %jit3A_77 : f32 to vector<128x128xf32>
    %select_n3A_81 = arith.select %eq3A_75, %broadcast_in_dim3A_79, %broadcast_in_dim3A_80 : vector<128x128xi1>, vector<128x128xf32>
    %add3A_82 = arith.addf %add3A_72, %select_n3A_81 : vector<128x128xf32>
    %eq3A_83 = arith.constant 5.000000e+00 : f32
    %eq3A_84 = vector.broadcast %eq3A_83 : f32 to vector<128x128xf32>
    %eq3A_85 = arith.cmpf oeq, %dot_general3A_20, %eq3A_84 : vector<128x128xf32>
    %slice3A_86 = vector.extract_strided_slice %get3A_7 {offsets = [5, 0], sizes = [1, 128], strides = [1, 1]} : vector<8x128xf32> to vector<1x128xf32>
    %jit3A_87 = arith.constant 0.000000e+00 : f32
    %broadcast_in_dim3A_88 = vector.shape_cast %slice3A_86 : vector<1x128xf32> to vector<1x128xf32>
    %broadcast_in_dim3A_89 = vector.broadcast %broadcast_in_dim3A_88 : vector<1x128xf32> to vector<128x128xf32>
    %broadcast_in_dim3A_90 = vector.broadcast %jit3A_87 : f32 to vector<128x128xf32>
    %select_n3A_91 = arith.select %eq3A_85, %broadcast_in_dim3A_89, %broadcast_in_dim3A_90 : vector<128x128xi1>, vector<128x128xf32>
    %add3A_92 = arith.addf %add3A_82, %select_n3A_91 : vector<128x128xf32>
    %eq3A_93 = arith.constant 6.000000e+00 : f32
    %eq3A_94 = vector.broadcast %eq3A_93 : f32 to vector<128x128xf32>
    %eq3A_95 = arith.cmpf oeq, %dot_general3A_20, %eq3A_94 : vector<128x128xf32>
    %slice3A_96 = vector.extract_strided_slice %get3A_7 {offsets = [6, 0], sizes = [1, 128], strides = [1, 1]} : vector<8x128xf32> to vector<1x128xf32>
    %jit3A_97 = arith.constant 0.000000e+00 : f32
    %broadcast_in_dim3A_98 = vector.shape_cast %slice3A_96 : vector<1x128xf32> to vector<1x128xf32>
    %broadcast_in_dim3A_99 = vector.broadcast %broadcast_in_dim3A_98 : vector<1x128xf32> to vector<128x128xf32>
    %broadcast_in_dim3A_100 = vector.broadcast %jit3A_97 : f32 to vector<128x128xf32>
    %select_n3A_101 = arith.select %eq3A_95, %broadcast_in_dim3A_99, %broadcast_in_dim3A_100 : vector<128x128xi1>, vector<128x128xf32>
    %add3A_102 = arith.addf %add3A_92, %select_n3A_101 : vector<128x128xf32>
    %eq3A_103 = arith.constant 7.000000e+00 : f32
    %eq3A_104 = vector.broadcast %eq3A_103 : f32 to vector<128x128xf32>
    %eq3A_105 = arith.cmpf oeq, %dot_general3A_20, %eq3A_104 : vector<128x128xf32>
    %slice3A_106 = vector.extract_strided_slice %get3A_7 {offsets = [7, 0], sizes = [1, 128], strides = [1, 1]} : vector<8x128xf32> to vector<1x128xf32>
    %jit3A_107 = arith.constant 0.000000e+00 : f32
    %broadcast_in_dim3A_108 = vector.shape_cast %slice3A_106 : vector<1x128xf32> to vector<1x128xf32>
    %broadcast_in_dim3A_109 = vector.broadcast %broadcast_in_dim3A_108 : vector<1x128xf32> to vector<128x128xf32>
    %broadcast_in_dim3A_110 = vector.broadcast %jit3A_107 : f32 to vector<128x128xf32>
    %select_n3A_111 = arith.select %eq3A_105, %broadcast_in_dim3A_109, %broadcast_in_dim3A_110 : vector<128x128xi1>, vector<128x128xf32>
    %add3A_112 = arith.addf %add3A_102, %select_n3A_111 : vector<128x128xf32>
    %eq3A_113 = arith.constant 0 : i32
    %eq3A_114 = vector.broadcast %eq3A_113 : i32 to vector<128x128xi32>
    %eq3A_115 = arith.cmpi eq, %add3A_28, %eq3A_114 : vector<128x128xi32>
    %mul3A = vector.broadcast %get3A_10 : vector<1x128xf32> to vector<128x128xf32>
    %mul3A_116 = arith.mulf %mul3A, %convert_element_type3A_30 : vector<128x128xf32>
    %jit3A_117 = arith.constant 0.000000e+00 : f32
    %broadcast_in_dim3A_118 = vector.broadcast %jit3A_117 : f32 to vector<128x128xf32>
    %select_n3A_119 = arith.select %eq3A_115, %mul3A_116, %broadcast_in_dim3A_118 : vector<128x128xi1>, vector<128x128xf32>
    %sub3A = arith.constant 1 : i32
    %sub3A_120 = vector.broadcast %sub3A : i32 to vector<1x128xi32>
    %sub3A_121 = arith.subi %get3A_1, %sub3A_120 : vector<1x128xi32>
    %eq3A_122 = vector.broadcast %sub3A_121 : vector<1x128xi32> to vector<128x128xi32>
    %eq3A_123 = arith.cmpi eq, %add3A_28, %eq3A_122 : vector<128x128xi32>
    %mul3A_124 = vector.broadcast %get3A_13 : vector<1x128xf32> to vector<128x128xf32>
    %mul3A_125 = arith.mulf %mul3A_124, %convert_element_type3A_30 : vector<128x128xf32>
    %jit3A_126 = arith.constant 0.000000e+00 : f32
    %broadcast_in_dim3A_127 = vector.broadcast %jit3A_126 : f32 to vector<128x128xf32>
    %select_n3A_128 = arith.select %eq3A_123, %mul3A_125, %broadcast_in_dim3A_127 : vector<128x128xi1>, vector<128x128xf32>
    %add3A_129 = arith.addf %select_n3A_119, %select_n3A_128 : vector<128x128xf32>
    %add3A_130 = arith.constant 1 : i32
    %add3A_131 = vector.broadcast %add3A_130 : i32 to vector<128x128xi32>
    %add3A_132 = arith.addi %add3A_28, %add3A_131 : vector<128x128xi32>
    %lt3A = vector.broadcast %get3A_1 : vector<1x128xi32> to vector<128x128xi32>
    %lt3A_133 = arith.cmpi slt, %add3A_132, %lt3A : vector<128x128xi32>
    %mul3A_134 = arith.mulf %convert_element_type3A_33, %add3A_112 : vector<128x128xf32>
    %jit3A_135 = arith.constant 0.000000e+00 : f32
    %broadcast_in_dim3A_136 = vector.broadcast %jit3A_135 : f32 to vector<128x128xf32>
    %select_n3A_137 = arith.select %lt3A_133, %mul3A_134, %broadcast_in_dim3A_136 : vector<128x128xi1>, vector<128x128xf32>
    %add3A_138 = arith.addf %add3A_129, %select_n3A_137 : vector<128x128xf32>
    %reduce_sum3A = arith.constant dense<0.000000e+00> : vector<128xf32>
    %reduce_sum3A_139 = vector.multi_reduction <add>, %add3A_138, %reduce_sum3A [0] : vector<128x128xf32> to vector<128xf32>
    %broadcast_in_dim3A_140 = vector.shape_cast %reduce_sum3A_139 : vector<128xf32> to vector<1x128xf32>
    %add3A_141 = arith.addf %broadcast_in_dim3A_16, %broadcast_in_dim3A_140 : vector<1x128xf32>
    %get3A_142 = arith.constant 128 : index
    %get3A_143 = arith.constant 0 : index
    %get3A_144 = vector.load %arg0[%get3A_142, %get3A_143] : memref<2056x16xf32, #tpu.memory_space<vmem>>, vector<128x16xf32>
    %dot_general3A_145 = arith.constant dense<0.000000e+00> : vector<128x128xf32>
    %dot_general3A_146 = tpu.matmul %get3A_144, %get3A_4, %dot_general3A_145 {dimension_numbers = #tpu.dot_dimension_numbers<[1], [0], [0], [1], [0, 0, 1, 1], [], []>, transpose_lhs_hint = false} : vector<128x16xf32>, vector<16x128xf32>, vector<128x128xf32> -> vector<128x128xf32>
    %get3A_147 = arith.constant 129 : index
    %get3A_148 = arith.constant 0 : index
    %get3A_149 = vector.load %arg0[%get3A_147, %get3A_148] : memref<2056x16xf32, #tpu.memory_space<vmem>>, vector<128x16xf32>
    %dot_general3A_150 = arith.constant dense<0.000000e+00> : vector<128x128xf32>
    %dot_general3A_151 = tpu.matmul %get3A_149, %get3A_4, %dot_general3A_150 {dimension_numbers = #tpu.dot_dimension_numbers<[1], [0], [0], [1], [0, 0, 1, 1], [], []>, transpose_lhs_hint = false} : vector<128x16xf32>, vector<16x128xf32>, vector<128x128xf32> -> vector<128x128xf32>
    %iota3A_152 = tpu.iota {dimensions = array<i32: 0>} : vector<128x128xi32>
    %add3A_153 = arith.constant 128 : i32
    %add3A_154 = vector.broadcast %add3A_153 : i32 to vector<128x128xi32>
    %add3A_155 = arith.addi %add3A_154, %iota3A_152 : vector<128x128xi32>
    %eq3A_156 = arith.cmpf oeq, %convert_element_type3A, %dot_general3A_146 : vector<128x128xf32>
    %convert_element_type3A_157 = arith.extui %eq3A_156 : vector<128x128xi1> to vector<128x128xi32>
    %convert_element_type3A_158 = arith.sitofp %convert_element_type3A_157 : vector<128x128xi32> to vector<128x128xf32>
    %eq3A_159 = arith.cmpf oeq, %convert_element_type3A, %dot_general3A_151 : vector<128x128xf32>
    %convert_element_type3A_160 = arith.extui %eq3A_159 : vector<128x128xi1> to vector<128x128xi32>
    %convert_element_type3A_161 = arith.sitofp %convert_element_type3A_160 : vector<128x128xi32> to vector<128x128xf32>
    %broadcast_in_dim3A_162 = arith.constant 0.000000e+00 : f32
    %broadcast_in_dim3A_163 = vector.broadcast %broadcast_in_dim3A_162 : f32 to vector<128x128xf32>
    %eq3A_164 = arith.constant 0.000000e+00 : f32
    %eq3A_165 = vector.broadcast %eq3A_164 : f32 to vector<128x128xf32>
    %eq3A_166 = arith.cmpf oeq, %dot_general3A_146, %eq3A_165 : vector<128x128xf32>
    %slice3A_167 = vector.extract_strided_slice %get3A_7 {offsets = [0, 0], sizes = [1, 128], strides = [1, 1]} : vector<8x128xf32> to vector<1x128xf32>
    %jit3A_168 = arith.constant 0.000000e+00 : f32
    %broadcast_in_dim3A_169 = vector.shape_cast %slice3A_167 : vector<1x128xf32> to vector<1x128xf32>
    %broadcast_in_dim3A_170 = vector.broadcast %broadcast_in_dim3A_169 : vector<1x128xf32> to vector<128x128xf32>
    %broadcast_in_dim3A_171 = vector.broadcast %jit3A_168 : f32 to vector<128x128xf32>
    %select_n3A_172 = arith.select %eq3A_166, %broadcast_in_dim3A_170, %broadcast_in_dim3A_171 : vector<128x128xi1>, vector<128x128xf32>
    %add3A_173 = arith.addf %broadcast_in_dim3A_163, %select_n3A_172 : vector<128x128xf32>
    %eq3A_174 = arith.constant 1.000000e+00 : f32
    %eq3A_175 = vector.broadcast %eq3A_174 : f32 to vector<128x128xf32>
    %eq3A_176 = arith.cmpf oeq, %dot_general3A_146, %eq3A_175 : vector<128x128xf32>
    %slice3A_177 = vector.extract_strided_slice %get3A_7 {offsets = [1, 0], sizes = [1, 128], strides = [1, 1]} : vector<8x128xf32> to vector<1x128xf32>
    %jit3A_178 = arith.constant 0.000000e+00 : f32
    %broadcast_in_dim3A_179 = vector.shape_cast %slice3A_177 : vector<1x128xf32> to vector<1x128xf32>
    %broadcast_in_dim3A_180 = vector.broadcast %broadcast_in_dim3A_179 : vector<1x128xf32> to vector<128x128xf32>
    %broadcast_in_dim3A_181 = vector.broadcast %jit3A_178 : f32 to vector<128x128xf32>
    %select_n3A_182 = arith.select %eq3A_176, %broadcast_in_dim3A_180, %broadcast_in_dim3A_181 : vector<128x128xi1>, vector<128x128xf32>
    %add3A_183 = arith.addf %add3A_173, %select_n3A_182 : vector<128x128xf32>
    %eq3A_184 = arith.constant 2.000000e+00 : f32
    %eq3A_185 = vector.broadcast %eq3A_184 : f32 to vector<128x128xf32>
    %eq3A_186 = arith.cmpf oeq, %dot_general3A_146, %eq3A_185 : vector<128x128xf32>
    %slice3A_187 = vector.extract_strided_slice %get3A_7 {offsets = [2, 0], sizes = [1, 128], strides = [1, 1]} : vector<8x128xf32> to vector<1x128xf32>
    %jit3A_188 = arith.constant 0.000000e+00 : f32
    %broadcast_in_dim3A_189 = vector.shape_cast %slice3A_187 : vector<1x128xf32> to vector<1x128xf32>
    %broadcast_in_dim3A_190 = vector.broadcast %broadcast_in_dim3A_189 : vector<1x128xf32> to vector<128x128xf32>
    %broadcast_in_dim3A_191 = vector.broadcast %jit3A_188 : f32 to vector<128x128xf32>
    %select_n3A_192 = arith.select %eq3A_186, %broadcast_in_dim3A_190, %broadcast_in_dim3A_191 : vector<128x128xi1>, vector<128x128xf32>
    %add3A_193 = arith.addf %add3A_183, %select_n3A_192 : vector<128x128xf32>
    %eq3A_194 = arith.constant 3.000000e+00 : f32
    %eq3A_195 = vector.broadcast %eq3A_194 : f32 to vector<128x128xf32>
    %eq3A_196 = arith.cmpf oeq, %dot_general3A_146, %eq3A_195 : vector<128x128xf32>
    %slice3A_197 = vector.extract_strided_slice %get3A_7 {offsets = [3, 0], sizes = [1, 128], strides = [1, 1]} : vector<8x128xf32> to vector<1x128xf32>
    %jit3A_198 = arith.constant 0.000000e+00 : f32
    %broadcast_in_dim3A_199 = vector.shape_cast %slice3A_197 : vector<1x128xf32> to vector<1x128xf32>
    %broadcast_in_dim3A_200 = vector.broadcast %broadcast_in_dim3A_199 : vector<1x128xf32> to vector<128x128xf32>
    %broadcast_in_dim3A_201 = vector.broadcast %jit3A_198 : f32 to vector<128x128xf32>
    %select_n3A_202 = arith.select %eq3A_196, %broadcast_in_dim3A_200, %broadcast_in_dim3A_201 : vector<128x128xi1>, vector<128x128xf32>
    %add3A_203 = arith.addf %add3A_193, %select_n3A_202 : vector<128x128xf32>
    %eq3A_204 = arith.constant 4.000000e+00 : f32
    %eq3A_205 = vector.broadcast %eq3A_204 : f32 to vector<128x128xf32>
    %eq3A_206 = arith.cmpf oeq, %dot_general3A_146, %eq3A_205 : vector<128x128xf32>
    %slice3A_207 = vector.extract_strided_slice %get3A_7 {offsets = [4, 0], sizes = [1, 128], strides = [1, 1]} : vector<8x128xf32> to vector<1x128xf32>
    %jit3A_208 = arith.constant 0.000000e+00 : f32
    %broadcast_in_dim3A_209 = vector.shape_cast %slice3A_207 : vector<1x128xf32> to vector<1x128xf32>
    %broadcast_in_dim3A_210 = vector.broadcast %broadcast_in_dim3A_209 : vector<1x128xf32> to vector<128x128xf32>
    %broadcast_in_dim3A_211 = vector.broadcast %jit3A_208 : f32 to vector<128x128xf32>
    %select_n3A_212 = arith.select %eq3A_206, %broadcast_in_dim3A_210, %broadcast_in_dim3A_211 : vector<128x128xi1>, vector<128x128xf32>
    %add3A_213 = arith.addf %add3A_203, %select_n3A_212 : vector<128x128xf32>
    %eq3A_214 = arith.constant 5.000000e+00 : f32
    %eq3A_215 = vector.broadcast %eq3A_214 : f32 to vector<128x128xf32>
    %eq3A_216 = arith.cmpf oeq, %dot_general3A_146, %eq3A_215 : vector<128x128xf32>
    %slice3A_217 = vector.extract_strided_slice %get3A_7 {offsets = [5, 0], sizes = [1, 128], strides = [1, 1]} : vector<8x128xf32> to vector<1x128xf32>
    %jit3A_218 = arith.constant 0.000000e+00 : f32
    %broadcast_in_dim3A_219 = vector.shape_cast %slice3A_217 : vector<1x128xf32> to vector<1x128xf32>
    %broadcast_in_dim3A_220 = vector.broadcast %broadcast_in_dim3A_219 : vector<1x128xf32> to vector<128x128xf32>
    %broadcast_in_dim3A_221 = vector.broadcast %jit3A_218 : f32 to vector<128x128xf32>
    %select_n3A_222 = arith.select %eq3A_216, %broadcast_in_dim3A_220, %broadcast_in_dim3A_221 : vector<128x128xi1>, vector<128x128xf32>
    %add3A_223 = arith.addf %add3A_213, %select_n3A_222 : vector<128x128xf32>
    %eq3A_224 = arith.constant 6.000000e+00 : f32
    %eq3A_225 = vector.broadcast %eq3A_224 : f32 to vector<128x128xf32>
    %eq3A_226 = arith.cmpf oeq, %dot_general3A_146, %eq3A_225 : vector<128x128xf32>
    %slice3A_227 = vector.extract_strided_slice %get3A_7 {offsets = [6, 0], sizes = [1, 128], strides = [1, 1]} : vector<8x128xf32> to vector<1x128xf32>
    %jit3A_228 = arith.constant 0.000000e+00 : f32
    %broadcast_in_dim3A_229 = vector.shape_cast %slice3A_227 : vector<1x128xf32> to vector<1x128xf32>
    %broadcast_in_dim3A_230 = vector.broadcast %broadcast_in_dim3A_229 : vector<1x128xf32> to vector<128x128xf32>
    %broadcast_in_dim3A_231 = vector.broadcast %jit3A_228 : f32 to vector<128x128xf32>
    %select_n3A_232 = arith.select %eq3A_226, %broadcast_in_dim3A_230, %broadcast_in_dim3A_231 : vector<128x128xi1>, vector<128x128xf32>
    %add3A_233 = arith.addf %add3A_223, %select_n3A_232 : vector<128x128xf32>
    %eq3A_234 = arith.constant 7.000000e+00 : f32
    %eq3A_235 = vector.broadcast %eq3A_234 : f32 to vector<128x128xf32>
    %eq3A_236 = arith.cmpf oeq, %dot_general3A_146, %eq3A_235 : vector<128x128xf32>
    %slice3A_237 = vector.extract_strided_slice %get3A_7 {offsets = [7, 0], sizes = [1, 128], strides = [1, 1]} : vector<8x128xf32> to vector<1x128xf32>
    %jit3A_238 = arith.constant 0.000000e+00 : f32
    %broadcast_in_dim3A_239 = vector.shape_cast %slice3A_237 : vector<1x128xf32> to vector<1x128xf32>
    %broadcast_in_dim3A_240 = vector.broadcast %broadcast_in_dim3A_239 : vector<1x128xf32> to vector<128x128xf32>
    %broadcast_in_dim3A_241 = vector.broadcast %jit3A_238 : f32 to vector<128x128xf32>
    %select_n3A_242 = arith.select %eq3A_236, %broadcast_in_dim3A_240, %broadcast_in_dim3A_241 : vector<128x128xi1>, vector<128x128xf32>
    %add3A_243 = arith.addf %add3A_233, %select_n3A_242 : vector<128x128xf32>
    %eq3A_244 = arith.constant 0 : i32
    %eq3A_245 = vector.broadcast %eq3A_244 : i32 to vector<128x128xi32>
    %eq3A_246 = arith.cmpi eq, %add3A_155, %eq3A_245 : vector<128x128xi32>
    %mul3A_247 = vector.broadcast %get3A_10 : vector<1x128xf32> to vector<128x128xf32>
    %mul3A_248 = arith.mulf %mul3A_247, %convert_element_type3A_158 : vector<128x128xf32>
    %jit3A_249 = arith.constant 0.000000e+00 : f32
    %broadcast_in_dim3A_250 = vector.broadcast %jit3A_249 : f32 to vector<128x128xf32>
    %select_n3A_251 = arith.select %eq3A_246, %mul3A_248, %broadcast_in_dim3A_250 : vector<128x128xi1>, vector<128x128xf32>
    %sub3A_252 = arith.constant 1 : i32
    %sub3A_253 = vector.broadcast %sub3A_252 : i32 to vector<1x128xi32>
    %sub3A_254 = arith.subi %get3A_1, %sub3A_253 : vector<1x128xi32>
    %eq3A_255 = vector.broadcast %sub3A_254 : vector<1x128xi32> to vector<128x128xi32>
    %eq3A_256 = arith.cmpi eq, %add3A_155, %eq3A_255 : vector<128x128xi32>
    %mul3A_257 = vector.broadcast %get3A_13 : vector<1x128xf32> to vector<128x128xf32>
    %mul3A_258 = arith.mulf %mul3A_257, %convert_element_type3A_158 : vector<128x128xf32>
    %jit3A_259 = arith.constant 0.000000e+00 : f32
    %broadcast_in_dim3A_260 = vector.broadcast %jit3A_259 : f32 to vector<128x128xf32>
    %select_n3A_261 = arith.select %eq3A_256, %mul3A_258, %broadcast_in_dim3A_260 : vector<128x128xi1>, vector<128x128xf32>
    %add3A_262 = arith.addf %select_n3A_251, %select_n3A_261 : vector<128x128xf32>
    %add3A_263 = arith.constant 1 : i32
    %add3A_264 = vector.broadcast %add3A_263 : i32 to vector<128x128xi32>
    %add3A_265 = arith.addi %add3A_155, %add3A_264 : vector<128x128xi32>
    %lt3A_266 = vector.broadcast %get3A_1 : vector<1x128xi32> to vector<128x128xi32>
    %lt3A_267 = arith.cmpi slt, %add3A_265, %lt3A_266 : vector<128x128xi32>
    %mul3A_268 = arith.mulf %convert_element_type3A_161, %add3A_243 : vector<128x128xf32>
    %jit3A_269 = arith.constant 0.000000e+00 : f32
    %broadcast_in_dim3A_270 = vector.broadcast %jit3A_269 : f32 to vector<128x128xf32>
    %select_n3A_271 = arith.select %lt3A_267, %mul3A_268, %broadcast_in_dim3A_270 : vector<128x128xi1>, vector<128x128xf32>
    %add3A_272 = arith.addf %add3A_262, %select_n3A_271 : vector<128x128xf32>
    %reduce_sum3A_273 = arith.constant dense<0.000000e+00> : vector<128xf32>
    %reduce_sum3A_274 = vector.multi_reduction <add>, %add3A_272, %reduce_sum3A_273 [0] : vector<128x128xf32> to vector<128xf32>
    %broadcast_in_dim3A_275 = vector.shape_cast %reduce_sum3A_274 : vector<128xf32> to vector<1x128xf32>
    %add3A_276 = arith.addf %add3A_141, %broadcast_in_dim3A_275 : vector<1x128xf32>
    %get3A_277 = arith.constant 256 : index
    %get3A_278 = arith.constant 0 : index
    %get3A_279 = vector.load %arg0[%get3A_277, %get3A_278] : memref<2056x16xf32, #tpu.memory_space<vmem>>, vector<128x16xf32>
    %dot_general3A_280 = arith.constant dense<0.000000e+00> : vector<128x128xf32>
    %dot_general3A_281 = tpu.matmul %get3A_279, %get3A_4, %dot_general3A_280 {dimension_numbers = #tpu.dot_dimension_numbers<[1], [0], [0], [1], [0, 0, 1, 1], [], []>, transpose_lhs_hint = false} : vector<128x16xf32>, vector<16x128xf32>, vector<128x128xf32> -> vector<128x128xf32>
    %get3A_282 = arith.constant 257 : index
    %get3A_283 = arith.constant 0 : index
    %get3A_284 = vector.load %arg0[%get3A_282, %get3A_283] : memref<2056x16xf32, #tpu.memory_space<vmem>>, vector<128x16xf32>
    %dot_general3A_285 = arith.constant dense<0.000000e+00> : vector<128x128xf32>
    %dot_general3A_286 = tpu.matmul %get3A_284, %get3A_4, %dot_general3A_285 {dimension_numbers = #tpu.dot_dimension_numbers<[1], [0], [0], [1], [0, 0, 1, 1], [], []>, transpose_lhs_hint = false} : vector<128x16xf32>, vector<16x128xf32>, vector<128x128xf32> -> vector<128x128xf32>
    %iota3A_287 = tpu.iota {dimensions = array<i32: 0>} : vector<128x128xi32>
    %add3A_288 = arith.constant 256 : i32
    %add3A_289 = vector.broadcast %add3A_288 : i32 to vector<128x128xi32>
    %add3A_290 = arith.addi %add3A_289, %iota3A_287 : vector<128x128xi32>
    %eq3A_291 = arith.cmpf oeq, %convert_element_type3A, %dot_general3A_281 : vector<128x128xf32>
    %convert_element_type3A_292 = arith.extui %eq3A_291 : vector<128x128xi1> to vector<128x128xi32>
    %convert_element_type3A_293 = arith.sitofp %convert_element_type3A_292 : vector<128x128xi32> to vector<128x128xf32>
    %eq3A_294 = arith.cmpf oeq, %convert_element_type3A, %dot_general3A_286 : vector<128x128xf32>
    %convert_element_type3A_295 = arith.extui %eq3A_294 : vector<128x128xi1> to vector<128x128xi32>
    %convert_element_type3A_296 = arith.sitofp %convert_element_type3A_295 : vector<128x128xi32> to vector<128x128xf32>
    %broadcast_in_dim3A_297 = arith.constant 0.000000e+00 : f32
    %broadcast_in_dim3A_298 = vector.broadcast %broadcast_in_dim3A_297 : f32 to vector<128x128xf32>
    %eq3A_299 = arith.constant 0.000000e+00 : f32
    %eq3A_300 = vector.broadcast %eq3A_299 : f32 to vector<128x128xf32>
    %eq3A_301 = arith.cmpf oeq, %dot_general3A_281, %eq3A_300 : vector<128x128xf32>
    %slice3A_302 = vector.extract_strided_slice %get3A_7 {offsets = [0, 0], sizes = [1, 128], strides = [1, 1]} : vector<8x128xf32> to vector<1x128xf32>
    %jit3A_303 = arith.constant 0.000000e+00 : f32
    %broadcast_in_dim3A_304 = vector.shape_cast %slice3A_302 : vector<1x128xf32> to vector<1x128xf32>
    %broadcast_in_dim3A_305 = vector.broadcast %broadcast_in_dim3A_304 : vector<1x128xf32> to vector<128x128xf32>
    %broadcast_in_dim3A_306 = vector.broadcast %jit3A_303 : f32 to vector<128x128xf32>
    %select_n3A_307 = arith.select %eq3A_301, %broadcast_in_dim3A_305, %broadcast_in_dim3A_306 : vector<128x128xi1>, vector<128x128xf32>
    %add3A_308 = arith.addf %broadcast_in_dim3A_298, %select_n3A_307 : vector<128x128xf32>
    %eq3A_309 = arith.constant 1.000000e+00 : f32
    %eq3A_310 = vector.broadcast %eq3A_309 : f32 to vector<128x128xf32>
    %eq3A_311 = arith.cmpf oeq, %dot_general3A_281, %eq3A_310 : vector<128x128xf32>
    %slice3A_312 = vector.extract_strided_slice %get3A_7 {offsets = [1, 0], sizes = [1, 128], strides = [1, 1]} : vector<8x128xf32> to vector<1x128xf32>
    %jit3A_313 = arith.constant 0.000000e+00 : f32
    %broadcast_in_dim3A_314 = vector.shape_cast %slice3A_312 : vector<1x128xf32> to vector<1x128xf32>
    %broadcast_in_dim3A_315 = vector.broadcast %broadcast_in_dim3A_314 : vector<1x128xf32> to vector<128x128xf32>
    %broadcast_in_dim3A_316 = vector.broadcast %jit3A_313 : f32 to vector<128x128xf32>
    %select_n3A_317 = arith.select %eq3A_311, %broadcast_in_dim3A_315, %broadcast_in_dim3A_316 : vector<128x128xi1>, vector<128x128xf32>
    %add3A_318 = arith.addf %add3A_308, %select_n3A_317 : vector<128x128xf32>
    %eq3A_319 = arith.constant 2.000000e+00 : f32
    %eq3A_320 = vector.broadcast %eq3A_319 : f32 to vector<128x128xf32>
    %eq3A_321 = arith.cmpf oeq, %dot_general3A_281, %eq3A_320 : vector<128x128xf32>
    %slice3A_322 = vector.extract_strided_slice %get3A_7 {offsets = [2, 0], sizes = [1, 128], strides = [1, 1]} : vector<8x128xf32> to vector<1x128xf32>
    %jit3A_323 = arith.constant 0.000000e+00 : f32
    %broadcast_in_dim3A_324 = vector.shape_cast %slice3A_322 : vector<1x128xf32> to vector<1x128xf32>
    %broadcast_in_dim3A_325 = vector.broadcast %broadcast_in_dim3A_324 : vector<1x128xf32> to vector<128x128xf32>
    %broadcast_in_dim3A_326 = vector.broadcast %jit3A_323 : f32 to vector<128x128xf32>
    %select_n3A_327 = arith.select %eq3A_321, %broadcast_in_dim3A_325, %broadcast_in_dim3A_326 : vector<128x128xi1>, vector<128x128xf32>
    %add3A_328 = arith.addf %add3A_318, %select_n3A_327 : vector<128x128xf32>
    %eq3A_329 = arith.constant 3.000000e+00 : f32
    %eq3A_330 = vector.broadcast %eq3A_329 : f32 to vector<128x128xf32>
    %eq3A_331 = arith.cmpf oeq, %dot_general3A_281, %eq3A_330 : vector<128x128xf32>
    %slice3A_332 = vector.extract_strided_slice %get3A_7 {offsets = [3, 0], sizes = [1, 128], strides = [1, 1]} : vector<8x128xf32> to vector<1x128xf32>
    %jit3A_333 = arith.constant 0.000000e+00 : f32
    %broadcast_in_dim3A_334 = vector.shape_cast %slice3A_332 : vector<1x128xf32> to vector<1x128xf32>
    %broadcast_in_dim3A_335 = vector.broadcast %broadcast_in_dim3A_334 : vector<1x128xf32> to vector<128x128xf32>
    %broadcast_in_dim3A_336 = vector.broadcast %jit3A_333 : f32 to vector<128x128xf32>
    %select_n3A_337 = arith.select %eq3A_331, %broadcast_in_dim3A_335, %broadcast_in_dim3A_336 : vector<128x128xi1>, vector<128x128xf32>
    %add3A_338 = arith.addf %add3A_328, %select_n3A_337 : vector<128x128xf32>
    %eq3A_339 = arith.constant 4.000000e+00 : f32
    %eq3A_340 = vector.broadcast %eq3A_339 : f32 to vector<128x128xf32>
    %eq3A_341 = arith.cmpf oeq, %dot_general3A_281, %eq3A_340 : vector<128x128xf32>
    %slice3A_342 = vector.extract_strided_slice %get3A_7 {offsets = [4, 0], sizes = [1, 128], strides = [1, 1]} : vector<8x128xf32> to vector<1x128xf32>
    %jit3A_343 = arith.constant 0.000000e+00 : f32
    %broadcast_in_dim3A_344 = vector.shape_cast %slice3A_342 : vector<1x128xf32> to vector<1x128xf32>
    %broadcast_in_dim3A_345 = vector.broadcast %broadcast_in_dim3A_344 : vector<1x128xf32> to vector<128x128xf32>
    %broadcast_in_dim3A_346 = vector.broadcast %jit3A_343 : f32 to vector<128x128xf32>
    %select_n3A_347 = arith.select %eq3A_341, %broadcast_in_dim3A_345, %broadcast_in_dim3A_346 : vector<128x128xi1>, vector<128x128xf32>
    %add3A_348 = arith.addf %add3A_338, %select_n3A_347 : vector<128x128xf32>
    %eq3A_349 = arith.constant 5.000000e+00 : f32
    %eq3A_350 = vector.broadcast %eq3A_349 : f32 to vector<128x128xf32>
    %eq3A_351 = arith.cmpf oeq, %dot_general3A_281, %eq3A_350 : vector<128x128xf32>
    %slice3A_352 = vector.extract_strided_slice %get3A_7 {offsets = [5, 0], sizes = [1, 128], strides = [1, 1]} : vector<8x128xf32> to vector<1x128xf32>
    %jit3A_353 = arith.constant 0.000000e+00 : f32
    %broadcast_in_dim3A_354 = vector.shape_cast %slice3A_352 : vector<1x128xf32> to vector<1x128xf32>
    %broadcast_in_dim3A_355 = vector.broadcast %broadcast_in_dim3A_354 : vector<1x128xf32> to vector<128x128xf32>
    %broadcast_in_dim3A_356 = vector.broadcast %jit3A_353 : f32 to vector<128x128xf32>
    %select_n3A_357 = arith.select %eq3A_351, %broadcast_in_dim3A_355, %broadcast_in_dim3A_356 : vector<128x128xi1>, vector<128x128xf32>
    %add3A_358 = arith.addf %add3A_348, %select_n3A_357 : vector<128x128xf32>
    %eq3A_359 = arith.constant 6.000000e+00 : f32
    %eq3A_360 = vector.broadcast %eq3A_359 : f32 to vector<128x128xf32>
    %eq3A_361 = arith.cmpf oeq, %dot_general3A_281, %eq3A_360 : vector<128x128xf32>
    %slice3A_362 = vector.extract_strided_slice %get3A_7 {offsets = [6, 0], sizes = [1, 128], strides = [1, 1]} : vector<8x128xf32> to vector<1x128xf32>
    %jit3A_363 = arith.constant 0.000000e+00 : f32
    %broadcast_in_dim3A_364 = vector.shape_cast %slice3A_362 : vector<1x128xf32> to vector<1x128xf32>
    %broadcast_in_dim3A_365 = vector.broadcast %broadcast_in_dim3A_364 : vector<1x128xf32> to vector<128x128xf32>
    %broadcast_in_dim3A_366 = vector.broadcast %jit3A_363 : f32 to vector<128x128xf32>
    %select_n3A_367 = arith.select %eq3A_361, %broadcast_in_dim3A_365, %broadcast_in_dim3A_366 : vector<128x128xi1>, vector<128x128xf32>
    %add3A_368 = arith.addf %add3A_358, %select_n3A_367 : vector<128x128xf32>
    %eq3A_369 = arith.constant 7.000000e+00 : f32
    %eq3A_370 = vector.broadcast %eq3A_369 : f32 to vector<128x128xf32>
    %eq3A_371 = arith.cmpf oeq, %dot_general3A_281, %eq3A_370 : vector<128x128xf32>
    %slice3A_372 = vector.extract_strided_slice %get3A_7 {offsets = [7, 0], sizes = [1, 128], strides = [1, 1]} : vector<8x128xf32> to vector<1x128xf32>
    %jit3A_373 = arith.constant 0.000000e+00 : f32
    %broadcast_in_dim3A_374 = vector.shape_cast %slice3A_372 : vector<1x128xf32> to vector<1x128xf32>
    %broadcast_in_dim3A_375 = vector.broadcast %broadcast_in_dim3A_374 : vector<1x128xf32> to vector<128x128xf32>
    %broadcast_in_dim3A_376 = vector.broadcast %jit3A_373 : f32 to vector<128x128xf32>
    %select_n3A_377 = arith.select %eq3A_371, %broadcast_in_dim3A_375, %broadcast_in_dim3A_376 : vector<128x128xi1>, vector<128x128xf32>
    %add3A_378 = arith.addf %add3A_368, %select_n3A_377 : vector<128x128xf32>
    %eq3A_379 = arith.constant 0 : i32
    %eq3A_380 = vector.broadcast %eq3A_379 : i32 to vector<128x128xi32>
    %eq3A_381 = arith.cmpi eq, %add3A_290, %eq3A_380 : vector<128x128xi32>
    %mul3A_382 = vector.broadcast %get3A_10 : vector<1x128xf32> to vector<128x128xf32>
    %mul3A_383 = arith.mulf %mul3A_382, %convert_element_type3A_293 : vector<128x128xf32>
    %jit3A_384 = arith.constant 0.000000e+00 : f32
    %broadcast_in_dim3A_385 = vector.broadcast %jit3A_384 : f32 to vector<128x128xf32>
    %select_n3A_386 = arith.select %eq3A_381, %mul3A_383, %broadcast_in_dim3A_385 : vector<128x128xi1>, vector<128x128xf32>
    %sub3A_387 = arith.constant 1 : i32
    %sub3A_388 = vector.broadcast %sub3A_387 : i32 to vector<1x128xi32>
    %sub3A_389 = arith.subi %get3A_1, %sub3A_388 : vector<1x128xi32>
    %eq3A_390 = vector.broadcast %sub3A_389 : vector<1x128xi32> to vector<128x128xi32>
    %eq3A_391 = arith.cmpi eq, %add3A_290, %eq3A_390 : vector<128x128xi32>
    %mul3A_392 = vector.broadcast %get3A_13 : vector<1x128xf32> to vector<128x128xf32>
    %mul3A_393 = arith.mulf %mul3A_392, %convert_element_type3A_293 : vector<128x128xf32>
    %jit3A_394 = arith.constant 0.000000e+00 : f32
    %broadcast_in_dim3A_395 = vector.broadcast %jit3A_394 : f32 to vector<128x128xf32>
    %select_n3A_396 = arith.select %eq3A_391, %mul3A_393, %broadcast_in_dim3A_395 : vector<128x128xi1>, vector<128x128xf32>
    %add3A_397 = arith.addf %select_n3A_386, %select_n3A_396 : vector<128x128xf32>
    %add3A_398 = arith.constant 1 : i32
    %add3A_399 = vector.broadcast %add3A_398 : i32 to vector<128x128xi32>
    %add3A_400 = arith.addi %add3A_290, %add3A_399 : vector<128x128xi32>
    %lt3A_401 = vector.broadcast %get3A_1 : vector<1x128xi32> to vector<128x128xi32>
    %lt3A_402 = arith.cmpi slt, %add3A_400, %lt3A_401 : vector<128x128xi32>
    %mul3A_403 = arith.mulf %convert_element_type3A_296, %add3A_378 : vector<128x128xf32>
    %jit3A_404 = arith.constant 0.000000e+00 : f32
    %broadcast_in_dim3A_405 = vector.broadcast %jit3A_404 : f32 to vector<128x128xf32>
    %select_n3A_406 = arith.select %lt3A_402, %mul3A_403, %broadcast_in_dim3A_405 : vector<128x128xi1>, vector<128x128xf32>
    %add3A_407 = arith.addf %add3A_397, %select_n3A_406 : vector<128x128xf32>
    %reduce_sum3A_408 = arith.constant dense<0.000000e+00> : vector<128xf32>
    %reduce_sum3A_409 = vector.multi_reduction <add>, %add3A_407, %reduce_sum3A_408 [0] : vector<128x128xf32> to vector<128xf32>
    %broadcast_in_dim3A_410 = vector.shape_cast %reduce_sum3A_409 : vector<128xf32> to vector<1x128xf32>
    %add3A_411 = arith.addf %add3A_276, %broadcast_in_dim3A_410 : vector<1x128xf32>
    %get3A_412 = arith.constant 384 : index
    %get3A_413 = arith.constant 0 : index
    %get3A_414 = vector.load %arg0[%get3A_412, %get3A_413] : memref<2056x16xf32, #tpu.memory_space<vmem>>, vector<128x16xf32>
    %dot_general3A_415 = arith.constant dense<0.000000e+00> : vector<128x128xf32>
    %dot_general3A_416 = tpu.matmul %get3A_414, %get3A_4, %dot_general3A_415 {dimension_numbers = #tpu.dot_dimension_numbers<[1], [0], [0], [1], [0, 0, 1, 1], [], []>, transpose_lhs_hint = false} : vector<128x16xf32>, vector<16x128xf32>, vector<128x128xf32> -> vector<128x128xf32>
    %get3A_417 = arith.constant 385 : index
    %get3A_418 = arith.constant 0 : index
    %get3A_419 = vector.load %arg0[%get3A_417, %get3A_418] : memref<2056x16xf32, #tpu.memory_space<vmem>>, vector<128x16xf32>
    %dot_general3A_420 = arith.constant dense<0.000000e+00> : vector<128x128xf32>
    %dot_general3A_421 = tpu.matmul %get3A_419, %get3A_4, %dot_general3A_420 {dimension_numbers = #tpu.dot_dimension_numbers<[1], [0], [0], [1], [0, 0, 1, 1], [], []>, transpose_lhs_hint = false} : vector<128x16xf32>, vector<16x128xf32>, vector<128x128xf32> -> vector<128x128xf32>
    %iota3A_422 = tpu.iota {dimensions = array<i32: 0>} : vector<128x128xi32>
    %add3A_423 = arith.constant 384 : i32
    %add3A_424 = vector.broadcast %add3A_423 : i32 to vector<128x128xi32>
    %add3A_425 = arith.addi %add3A_424, %iota3A_422 : vector<128x128xi32>
    %eq3A_426 = arith.cmpf oeq, %convert_element_type3A, %dot_general3A_416 : vector<128x128xf32>
    %convert_element_type3A_427 = arith.extui %eq3A_426 : vector<128x128xi1> to vector<128x128xi32>
    %convert_element_type3A_428 = arith.sitofp %convert_element_type3A_427 : vector<128x128xi32> to vector<128x128xf32>
    %eq3A_429 = arith.cmpf oeq, %convert_element_type3A, %dot_general3A_421 : vector<128x128xf32>
    %convert_element_type3A_430 = arith.extui %eq3A_429 : vector<128x128xi1> to vector<128x128xi32>
    %convert_element_type3A_431 = arith.sitofp %convert_element_type3A_430 : vector<128x128xi32> to vector<128x128xf32>
    %broadcast_in_dim3A_432 = arith.constant 0.000000e+00 : f32
    %broadcast_in_dim3A_433 = vector.broadcast %broadcast_in_dim3A_432 : f32 to vector<128x128xf32>
    %eq3A_434 = arith.constant 0.000000e+00 : f32
    %eq3A_435 = vector.broadcast %eq3A_434 : f32 to vector<128x128xf32>
    %eq3A_436 = arith.cmpf oeq, %dot_general3A_416, %eq3A_435 : vector<128x128xf32>
    %slice3A_437 = vector.extract_strided_slice %get3A_7 {offsets = [0, 0], sizes = [1, 128], strides = [1, 1]} : vector<8x128xf32> to vector<1x128xf32>
    %jit3A_438 = arith.constant 0.000000e+00 : f32
    %broadcast_in_dim3A_439 = vector.shape_cast %slice3A_437 : vector<1x128xf32> to vector<1x128xf32>
    %broadcast_in_dim3A_440 = vector.broadcast %broadcast_in_dim3A_439 : vector<1x128xf32> to vector<128x128xf32>
    %broadcast_in_dim3A_441 = vector.broadcast %jit3A_438 : f32 to vector<128x128xf32>
    %select_n3A_442 = arith.select %eq3A_436, %broadcast_in_dim3A_440, %broadcast_in_dim3A_441 : vector<128x128xi1>, vector<128x128xf32>
    %add3A_443 = arith.addf %broadcast_in_dim3A_433, %select_n3A_442 : vector<128x128xf32>
    %eq3A_444 = arith.constant 1.000000e+00 : f32
    %eq3A_445 = vector.broadcast %eq3A_444 : f32 to vector<128x128xf32>
    %eq3A_446 = arith.cmpf oeq, %dot_general3A_416, %eq3A_445 : vector<128x128xf32>
    %slice3A_447 = vector.extract_strided_slice %get3A_7 {offsets = [1, 0], sizes = [1, 128], strides = [1, 1]} : vector<8x128xf32> to vector<1x128xf32>
    %jit3A_448 = arith.constant 0.000000e+00 : f32
    %broadcast_in_dim3A_449 = vector.shape_cast %slice3A_447 : vector<1x128xf32> to vector<1x128xf32>
    %broadcast_in_dim3A_450 = vector.broadcast %broadcast_in_dim3A_449 : vector<1x128xf32> to vector<128x128xf32>
    %broadcast_in_dim3A_451 = vector.broadcast %jit3A_448 : f32 to vector<128x128xf32>
    %select_n3A_452 = arith.select %eq3A_446, %broadcast_in_dim3A_450, %broadcast_in_dim3A_451 : vector<128x128xi1>, vector<128x128xf32>
    %add3A_453 = arith.addf %add3A_443, %select_n3A_452 : vector<128x128xf32>
    %eq3A_454 = arith.constant 2.000000e+00 : f32
    %eq3A_455 = vector.broadcast %eq3A_454 : f32 to vector<128x128xf32>
    %eq3A_456 = arith.cmpf oeq, %dot_general3A_416, %eq3A_455 : vector<128x128xf32>
    %slice3A_457 = vector.extract_strided_slice %get3A_7 {offsets = [2, 0], sizes = [1, 128], strides = [1, 1]} : vector<8x128xf32> to vector<1x128xf32>
    %jit3A_458 = arith.constant 0.000000e+00 : f32
    %broadcast_in_dim3A_459 = vector.shape_cast %slice3A_457 : vector<1x128xf32> to vector<1x128xf32>
    %broadcast_in_dim3A_460 = vector.broadcast %broadcast_in_dim3A_459 : vector<1x128xf32> to vector<128x128xf32>
    %broadcast_in_dim3A_461 = vector.broadcast %jit3A_458 : f32 to vector<128x128xf32>
    %select_n3A_462 = arith.select %eq3A_456, %broadcast_in_dim3A_460, %broadcast_in_dim3A_461 : vector<128x128xi1>, vector<128x128xf32>
    %add3A_463 = arith.addf %add3A_453, %select_n3A_462 : vector<128x128xf32>
    %eq3A_464 = arith.constant 3.000000e+00 : f32
    %eq3A_465 = vector.broadcast %eq3A_464 : f32 to vector<128x128xf32>
    %eq3A_466 = arith.cmpf oeq, %dot_general3A_416, %eq3A_465 : vector<128x128xf32>
    %slice3A_467 = vector.extract_strided_slice %get3A_7 {offsets = [3, 0], sizes = [1, 128], strides = [1, 1]} : vector<8x128xf32> to vector<1x128xf32>
    %jit3A_468 = arith.constant 0.000000e+00 : f32
    %broadcast_in_dim3A_469 = vector.shape_cast %slice3A_467 : vector<1x128xf32> to vector<1x128xf32>
    %broadcast_in_dim3A_470 = vector.broadcast %broadcast_in_dim3A_469 : vector<1x128xf32> to vector<128x128xf32>
    %broadcast_in_dim3A_471 = vector.broadcast %jit3A_468 : f32 to vector<128x128xf32>
    %select_n3A_472 = arith.select %eq3A_466, %broadcast_in_dim3A_470, %broadcast_in_dim3A_471 : vector<128x128xi1>, vector<128x128xf32>
    %add3A_473 = arith.addf %add3A_463, %select_n3A_472 : vector<128x128xf32>
    %eq3A_474 = arith.constant 4.000000e+00 : f32
    %eq3A_475 = vector.broadcast %eq3A_474 : f32 to vector<128x128xf32>
    %eq3A_476 = arith.cmpf oeq, %dot_general3A_416, %eq3A_475 : vector<128x128xf32>
    %slice3A_477 = vector.extract_strided_slice %get3A_7 {offsets = [4, 0], sizes = [1, 128], strides = [1, 1]} : vector<8x128xf32> to vector<1x128xf32>
    %jit3A_478 = arith.constant 0.000000e+00 : f32
    %broadcast_in_dim3A_479 = vector.shape_cast %slice3A_477 : vector<1x128xf32> to vector<1x128xf32>
    %broadcast_in_dim3A_480 = vector.broadcast %broadcast_in_dim3A_479 : vector<1x128xf32> to vector<128x128xf32>
    %broadcast_in_dim3A_481 = vector.broadcast %jit3A_478 : f32 to vector<128x128xf32>
    %select_n3A_482 = arith.select %eq3A_476, %broadcast_in_dim3A_480, %broadcast_in_dim3A_481 : vector<128x128xi1>, vector<128x128xf32>
    %add3A_483 = arith.addf %add3A_473, %select_n3A_482 : vector<128x128xf32>
    %eq3A_484 = arith.constant 5.000000e+00 : f32
    %eq3A_485 = vector.broadcast %eq3A_484 : f32 to vector<128x128xf32>
    %eq3A_486 = arith.cmpf oeq, %dot_general3A_416, %eq3A_485 : vector<128x128xf32>
    %slice3A_487 = vector.extract_strided_slice %get3A_7 {offsets = [5, 0], sizes = [1, 128], strides = [1, 1]} : vector<8x128xf32> to vector<1x128xf32>
    %jit3A_488 = arith.constant 0.000000e+00 : f32
    %broadcast_in_dim3A_489 = vector.shape_cast %slice3A_487 : vector<1x128xf32> to vector<1x128xf32>
    %broadcast_in_dim3A_490 = vector.broadcast %broadcast_in_dim3A_489 : vector<1x128xf32> to vector<128x128xf32>
    %broadcast_in_dim3A_491 = vector.broadcast %jit3A_488 : f32 to vector<128x128xf32>
    %select_n3A_492 = arith.select %eq3A_486, %broadcast_in_dim3A_490, %broadcast_in_dim3A_491 : vector<128x128xi1>, vector<128x128xf32>
    %add3A_493 = arith.addf %add3A_483, %select_n3A_492 : vector<128x128xf32>
    %eq3A_494 = arith.constant 6.000000e+00 : f32
    %eq3A_495 = vector.broadcast %eq3A_494 : f32 to vector<128x128xf32>
    %eq3A_496 = arith.cmpf oeq, %dot_general3A_416, %eq3A_495 : vector<128x128xf32>
    %slice3A_497 = vector.extract_strided_slice %get3A_7 {offsets = [6, 0], sizes = [1, 128], strides = [1, 1]} : vector<8x128xf32> to vector<1x128xf32>
    %jit3A_498 = arith.constant 0.000000e+00 : f32
    %broadcast_in_dim3A_499 = vector.shape_cast %slice3A_497 : vector<1x128xf32> to vector<1x128xf32>
    %broadcast_in_dim3A_500 = vector.broadcast %broadcast_in_dim3A_499 : vector<1x128xf32> to vector<128x128xf32>
    %broadcast_in_dim3A_501 = vector.broadcast %jit3A_498 : f32 to vector<128x128xf32>
    %select_n3A_502 = arith.select %eq3A_496, %broadcast_in_dim3A_500, %broadcast_in_dim3A_501 : vector<128x128xi1>, vector<128x128xf32>
    %add3A_503 = arith.addf %add3A_493, %select_n3A_502 : vector<128x128xf32>
    %eq3A_504 = arith.constant 7.000000e+00 : f32
    %eq3A_505 = vector.broadcast %eq3A_504 : f32 to vector<128x128xf32>
    %eq3A_506 = arith.cmpf oeq, %dot_general3A_416, %eq3A_505 : vector<128x128xf32>
    %slice3A_507 = vector.extract_strided_slice %get3A_7 {offsets = [7, 0], sizes = [1, 128], strides = [1, 1]} : vector<8x128xf32> to vector<1x128xf32>
    %jit3A_508 = arith.constant 0.000000e+00 : f32
    %broadcast_in_dim3A_509 = vector.shape_cast %slice3A_507 : vector<1x128xf32> to vector<1x128xf32>
    %broadcast_in_dim3A_510 = vector.broadcast %broadcast_in_dim3A_509 : vector<1x128xf32> to vector<128x128xf32>
    %broadcast_in_dim3A_511 = vector.broadcast %jit3A_508 : f32 to vector<128x128xf32>
    %select_n3A_512 = arith.select %eq3A_506, %broadcast_in_dim3A_510, %broadcast_in_dim3A_511 : vector<128x128xi1>, vector<128x128xf32>
    %add3A_513 = arith.addf %add3A_503, %select_n3A_512 : vector<128x128xf32>
    %eq3A_514 = arith.constant 0 : i32
    %eq3A_515 = vector.broadcast %eq3A_514 : i32 to vector<128x128xi32>
    %eq3A_516 = arith.cmpi eq, %add3A_425, %eq3A_515 : vector<128x128xi32>
    %mul3A_517 = vector.broadcast %get3A_10 : vector<1x128xf32> to vector<128x128xf32>
    %mul3A_518 = arith.mulf %mul3A_517, %convert_element_type3A_428 : vector<128x128xf32>
    %jit3A_519 = arith.constant 0.000000e+00 : f32
    %broadcast_in_dim3A_520 = vector.broadcast %jit3A_519 : f32 to vector<128x128xf32>
    %select_n3A_521 = arith.select %eq3A_516, %mul3A_518, %broadcast_in_dim3A_520 : vector<128x128xi1>, vector<128x128xf32>
    %sub3A_522 = arith.constant 1 : i32
    %sub3A_523 = vector.broadcast %sub3A_522 : i32 to vector<1x128xi32>
    %sub3A_524 = arith.subi %get3A_1, %sub3A_523 : vector<1x128xi32>
    %eq3A_525 = vector.broadcast %sub3A_524 : vector<1x128xi32> to vector<128x128xi32>
    %eq3A_526 = arith.cmpi eq, %add3A_425, %eq3A_525 : vector<128x128xi32>
    %mul3A_527 = vector.broadcast %get3A_13 : vector<1x128xf32> to vector<128x128xf32>
    %mul3A_528 = arith.mulf %mul3A_527, %convert_element_type3A_428 : vector<128x128xf32>
    %jit3A_529 = arith.constant 0.000000e+00 : f32
    %broadcast_in_dim3A_530 = vector.broadcast %jit3A_529 : f32 to vector<128x128xf32>
    %select_n3A_531 = arith.select %eq3A_526, %mul3A_528, %broadcast_in_dim3A_530 : vector<128x128xi1>, vector<128x128xf32>
    %add3A_532 = arith.addf %select_n3A_521, %select_n3A_531 : vector<128x128xf32>
    %add3A_533 = arith.constant 1 : i32
    %add3A_534 = vector.broadcast %add3A_533 : i32 to vector<128x128xi32>
    %add3A_535 = arith.addi %add3A_425, %add3A_534 : vector<128x128xi32>
    %lt3A_536 = vector.broadcast %get3A_1 : vector<1x128xi32> to vector<128x128xi32>
    %lt3A_537 = arith.cmpi slt, %add3A_535, %lt3A_536 : vector<128x128xi32>
    %mul3A_538 = arith.mulf %convert_element_type3A_431, %add3A_513 : vector<128x128xf32>
    %jit3A_539 = arith.constant 0.000000e+00 : f32
    %broadcast_in_dim3A_540 = vector.broadcast %jit3A_539 : f32 to vector<128x128xf32>
    %select_n3A_541 = arith.select %lt3A_537, %mul3A_538, %broadcast_in_dim3A_540 : vector<128x128xi1>, vector<128x128xf32>
    %add3A_542 = arith.addf %add3A_532, %select_n3A_541 : vector<128x128xf32>
    %reduce_sum3A_543 = arith.constant dense<0.000000e+00> : vector<128xf32>
    %reduce_sum3A_544 = vector.multi_reduction <add>, %add3A_542, %reduce_sum3A_543 [0] : vector<128x128xf32> to vector<128xf32>
    %broadcast_in_dim3A_545 = vector.shape_cast %reduce_sum3A_544 : vector<128xf32> to vector<1x128xf32>
    %add3A_546 = arith.addf %add3A_411, %broadcast_in_dim3A_545 : vector<1x128xf32>
    %get3A_547 = arith.constant 512 : index
    %get3A_548 = arith.constant 0 : index
    %get3A_549 = vector.load %arg0[%get3A_547, %get3A_548] : memref<2056x16xf32, #tpu.memory_space<vmem>>, vector<128x16xf32>
    %dot_general3A_550 = arith.constant dense<0.000000e+00> : vector<128x128xf32>
    %dot_general3A_551 = tpu.matmul %get3A_549, %get3A_4, %dot_general3A_550 {dimension_numbers = #tpu.dot_dimension_numbers<[1], [0], [0], [1], [0, 0, 1, 1], [], []>, transpose_lhs_hint = false} : vector<128x16xf32>, vector<16x128xf32>, vector<128x128xf32> -> vector<128x128xf32>
    %get3A_552 = arith.constant 513 : index
    %get3A_553 = arith.constant 0 : index
    %get3A_554 = vector.load %arg0[%get3A_552, %get3A_553] : memref<2056x16xf32, #tpu.memory_space<vmem>>, vector<128x16xf32>
    %dot_general3A_555 = arith.constant dense<0.000000e+00> : vector<128x128xf32>
    %dot_general3A_556 = tpu.matmul %get3A_554, %get3A_4, %dot_general3A_555 {dimension_numbers = #tpu.dot_dimension_numbers<[1], [0], [0], [1], [0, 0, 1, 1], [], []>, transpose_lhs_hint = false} : vector<128x16xf32>, vector<16x128xf32>, vector<128x128xf32> -> vector<128x128xf32>
    %iota3A_557 = tpu.iota {dimensions = array<i32: 0>} : vector<128x128xi32>
    %add3A_558 = arith.constant 512 : i32
    %add3A_559 = vector.broadcast %add3A_558 : i32 to vector<128x128xi32>
    %add3A_560 = arith.addi %add3A_559, %iota3A_557 : vector<128x128xi32>
    %eq3A_561 = arith.cmpf oeq, %convert_element_type3A, %dot_general3A_551 : vector<128x128xf32>
    %convert_element_type3A_562 = arith.extui %eq3A_561 : vector<128x128xi1> to vector<128x128xi32>
    %convert_element_type3A_563 = arith.sitofp %convert_element_type3A_562 : vector<128x128xi32> to vector<128x128xf32>
    %eq3A_564 = arith.cmpf oeq, %convert_element_type3A, %dot_general3A_556 : vector<128x128xf32>
    %convert_element_type3A_565 = arith.extui %eq3A_564 : vector<128x128xi1> to vector<128x128xi32>
    %convert_element_type3A_566 = arith.sitofp %convert_element_type3A_565 : vector<128x128xi32> to vector<128x128xf32>
    %broadcast_in_dim3A_567 = arith.constant 0.000000e+00 : f32
    %broadcast_in_dim3A_568 = vector.broadcast %broadcast_in_dim3A_567 : f32 to vector<128x128xf32>
    %eq3A_569 = arith.constant 0.000000e+00 : f32
    %eq3A_570 = vector.broadcast %eq3A_569 : f32 to vector<128x128xf32>
    %eq3A_571 = arith.cmpf oeq, %dot_general3A_551, %eq3A_570 : vector<128x128xf32>
    %slice3A_572 = vector.extract_strided_slice %get3A_7 {offsets = [0, 0], sizes = [1, 128], strides = [1, 1]} : vector<8x128xf32> to vector<1x128xf32>
    %jit3A_573 = arith.constant 0.000000e+00 : f32
    %broadcast_in_dim3A_574 = vector.shape_cast %slice3A_572 : vector<1x128xf32> to vector<1x128xf32>
    %broadcast_in_dim3A_575 = vector.broadcast %broadcast_in_dim3A_574 : vector<1x128xf32> to vector<128x128xf32>
    %broadcast_in_dim3A_576 = vector.broadcast %jit3A_573 : f32 to vector<128x128xf32>
    %select_n3A_577 = arith.select %eq3A_571, %broadcast_in_dim3A_575, %broadcast_in_dim3A_576 : vector<128x128xi1>, vector<128x128xf32>
    %add3A_578 = arith.addf %broadcast_in_dim3A_568, %select_n3A_577 : vector<128x128xf32>
    %eq3A_579 = arith.constant 1.000000e+00 : f32
    %eq3A_580 = vector.broadcast %eq3A_579 : f32 to vector<128x128xf32>
    %eq3A_581 = arith.cmpf oeq, %dot_general3A_551, %eq3A_580 : vector<128x128xf32>
    %slice3A_582 = vector.extract_strided_slice %get3A_7 {offsets = [1, 0], sizes = [1, 128], strides = [1, 1]} : vector<8x128xf32> to vector<1x128xf32>
    %jit3A_583 = arith.constant 0.000000e+00 : f32
    %broadcast_in_dim3A_584 = vector.shape_cast %slice3A_582 : vector<1x128xf32> to vector<1x128xf32>
    %broadcast_in_dim3A_585 = vector.broadcast %broadcast_in_dim3A_584 : vector<1x128xf32> to vector<128x128xf32>
    %broadcast_in_dim3A_586 = vector.broadcast %jit3A_583 : f32 to vector<128x128xf32>
    %select_n3A_587 = arith.select %eq3A_581, %broadcast_in_dim3A_585, %broadcast_in_dim3A_586 : vector<128x128xi1>, vector<128x128xf32>
    %add3A_588 = arith.addf %add3A_578, %select_n3A_587 : vector<128x128xf32>
    %eq3A_589 = arith.constant 2.000000e+00 : f32
    %eq3A_590 = vector.broadcast %eq3A_589 : f32 to vector<128x128xf32>
    %eq3A_591 = arith.cmpf oeq, %dot_general3A_551, %eq3A_590 : vector<128x128xf32>
    %slice3A_592 = vector.extract_strided_slice %get3A_7 {offsets = [2, 0], sizes = [1, 128], strides = [1, 1]} : vector<8x128xf32> to vector<1x128xf32>
    %jit3A_593 = arith.constant 0.000000e+00 : f32
    %broadcast_in_dim3A_594 = vector.shape_cast %slice3A_592 : vector<1x128xf32> to vector<1x128xf32>
    %broadcast_in_dim3A_595 = vector.broadcast %broadcast_in_dim3A_594 : vector<1x128xf32> to vector<128x128xf32>
    %broadcast_in_dim3A_596 = vector.broadcast %jit3A_593 : f32 to vector<128x128xf32>
    %select_n3A_597 = arith.select %eq3A_591, %broadcast_in_dim3A_595, %broadcast_in_dim3A_596 : vector<128x128xi1>, vector<128x128xf32>
    %add3A_598 = arith.addf %add3A_588, %select_n3A_597 : vector<128x128xf32>
    %eq3A_599 = arith.constant 3.000000e+00 : f32
    %eq3A_600 = vector.broadcast %eq3A_599 : f32 to vector<128x128xf32>
    %eq3A_601 = arith.cmpf oeq, %dot_general3A_551, %eq3A_600 : vector<128x128xf32>
    %slice3A_602 = vector.extract_strided_slice %get3A_7 {offsets = [3, 0], sizes = [1, 128], strides = [1, 1]} : vector<8x128xf32> to vector<1x128xf32>
    %jit3A_603 = arith.constant 0.000000e+00 : f32
    %broadcast_in_dim3A_604 = vector.shape_cast %slice3A_602 : vector<1x128xf32> to vector<1x128xf32>
    %broadcast_in_dim3A_605 = vector.broadcast %broadcast_in_dim3A_604 : vector<1x128xf32> to vector<128x128xf32>
    %broadcast_in_dim3A_606 = vector.broadcast %jit3A_603 : f32 to vector<128x128xf32>
    %select_n3A_607 = arith.select %eq3A_601, %broadcast_in_dim3A_605, %broadcast_in_dim3A_606 : vector<128x128xi1>, vector<128x128xf32>
    %add3A_608 = arith.addf %add3A_598, %select_n3A_607 : vector<128x128xf32>
    %eq3A_609 = arith.constant 4.000000e+00 : f32
    %eq3A_610 = vector.broadcast %eq3A_609 : f32 to vector<128x128xf32>
    %eq3A_611 = arith.cmpf oeq, %dot_general3A_551, %eq3A_610 : vector<128x128xf32>
    %slice3A_612 = vector.extract_strided_slice %get3A_7 {offsets = [4, 0], sizes = [1, 128], strides = [1, 1]} : vector<8x128xf32> to vector<1x128xf32>
    %jit3A_613 = arith.constant 0.000000e+00 : f32
    %broadcast_in_dim3A_614 = vector.shape_cast %slice3A_612 : vector<1x128xf32> to vector<1x128xf32>
    %broadcast_in_dim3A_615 = vector.broadcast %broadcast_in_dim3A_614 : vector<1x128xf32> to vector<128x128xf32>
    %broadcast_in_dim3A_616 = vector.broadcast %jit3A_613 : f32 to vector<128x128xf32>
    %select_n3A_617 = arith.select %eq3A_611, %broadcast_in_dim3A_615, %broadcast_in_dim3A_616 : vector<128x128xi1>, vector<128x128xf32>
    %add3A_618 = arith.addf %add3A_608, %select_n3A_617 : vector<128x128xf32>
    %eq3A_619 = arith.constant 5.000000e+00 : f32
    %eq3A_620 = vector.broadcast %eq3A_619 : f32 to vector<128x128xf32>
    %eq3A_621 = arith.cmpf oeq, %dot_general3A_551, %eq3A_620 : vector<128x128xf32>
    %slice3A_622 = vector.extract_strided_slice %get3A_7 {offsets = [5, 0], sizes = [1, 128], strides = [1, 1]} : vector<8x128xf32> to vector<1x128xf32>
    %jit3A_623 = arith.constant 0.000000e+00 : f32
    %broadcast_in_dim3A_624 = vector.shape_cast %slice3A_622 : vector<1x128xf32> to vector<1x128xf32>
    %broadcast_in_dim3A_625 = vector.broadcast %broadcast_in_dim3A_624 : vector<1x128xf32> to vector<128x128xf32>
    %broadcast_in_dim3A_626 = vector.broadcast %jit3A_623 : f32 to vector<128x128xf32>
    %select_n3A_627 = arith.select %eq3A_621, %broadcast_in_dim3A_625, %broadcast_in_dim3A_626 : vector<128x128xi1>, vector<128x128xf32>
    %add3A_628 = arith.addf %add3A_618, %select_n3A_627 : vector<128x128xf32>
    %eq3A_629 = arith.constant 6.000000e+00 : f32
    %eq3A_630 = vector.broadcast %eq3A_629 : f32 to vector<128x128xf32>
    %eq3A_631 = arith.cmpf oeq, %dot_general3A_551, %eq3A_630 : vector<128x128xf32>
    %slice3A_632 = vector.extract_strided_slice %get3A_7 {offsets = [6, 0], sizes = [1, 128], strides = [1, 1]} : vector<8x128xf32> to vector<1x128xf32>
    %jit3A_633 = arith.constant 0.000000e+00 : f32
    %broadcast_in_dim3A_634 = vector.shape_cast %slice3A_632 : vector<1x128xf32> to vector<1x128xf32>
    %broadcast_in_dim3A_635 = vector.broadcast %broadcast_in_dim3A_634 : vector<1x128xf32> to vector<128x128xf32>
    %broadcast_in_dim3A_636 = vector.broadcast %jit3A_633 : f32 to vector<128x128xf32>
    %select_n3A_637 = arith.select %eq3A_631, %broadcast_in_dim3A_635, %broadcast_in_dim3A_636 : vector<128x128xi1>, vector<128x128xf32>
    %add3A_638 = arith.addf %add3A_628, %select_n3A_637 : vector<128x128xf32>
    %eq3A_639 = arith.constant 7.000000e+00 : f32
    %eq3A_640 = vector.broadcast %eq3A_639 : f32 to vector<128x128xf32>
    %eq3A_641 = arith.cmpf oeq, %dot_general3A_551, %eq3A_640 : vector<128x128xf32>
    %slice3A_642 = vector.extract_strided_slice %get3A_7 {offsets = [7, 0], sizes = [1, 128], strides = [1, 1]} : vector<8x128xf32> to vector<1x128xf32>
    %jit3A_643 = arith.constant 0.000000e+00 : f32
    %broadcast_in_dim3A_644 = vector.shape_cast %slice3A_642 : vector<1x128xf32> to vector<1x128xf32>
    %broadcast_in_dim3A_645 = vector.broadcast %broadcast_in_dim3A_644 : vector<1x128xf32> to vector<128x128xf32>
    %broadcast_in_dim3A_646 = vector.broadcast %jit3A_643 : f32 to vector<128x128xf32>
    %select_n3A_647 = arith.select %eq3A_641, %broadcast_in_dim3A_645, %broadcast_in_dim3A_646 : vector<128x128xi1>, vector<128x128xf32>
    %add3A_648 = arith.addf %add3A_638, %select_n3A_647 : vector<128x128xf32>
    %eq3A_649 = arith.constant 0 : i32
    %eq3A_650 = vector.broadcast %eq3A_649 : i32 to vector<128x128xi32>
    %eq3A_651 = arith.cmpi eq, %add3A_560, %eq3A_650 : vector<128x128xi32>
    %mul3A_652 = vector.broadcast %get3A_10 : vector<1x128xf32> to vector<128x128xf32>
    %mul3A_653 = arith.mulf %mul3A_652, %convert_element_type3A_563 : vector<128x128xf32>
    %jit3A_654 = arith.constant 0.000000e+00 : f32
    %broadcast_in_dim3A_655 = vector.broadcast %jit3A_654 : f32 to vector<128x128xf32>
    %select_n3A_656 = arith.select %eq3A_651, %mul3A_653, %broadcast_in_dim3A_655 : vector<128x128xi1>, vector<128x128xf32>
    %sub3A_657 = arith.constant 1 : i32
    %sub3A_658 = vector.broadcast %sub3A_657 : i32 to vector<1x128xi32>
    %sub3A_659 = arith.subi %get3A_1, %sub3A_658 : vector<1x128xi32>
    %eq3A_660 = vector.broadcast %sub3A_659 : vector<1x128xi32> to vector<128x128xi32>
    %eq3A_661 = arith.cmpi eq, %add3A_560, %eq3A_660 : vector<128x128xi32>
    %mul3A_662 = vector.broadcast %get3A_13 : vector<1x128xf32> to vector<128x128xf32>
    %mul3A_663 = arith.mulf %mul3A_662, %convert_element_type3A_563 : vector<128x128xf32>
    %jit3A_664 = arith.constant 0.000000e+00 : f32
    %broadcast_in_dim3A_665 = vector.broadcast %jit3A_664 : f32 to vector<128x128xf32>
    %select_n3A_666 = arith.select %eq3A_661, %mul3A_663, %broadcast_in_dim3A_665 : vector<128x128xi1>, vector<128x128xf32>
    %add3A_667 = arith.addf %select_n3A_656, %select_n3A_666 : vector<128x128xf32>
    %add3A_668 = arith.constant 1 : i32
    %add3A_669 = vector.broadcast %add3A_668 : i32 to vector<128x128xi32>
    %add3A_670 = arith.addi %add3A_560, %add3A_669 : vector<128x128xi32>
    %lt3A_671 = vector.broadcast %get3A_1 : vector<1x128xi32> to vector<128x128xi32>
    %lt3A_672 = arith.cmpi slt, %add3A_670, %lt3A_671 : vector<128x128xi32>
    %mul3A_673 = arith.mulf %convert_element_type3A_566, %add3A_648 : vector<128x128xf32>
    %jit3A_674 = arith.constant 0.000000e+00 : f32
    %broadcast_in_dim3A_675 = vector.broadcast %jit3A_674 : f32 to vector<128x128xf32>
    %select_n3A_676 = arith.select %lt3A_672, %mul3A_673, %broadcast_in_dim3A_675 : vector<128x128xi1>, vector<128x128xf32>
    %add3A_677 = arith.addf %add3A_667, %select_n3A_676 : vector<128x128xf32>
    %reduce_sum3A_678 = arith.constant dense<0.000000e+00> : vector<128xf32>
    %reduce_sum3A_679 = vector.multi_reduction <add>, %add3A_677, %reduce_sum3A_678 [0] : vector<128x128xf32> to vector<128xf32>
    %broadcast_in_dim3A_680 = vector.shape_cast %reduce_sum3A_679 : vector<128xf32> to vector<1x128xf32>
    %add3A_681 = arith.addf %add3A_546, %broadcast_in_dim3A_680 : vector<1x128xf32>
    %get3A_682 = arith.constant 640 : index
    %get3A_683 = arith.constant 0 : index
    %get3A_684 = vector.load %arg0[%get3A_682, %get3A_683] : memref<2056x16xf32, #tpu.memory_space<vmem>>, vector<128x16xf32>
    %dot_general3A_685 = arith.constant dense<0.000000e+00> : vector<128x128xf32>
    %dot_general3A_686 = tpu.matmul %get3A_684, %get3A_4, %dot_general3A_685 {dimension_numbers = #tpu.dot_dimension_numbers<[1], [0], [0], [1], [0, 0, 1, 1], [], []>, transpose_lhs_hint = false} : vector<128x16xf32>, vector<16x128xf32>, vector<128x128xf32> -> vector<128x128xf32>
    %get3A_687 = arith.constant 641 : index
    %get3A_688 = arith.constant 0 : index
    %get3A_689 = vector.load %arg0[%get3A_687, %get3A_688] : memref<2056x16xf32, #tpu.memory_space<vmem>>, vector<128x16xf32>
    %dot_general3A_690 = arith.constant dense<0.000000e+00> : vector<128x128xf32>
    %dot_general3A_691 = tpu.matmul %get3A_689, %get3A_4, %dot_general3A_690 {dimension_numbers = #tpu.dot_dimension_numbers<[1], [0], [0], [1], [0, 0, 1, 1], [], []>, transpose_lhs_hint = false} : vector<128x16xf32>, vector<16x128xf32>, vector<128x128xf32> -> vector<128x128xf32>
    %iota3A_692 = tpu.iota {dimensions = array<i32: 0>} : vector<128x128xi32>
    %add3A_693 = arith.constant 640 : i32
    %add3A_694 = vector.broadcast %add3A_693 : i32 to vector<128x128xi32>
    %add3A_695 = arith.addi %add3A_694, %iota3A_692 : vector<128x128xi32>
    %eq3A_696 = arith.cmpf oeq, %convert_element_type3A, %dot_general3A_686 : vector<128x128xf32>
    %convert_element_type3A_697 = arith.extui %eq3A_696 : vector<128x128xi1> to vector<128x128xi32>
    %convert_element_type3A_698 = arith.sitofp %convert_element_type3A_697 : vector<128x128xi32> to vector<128x128xf32>
    %eq3A_699 = arith.cmpf oeq, %convert_element_type3A, %dot_general3A_691 : vector<128x128xf32>
    %convert_element_type3A_700 = arith.extui %eq3A_699 : vector<128x128xi1> to vector<128x128xi32>
    %convert_element_type3A_701 = arith.sitofp %convert_element_type3A_700 : vector<128x128xi32> to vector<128x128xf32>
    %broadcast_in_dim3A_702 = arith.constant 0.000000e+00 : f32
    %broadcast_in_dim3A_703 = vector.broadcast %broadcast_in_dim3A_702 : f32 to vector<128x128xf32>
    %eq3A_704 = arith.constant 0.000000e+00 : f32
    %eq3A_705 = vector.broadcast %eq3A_704 : f32 to vector<128x128xf32>
    %eq3A_706 = arith.cmpf oeq, %dot_general3A_686, %eq3A_705 : vector<128x128xf32>
    %slice3A_707 = vector.extract_strided_slice %get3A_7 {offsets = [0, 0], sizes = [1, 128], strides = [1, 1]} : vector<8x128xf32> to vector<1x128xf32>
    %jit3A_708 = arith.constant 0.000000e+00 : f32
    %broadcast_in_dim3A_709 = vector.shape_cast %slice3A_707 : vector<1x128xf32> to vector<1x128xf32>
    %broadcast_in_dim3A_710 = vector.broadcast %broadcast_in_dim3A_709 : vector<1x128xf32> to vector<128x128xf32>
    %broadcast_in_dim3A_711 = vector.broadcast %jit3A_708 : f32 to vector<128x128xf32>
    %select_n3A_712 = arith.select %eq3A_706, %broadcast_in_dim3A_710, %broadcast_in_dim3A_711 : vector<128x128xi1>, vector<128x128xf32>
    %add3A_713 = arith.addf %broadcast_in_dim3A_703, %select_n3A_712 : vector<128x128xf32>
    %eq3A_714 = arith.constant 1.000000e+00 : f32
    %eq3A_715 = vector.broadcast %eq3A_714 : f32 to vector<128x128xf32>
    %eq3A_716 = arith.cmpf oeq, %dot_general3A_686, %eq3A_715 : vector<128x128xf32>
    %slice3A_717 = vector.extract_strided_slice %get3A_7 {offsets = [1, 0], sizes = [1, 128], strides = [1, 1]} : vector<8x128xf32> to vector<1x128xf32>
    %jit3A_718 = arith.constant 0.000000e+00 : f32
    %broadcast_in_dim3A_719 = vector.shape_cast %slice3A_717 : vector<1x128xf32> to vector<1x128xf32>
    %broadcast_in_dim3A_720 = vector.broadcast %broadcast_in_dim3A_719 : vector<1x128xf32> to vector<128x128xf32>
    %broadcast_in_dim3A_721 = vector.broadcast %jit3A_718 : f32 to vector<128x128xf32>
    %select_n3A_722 = arith.select %eq3A_716, %broadcast_in_dim3A_720, %broadcast_in_dim3A_721 : vector<128x128xi1>, vector<128x128xf32>
    %add3A_723 = arith.addf %add3A_713, %select_n3A_722 : vector<128x128xf32>
    %eq3A_724 = arith.constant 2.000000e+00 : f32
    %eq3A_725 = vector.broadcast %eq3A_724 : f32 to vector<128x128xf32>
    %eq3A_726 = arith.cmpf oeq, %dot_general3A_686, %eq3A_725 : vector<128x128xf32>
    %slice3A_727 = vector.extract_strided_slice %get3A_7 {offsets = [2, 0], sizes = [1, 128], strides = [1, 1]} : vector<8x128xf32> to vector<1x128xf32>
    %jit3A_728 = arith.constant 0.000000e+00 : f32
    %broadcast_in_dim3A_729 = vector.shape_cast %slice3A_727 : vector<1x128xf32> to vector<1x128xf32>
    %broadcast_in_dim3A_730 = vector.broadcast %broadcast_in_dim3A_729 : vector<1x128xf32> to vector<128x128xf32>
    %broadcast_in_dim3A_731 = vector.broadcast %jit3A_728 : f32 to vector<128x128xf32>
    %select_n3A_732 = arith.select %eq3A_726, %broadcast_in_dim3A_730, %broadcast_in_dim3A_731 : vector<128x128xi1>, vector<128x128xf32>
    %add3A_733 = arith.addf %add3A_723, %select_n3A_732 : vector<128x128xf32>
    %eq3A_734 = arith.constant 3.000000e+00 : f32
    %eq3A_735 = vector.broadcast %eq3A_734 : f32 to vector<128x128xf32>
    %eq3A_736 = arith.cmpf oeq, %dot_general3A_686, %eq3A_735 : vector<128x128xf32>
    %slice3A_737 = vector.extract_strided_slice %get3A_7 {offsets = [3, 0], sizes = [1, 128], strides = [1, 1]} : vector<8x128xf32> to vector<1x128xf32>
    %jit3A_738 = arith.constant 0.000000e+00 : f32
    %broadcast_in_dim3A_739 = vector.shape_cast %slice3A_737 : vector<1x128xf32> to vector<1x128xf32>
    %broadcast_in_dim3A_740 = vector.broadcast %broadcast_in_dim3A_739 : vector<1x128xf32> to vector<128x128xf32>
    %broadcast_in_dim3A_741 = vector.broadcast %jit3A_738 : f32 to vector<128x128xf32>
    %select_n3A_742 = arith.select %eq3A_736, %broadcast_in_dim3A_740, %broadcast_in_dim3A_741 : vector<128x128xi1>, vector<128x128xf32>
    %add3A_743 = arith.addf %add3A_733, %select_n3A_742 : vector<128x128xf32>
    %eq3A_744 = arith.constant 4.000000e+00 : f32
    %eq3A_745 = vector.broadcast %eq3A_744 : f32 to vector<128x128xf32>
    %eq3A_746 = arith.cmpf oeq, %dot_general3A_686, %eq3A_745 : vector<128x128xf32>
    %slice3A_747 = vector.extract_strided_slice %get3A_7 {offsets = [4, 0], sizes = [1, 128], strides = [1, 1]} : vector<8x128xf32> to vector<1x128xf32>
    %jit3A_748 = arith.constant 0.000000e+00 : f32
    %broadcast_in_dim3A_749 = vector.shape_cast %slice3A_747 : vector<1x128xf32> to vector<1x128xf32>
    %broadcast_in_dim3A_750 = vector.broadcast %broadcast_in_dim3A_749 : vector<1x128xf32> to vector<128x128xf32>
    %broadcast_in_dim3A_751 = vector.broadcast %jit3A_748 : f32 to vector<128x128xf32>
    %select_n3A_752 = arith.select %eq3A_746, %broadcast_in_dim3A_750, %broadcast_in_dim3A_751 : vector<128x128xi1>, vector<128x128xf32>
    %add3A_753 = arith.addf %add3A_743, %select_n3A_752 : vector<128x128xf32>
    %eq3A_754 = arith.constant 5.000000e+00 : f32
    %eq3A_755 = vector.broadcast %eq3A_754 : f32 to vector<128x128xf32>
    %eq3A_756 = arith.cmpf oeq, %dot_general3A_686, %eq3A_755 : vector<128x128xf32>
    %slice3A_757 = vector.extract_strided_slice %get3A_7 {offsets = [5, 0], sizes = [1, 128], strides = [1, 1]} : vector<8x128xf32> to vector<1x128xf32>
    %jit3A_758 = arith.constant 0.000000e+00 : f32
    %broadcast_in_dim3A_759 = vector.shape_cast %slice3A_757 : vector<1x128xf32> to vector<1x128xf32>
    %broadcast_in_dim3A_760 = vector.broadcast %broadcast_in_dim3A_759 : vector<1x128xf32> to vector<128x128xf32>
    %broadcast_in_dim3A_761 = vector.broadcast %jit3A_758 : f32 to vector<128x128xf32>
    %select_n3A_762 = arith.select %eq3A_756, %broadcast_in_dim3A_760, %broadcast_in_dim3A_761 : vector<128x128xi1>, vector<128x128xf32>
    %add3A_763 = arith.addf %add3A_753, %select_n3A_762 : vector<128x128xf32>
    %eq3A_764 = arith.constant 6.000000e+00 : f32
    %eq3A_765 = vector.broadcast %eq3A_764 : f32 to vector<128x128xf32>
    %eq3A_766 = arith.cmpf oeq, %dot_general3A_686, %eq3A_765 : vector<128x128xf32>
    %slice3A_767 = vector.extract_strided_slice %get3A_7 {offsets = [6, 0], sizes = [1, 128], strides = [1, 1]} : vector<8x128xf32> to vector<1x128xf32>
    %jit3A_768 = arith.constant 0.000000e+00 : f32
    %broadcast_in_dim3A_769 = vector.shape_cast %slice3A_767 : vector<1x128xf32> to vector<1x128xf32>
    %broadcast_in_dim3A_770 = vector.broadcast %broadcast_in_dim3A_769 : vector<1x128xf32> to vector<128x128xf32>
    %broadcast_in_dim3A_771 = vector.broadcast %jit3A_768 : f32 to vector<128x128xf32>
    %select_n3A_772 = arith.select %eq3A_766, %broadcast_in_dim3A_770, %broadcast_in_dim3A_771 : vector<128x128xi1>, vector<128x128xf32>
    %add3A_773 = arith.addf %add3A_763, %select_n3A_772 : vector<128x128xf32>
    %eq3A_774 = arith.constant 7.000000e+00 : f32
    %eq3A_775 = vector.broadcast %eq3A_774 : f32 to vector<128x128xf32>
    %eq3A_776 = arith.cmpf oeq, %dot_general3A_686, %eq3A_775 : vector<128x128xf32>
    %slice3A_777 = vector.extract_strided_slice %get3A_7 {offsets = [7, 0], sizes = [1, 128], strides = [1, 1]} : vector<8x128xf32> to vector<1x128xf32>
    %jit3A_778 = arith.constant 0.000000e+00 : f32
    %broadcast_in_dim3A_779 = vector.shape_cast %slice3A_777 : vector<1x128xf32> to vector<1x128xf32>
    %broadcast_in_dim3A_780 = vector.broadcast %broadcast_in_dim3A_779 : vector<1x128xf32> to vector<128x128xf32>
    %broadcast_in_dim3A_781 = vector.broadcast %jit3A_778 : f32 to vector<128x128xf32>
    %select_n3A_782 = arith.select %eq3A_776, %broadcast_in_dim3A_780, %broadcast_in_dim3A_781 : vector<128x128xi1>, vector<128x128xf32>
    %add3A_783 = arith.addf %add3A_773, %select_n3A_782 : vector<128x128xf32>
    %eq3A_784 = arith.constant 0 : i32
    %eq3A_785 = vector.broadcast %eq3A_784 : i32 to vector<128x128xi32>
    %eq3A_786 = arith.cmpi eq, %add3A_695, %eq3A_785 : vector<128x128xi32>
    %mul3A_787 = vector.broadcast %get3A_10 : vector<1x128xf32> to vector<128x128xf32>
    %mul3A_788 = arith.mulf %mul3A_787, %convert_element_type3A_698 : vector<128x128xf32>
    %jit3A_789 = arith.constant 0.000000e+00 : f32
    %broadcast_in_dim3A_790 = vector.broadcast %jit3A_789 : f32 to vector<128x128xf32>
    %select_n3A_791 = arith.select %eq3A_786, %mul3A_788, %broadcast_in_dim3A_790 : vector<128x128xi1>, vector<128x128xf32>
    %sub3A_792 = arith.constant 1 : i32
    %sub3A_793 = vector.broadcast %sub3A_792 : i32 to vector<1x128xi32>
    %sub3A_794 = arith.subi %get3A_1, %sub3A_793 : vector<1x128xi32>
    %eq3A_795 = vector.broadcast %sub3A_794 : vector<1x128xi32> to vector<128x128xi32>
    %eq3A_796 = arith.cmpi eq, %add3A_695, %eq3A_795 : vector<128x128xi32>
    %mul3A_797 = vector.broadcast %get3A_13 : vector<1x128xf32> to vector<128x128xf32>
    %mul3A_798 = arith.mulf %mul3A_797, %convert_element_type3A_698 : vector<128x128xf32>
    %jit3A_799 = arith.constant 0.000000e+00 : f32
    %broadcast_in_dim3A_800 = vector.broadcast %jit3A_799 : f32 to vector<128x128xf32>
    %select_n3A_801 = arith.select %eq3A_796, %mul3A_798, %broadcast_in_dim3A_800 : vector<128x128xi1>, vector<128x128xf32>
    %add3A_802 = arith.addf %select_n3A_791, %select_n3A_801 : vector<128x128xf32>
    %add3A_803 = arith.constant 1 : i32
    %add3A_804 = vector.broadcast %add3A_803 : i32 to vector<128x128xi32>
    %add3A_805 = arith.addi %add3A_695, %add3A_804 : vector<128x128xi32>
    %lt3A_806 = vector.broadcast %get3A_1 : vector<1x128xi32> to vector<128x128xi32>
    %lt3A_807 = arith.cmpi slt, %add3A_805, %lt3A_806 : vector<128x128xi32>
    %mul3A_808 = arith.mulf %convert_element_type3A_701, %add3A_783 : vector<128x128xf32>
    %jit3A_809 = arith.constant 0.000000e+00 : f32
    %broadcast_in_dim3A_810 = vector.broadcast %jit3A_809 : f32 to vector<128x128xf32>
    %select_n3A_811 = arith.select %lt3A_807, %mul3A_808, %broadcast_in_dim3A_810 : vector<128x128xi1>, vector<128x128xf32>
    %add3A_812 = arith.addf %add3A_802, %select_n3A_811 : vector<128x128xf32>
    %reduce_sum3A_813 = arith.constant dense<0.000000e+00> : vector<128xf32>
    %reduce_sum3A_814 = vector.multi_reduction <add>, %add3A_812, %reduce_sum3A_813 [0] : vector<128x128xf32> to vector<128xf32>
    %broadcast_in_dim3A_815 = vector.shape_cast %reduce_sum3A_814 : vector<128xf32> to vector<1x128xf32>
    %add3A_816 = arith.addf %add3A_681, %broadcast_in_dim3A_815 : vector<1x128xf32>
    %get3A_817 = arith.constant 768 : index
    %get3A_818 = arith.constant 0 : index
    %get3A_819 = vector.load %arg0[%get3A_817, %get3A_818] : memref<2056x16xf32, #tpu.memory_space<vmem>>, vector<128x16xf32>
    %dot_general3A_820 = arith.constant dense<0.000000e+00> : vector<128x128xf32>
    %dot_general3A_821 = tpu.matmul %get3A_819, %get3A_4, %dot_general3A_820 {dimension_numbers = #tpu.dot_dimension_numbers<[1], [0], [0], [1], [0, 0, 1, 1], [], []>, transpose_lhs_hint = false} : vector<128x16xf32>, vector<16x128xf32>, vector<128x128xf32> -> vector<128x128xf32>
    %get3A_822 = arith.constant 769 : index
    %get3A_823 = arith.constant 0 : index
    %get3A_824 = vector.load %arg0[%get3A_822, %get3A_823] : memref<2056x16xf32, #tpu.memory_space<vmem>>, vector<128x16xf32>
    %dot_general3A_825 = arith.constant dense<0.000000e+00> : vector<128x128xf32>
    %dot_general3A_826 = tpu.matmul %get3A_824, %get3A_4, %dot_general3A_825 {dimension_numbers = #tpu.dot_dimension_numbers<[1], [0], [0], [1], [0, 0, 1, 1], [], []>, transpose_lhs_hint = false} : vector<128x16xf32>, vector<16x128xf32>, vector<128x128xf32> -> vector<128x128xf32>
    %iota3A_827 = tpu.iota {dimensions = array<i32: 0>} : vector<128x128xi32>
    %add3A_828 = arith.constant 768 : i32
    %add3A_829 = vector.broadcast %add3A_828 : i32 to vector<128x128xi32>
    %add3A_830 = arith.addi %add3A_829, %iota3A_827 : vector<128x128xi32>
    %eq3A_831 = arith.cmpf oeq, %convert_element_type3A, %dot_general3A_821 : vector<128x128xf32>
    %convert_element_type3A_832 = arith.extui %eq3A_831 : vector<128x128xi1> to vector<128x128xi32>
    %convert_element_type3A_833 = arith.sitofp %convert_element_type3A_832 : vector<128x128xi32> to vector<128x128xf32>
    %eq3A_834 = arith.cmpf oeq, %convert_element_type3A, %dot_general3A_826 : vector<128x128xf32>
    %convert_element_type3A_835 = arith.extui %eq3A_834 : vector<128x128xi1> to vector<128x128xi32>
    %convert_element_type3A_836 = arith.sitofp %convert_element_type3A_835 : vector<128x128xi32> to vector<128x128xf32>
    %broadcast_in_dim3A_837 = arith.constant 0.000000e+00 : f32
    %broadcast_in_dim3A_838 = vector.broadcast %broadcast_in_dim3A_837 : f32 to vector<128x128xf32>
    %eq3A_839 = arith.constant 0.000000e+00 : f32
    %eq3A_840 = vector.broadcast %eq3A_839 : f32 to vector<128x128xf32>
    %eq3A_841 = arith.cmpf oeq, %dot_general3A_821, %eq3A_840 : vector<128x128xf32>
    %slice3A_842 = vector.extract_strided_slice %get3A_7 {offsets = [0, 0], sizes = [1, 128], strides = [1, 1]} : vector<8x128xf32> to vector<1x128xf32>
    %jit3A_843 = arith.constant 0.000000e+00 : f32
    %broadcast_in_dim3A_844 = vector.shape_cast %slice3A_842 : vector<1x128xf32> to vector<1x128xf32>
    %broadcast_in_dim3A_845 = vector.broadcast %broadcast_in_dim3A_844 : vector<1x128xf32> to vector<128x128xf32>
    %broadcast_in_dim3A_846 = vector.broadcast %jit3A_843 : f32 to vector<128x128xf32>
    %select_n3A_847 = arith.select %eq3A_841, %broadcast_in_dim3A_845, %broadcast_in_dim3A_846 : vector<128x128xi1>, vector<128x128xf32>
    %add3A_848 = arith.addf %broadcast_in_dim3A_838, %select_n3A_847 : vector<128x128xf32>
    %eq3A_849 = arith.constant 1.000000e+00 : f32
    %eq3A_850 = vector.broadcast %eq3A_849 : f32 to vector<128x128xf32>
    %eq3A_851 = arith.cmpf oeq, %dot_general3A_821, %eq3A_850 : vector<128x128xf32>
    %slice3A_852 = vector.extract_strided_slice %get3A_7 {offsets = [1, 0], sizes = [1, 128], strides = [1, 1]} : vector<8x128xf32> to vector<1x128xf32>
    %jit3A_853 = arith.constant 0.000000e+00 : f32
    %broadcast_in_dim3A_854 = vector.shape_cast %slice3A_852 : vector<1x128xf32> to vector<1x128xf32>
    %broadcast_in_dim3A_855 = vector.broadcast %broadcast_in_dim3A_854 : vector<1x128xf32> to vector<128x128xf32>
    %broadcast_in_dim3A_856 = vector.broadcast %jit3A_853 : f32 to vector<128x128xf32>
    %select_n3A_857 = arith.select %eq3A_851, %broadcast_in_dim3A_855, %broadcast_in_dim3A_856 : vector<128x128xi1>, vector<128x128xf32>
    %add3A_858 = arith.addf %add3A_848, %select_n3A_857 : vector<128x128xf32>
    %eq3A_859 = arith.constant 2.000000e+00 : f32
    %eq3A_860 = vector.broadcast %eq3A_859 : f32 to vector<128x128xf32>
    %eq3A_861 = arith.cmpf oeq, %dot_general3A_821, %eq3A_860 : vector<128x128xf32>
    %slice3A_862 = vector.extract_strided_slice %get3A_7 {offsets = [2, 0], sizes = [1, 128], strides = [1, 1]} : vector<8x128xf32> to vector<1x128xf32>
    %jit3A_863 = arith.constant 0.000000e+00 : f32
    %broadcast_in_dim3A_864 = vector.shape_cast %slice3A_862 : vector<1x128xf32> to vector<1x128xf32>
    %broadcast_in_dim3A_865 = vector.broadcast %broadcast_in_dim3A_864 : vector<1x128xf32> to vector<128x128xf32>
    %broadcast_in_dim3A_866 = vector.broadcast %jit3A_863 : f32 to vector<128x128xf32>
    %select_n3A_867 = arith.select %eq3A_861, %broadcast_in_dim3A_865, %broadcast_in_dim3A_866 : vector<128x128xi1>, vector<128x128xf32>
    %add3A_868 = arith.addf %add3A_858, %select_n3A_867 : vector<128x128xf32>
    %eq3A_869 = arith.constant 3.000000e+00 : f32
    %eq3A_870 = vector.broadcast %eq3A_869 : f32 to vector<128x128xf32>
    %eq3A_871 = arith.cmpf oeq, %dot_general3A_821, %eq3A_870 : vector<128x128xf32>
    %slice3A_872 = vector.extract_strided_slice %get3A_7 {offsets = [3, 0], sizes = [1, 128], strides = [1, 1]} : vector<8x128xf32> to vector<1x128xf32>
    %jit3A_873 = arith.constant 0.000000e+00 : f32
    %broadcast_in_dim3A_874 = vector.shape_cast %slice3A_872 : vector<1x128xf32> to vector<1x128xf32>
    %broadcast_in_dim3A_875 = vector.broadcast %broadcast_in_dim3A_874 : vector<1x128xf32> to vector<128x128xf32>
    %broadcast_in_dim3A_876 = vector.broadcast %jit3A_873 : f32 to vector<128x128xf32>
    %select_n3A_877 = arith.select %eq3A_871, %broadcast_in_dim3A_875, %broadcast_in_dim3A_876 : vector<128x128xi1>, vector<128x128xf32>
    %add3A_878 = arith.addf %add3A_868, %select_n3A_877 : vector<128x128xf32>
    %eq3A_879 = arith.constant 4.000000e+00 : f32
    %eq3A_880 = vector.broadcast %eq3A_879 : f32 to vector<128x128xf32>
    %eq3A_881 = arith.cmpf oeq, %dot_general3A_821, %eq3A_880 : vector<128x128xf32>
    %slice3A_882 = vector.extract_strided_slice %get3A_7 {offsets = [4, 0], sizes = [1, 128], strides = [1, 1]} : vector<8x128xf32> to vector<1x128xf32>
    %jit3A_883 = arith.constant 0.000000e+00 : f32
    %broadcast_in_dim3A_884 = vector.shape_cast %slice3A_882 : vector<1x128xf32> to vector<1x128xf32>
    %broadcast_in_dim3A_885 = vector.broadcast %broadcast_in_dim3A_884 : vector<1x128xf32> to vector<128x128xf32>
    %broadcast_in_dim3A_886 = vector.broadcast %jit3A_883 : f32 to vector<128x128xf32>
    %select_n3A_887 = arith.select %eq3A_881, %broadcast_in_dim3A_885, %broadcast_in_dim3A_886 : vector<128x128xi1>, vector<128x128xf32>
    %add3A_888 = arith.addf %add3A_878, %select_n3A_887 : vector<128x128xf32>
    %eq3A_889 = arith.constant 5.000000e+00 : f32
    %eq3A_890 = vector.broadcast %eq3A_889 : f32 to vector<128x128xf32>
    %eq3A_891 = arith.cmpf oeq, %dot_general3A_821, %eq3A_890 : vector<128x128xf32>
    %slice3A_892 = vector.extract_strided_slice %get3A_7 {offsets = [5, 0], sizes = [1, 128], strides = [1, 1]} : vector<8x128xf32> to vector<1x128xf32>
    %jit3A_893 = arith.constant 0.000000e+00 : f32
    %broadcast_in_dim3A_894 = vector.shape_cast %slice3A_892 : vector<1x128xf32> to vector<1x128xf32>
    %broadcast_in_dim3A_895 = vector.broadcast %broadcast_in_dim3A_894 : vector<1x128xf32> to vector<128x128xf32>
    %broadcast_in_dim3A_896 = vector.broadcast %jit3A_893 : f32 to vector<128x128xf32>
    %select_n3A_897 = arith.select %eq3A_891, %broadcast_in_dim3A_895, %broadcast_in_dim3A_896 : vector<128x128xi1>, vector<128x128xf32>
    %add3A_898 = arith.addf %add3A_888, %select_n3A_897 : vector<128x128xf32>
    %eq3A_899 = arith.constant 6.000000e+00 : f32
    %eq3A_900 = vector.broadcast %eq3A_899 : f32 to vector<128x128xf32>
    %eq3A_901 = arith.cmpf oeq, %dot_general3A_821, %eq3A_900 : vector<128x128xf32>
    %slice3A_902 = vector.extract_strided_slice %get3A_7 {offsets = [6, 0], sizes = [1, 128], strides = [1, 1]} : vector<8x128xf32> to vector<1x128xf32>
    %jit3A_903 = arith.constant 0.000000e+00 : f32
    %broadcast_in_dim3A_904 = vector.shape_cast %slice3A_902 : vector<1x128xf32> to vector<1x128xf32>
    %broadcast_in_dim3A_905 = vector.broadcast %broadcast_in_dim3A_904 : vector<1x128xf32> to vector<128x128xf32>
    %broadcast_in_dim3A_906 = vector.broadcast %jit3A_903 : f32 to vector<128x128xf32>
    %select_n3A_907 = arith.select %eq3A_901, %broadcast_in_dim3A_905, %broadcast_in_dim3A_906 : vector<128x128xi1>, vector<128x128xf32>
    %add3A_908 = arith.addf %add3A_898, %select_n3A_907 : vector<128x128xf32>
    %eq3A_909 = arith.constant 7.000000e+00 : f32
    %eq3A_910 = vector.broadcast %eq3A_909 : f32 to vector<128x128xf32>
    %eq3A_911 = arith.cmpf oeq, %dot_general3A_821, %eq3A_910 : vector<128x128xf32>
    %slice3A_912 = vector.extract_strided_slice %get3A_7 {offsets = [7, 0], sizes = [1, 128], strides = [1, 1]} : vector<8x128xf32> to vector<1x128xf32>
    %jit3A_913 = arith.constant 0.000000e+00 : f32
    %broadcast_in_dim3A_914 = vector.shape_cast %slice3A_912 : vector<1x128xf32> to vector<1x128xf32>
    %broadcast_in_dim3A_915 = vector.broadcast %broadcast_in_dim3A_914 : vector<1x128xf32> to vector<128x128xf32>
    %broadcast_in_dim3A_916 = vector.broadcast %jit3A_913 : f32 to vector<128x128xf32>
    %select_n3A_917 = arith.select %eq3A_911, %broadcast_in_dim3A_915, %broadcast_in_dim3A_916 : vector<128x128xi1>, vector<128x128xf32>
    %add3A_918 = arith.addf %add3A_908, %select_n3A_917 : vector<128x128xf32>
    %eq3A_919 = arith.constant 0 : i32
    %eq3A_920 = vector.broadcast %eq3A_919 : i32 to vector<128x128xi32>
    %eq3A_921 = arith.cmpi eq, %add3A_830, %eq3A_920 : vector<128x128xi32>
    %mul3A_922 = vector.broadcast %get3A_10 : vector<1x128xf32> to vector<128x128xf32>
    %mul3A_923 = arith.mulf %mul3A_922, %convert_element_type3A_833 : vector<128x128xf32>
    %jit3A_924 = arith.constant 0.000000e+00 : f32
    %broadcast_in_dim3A_925 = vector.broadcast %jit3A_924 : f32 to vector<128x128xf32>
    %select_n3A_926 = arith.select %eq3A_921, %mul3A_923, %broadcast_in_dim3A_925 : vector<128x128xi1>, vector<128x128xf32>
    %sub3A_927 = arith.constant 1 : i32
    %sub3A_928 = vector.broadcast %sub3A_927 : i32 to vector<1x128xi32>
    %sub3A_929 = arith.subi %get3A_1, %sub3A_928 : vector<1x128xi32>
    %eq3A_930 = vector.broadcast %sub3A_929 : vector<1x128xi32> to vector<128x128xi32>
    %eq3A_931 = arith.cmpi eq, %add3A_830, %eq3A_930 : vector<128x128xi32>
    %mul3A_932 = vector.broadcast %get3A_13 : vector<1x128xf32> to vector<128x128xf32>
    %mul3A_933 = arith.mulf %mul3A_932, %convert_element_type3A_833 : vector<128x128xf32>
    %jit3A_934 = arith.constant 0.000000e+00 : f32
    %broadcast_in_dim3A_935 = vector.broadcast %jit3A_934 : f32 to vector<128x128xf32>
    %select_n3A_936 = arith.select %eq3A_931, %mul3A_933, %broadcast_in_dim3A_935 : vector<128x128xi1>, vector<128x128xf32>
    %add3A_937 = arith.addf %select_n3A_926, %select_n3A_936 : vector<128x128xf32>
    %add3A_938 = arith.constant 1 : i32
    %add3A_939 = vector.broadcast %add3A_938 : i32 to vector<128x128xi32>
    %add3A_940 = arith.addi %add3A_830, %add3A_939 : vector<128x128xi32>
    %lt3A_941 = vector.broadcast %get3A_1 : vector<1x128xi32> to vector<128x128xi32>
    %lt3A_942 = arith.cmpi slt, %add3A_940, %lt3A_941 : vector<128x128xi32>
    %mul3A_943 = arith.mulf %convert_element_type3A_836, %add3A_918 : vector<128x128xf32>
    %jit3A_944 = arith.constant 0.000000e+00 : f32
    %broadcast_in_dim3A_945 = vector.broadcast %jit3A_944 : f32 to vector<128x128xf32>
    %select_n3A_946 = arith.select %lt3A_942, %mul3A_943, %broadcast_in_dim3A_945 : vector<128x128xi1>, vector<128x128xf32>
    %add3A_947 = arith.addf %add3A_937, %select_n3A_946 : vector<128x128xf32>
    %reduce_sum3A_948 = arith.constant dense<0.000000e+00> : vector<128xf32>
    %reduce_sum3A_949 = vector.multi_reduction <add>, %add3A_947, %reduce_sum3A_948 [0] : vector<128x128xf32> to vector<128xf32>
    %broadcast_in_dim3A_950 = vector.shape_cast %reduce_sum3A_949 : vector<128xf32> to vector<1x128xf32>
    %add3A_951 = arith.addf %add3A_816, %broadcast_in_dim3A_950 : vector<1x128xf32>
    %get3A_952 = arith.constant 896 : index
    %get3A_953 = arith.constant 0 : index
    %get3A_954 = vector.load %arg0[%get3A_952, %get3A_953] : memref<2056x16xf32, #tpu.memory_space<vmem>>, vector<128x16xf32>
    %dot_general3A_955 = arith.constant dense<0.000000e+00> : vector<128x128xf32>
    %dot_general3A_956 = tpu.matmul %get3A_954, %get3A_4, %dot_general3A_955 {dimension_numbers = #tpu.dot_dimension_numbers<[1], [0], [0], [1], [0, 0, 1, 1], [], []>, transpose_lhs_hint = false} : vector<128x16xf32>, vector<16x128xf32>, vector<128x128xf32> -> vector<128x128xf32>
    %get3A_957 = arith.constant 897 : index
    %get3A_958 = arith.constant 0 : index
    %get3A_959 = vector.load %arg0[%get3A_957, %get3A_958] : memref<2056x16xf32, #tpu.memory_space<vmem>>, vector<128x16xf32>
    %dot_general3A_960 = arith.constant dense<0.000000e+00> : vector<128x128xf32>
    %dot_general3A_961 = tpu.matmul %get3A_959, %get3A_4, %dot_general3A_960 {dimension_numbers = #tpu.dot_dimension_numbers<[1], [0], [0], [1], [0, 0, 1, 1], [], []>, transpose_lhs_hint = false} : vector<128x16xf32>, vector<16x128xf32>, vector<128x128xf32> -> vector<128x128xf32>
    %iota3A_962 = tpu.iota {dimensions = array<i32: 0>} : vector<128x128xi32>
    %add3A_963 = arith.constant 896 : i32
    %add3A_964 = vector.broadcast %add3A_963 : i32 to vector<128x128xi32>
    %add3A_965 = arith.addi %add3A_964, %iota3A_962 : vector<128x128xi32>
    %eq3A_966 = arith.cmpf oeq, %convert_element_type3A, %dot_general3A_956 : vector<128x128xf32>
    %convert_element_type3A_967 = arith.extui %eq3A_966 : vector<128x128xi1> to vector<128x128xi32>
    %convert_element_type3A_968 = arith.sitofp %convert_element_type3A_967 : vector<128x128xi32> to vector<128x128xf32>
    %eq3A_969 = arith.cmpf oeq, %convert_element_type3A, %dot_general3A_961 : vector<128x128xf32>
    %convert_element_type3A_970 = arith.extui %eq3A_969 : vector<128x128xi1> to vector<128x128xi32>
    %convert_element_type3A_971 = arith.sitofp %convert_element_type3A_970 : vector<128x128xi32> to vector<128x128xf32>
    %broadcast_in_dim3A_972 = arith.constant 0.000000e+00 : f32
    %broadcast_in_dim3A_973 = vector.broadcast %broadcast_in_dim3A_972 : f32 to vector<128x128xf32>
    %eq3A_974 = arith.constant 0.000000e+00 : f32
    %eq3A_975 = vector.broadcast %eq3A_974 : f32 to vector<128x128xf32>
    %eq3A_976 = arith.cmpf oeq, %dot_general3A_956, %eq3A_975 : vector<128x128xf32>
    %slice3A_977 = vector.extract_strided_slice %get3A_7 {offsets = [0, 0], sizes = [1, 128], strides = [1, 1]} : vector<8x128xf32> to vector<1x128xf32>
    %jit3A_978 = arith.constant 0.000000e+00 : f32
    %broadcast_in_dim3A_979 = vector.shape_cast %slice3A_977 : vector<1x128xf32> to vector<1x128xf32>
    %broadcast_in_dim3A_980 = vector.broadcast %broadcast_in_dim3A_979 : vector<1x128xf32> to vector<128x128xf32>
    %broadcast_in_dim3A_981 = vector.broadcast %jit3A_978 : f32 to vector<128x128xf32>
    %select_n3A_982 = arith.select %eq3A_976, %broadcast_in_dim3A_980, %broadcast_in_dim3A_981 : vector<128x128xi1>, vector<128x128xf32>
    %add3A_983 = arith.addf %broadcast_in_dim3A_973, %select_n3A_982 : vector<128x128xf32>
    %eq3A_984 = arith.constant 1.000000e+00 : f32
    %eq3A_985 = vector.broadcast %eq3A_984 : f32 to vector<128x128xf32>
    %eq3A_986 = arith.cmpf oeq, %dot_general3A_956, %eq3A_985 : vector<128x128xf32>
    %slice3A_987 = vector.extract_strided_slice %get3A_7 {offsets = [1, 0], sizes = [1, 128], strides = [1, 1]} : vector<8x128xf32> to vector<1x128xf32>
    %jit3A_988 = arith.constant 0.000000e+00 : f32
    %broadcast_in_dim3A_989 = vector.shape_cast %slice3A_987 : vector<1x128xf32> to vector<1x128xf32>
    %broadcast_in_dim3A_990 = vector.broadcast %broadcast_in_dim3A_989 : vector<1x128xf32> to vector<128x128xf32>
    %broadcast_in_dim3A_991 = vector.broadcast %jit3A_988 : f32 to vector<128x128xf32>
    %select_n3A_992 = arith.select %eq3A_986, %broadcast_in_dim3A_990, %broadcast_in_dim3A_991 : vector<128x128xi1>, vector<128x128xf32>
    %add3A_993 = arith.addf %add3A_983, %select_n3A_992 : vector<128x128xf32>
    %eq3A_994 = arith.constant 2.000000e+00 : f32
    %eq3A_995 = vector.broadcast %eq3A_994 : f32 to vector<128x128xf32>
    %eq3A_996 = arith.cmpf oeq, %dot_general3A_956, %eq3A_995 : vector<128x128xf32>
    %slice3A_997 = vector.extract_strided_slice %get3A_7 {offsets = [2, 0], sizes = [1, 128], strides = [1, 1]} : vector<8x128xf32> to vector<1x128xf32>
    %jit3A_998 = arith.constant 0.000000e+00 : f32
    %broadcast_in_dim3A_999 = vector.shape_cast %slice3A_997 : vector<1x128xf32> to vector<1x128xf32>
    %broadcast_in_dim3A_1000 = vector.broadcast %broadcast_in_dim3A_999 : vector<1x128xf32> to vector<128x128xf32>
    %broadcast_in_dim3A_1001 = vector.broadcast %jit3A_998 : f32 to vector<128x128xf32>
    %select_n3A_1002 = arith.select %eq3A_996, %broadcast_in_dim3A_1000, %broadcast_in_dim3A_1001 : vector<128x128xi1>, vector<128x128xf32>
    %add3A_1003 = arith.addf %add3A_993, %select_n3A_1002 : vector<128x128xf32>
    %eq3A_1004 = arith.constant 3.000000e+00 : f32
    %eq3A_1005 = vector.broadcast %eq3A_1004 : f32 to vector<128x128xf32>
    %eq3A_1006 = arith.cmpf oeq, %dot_general3A_956, %eq3A_1005 : vector<128x128xf32>
    %slice3A_1007 = vector.extract_strided_slice %get3A_7 {offsets = [3, 0], sizes = [1, 128], strides = [1, 1]} : vector<8x128xf32> to vector<1x128xf32>
    %jit3A_1008 = arith.constant 0.000000e+00 : f32
    %broadcast_in_dim3A_1009 = vector.shape_cast %slice3A_1007 : vector<1x128xf32> to vector<1x128xf32>
    %broadcast_in_dim3A_1010 = vector.broadcast %broadcast_in_dim3A_1009 : vector<1x128xf32> to vector<128x128xf32>
    %broadcast_in_dim3A_1011 = vector.broadcast %jit3A_1008 : f32 to vector<128x128xf32>
    %select_n3A_1012 = arith.select %eq3A_1006, %broadcast_in_dim3A_1010, %broadcast_in_dim3A_1011 : vector<128x128xi1>, vector<128x128xf32>
    %add3A_1013 = arith.addf %add3A_1003, %select_n3A_1012 : vector<128x128xf32>
    %eq3A_1014 = arith.constant 4.000000e+00 : f32
    %eq3A_1015 = vector.broadcast %eq3A_1014 : f32 to vector<128x128xf32>
    %eq3A_1016 = arith.cmpf oeq, %dot_general3A_956, %eq3A_1015 : vector<128x128xf32>
    %slice3A_1017 = vector.extract_strided_slice %get3A_7 {offsets = [4, 0], sizes = [1, 128], strides = [1, 1]} : vector<8x128xf32> to vector<1x128xf32>
    %jit3A_1018 = arith.constant 0.000000e+00 : f32
    %broadcast_in_dim3A_1019 = vector.shape_cast %slice3A_1017 : vector<1x128xf32> to vector<1x128xf32>
    %broadcast_in_dim3A_1020 = vector.broadcast %broadcast_in_dim3A_1019 : vector<1x128xf32> to vector<128x128xf32>
    %broadcast_in_dim3A_1021 = vector.broadcast %jit3A_1018 : f32 to vector<128x128xf32>
    %select_n3A_1022 = arith.select %eq3A_1016, %broadcast_in_dim3A_1020, %broadcast_in_dim3A_1021 : vector<128x128xi1>, vector<128x128xf32>
    %add3A_1023 = arith.addf %add3A_1013, %select_n3A_1022 : vector<128x128xf32>
    %eq3A_1024 = arith.constant 5.000000e+00 : f32
    %eq3A_1025 = vector.broadcast %eq3A_1024 : f32 to vector<128x128xf32>
    %eq3A_1026 = arith.cmpf oeq, %dot_general3A_956, %eq3A_1025 : vector<128x128xf32>
    %slice3A_1027 = vector.extract_strided_slice %get3A_7 {offsets = [5, 0], sizes = [1, 128], strides = [1, 1]} : vector<8x128xf32> to vector<1x128xf32>
    %jit3A_1028 = arith.constant 0.000000e+00 : f32
    %broadcast_in_dim3A_1029 = vector.shape_cast %slice3A_1027 : vector<1x128xf32> to vector<1x128xf32>
    %broadcast_in_dim3A_1030 = vector.broadcast %broadcast_in_dim3A_1029 : vector<1x128xf32> to vector<128x128xf32>
    %broadcast_in_dim3A_1031 = vector.broadcast %jit3A_1028 : f32 to vector<128x128xf32>
    %select_n3A_1032 = arith.select %eq3A_1026, %broadcast_in_dim3A_1030, %broadcast_in_dim3A_1031 : vector<128x128xi1>, vector<128x128xf32>
    %add3A_1033 = arith.addf %add3A_1023, %select_n3A_1032 : vector<128x128xf32>
    %eq3A_1034 = arith.constant 6.000000e+00 : f32
    %eq3A_1035 = vector.broadcast %eq3A_1034 : f32 to vector<128x128xf32>
    %eq3A_1036 = arith.cmpf oeq, %dot_general3A_956, %eq3A_1035 : vector<128x128xf32>
    %slice3A_1037 = vector.extract_strided_slice %get3A_7 {offsets = [6, 0], sizes = [1, 128], strides = [1, 1]} : vector<8x128xf32> to vector<1x128xf32>
    %jit3A_1038 = arith.constant 0.000000e+00 : f32
    %broadcast_in_dim3A_1039 = vector.shape_cast %slice3A_1037 : vector<1x128xf32> to vector<1x128xf32>
    %broadcast_in_dim3A_1040 = vector.broadcast %broadcast_in_dim3A_1039 : vector<1x128xf32> to vector<128x128xf32>
    %broadcast_in_dim3A_1041 = vector.broadcast %jit3A_1038 : f32 to vector<128x128xf32>
    %select_n3A_1042 = arith.select %eq3A_1036, %broadcast_in_dim3A_1040, %broadcast_in_dim3A_1041 : vector<128x128xi1>, vector<128x128xf32>
    %add3A_1043 = arith.addf %add3A_1033, %select_n3A_1042 : vector<128x128xf32>
    %eq3A_1044 = arith.constant 7.000000e+00 : f32
    %eq3A_1045 = vector.broadcast %eq3A_1044 : f32 to vector<128x128xf32>
    %eq3A_1046 = arith.cmpf oeq, %dot_general3A_956, %eq3A_1045 : vector<128x128xf32>
    %slice3A_1047 = vector.extract_strided_slice %get3A_7 {offsets = [7, 0], sizes = [1, 128], strides = [1, 1]} : vector<8x128xf32> to vector<1x128xf32>
    %jit3A_1048 = arith.constant 0.000000e+00 : f32
    %broadcast_in_dim3A_1049 = vector.shape_cast %slice3A_1047 : vector<1x128xf32> to vector<1x128xf32>
    %broadcast_in_dim3A_1050 = vector.broadcast %broadcast_in_dim3A_1049 : vector<1x128xf32> to vector<128x128xf32>
    %broadcast_in_dim3A_1051 = vector.broadcast %jit3A_1048 : f32 to vector<128x128xf32>
    %select_n3A_1052 = arith.select %eq3A_1046, %broadcast_in_dim3A_1050, %broadcast_in_dim3A_1051 : vector<128x128xi1>, vector<128x128xf32>
    %add3A_1053 = arith.addf %add3A_1043, %select_n3A_1052 : vector<128x128xf32>
    %eq3A_1054 = arith.constant 0 : i32
    %eq3A_1055 = vector.broadcast %eq3A_1054 : i32 to vector<128x128xi32>
    %eq3A_1056 = arith.cmpi eq, %add3A_965, %eq3A_1055 : vector<128x128xi32>
    %mul3A_1057 = vector.broadcast %get3A_10 : vector<1x128xf32> to vector<128x128xf32>
    %mul3A_1058 = arith.mulf %mul3A_1057, %convert_element_type3A_968 : vector<128x128xf32>
    %jit3A_1059 = arith.constant 0.000000e+00 : f32
    %broadcast_in_dim3A_1060 = vector.broadcast %jit3A_1059 : f32 to vector<128x128xf32>
    %select_n3A_1061 = arith.select %eq3A_1056, %mul3A_1058, %broadcast_in_dim3A_1060 : vector<128x128xi1>, vector<128x128xf32>
    %sub3A_1062 = arith.constant 1 : i32
    %sub3A_1063 = vector.broadcast %sub3A_1062 : i32 to vector<1x128xi32>
    %sub3A_1064 = arith.subi %get3A_1, %sub3A_1063 : vector<1x128xi32>
    %eq3A_1065 = vector.broadcast %sub3A_1064 : vector<1x128xi32> to vector<128x128xi32>
    %eq3A_1066 = arith.cmpi eq, %add3A_965, %eq3A_1065 : vector<128x128xi32>
    %mul3A_1067 = vector.broadcast %get3A_13 : vector<1x128xf32> to vector<128x128xf32>
    %mul3A_1068 = arith.mulf %mul3A_1067, %convert_element_type3A_968 : vector<128x128xf32>
    %jit3A_1069 = arith.constant 0.000000e+00 : f32
    %broadcast_in_dim3A_1070 = vector.broadcast %jit3A_1069 : f32 to vector<128x128xf32>
    %select_n3A_1071 = arith.select %eq3A_1066, %mul3A_1068, %broadcast_in_dim3A_1070 : vector<128x128xi1>, vector<128x128xf32>
    %add3A_1072 = arith.addf %select_n3A_1061, %select_n3A_1071 : vector<128x128xf32>
    %add3A_1073 = arith.constant 1 : i32
    %add3A_1074 = vector.broadcast %add3A_1073 : i32 to vector<128x128xi32>
    %add3A_1075 = arith.addi %add3A_965, %add3A_1074 : vector<128x128xi32>
    %lt3A_1076 = vector.broadcast %get3A_1 : vector<1x128xi32> to vector<128x128xi32>
    %lt3A_1077 = arith.cmpi slt, %add3A_1075, %lt3A_1076 : vector<128x128xi32>
    %mul3A_1078 = arith.mulf %convert_element_type3A_971, %add3A_1053 : vector<128x128xf32>
    %jit3A_1079 = arith.constant 0.000000e+00 : f32
    %broadcast_in_dim3A_1080 = vector.broadcast %jit3A_1079 : f32 to vector<128x128xf32>
    %select_n3A_1081 = arith.select %lt3A_1077, %mul3A_1078, %broadcast_in_dim3A_1080 : vector<128x128xi1>, vector<128x128xf32>
    %add3A_1082 = arith.addf %add3A_1072, %select_n3A_1081 : vector<128x128xf32>
    %reduce_sum3A_1083 = arith.constant dense<0.000000e+00> : vector<128xf32>
    %reduce_sum3A_1084 = vector.multi_reduction <add>, %add3A_1082, %reduce_sum3A_1083 [0] : vector<128x128xf32> to vector<128xf32>
    %broadcast_in_dim3A_1085 = vector.shape_cast %reduce_sum3A_1084 : vector<128xf32> to vector<1x128xf32>
    %add3A_1086 = arith.addf %add3A_951, %broadcast_in_dim3A_1085 : vector<1x128xf32>
    %get3A_1087 = arith.constant 1024 : index
    %get3A_1088 = arith.constant 0 : index
    %get3A_1089 = vector.load %arg0[%get3A_1087, %get3A_1088] : memref<2056x16xf32, #tpu.memory_space<vmem>>, vector<128x16xf32>
    %dot_general3A_1090 = arith.constant dense<0.000000e+00> : vector<128x128xf32>
    %dot_general3A_1091 = tpu.matmul %get3A_1089, %get3A_4, %dot_general3A_1090 {dimension_numbers = #tpu.dot_dimension_numbers<[1], [0], [0], [1], [0, 0, 1, 1], [], []>, transpose_lhs_hint = false} : vector<128x16xf32>, vector<16x128xf32>, vector<128x128xf32> -> vector<128x128xf32>
    %get3A_1092 = arith.constant 1025 : index
    %get3A_1093 = arith.constant 0 : index
    %get3A_1094 = vector.load %arg0[%get3A_1092, %get3A_1093] : memref<2056x16xf32, #tpu.memory_space<vmem>>, vector<128x16xf32>
    %dot_general3A_1095 = arith.constant dense<0.000000e+00> : vector<128x128xf32>
    %dot_general3A_1096 = tpu.matmul %get3A_1094, %get3A_4, %dot_general3A_1095 {dimension_numbers = #tpu.dot_dimension_numbers<[1], [0], [0], [1], [0, 0, 1, 1], [], []>, transpose_lhs_hint = false} : vector<128x16xf32>, vector<16x128xf32>, vector<128x128xf32> -> vector<128x128xf32>
    %iota3A_1097 = tpu.iota {dimensions = array<i32: 0>} : vector<128x128xi32>
    %add3A_1098 = arith.constant 1024 : i32
    %add3A_1099 = vector.broadcast %add3A_1098 : i32 to vector<128x128xi32>
    %add3A_1100 = arith.addi %add3A_1099, %iota3A_1097 : vector<128x128xi32>
    %eq3A_1101 = arith.cmpf oeq, %convert_element_type3A, %dot_general3A_1091 : vector<128x128xf32>
    %convert_element_type3A_1102 = arith.extui %eq3A_1101 : vector<128x128xi1> to vector<128x128xi32>
    %convert_element_type3A_1103 = arith.sitofp %convert_element_type3A_1102 : vector<128x128xi32> to vector<128x128xf32>
    %eq3A_1104 = arith.cmpf oeq, %convert_element_type3A, %dot_general3A_1096 : vector<128x128xf32>
    %convert_element_type3A_1105 = arith.extui %eq3A_1104 : vector<128x128xi1> to vector<128x128xi32>
    %convert_element_type3A_1106 = arith.sitofp %convert_element_type3A_1105 : vector<128x128xi32> to vector<128x128xf32>
    %broadcast_in_dim3A_1107 = arith.constant 0.000000e+00 : f32
    %broadcast_in_dim3A_1108 = vector.broadcast %broadcast_in_dim3A_1107 : f32 to vector<128x128xf32>
    %eq3A_1109 = arith.constant 0.000000e+00 : f32
    %eq3A_1110 = vector.broadcast %eq3A_1109 : f32 to vector<128x128xf32>
    %eq3A_1111 = arith.cmpf oeq, %dot_general3A_1091, %eq3A_1110 : vector<128x128xf32>
    %slice3A_1112 = vector.extract_strided_slice %get3A_7 {offsets = [0, 0], sizes = [1, 128], strides = [1, 1]} : vector<8x128xf32> to vector<1x128xf32>
    %jit3A_1113 = arith.constant 0.000000e+00 : f32
    %broadcast_in_dim3A_1114 = vector.shape_cast %slice3A_1112 : vector<1x128xf32> to vector<1x128xf32>
    %broadcast_in_dim3A_1115 = vector.broadcast %broadcast_in_dim3A_1114 : vector<1x128xf32> to vector<128x128xf32>
    %broadcast_in_dim3A_1116 = vector.broadcast %jit3A_1113 : f32 to vector<128x128xf32>
    %select_n3A_1117 = arith.select %eq3A_1111, %broadcast_in_dim3A_1115, %broadcast_in_dim3A_1116 : vector<128x128xi1>, vector<128x128xf32>
    %add3A_1118 = arith.addf %broadcast_in_dim3A_1108, %select_n3A_1117 : vector<128x128xf32>
    %eq3A_1119 = arith.constant 1.000000e+00 : f32
    %eq3A_1120 = vector.broadcast %eq3A_1119 : f32 to vector<128x128xf32>
    %eq3A_1121 = arith.cmpf oeq, %dot_general3A_1091, %eq3A_1120 : vector<128x128xf32>
    %slice3A_1122 = vector.extract_strided_slice %get3A_7 {offsets = [1, 0], sizes = [1, 128], strides = [1, 1]} : vector<8x128xf32> to vector<1x128xf32>
    %jit3A_1123 = arith.constant 0.000000e+00 : f32
    %broadcast_in_dim3A_1124 = vector.shape_cast %slice3A_1122 : vector<1x128xf32> to vector<1x128xf32>
    %broadcast_in_dim3A_1125 = vector.broadcast %broadcast_in_dim3A_1124 : vector<1x128xf32> to vector<128x128xf32>
    %broadcast_in_dim3A_1126 = vector.broadcast %jit3A_1123 : f32 to vector<128x128xf32>
    %select_n3A_1127 = arith.select %eq3A_1121, %broadcast_in_dim3A_1125, %broadcast_in_dim3A_1126 : vector<128x128xi1>, vector<128x128xf32>
    %add3A_1128 = arith.addf %add3A_1118, %select_n3A_1127 : vector<128x128xf32>
    %eq3A_1129 = arith.constant 2.000000e+00 : f32
    %eq3A_1130 = vector.broadcast %eq3A_1129 : f32 to vector<128x128xf32>
    %eq3A_1131 = arith.cmpf oeq, %dot_general3A_1091, %eq3A_1130 : vector<128x128xf32>
    %slice3A_1132 = vector.extract_strided_slice %get3A_7 {offsets = [2, 0], sizes = [1, 128], strides = [1, 1]} : vector<8x128xf32> to vector<1x128xf32>
    %jit3A_1133 = arith.constant 0.000000e+00 : f32
    %broadcast_in_dim3A_1134 = vector.shape_cast %slice3A_1132 : vector<1x128xf32> to vector<1x128xf32>
    %broadcast_in_dim3A_1135 = vector.broadcast %broadcast_in_dim3A_1134 : vector<1x128xf32> to vector<128x128xf32>
    %broadcast_in_dim3A_1136 = vector.broadcast %jit3A_1133 : f32 to vector<128x128xf32>
    %select_n3A_1137 = arith.select %eq3A_1131, %broadcast_in_dim3A_1135, %broadcast_in_dim3A_1136 : vector<128x128xi1>, vector<128x128xf32>
    %add3A_1138 = arith.addf %add3A_1128, %select_n3A_1137 : vector<128x128xf32>
    %eq3A_1139 = arith.constant 3.000000e+00 : f32
    %eq3A_1140 = vector.broadcast %eq3A_1139 : f32 to vector<128x128xf32>
    %eq3A_1141 = arith.cmpf oeq, %dot_general3A_1091, %eq3A_1140 : vector<128x128xf32>
    %slice3A_1142 = vector.extract_strided_slice %get3A_7 {offsets = [3, 0], sizes = [1, 128], strides = [1, 1]} : vector<8x128xf32> to vector<1x128xf32>
    %jit3A_1143 = arith.constant 0.000000e+00 : f32
    %broadcast_in_dim3A_1144 = vector.shape_cast %slice3A_1142 : vector<1x128xf32> to vector<1x128xf32>
    %broadcast_in_dim3A_1145 = vector.broadcast %broadcast_in_dim3A_1144 : vector<1x128xf32> to vector<128x128xf32>
    %broadcast_in_dim3A_1146 = vector.broadcast %jit3A_1143 : f32 to vector<128x128xf32>
    %select_n3A_1147 = arith.select %eq3A_1141, %broadcast_in_dim3A_1145, %broadcast_in_dim3A_1146 : vector<128x128xi1>, vector<128x128xf32>
    %add3A_1148 = arith.addf %add3A_1138, %select_n3A_1147 : vector<128x128xf32>
    %eq3A_1149 = arith.constant 4.000000e+00 : f32
    %eq3A_1150 = vector.broadcast %eq3A_1149 : f32 to vector<128x128xf32>
    %eq3A_1151 = arith.cmpf oeq, %dot_general3A_1091, %eq3A_1150 : vector<128x128xf32>
    %slice3A_1152 = vector.extract_strided_slice %get3A_7 {offsets = [4, 0], sizes = [1, 128], strides = [1, 1]} : vector<8x128xf32> to vector<1x128xf32>
    %jit3A_1153 = arith.constant 0.000000e+00 : f32
    %broadcast_in_dim3A_1154 = vector.shape_cast %slice3A_1152 : vector<1x128xf32> to vector<1x128xf32>
    %broadcast_in_dim3A_1155 = vector.broadcast %broadcast_in_dim3A_1154 : vector<1x128xf32> to vector<128x128xf32>
    %broadcast_in_dim3A_1156 = vector.broadcast %jit3A_1153 : f32 to vector<128x128xf32>
    %select_n3A_1157 = arith.select %eq3A_1151, %broadcast_in_dim3A_1155, %broadcast_in_dim3A_1156 : vector<128x128xi1>, vector<128x128xf32>
    %add3A_1158 = arith.addf %add3A_1148, %select_n3A_1157 : vector<128x128xf32>
    %eq3A_1159 = arith.constant 5.000000e+00 : f32
    %eq3A_1160 = vector.broadcast %eq3A_1159 : f32 to vector<128x128xf32>
    %eq3A_1161 = arith.cmpf oeq, %dot_general3A_1091, %eq3A_1160 : vector<128x128xf32>
    %slice3A_1162 = vector.extract_strided_slice %get3A_7 {offsets = [5, 0], sizes = [1, 128], strides = [1, 1]} : vector<8x128xf32> to vector<1x128xf32>
    %jit3A_1163 = arith.constant 0.000000e+00 : f32
    %broadcast_in_dim3A_1164 = vector.shape_cast %slice3A_1162 : vector<1x128xf32> to vector<1x128xf32>
    %broadcast_in_dim3A_1165 = vector.broadcast %broadcast_in_dim3A_1164 : vector<1x128xf32> to vector<128x128xf32>
    %broadcast_in_dim3A_1166 = vector.broadcast %jit3A_1163 : f32 to vector<128x128xf32>
    %select_n3A_1167 = arith.select %eq3A_1161, %broadcast_in_dim3A_1165, %broadcast_in_dim3A_1166 : vector<128x128xi1>, vector<128x128xf32>
    %add3A_1168 = arith.addf %add3A_1158, %select_n3A_1167 : vector<128x128xf32>
    %eq3A_1169 = arith.constant 6.000000e+00 : f32
    %eq3A_1170 = vector.broadcast %eq3A_1169 : f32 to vector<128x128xf32>
    %eq3A_1171 = arith.cmpf oeq, %dot_general3A_1091, %eq3A_1170 : vector<128x128xf32>
    %slice3A_1172 = vector.extract_strided_slice %get3A_7 {offsets = [6, 0], sizes = [1, 128], strides = [1, 1]} : vector<8x128xf32> to vector<1x128xf32>
    %jit3A_1173 = arith.constant 0.000000e+00 : f32
    %broadcast_in_dim3A_1174 = vector.shape_cast %slice3A_1172 : vector<1x128xf32> to vector<1x128xf32>
    %broadcast_in_dim3A_1175 = vector.broadcast %broadcast_in_dim3A_1174 : vector<1x128xf32> to vector<128x128xf32>
    %broadcast_in_dim3A_1176 = vector.broadcast %jit3A_1173 : f32 to vector<128x128xf32>
    %select_n3A_1177 = arith.select %eq3A_1171, %broadcast_in_dim3A_1175, %broadcast_in_dim3A_1176 : vector<128x128xi1>, vector<128x128xf32>
    %add3A_1178 = arith.addf %add3A_1168, %select_n3A_1177 : vector<128x128xf32>
    %eq3A_1179 = arith.constant 7.000000e+00 : f32
    %eq3A_1180 = vector.broadcast %eq3A_1179 : f32 to vector<128x128xf32>
    %eq3A_1181 = arith.cmpf oeq, %dot_general3A_1091, %eq3A_1180 : vector<128x128xf32>
    %slice3A_1182 = vector.extract_strided_slice %get3A_7 {offsets = [7, 0], sizes = [1, 128], strides = [1, 1]} : vector<8x128xf32> to vector<1x128xf32>
    %jit3A_1183 = arith.constant 0.000000e+00 : f32
    %broadcast_in_dim3A_1184 = vector.shape_cast %slice3A_1182 : vector<1x128xf32> to vector<1x128xf32>
    %broadcast_in_dim3A_1185 = vector.broadcast %broadcast_in_dim3A_1184 : vector<1x128xf32> to vector<128x128xf32>
    %broadcast_in_dim3A_1186 = vector.broadcast %jit3A_1183 : f32 to vector<128x128xf32>
    %select_n3A_1187 = arith.select %eq3A_1181, %broadcast_in_dim3A_1185, %broadcast_in_dim3A_1186 : vector<128x128xi1>, vector<128x128xf32>
    %add3A_1188 = arith.addf %add3A_1178, %select_n3A_1187 : vector<128x128xf32>
    %eq3A_1189 = arith.constant 0 : i32
    %eq3A_1190 = vector.broadcast %eq3A_1189 : i32 to vector<128x128xi32>
    %eq3A_1191 = arith.cmpi eq, %add3A_1100, %eq3A_1190 : vector<128x128xi32>
    %mul3A_1192 = vector.broadcast %get3A_10 : vector<1x128xf32> to vector<128x128xf32>
    %mul3A_1193 = arith.mulf %mul3A_1192, %convert_element_type3A_1103 : vector<128x128xf32>
    %jit3A_1194 = arith.constant 0.000000e+00 : f32
    %broadcast_in_dim3A_1195 = vector.broadcast %jit3A_1194 : f32 to vector<128x128xf32>
    %select_n3A_1196 = arith.select %eq3A_1191, %mul3A_1193, %broadcast_in_dim3A_1195 : vector<128x128xi1>, vector<128x128xf32>
    %sub3A_1197 = arith.constant 1 : i32
    %sub3A_1198 = vector.broadcast %sub3A_1197 : i32 to vector<1x128xi32>
    %sub3A_1199 = arith.subi %get3A_1, %sub3A_1198 : vector<1x128xi32>
    %eq3A_1200 = vector.broadcast %sub3A_1199 : vector<1x128xi32> to vector<128x128xi32>
    %eq3A_1201 = arith.cmpi eq, %add3A_1100, %eq3A_1200 : vector<128x128xi32>
    %mul3A_1202 = vector.broadcast %get3A_13 : vector<1x128xf32> to vector<128x128xf32>
    %mul3A_1203 = arith.mulf %mul3A_1202, %convert_element_type3A_1103 : vector<128x128xf32>
    %jit3A_1204 = arith.constant 0.000000e+00 : f32
    %broadcast_in_dim3A_1205 = vector.broadcast %jit3A_1204 : f32 to vector<128x128xf32>
    %select_n3A_1206 = arith.select %eq3A_1201, %mul3A_1203, %broadcast_in_dim3A_1205 : vector<128x128xi1>, vector<128x128xf32>
    %add3A_1207 = arith.addf %select_n3A_1196, %select_n3A_1206 : vector<128x128xf32>
    %add3A_1208 = arith.constant 1 : i32
    %add3A_1209 = vector.broadcast %add3A_1208 : i32 to vector<128x128xi32>
    %add3A_1210 = arith.addi %add3A_1100, %add3A_1209 : vector<128x128xi32>
    %lt3A_1211 = vector.broadcast %get3A_1 : vector<1x128xi32> to vector<128x128xi32>
    %lt3A_1212 = arith.cmpi slt, %add3A_1210, %lt3A_1211 : vector<128x128xi32>
    %mul3A_1213 = arith.mulf %convert_element_type3A_1106, %add3A_1188 : vector<128x128xf32>
    %jit3A_1214 = arith.constant 0.000000e+00 : f32
    %broadcast_in_dim3A_1215 = vector.broadcast %jit3A_1214 : f32 to vector<128x128xf32>
    %select_n3A_1216 = arith.select %lt3A_1212, %mul3A_1213, %broadcast_in_dim3A_1215 : vector<128x128xi1>, vector<128x128xf32>
    %add3A_1217 = arith.addf %add3A_1207, %select_n3A_1216 : vector<128x128xf32>
    %reduce_sum3A_1218 = arith.constant dense<0.000000e+00> : vector<128xf32>
    %reduce_sum3A_1219 = vector.multi_reduction <add>, %add3A_1217, %reduce_sum3A_1218 [0] : vector<128x128xf32> to vector<128xf32>
    %broadcast_in_dim3A_1220 = vector.shape_cast %reduce_sum3A_1219 : vector<128xf32> to vector<1x128xf32>
    %add3A_1221 = arith.addf %add3A_1086, %broadcast_in_dim3A_1220 : vector<1x128xf32>
    %get3A_1222 = arith.constant 1152 : index
    %get3A_1223 = arith.constant 0 : index
    %get3A_1224 = vector.load %arg0[%get3A_1222, %get3A_1223] : memref<2056x16xf32, #tpu.memory_space<vmem>>, vector<128x16xf32>
    %dot_general3A_1225 = arith.constant dense<0.000000e+00> : vector<128x128xf32>
    %dot_general3A_1226 = tpu.matmul %get3A_1224, %get3A_4, %dot_general3A_1225 {dimension_numbers = #tpu.dot_dimension_numbers<[1], [0], [0], [1], [0, 0, 1, 1], [], []>, transpose_lhs_hint = false} : vector<128x16xf32>, vector<16x128xf32>, vector<128x128xf32> -> vector<128x128xf32>
    %get3A_1227 = arith.constant 1153 : index
    %get3A_1228 = arith.constant 0 : index
    %get3A_1229 = vector.load %arg0[%get3A_1227, %get3A_1228] : memref<2056x16xf32, #tpu.memory_space<vmem>>, vector<128x16xf32>
    %dot_general3A_1230 = arith.constant dense<0.000000e+00> : vector<128x128xf32>
    %dot_general3A_1231 = tpu.matmul %get3A_1229, %get3A_4, %dot_general3A_1230 {dimension_numbers = #tpu.dot_dimension_numbers<[1], [0], [0], [1], [0, 0, 1, 1], [], []>, transpose_lhs_hint = false} : vector<128x16xf32>, vector<16x128xf32>, vector<128x128xf32> -> vector<128x128xf32>
    %iota3A_1232 = tpu.iota {dimensions = array<i32: 0>} : vector<128x128xi32>
    %add3A_1233 = arith.constant 1152 : i32
    %add3A_1234 = vector.broadcast %add3A_1233 : i32 to vector<128x128xi32>
    %add3A_1235 = arith.addi %add3A_1234, %iota3A_1232 : vector<128x128xi32>
    %eq3A_1236 = arith.cmpf oeq, %convert_element_type3A, %dot_general3A_1226 : vector<128x128xf32>
    %convert_element_type3A_1237 = arith.extui %eq3A_1236 : vector<128x128xi1> to vector<128x128xi32>
    %convert_element_type3A_1238 = arith.sitofp %convert_element_type3A_1237 : vector<128x128xi32> to vector<128x128xf32>
    %eq3A_1239 = arith.cmpf oeq, %convert_element_type3A, %dot_general3A_1231 : vector<128x128xf32>
    %convert_element_type3A_1240 = arith.extui %eq3A_1239 : vector<128x128xi1> to vector<128x128xi32>
    %convert_element_type3A_1241 = arith.sitofp %convert_element_type3A_1240 : vector<128x128xi32> to vector<128x128xf32>
    %broadcast_in_dim3A_1242 = arith.constant 0.000000e+00 : f32
    %broadcast_in_dim3A_1243 = vector.broadcast %broadcast_in_dim3A_1242 : f32 to vector<128x128xf32>
    %eq3A_1244 = arith.constant 0.000000e+00 : f32
    %eq3A_1245 = vector.broadcast %eq3A_1244 : f32 to vector<128x128xf32>
    %eq3A_1246 = arith.cmpf oeq, %dot_general3A_1226, %eq3A_1245 : vector<128x128xf32>
    %slice3A_1247 = vector.extract_strided_slice %get3A_7 {offsets = [0, 0], sizes = [1, 128], strides = [1, 1]} : vector<8x128xf32> to vector<1x128xf32>
    %jit3A_1248 = arith.constant 0.000000e+00 : f32
    %broadcast_in_dim3A_1249 = vector.shape_cast %slice3A_1247 : vector<1x128xf32> to vector<1x128xf32>
    %broadcast_in_dim3A_1250 = vector.broadcast %broadcast_in_dim3A_1249 : vector<1x128xf32> to vector<128x128xf32>
    %broadcast_in_dim3A_1251 = vector.broadcast %jit3A_1248 : f32 to vector<128x128xf32>
    %select_n3A_1252 = arith.select %eq3A_1246, %broadcast_in_dim3A_1250, %broadcast_in_dim3A_1251 : vector<128x128xi1>, vector<128x128xf32>
    %add3A_1253 = arith.addf %broadcast_in_dim3A_1243, %select_n3A_1252 : vector<128x128xf32>
    %eq3A_1254 = arith.constant 1.000000e+00 : f32
    %eq3A_1255 = vector.broadcast %eq3A_1254 : f32 to vector<128x128xf32>
    %eq3A_1256 = arith.cmpf oeq, %dot_general3A_1226, %eq3A_1255 : vector<128x128xf32>
    %slice3A_1257 = vector.extract_strided_slice %get3A_7 {offsets = [1, 0], sizes = [1, 128], strides = [1, 1]} : vector<8x128xf32> to vector<1x128xf32>
    %jit3A_1258 = arith.constant 0.000000e+00 : f32
    %broadcast_in_dim3A_1259 = vector.shape_cast %slice3A_1257 : vector<1x128xf32> to vector<1x128xf32>
    %broadcast_in_dim3A_1260 = vector.broadcast %broadcast_in_dim3A_1259 : vector<1x128xf32> to vector<128x128xf32>
    %broadcast_in_dim3A_1261 = vector.broadcast %jit3A_1258 : f32 to vector<128x128xf32>
    %select_n3A_1262 = arith.select %eq3A_1256, %broadcast_in_dim3A_1260, %broadcast_in_dim3A_1261 : vector<128x128xi1>, vector<128x128xf32>
    %add3A_1263 = arith.addf %add3A_1253, %select_n3A_1262 : vector<128x128xf32>
    %eq3A_1264 = arith.constant 2.000000e+00 : f32
    %eq3A_1265 = vector.broadcast %eq3A_1264 : f32 to vector<128x128xf32>
    %eq3A_1266 = arith.cmpf oeq, %dot_general3A_1226, %eq3A_1265 : vector<128x128xf32>
    %slice3A_1267 = vector.extract_strided_slice %get3A_7 {offsets = [2, 0], sizes = [1, 128], strides = [1, 1]} : vector<8x128xf32> to vector<1x128xf32>
    %jit3A_1268 = arith.constant 0.000000e+00 : f32
    %broadcast_in_dim3A_1269 = vector.shape_cast %slice3A_1267 : vector<1x128xf32> to vector<1x128xf32>
    %broadcast_in_dim3A_1270 = vector.broadcast %broadcast_in_dim3A_1269 : vector<1x128xf32> to vector<128x128xf32>
    %broadcast_in_dim3A_1271 = vector.broadcast %jit3A_1268 : f32 to vector<128x128xf32>
    %select_n3A_1272 = arith.select %eq3A_1266, %broadcast_in_dim3A_1270, %broadcast_in_dim3A_1271 : vector<128x128xi1>, vector<128x128xf32>
    %add3A_1273 = arith.addf %add3A_1263, %select_n3A_1272 : vector<128x128xf32>
    %eq3A_1274 = arith.constant 3.000000e+00 : f32
    %eq3A_1275 = vector.broadcast %eq3A_1274 : f32 to vector<128x128xf32>
    %eq3A_1276 = arith.cmpf oeq, %dot_general3A_1226, %eq3A_1275 : vector<128x128xf32>
    %slice3A_1277 = vector.extract_strided_slice %get3A_7 {offsets = [3, 0], sizes = [1, 128], strides = [1, 1]} : vector<8x128xf32> to vector<1x128xf32>
    %jit3A_1278 = arith.constant 0.000000e+00 : f32
    %broadcast_in_dim3A_1279 = vector.shape_cast %slice3A_1277 : vector<1x128xf32> to vector<1x128xf32>
    %broadcast_in_dim3A_1280 = vector.broadcast %broadcast_in_dim3A_1279 : vector<1x128xf32> to vector<128x128xf32>
    %broadcast_in_dim3A_1281 = vector.broadcast %jit3A_1278 : f32 to vector<128x128xf32>
    %select_n3A_1282 = arith.select %eq3A_1276, %broadcast_in_dim3A_1280, %broadcast_in_dim3A_1281 : vector<128x128xi1>, vector<128x128xf32>
    %add3A_1283 = arith.addf %add3A_1273, %select_n3A_1282 : vector<128x128xf32>
    %eq3A_1284 = arith.constant 4.000000e+00 : f32
    %eq3A_1285 = vector.broadcast %eq3A_1284 : f32 to vector<128x128xf32>
    %eq3A_1286 = arith.cmpf oeq, %dot_general3A_1226, %eq3A_1285 : vector<128x128xf32>
    %slice3A_1287 = vector.extract_strided_slice %get3A_7 {offsets = [4, 0], sizes = [1, 128], strides = [1, 1]} : vector<8x128xf32> to vector<1x128xf32>
    %jit3A_1288 = arith.constant 0.000000e+00 : f32
    %broadcast_in_dim3A_1289 = vector.shape_cast %slice3A_1287 : vector<1x128xf32> to vector<1x128xf32>
    %broadcast_in_dim3A_1290 = vector.broadcast %broadcast_in_dim3A_1289 : vector<1x128xf32> to vector<128x128xf32>
    %broadcast_in_dim3A_1291 = vector.broadcast %jit3A_1288 : f32 to vector<128x128xf32>
    %select_n3A_1292 = arith.select %eq3A_1286, %broadcast_in_dim3A_1290, %broadcast_in_dim3A_1291 : vector<128x128xi1>, vector<128x128xf32>
    %add3A_1293 = arith.addf %add3A_1283, %select_n3A_1292 : vector<128x128xf32>
    %eq3A_1294 = arith.constant 5.000000e+00 : f32
    %eq3A_1295 = vector.broadcast %eq3A_1294 : f32 to vector<128x128xf32>
    %eq3A_1296 = arith.cmpf oeq, %dot_general3A_1226, %eq3A_1295 : vector<128x128xf32>
    %slice3A_1297 = vector.extract_strided_slice %get3A_7 {offsets = [5, 0], sizes = [1, 128], strides = [1, 1]} : vector<8x128xf32> to vector<1x128xf32>
    %jit3A_1298 = arith.constant 0.000000e+00 : f32
    %broadcast_in_dim3A_1299 = vector.shape_cast %slice3A_1297 : vector<1x128xf32> to vector<1x128xf32>
    %broadcast_in_dim3A_1300 = vector.broadcast %broadcast_in_dim3A_1299 : vector<1x128xf32> to vector<128x128xf32>
    %broadcast_in_dim3A_1301 = vector.broadcast %jit3A_1298 : f32 to vector<128x128xf32>
    %select_n3A_1302 = arith.select %eq3A_1296, %broadcast_in_dim3A_1300, %broadcast_in_dim3A_1301 : vector<128x128xi1>, vector<128x128xf32>
    %add3A_1303 = arith.addf %add3A_1293, %select_n3A_1302 : vector<128x128xf32>
    %eq3A_1304 = arith.constant 6.000000e+00 : f32
    %eq3A_1305 = vector.broadcast %eq3A_1304 : f32 to vector<128x128xf32>
    %eq3A_1306 = arith.cmpf oeq, %dot_general3A_1226, %eq3A_1305 : vector<128x128xf32>
    %slice3A_1307 = vector.extract_strided_slice %get3A_7 {offsets = [6, 0], sizes = [1, 128], strides = [1, 1]} : vector<8x128xf32> to vector<1x128xf32>
    %jit3A_1308 = arith.constant 0.000000e+00 : f32
    %broadcast_in_dim3A_1309 = vector.shape_cast %slice3A_1307 : vector<1x128xf32> to vector<1x128xf32>
    %broadcast_in_dim3A_1310 = vector.broadcast %broadcast_in_dim3A_1309 : vector<1x128xf32> to vector<128x128xf32>
    %broadcast_in_dim3A_1311 = vector.broadcast %jit3A_1308 : f32 to vector<128x128xf32>
    %select_n3A_1312 = arith.select %eq3A_1306, %broadcast_in_dim3A_1310, %broadcast_in_dim3A_1311 : vector<128x128xi1>, vector<128x128xf32>
    %add3A_1313 = arith.addf %add3A_1303, %select_n3A_1312 : vector<128x128xf32>
    %eq3A_1314 = arith.constant 7.000000e+00 : f32
    %eq3A_1315 = vector.broadcast %eq3A_1314 : f32 to vector<128x128xf32>
    %eq3A_1316 = arith.cmpf oeq, %dot_general3A_1226, %eq3A_1315 : vector<128x128xf32>
    %slice3A_1317 = vector.extract_strided_slice %get3A_7 {offsets = [7, 0], sizes = [1, 128], strides = [1, 1]} : vector<8x128xf32> to vector<1x128xf32>
    %jit3A_1318 = arith.constant 0.000000e+00 : f32
    %broadcast_in_dim3A_1319 = vector.shape_cast %slice3A_1317 : vector<1x128xf32> to vector<1x128xf32>
    %broadcast_in_dim3A_1320 = vector.broadcast %broadcast_in_dim3A_1319 : vector<1x128xf32> to vector<128x128xf32>
    %broadcast_in_dim3A_1321 = vector.broadcast %jit3A_1318 : f32 to vector<128x128xf32>
    %select_n3A_1322 = arith.select %eq3A_1316, %broadcast_in_dim3A_1320, %broadcast_in_dim3A_1321 : vector<128x128xi1>, vector<128x128xf32>
    %add3A_1323 = arith.addf %add3A_1313, %select_n3A_1322 : vector<128x128xf32>
    %eq3A_1324 = arith.constant 0 : i32
    %eq3A_1325 = vector.broadcast %eq3A_1324 : i32 to vector<128x128xi32>
    %eq3A_1326 = arith.cmpi eq, %add3A_1235, %eq3A_1325 : vector<128x128xi32>
    %mul3A_1327 = vector.broadcast %get3A_10 : vector<1x128xf32> to vector<128x128xf32>
    %mul3A_1328 = arith.mulf %mul3A_1327, %convert_element_type3A_1238 : vector<128x128xf32>
    %jit3A_1329 = arith.constant 0.000000e+00 : f32
    %broadcast_in_dim3A_1330 = vector.broadcast %jit3A_1329 : f32 to vector<128x128xf32>
    %select_n3A_1331 = arith.select %eq3A_1326, %mul3A_1328, %broadcast_in_dim3A_1330 : vector<128x128xi1>, vector<128x128xf32>
    %sub3A_1332 = arith.constant 1 : i32
    %sub3A_1333 = vector.broadcast %sub3A_1332 : i32 to vector<1x128xi32>
    %sub3A_1334 = arith.subi %get3A_1, %sub3A_1333 : vector<1x128xi32>
    %eq3A_1335 = vector.broadcast %sub3A_1334 : vector<1x128xi32> to vector<128x128xi32>
    %eq3A_1336 = arith.cmpi eq, %add3A_1235, %eq3A_1335 : vector<128x128xi32>
    %mul3A_1337 = vector.broadcast %get3A_13 : vector<1x128xf32> to vector<128x128xf32>
    %mul3A_1338 = arith.mulf %mul3A_1337, %convert_element_type3A_1238 : vector<128x128xf32>
    %jit3A_1339 = arith.constant 0.000000e+00 : f32
    %broadcast_in_dim3A_1340 = vector.broadcast %jit3A_1339 : f32 to vector<128x128xf32>
    %select_n3A_1341 = arith.select %eq3A_1336, %mul3A_1338, %broadcast_in_dim3A_1340 : vector<128x128xi1>, vector<128x128xf32>
    %add3A_1342 = arith.addf %select_n3A_1331, %select_n3A_1341 : vector<128x128xf32>
    %add3A_1343 = arith.constant 1 : i32
    %add3A_1344 = vector.broadcast %add3A_1343 : i32 to vector<128x128xi32>
    %add3A_1345 = arith.addi %add3A_1235, %add3A_1344 : vector<128x128xi32>
    %lt3A_1346 = vector.broadcast %get3A_1 : vector<1x128xi32> to vector<128x128xi32>
    %lt3A_1347 = arith.cmpi slt, %add3A_1345, %lt3A_1346 : vector<128x128xi32>
    %mul3A_1348 = arith.mulf %convert_element_type3A_1241, %add3A_1323 : vector<128x128xf32>
    %jit3A_1349 = arith.constant 0.000000e+00 : f32
    %broadcast_in_dim3A_1350 = vector.broadcast %jit3A_1349 : f32 to vector<128x128xf32>
    %select_n3A_1351 = arith.select %lt3A_1347, %mul3A_1348, %broadcast_in_dim3A_1350 : vector<128x128xi1>, vector<128x128xf32>
    %add3A_1352 = arith.addf %add3A_1342, %select_n3A_1351 : vector<128x128xf32>
    %reduce_sum3A_1353 = arith.constant dense<0.000000e+00> : vector<128xf32>
    %reduce_sum3A_1354 = vector.multi_reduction <add>, %add3A_1352, %reduce_sum3A_1353 [0] : vector<128x128xf32> to vector<128xf32>
    %broadcast_in_dim3A_1355 = vector.shape_cast %reduce_sum3A_1354 : vector<128xf32> to vector<1x128xf32>
    %add3A_1356 = arith.addf %add3A_1221, %broadcast_in_dim3A_1355 : vector<1x128xf32>
    %get3A_1357 = arith.constant 1280 : index
    %get3A_1358 = arith.constant 0 : index
    %get3A_1359 = vector.load %arg0[%get3A_1357, %get3A_1358] : memref<2056x16xf32, #tpu.memory_space<vmem>>, vector<128x16xf32>
    %dot_general3A_1360 = arith.constant dense<0.000000e+00> : vector<128x128xf32>
    %dot_general3A_1361 = tpu.matmul %get3A_1359, %get3A_4, %dot_general3A_1360 {dimension_numbers = #tpu.dot_dimension_numbers<[1], [0], [0], [1], [0, 0, 1, 1], [], []>, transpose_lhs_hint = false} : vector<128x16xf32>, vector<16x128xf32>, vector<128x128xf32> -> vector<128x128xf32>
    %get3A_1362 = arith.constant 1281 : index
    %get3A_1363 = arith.constant 0 : index
    %get3A_1364 = vector.load %arg0[%get3A_1362, %get3A_1363] : memref<2056x16xf32, #tpu.memory_space<vmem>>, vector<128x16xf32>
    %dot_general3A_1365 = arith.constant dense<0.000000e+00> : vector<128x128xf32>
    %dot_general3A_1366 = tpu.matmul %get3A_1364, %get3A_4, %dot_general3A_1365 {dimension_numbers = #tpu.dot_dimension_numbers<[1], [0], [0], [1], [0, 0, 1, 1], [], []>, transpose_lhs_hint = false} : vector<128x16xf32>, vector<16x128xf32>, vector<128x128xf32> -> vector<128x128xf32>
    %iota3A_1367 = tpu.iota {dimensions = array<i32: 0>} : vector<128x128xi32>
    %add3A_1368 = arith.constant 1280 : i32
    %add3A_1369 = vector.broadcast %add3A_1368 : i32 to vector<128x128xi32>
    %add3A_1370 = arith.addi %add3A_1369, %iota3A_1367 : vector<128x128xi32>
    %eq3A_1371 = arith.cmpf oeq, %convert_element_type3A, %dot_general3A_1361 : vector<128x128xf32>
    %convert_element_type3A_1372 = arith.extui %eq3A_1371 : vector<128x128xi1> to vector<128x128xi32>
    %convert_element_type3A_1373 = arith.sitofp %convert_element_type3A_1372 : vector<128x128xi32> to vector<128x128xf32>
    %eq3A_1374 = arith.cmpf oeq, %convert_element_type3A, %dot_general3A_1366 : vector<128x128xf32>
    %convert_element_type3A_1375 = arith.extui %eq3A_1374 : vector<128x128xi1> to vector<128x128xi32>
    %convert_element_type3A_1376 = arith.sitofp %convert_element_type3A_1375 : vector<128x128xi32> to vector<128x128xf32>
    %broadcast_in_dim3A_1377 = arith.constant 0.000000e+00 : f32
    %broadcast_in_dim3A_1378 = vector.broadcast %broadcast_in_dim3A_1377 : f32 to vector<128x128xf32>
    %eq3A_1379 = arith.constant 0.000000e+00 : f32
    %eq3A_1380 = vector.broadcast %eq3A_1379 : f32 to vector<128x128xf32>
    %eq3A_1381 = arith.cmpf oeq, %dot_general3A_1361, %eq3A_1380 : vector<128x128xf32>
    %slice3A_1382 = vector.extract_strided_slice %get3A_7 {offsets = [0, 0], sizes = [1, 128], strides = [1, 1]} : vector<8x128xf32> to vector<1x128xf32>
    %jit3A_1383 = arith.constant 0.000000e+00 : f32
    %broadcast_in_dim3A_1384 = vector.shape_cast %slice3A_1382 : vector<1x128xf32> to vector<1x128xf32>
    %broadcast_in_dim3A_1385 = vector.broadcast %broadcast_in_dim3A_1384 : vector<1x128xf32> to vector<128x128xf32>
    %broadcast_in_dim3A_1386 = vector.broadcast %jit3A_1383 : f32 to vector<128x128xf32>
    %select_n3A_1387 = arith.select %eq3A_1381, %broadcast_in_dim3A_1385, %broadcast_in_dim3A_1386 : vector<128x128xi1>, vector<128x128xf32>
    %add3A_1388 = arith.addf %broadcast_in_dim3A_1378, %select_n3A_1387 : vector<128x128xf32>
    %eq3A_1389 = arith.constant 1.000000e+00 : f32
    %eq3A_1390 = vector.broadcast %eq3A_1389 : f32 to vector<128x128xf32>
    %eq3A_1391 = arith.cmpf oeq, %dot_general3A_1361, %eq3A_1390 : vector<128x128xf32>
    %slice3A_1392 = vector.extract_strided_slice %get3A_7 {offsets = [1, 0], sizes = [1, 128], strides = [1, 1]} : vector<8x128xf32> to vector<1x128xf32>
    %jit3A_1393 = arith.constant 0.000000e+00 : f32
    %broadcast_in_dim3A_1394 = vector.shape_cast %slice3A_1392 : vector<1x128xf32> to vector<1x128xf32>
    %broadcast_in_dim3A_1395 = vector.broadcast %broadcast_in_dim3A_1394 : vector<1x128xf32> to vector<128x128xf32>
    %broadcast_in_dim3A_1396 = vector.broadcast %jit3A_1393 : f32 to vector<128x128xf32>
    %select_n3A_1397 = arith.select %eq3A_1391, %broadcast_in_dim3A_1395, %broadcast_in_dim3A_1396 : vector<128x128xi1>, vector<128x128xf32>
    %add3A_1398 = arith.addf %add3A_1388, %select_n3A_1397 : vector<128x128xf32>
    %eq3A_1399 = arith.constant 2.000000e+00 : f32
    %eq3A_1400 = vector.broadcast %eq3A_1399 : f32 to vector<128x128xf32>
    %eq3A_1401 = arith.cmpf oeq, %dot_general3A_1361, %eq3A_1400 : vector<128x128xf32>
    %slice3A_1402 = vector.extract_strided_slice %get3A_7 {offsets = [2, 0], sizes = [1, 128], strides = [1, 1]} : vector<8x128xf32> to vector<1x128xf32>
    %jit3A_1403 = arith.constant 0.000000e+00 : f32
    %broadcast_in_dim3A_1404 = vector.shape_cast %slice3A_1402 : vector<1x128xf32> to vector<1x128xf32>
    %broadcast_in_dim3A_1405 = vector.broadcast %broadcast_in_dim3A_1404 : vector<1x128xf32> to vector<128x128xf32>
    %broadcast_in_dim3A_1406 = vector.broadcast %jit3A_1403 : f32 to vector<128x128xf32>
    %select_n3A_1407 = arith.select %eq3A_1401, %broadcast_in_dim3A_1405, %broadcast_in_dim3A_1406 : vector<128x128xi1>, vector<128x128xf32>
    %add3A_1408 = arith.addf %add3A_1398, %select_n3A_1407 : vector<128x128xf32>
    %eq3A_1409 = arith.constant 3.000000e+00 : f32
    %eq3A_1410 = vector.broadcast %eq3A_1409 : f32 to vector<128x128xf32>
    %eq3A_1411 = arith.cmpf oeq, %dot_general3A_1361, %eq3A_1410 : vector<128x128xf32>
    %slice3A_1412 = vector.extract_strided_slice %get3A_7 {offsets = [3, 0], sizes = [1, 128], strides = [1, 1]} : vector<8x128xf32> to vector<1x128xf32>
    %jit3A_1413 = arith.constant 0.000000e+00 : f32
    %broadcast_in_dim3A_1414 = vector.shape_cast %slice3A_1412 : vector<1x128xf32> to vector<1x128xf32>
    %broadcast_in_dim3A_1415 = vector.broadcast %broadcast_in_dim3A_1414 : vector<1x128xf32> to vector<128x128xf32>
    %broadcast_in_dim3A_1416 = vector.broadcast %jit3A_1413 : f32 to vector<128x128xf32>
    %select_n3A_1417 = arith.select %eq3A_1411, %broadcast_in_dim3A_1415, %broadcast_in_dim3A_1416 : vector<128x128xi1>, vector<128x128xf32>
    %add3A_1418 = arith.addf %add3A_1408, %select_n3A_1417 : vector<128x128xf32>
    %eq3A_1419 = arith.constant 4.000000e+00 : f32
    %eq3A_1420 = vector.broadcast %eq3A_1419 : f32 to vector<128x128xf32>
    %eq3A_1421 = arith.cmpf oeq, %dot_general3A_1361, %eq3A_1420 : vector<128x128xf32>
    %slice3A_1422 = vector.extract_strided_slice %get3A_7 {offsets = [4, 0], sizes = [1, 128], strides = [1, 1]} : vector<8x128xf32> to vector<1x128xf32>
    %jit3A_1423 = arith.constant 0.000000e+00 : f32
    %broadcast_in_dim3A_1424 = vector.shape_cast %slice3A_1422 : vector<1x128xf32> to vector<1x128xf32>
    %broadcast_in_dim3A_1425 = vector.broadcast %broadcast_in_dim3A_1424 : vector<1x128xf32> to vector<128x128xf32>
    %broadcast_in_dim3A_1426 = vector.broadcast %jit3A_1423 : f32 to vector<128x128xf32>
    %select_n3A_1427 = arith.select %eq3A_1421, %broadcast_in_dim3A_1425, %broadcast_in_dim3A_1426 : vector<128x128xi1>, vector<128x128xf32>
    %add3A_1428 = arith.addf %add3A_1418, %select_n3A_1427 : vector<128x128xf32>
    %eq3A_1429 = arith.constant 5.000000e+00 : f32
    %eq3A_1430 = vector.broadcast %eq3A_1429 : f32 to vector<128x128xf32>
    %eq3A_1431 = arith.cmpf oeq, %dot_general3A_1361, %eq3A_1430 : vector<128x128xf32>
    %slice3A_1432 = vector.extract_strided_slice %get3A_7 {offsets = [5, 0], sizes = [1, 128], strides = [1, 1]} : vector<8x128xf32> to vector<1x128xf32>
    %jit3A_1433 = arith.constant 0.000000e+00 : f32
    %broadcast_in_dim3A_1434 = vector.shape_cast %slice3A_1432 : vector<1x128xf32> to vector<1x128xf32>
    %broadcast_in_dim3A_1435 = vector.broadcast %broadcast_in_dim3A_1434 : vector<1x128xf32> to vector<128x128xf32>
    %broadcast_in_dim3A_1436 = vector.broadcast %jit3A_1433 : f32 to vector<128x128xf32>
    %select_n3A_1437 = arith.select %eq3A_1431, %broadcast_in_dim3A_1435, %broadcast_in_dim3A_1436 : vector<128x128xi1>, vector<128x128xf32>
    %add3A_1438 = arith.addf %add3A_1428, %select_n3A_1437 : vector<128x128xf32>
    %eq3A_1439 = arith.constant 6.000000e+00 : f32
    %eq3A_1440 = vector.broadcast %eq3A_1439 : f32 to vector<128x128xf32>
    %eq3A_1441 = arith.cmpf oeq, %dot_general3A_1361, %eq3A_1440 : vector<128x128xf32>
    %slice3A_1442 = vector.extract_strided_slice %get3A_7 {offsets = [6, 0], sizes = [1, 128], strides = [1, 1]} : vector<8x128xf32> to vector<1x128xf32>
    %jit3A_1443 = arith.constant 0.000000e+00 : f32
    %broadcast_in_dim3A_1444 = vector.shape_cast %slice3A_1442 : vector<1x128xf32> to vector<1x128xf32>
    %broadcast_in_dim3A_1445 = vector.broadcast %broadcast_in_dim3A_1444 : vector<1x128xf32> to vector<128x128xf32>
    %broadcast_in_dim3A_1446 = vector.broadcast %jit3A_1443 : f32 to vector<128x128xf32>
    %select_n3A_1447 = arith.select %eq3A_1441, %broadcast_in_dim3A_1445, %broadcast_in_dim3A_1446 : vector<128x128xi1>, vector<128x128xf32>
    %add3A_1448 = arith.addf %add3A_1438, %select_n3A_1447 : vector<128x128xf32>
    %eq3A_1449 = arith.constant 7.000000e+00 : f32
    %eq3A_1450 = vector.broadcast %eq3A_1449 : f32 to vector<128x128xf32>
    %eq3A_1451 = arith.cmpf oeq, %dot_general3A_1361, %eq3A_1450 : vector<128x128xf32>
    %slice3A_1452 = vector.extract_strided_slice %get3A_7 {offsets = [7, 0], sizes = [1, 128], strides = [1, 1]} : vector<8x128xf32> to vector<1x128xf32>
    %jit3A_1453 = arith.constant 0.000000e+00 : f32
    %broadcast_in_dim3A_1454 = vector.shape_cast %slice3A_1452 : vector<1x128xf32> to vector<1x128xf32>
    %broadcast_in_dim3A_1455 = vector.broadcast %broadcast_in_dim3A_1454 : vector<1x128xf32> to vector<128x128xf32>
    %broadcast_in_dim3A_1456 = vector.broadcast %jit3A_1453 : f32 to vector<128x128xf32>
    %select_n3A_1457 = arith.select %eq3A_1451, %broadcast_in_dim3A_1455, %broadcast_in_dim3A_1456 : vector<128x128xi1>, vector<128x128xf32>
    %add3A_1458 = arith.addf %add3A_1448, %select_n3A_1457 : vector<128x128xf32>
    %eq3A_1459 = arith.constant 0 : i32
    %eq3A_1460 = vector.broadcast %eq3A_1459 : i32 to vector<128x128xi32>
    %eq3A_1461 = arith.cmpi eq, %add3A_1370, %eq3A_1460 : vector<128x128xi32>
    %mul3A_1462 = vector.broadcast %get3A_10 : vector<1x128xf32> to vector<128x128xf32>
    %mul3A_1463 = arith.mulf %mul3A_1462, %convert_element_type3A_1373 : vector<128x128xf32>
    %jit3A_1464 = arith.constant 0.000000e+00 : f32
    %broadcast_in_dim3A_1465 = vector.broadcast %jit3A_1464 : f32 to vector<128x128xf32>
    %select_n3A_1466 = arith.select %eq3A_1461, %mul3A_1463, %broadcast_in_dim3A_1465 : vector<128x128xi1>, vector<128x128xf32>
    %sub3A_1467 = arith.constant 1 : i32
    %sub3A_1468 = vector.broadcast %sub3A_1467 : i32 to vector<1x128xi32>
    %sub3A_1469 = arith.subi %get3A_1, %sub3A_1468 : vector<1x128xi32>
    %eq3A_1470 = vector.broadcast %sub3A_1469 : vector<1x128xi32> to vector<128x128xi32>
    %eq3A_1471 = arith.cmpi eq, %add3A_1370, %eq3A_1470 : vector<128x128xi32>
    %mul3A_1472 = vector.broadcast %get3A_13 : vector<1x128xf32> to vector<128x128xf32>
    %mul3A_1473 = arith.mulf %mul3A_1472, %convert_element_type3A_1373 : vector<128x128xf32>
    %jit3A_1474 = arith.constant 0.000000e+00 : f32
    %broadcast_in_dim3A_1475 = vector.broadcast %jit3A_1474 : f32 to vector<128x128xf32>
    %select_n3A_1476 = arith.select %eq3A_1471, %mul3A_1473, %broadcast_in_dim3A_1475 : vector<128x128xi1>, vector<128x128xf32>
    %add3A_1477 = arith.addf %select_n3A_1466, %select_n3A_1476 : vector<128x128xf32>
    %add3A_1478 = arith.constant 1 : i32
    %add3A_1479 = vector.broadcast %add3A_1478 : i32 to vector<128x128xi32>
    %add3A_1480 = arith.addi %add3A_1370, %add3A_1479 : vector<128x128xi32>
    %lt3A_1481 = vector.broadcast %get3A_1 : vector<1x128xi32> to vector<128x128xi32>
    %lt3A_1482 = arith.cmpi slt, %add3A_1480, %lt3A_1481 : vector<128x128xi32>
    %mul3A_1483 = arith.mulf %convert_element_type3A_1376, %add3A_1458 : vector<128x128xf32>
    %jit3A_1484 = arith.constant 0.000000e+00 : f32
    %broadcast_in_dim3A_1485 = vector.broadcast %jit3A_1484 : f32 to vector<128x128xf32>
    %select_n3A_1486 = arith.select %lt3A_1482, %mul3A_1483, %broadcast_in_dim3A_1485 : vector<128x128xi1>, vector<128x128xf32>
    %add3A_1487 = arith.addf %add3A_1477, %select_n3A_1486 : vector<128x128xf32>
    %reduce_sum3A_1488 = arith.constant dense<0.000000e+00> : vector<128xf32>
    %reduce_sum3A_1489 = vector.multi_reduction <add>, %add3A_1487, %reduce_sum3A_1488 [0] : vector<128x128xf32> to vector<128xf32>
    %broadcast_in_dim3A_1490 = vector.shape_cast %reduce_sum3A_1489 : vector<128xf32> to vector<1x128xf32>
    %add3A_1491 = arith.addf %add3A_1356, %broadcast_in_dim3A_1490 : vector<1x128xf32>
    %get3A_1492 = arith.constant 1408 : index
    %get3A_1493 = arith.constant 0 : index
    %get3A_1494 = vector.load %arg0[%get3A_1492, %get3A_1493] : memref<2056x16xf32, #tpu.memory_space<vmem>>, vector<128x16xf32>
    %dot_general3A_1495 = arith.constant dense<0.000000e+00> : vector<128x128xf32>
    %dot_general3A_1496 = tpu.matmul %get3A_1494, %get3A_4, %dot_general3A_1495 {dimension_numbers = #tpu.dot_dimension_numbers<[1], [0], [0], [1], [0, 0, 1, 1], [], []>, transpose_lhs_hint = false} : vector<128x16xf32>, vector<16x128xf32>, vector<128x128xf32> -> vector<128x128xf32>
    %get3A_1497 = arith.constant 1409 : index
    %get3A_1498 = arith.constant 0 : index
    %get3A_1499 = vector.load %arg0[%get3A_1497, %get3A_1498] : memref<2056x16xf32, #tpu.memory_space<vmem>>, vector<128x16xf32>
    %dot_general3A_1500 = arith.constant dense<0.000000e+00> : vector<128x128xf32>
    %dot_general3A_1501 = tpu.matmul %get3A_1499, %get3A_4, %dot_general3A_1500 {dimension_numbers = #tpu.dot_dimension_numbers<[1], [0], [0], [1], [0, 0, 1, 1], [], []>, transpose_lhs_hint = false} : vector<128x16xf32>, vector<16x128xf32>, vector<128x128xf32> -> vector<128x128xf32>
    %iota3A_1502 = tpu.iota {dimensions = array<i32: 0>} : vector<128x128xi32>
    %add3A_1503 = arith.constant 1408 : i32
    %add3A_1504 = vector.broadcast %add3A_1503 : i32 to vector<128x128xi32>
    %add3A_1505 = arith.addi %add3A_1504, %iota3A_1502 : vector<128x128xi32>
    %eq3A_1506 = arith.cmpf oeq, %convert_element_type3A, %dot_general3A_1496 : vector<128x128xf32>
    %convert_element_type3A_1507 = arith.extui %eq3A_1506 : vector<128x128xi1> to vector<128x128xi32>
    %convert_element_type3A_1508 = arith.sitofp %convert_element_type3A_1507 : vector<128x128xi32> to vector<128x128xf32>
    %eq3A_1509 = arith.cmpf oeq, %convert_element_type3A, %dot_general3A_1501 : vector<128x128xf32>
    %convert_element_type3A_1510 = arith.extui %eq3A_1509 : vector<128x128xi1> to vector<128x128xi32>
    %convert_element_type3A_1511 = arith.sitofp %convert_element_type3A_1510 : vector<128x128xi32> to vector<128x128xf32>
    %broadcast_in_dim3A_1512 = arith.constant 0.000000e+00 : f32
    %broadcast_in_dim3A_1513 = vector.broadcast %broadcast_in_dim3A_1512 : f32 to vector<128x128xf32>
    %eq3A_1514 = arith.constant 0.000000e+00 : f32
    %eq3A_1515 = vector.broadcast %eq3A_1514 : f32 to vector<128x128xf32>
    %eq3A_1516 = arith.cmpf oeq, %dot_general3A_1496, %eq3A_1515 : vector<128x128xf32>
    %slice3A_1517 = vector.extract_strided_slice %get3A_7 {offsets = [0, 0], sizes = [1, 128], strides = [1, 1]} : vector<8x128xf32> to vector<1x128xf32>
    %jit3A_1518 = arith.constant 0.000000e+00 : f32
    %broadcast_in_dim3A_1519 = vector.shape_cast %slice3A_1517 : vector<1x128xf32> to vector<1x128xf32>
    %broadcast_in_dim3A_1520 = vector.broadcast %broadcast_in_dim3A_1519 : vector<1x128xf32> to vector<128x128xf32>
    %broadcast_in_dim3A_1521 = vector.broadcast %jit3A_1518 : f32 to vector<128x128xf32>
    %select_n3A_1522 = arith.select %eq3A_1516, %broadcast_in_dim3A_1520, %broadcast_in_dim3A_1521 : vector<128x128xi1>, vector<128x128xf32>
    %add3A_1523 = arith.addf %broadcast_in_dim3A_1513, %select_n3A_1522 : vector<128x128xf32>
    %eq3A_1524 = arith.constant 1.000000e+00 : f32
    %eq3A_1525 = vector.broadcast %eq3A_1524 : f32 to vector<128x128xf32>
    %eq3A_1526 = arith.cmpf oeq, %dot_general3A_1496, %eq3A_1525 : vector<128x128xf32>
    %slice3A_1527 = vector.extract_strided_slice %get3A_7 {offsets = [1, 0], sizes = [1, 128], strides = [1, 1]} : vector<8x128xf32> to vector<1x128xf32>
    %jit3A_1528 = arith.constant 0.000000e+00 : f32
    %broadcast_in_dim3A_1529 = vector.shape_cast %slice3A_1527 : vector<1x128xf32> to vector<1x128xf32>
    %broadcast_in_dim3A_1530 = vector.broadcast %broadcast_in_dim3A_1529 : vector<1x128xf32> to vector<128x128xf32>
    %broadcast_in_dim3A_1531 = vector.broadcast %jit3A_1528 : f32 to vector<128x128xf32>
    %select_n3A_1532 = arith.select %eq3A_1526, %broadcast_in_dim3A_1530, %broadcast_in_dim3A_1531 : vector<128x128xi1>, vector<128x128xf32>
    %add3A_1533 = arith.addf %add3A_1523, %select_n3A_1532 : vector<128x128xf32>
    %eq3A_1534 = arith.constant 2.000000e+00 : f32
    %eq3A_1535 = vector.broadcast %eq3A_1534 : f32 to vector<128x128xf32>
    %eq3A_1536 = arith.cmpf oeq, %dot_general3A_1496, %eq3A_1535 : vector<128x128xf32>
    %slice3A_1537 = vector.extract_strided_slice %get3A_7 {offsets = [2, 0], sizes = [1, 128], strides = [1, 1]} : vector<8x128xf32> to vector<1x128xf32>
    %jit3A_1538 = arith.constant 0.000000e+00 : f32
    %broadcast_in_dim3A_1539 = vector.shape_cast %slice3A_1537 : vector<1x128xf32> to vector<1x128xf32>
    %broadcast_in_dim3A_1540 = vector.broadcast %broadcast_in_dim3A_1539 : vector<1x128xf32> to vector<128x128xf32>
    %broadcast_in_dim3A_1541 = vector.broadcast %jit3A_1538 : f32 to vector<128x128xf32>
    %select_n3A_1542 = arith.select %eq3A_1536, %broadcast_in_dim3A_1540, %broadcast_in_dim3A_1541 : vector<128x128xi1>, vector<128x128xf32>
    %add3A_1543 = arith.addf %add3A_1533, %select_n3A_1542 : vector<128x128xf32>
    %eq3A_1544 = arith.constant 3.000000e+00 : f32
    %eq3A_1545 = vector.broadcast %eq3A_1544 : f32 to vector<128x128xf32>
    %eq3A_1546 = arith.cmpf oeq, %dot_general3A_1496, %eq3A_1545 : vector<128x128xf32>
    %slice3A_1547 = vector.extract_strided_slice %get3A_7 {offsets = [3, 0], sizes = [1, 128], strides = [1, 1]} : vector<8x128xf32> to vector<1x128xf32>
    %jit3A_1548 = arith.constant 0.000000e+00 : f32
    %broadcast_in_dim3A_1549 = vector.shape_cast %slice3A_1547 : vector<1x128xf32> to vector<1x128xf32>
    %broadcast_in_dim3A_1550 = vector.broadcast %broadcast_in_dim3A_1549 : vector<1x128xf32> to vector<128x128xf32>
    %broadcast_in_dim3A_1551 = vector.broadcast %jit3A_1548 : f32 to vector<128x128xf32>
    %select_n3A_1552 = arith.select %eq3A_1546, %broadcast_in_dim3A_1550, %broadcast_in_dim3A_1551 : vector<128x128xi1>, vector<128x128xf32>
    %add3A_1553 = arith.addf %add3A_1543, %select_n3A_1552 : vector<128x128xf32>
    %eq3A_1554 = arith.constant 4.000000e+00 : f32
    %eq3A_1555 = vector.broadcast %eq3A_1554 : f32 to vector<128x128xf32>
    %eq3A_1556 = arith.cmpf oeq, %dot_general3A_1496, %eq3A_1555 : vector<128x128xf32>
    %slice3A_1557 = vector.extract_strided_slice %get3A_7 {offsets = [4, 0], sizes = [1, 128], strides = [1, 1]} : vector<8x128xf32> to vector<1x128xf32>
    %jit3A_1558 = arith.constant 0.000000e+00 : f32
    %broadcast_in_dim3A_1559 = vector.shape_cast %slice3A_1557 : vector<1x128xf32> to vector<1x128xf32>
    %broadcast_in_dim3A_1560 = vector.broadcast %broadcast_in_dim3A_1559 : vector<1x128xf32> to vector<128x128xf32>
    %broadcast_in_dim3A_1561 = vector.broadcast %jit3A_1558 : f32 to vector<128x128xf32>
    %select_n3A_1562 = arith.select %eq3A_1556, %broadcast_in_dim3A_1560, %broadcast_in_dim3A_1561 : vector<128x128xi1>, vector<128x128xf32>
    %add3A_1563 = arith.addf %add3A_1553, %select_n3A_1562 : vector<128x128xf32>
    %eq3A_1564 = arith.constant 5.000000e+00 : f32
    %eq3A_1565 = vector.broadcast %eq3A_1564 : f32 to vector<128x128xf32>
    %eq3A_1566 = arith.cmpf oeq, %dot_general3A_1496, %eq3A_1565 : vector<128x128xf32>
    %slice3A_1567 = vector.extract_strided_slice %get3A_7 {offsets = [5, 0], sizes = [1, 128], strides = [1, 1]} : vector<8x128xf32> to vector<1x128xf32>
    %jit3A_1568 = arith.constant 0.000000e+00 : f32
    %broadcast_in_dim3A_1569 = vector.shape_cast %slice3A_1567 : vector<1x128xf32> to vector<1x128xf32>
    %broadcast_in_dim3A_1570 = vector.broadcast %broadcast_in_dim3A_1569 : vector<1x128xf32> to vector<128x128xf32>
    %broadcast_in_dim3A_1571 = vector.broadcast %jit3A_1568 : f32 to vector<128x128xf32>
    %select_n3A_1572 = arith.select %eq3A_1566, %broadcast_in_dim3A_1570, %broadcast_in_dim3A_1571 : vector<128x128xi1>, vector<128x128xf32>
    %add3A_1573 = arith.addf %add3A_1563, %select_n3A_1572 : vector<128x128xf32>
    %eq3A_1574 = arith.constant 6.000000e+00 : f32
    %eq3A_1575 = vector.broadcast %eq3A_1574 : f32 to vector<128x128xf32>
    %eq3A_1576 = arith.cmpf oeq, %dot_general3A_1496, %eq3A_1575 : vector<128x128xf32>
    %slice3A_1577 = vector.extract_strided_slice %get3A_7 {offsets = [6, 0], sizes = [1, 128], strides = [1, 1]} : vector<8x128xf32> to vector<1x128xf32>
    %jit3A_1578 = arith.constant 0.000000e+00 : f32
    %broadcast_in_dim3A_1579 = vector.shape_cast %slice3A_1577 : vector<1x128xf32> to vector<1x128xf32>
    %broadcast_in_dim3A_1580 = vector.broadcast %broadcast_in_dim3A_1579 : vector<1x128xf32> to vector<128x128xf32>
    %broadcast_in_dim3A_1581 = vector.broadcast %jit3A_1578 : f32 to vector<128x128xf32>
    %select_n3A_1582 = arith.select %eq3A_1576, %broadcast_in_dim3A_1580, %broadcast_in_dim3A_1581 : vector<128x128xi1>, vector<128x128xf32>
    %add3A_1583 = arith.addf %add3A_1573, %select_n3A_1582 : vector<128x128xf32>
    %eq3A_1584 = arith.constant 7.000000e+00 : f32
    %eq3A_1585 = vector.broadcast %eq3A_1584 : f32 to vector<128x128xf32>
    %eq3A_1586 = arith.cmpf oeq, %dot_general3A_1496, %eq3A_1585 : vector<128x128xf32>
    %slice3A_1587 = vector.extract_strided_slice %get3A_7 {offsets = [7, 0], sizes = [1, 128], strides = [1, 1]} : vector<8x128xf32> to vector<1x128xf32>
    %jit3A_1588 = arith.constant 0.000000e+00 : f32
    %broadcast_in_dim3A_1589 = vector.shape_cast %slice3A_1587 : vector<1x128xf32> to vector<1x128xf32>
    %broadcast_in_dim3A_1590 = vector.broadcast %broadcast_in_dim3A_1589 : vector<1x128xf32> to vector<128x128xf32>
    %broadcast_in_dim3A_1591 = vector.broadcast %jit3A_1588 : f32 to vector<128x128xf32>
    %select_n3A_1592 = arith.select %eq3A_1586, %broadcast_in_dim3A_1590, %broadcast_in_dim3A_1591 : vector<128x128xi1>, vector<128x128xf32>
    %add3A_1593 = arith.addf %add3A_1583, %select_n3A_1592 : vector<128x128xf32>
    %eq3A_1594 = arith.constant 0 : i32
    %eq3A_1595 = vector.broadcast %eq3A_1594 : i32 to vector<128x128xi32>
    %eq3A_1596 = arith.cmpi eq, %add3A_1505, %eq3A_1595 : vector<128x128xi32>
    %mul3A_1597 = vector.broadcast %get3A_10 : vector<1x128xf32> to vector<128x128xf32>
    %mul3A_1598 = arith.mulf %mul3A_1597, %convert_element_type3A_1508 : vector<128x128xf32>
    %jit3A_1599 = arith.constant 0.000000e+00 : f32
    %broadcast_in_dim3A_1600 = vector.broadcast %jit3A_1599 : f32 to vector<128x128xf32>
    %select_n3A_1601 = arith.select %eq3A_1596, %mul3A_1598, %broadcast_in_dim3A_1600 : vector<128x128xi1>, vector<128x128xf32>
    %sub3A_1602 = arith.constant 1 : i32
    %sub3A_1603 = vector.broadcast %sub3A_1602 : i32 to vector<1x128xi32>
    %sub3A_1604 = arith.subi %get3A_1, %sub3A_1603 : vector<1x128xi32>
    %eq3A_1605 = vector.broadcast %sub3A_1604 : vector<1x128xi32> to vector<128x128xi32>
    %eq3A_1606 = arith.cmpi eq, %add3A_1505, %eq3A_1605 : vector<128x128xi32>
    %mul3A_1607 = vector.broadcast %get3A_13 : vector<1x128xf32> to vector<128x128xf32>
    %mul3A_1608 = arith.mulf %mul3A_1607, %convert_element_type3A_1508 : vector<128x128xf32>
    %jit3A_1609 = arith.constant 0.000000e+00 : f32
    %broadcast_in_dim3A_1610 = vector.broadcast %jit3A_1609 : f32 to vector<128x128xf32>
    %select_n3A_1611 = arith.select %eq3A_1606, %mul3A_1608, %broadcast_in_dim3A_1610 : vector<128x128xi1>, vector<128x128xf32>
    %add3A_1612 = arith.addf %select_n3A_1601, %select_n3A_1611 : vector<128x128xf32>
    %add3A_1613 = arith.constant 1 : i32
    %add3A_1614 = vector.broadcast %add3A_1613 : i32 to vector<128x128xi32>
    %add3A_1615 = arith.addi %add3A_1505, %add3A_1614 : vector<128x128xi32>
    %lt3A_1616 = vector.broadcast %get3A_1 : vector<1x128xi32> to vector<128x128xi32>
    %lt3A_1617 = arith.cmpi slt, %add3A_1615, %lt3A_1616 : vector<128x128xi32>
    %mul3A_1618 = arith.mulf %convert_element_type3A_1511, %add3A_1593 : vector<128x128xf32>
    %jit3A_1619 = arith.constant 0.000000e+00 : f32
    %broadcast_in_dim3A_1620 = vector.broadcast %jit3A_1619 : f32 to vector<128x128xf32>
    %select_n3A_1621 = arith.select %lt3A_1617, %mul3A_1618, %broadcast_in_dim3A_1620 : vector<128x128xi1>, vector<128x128xf32>
    %add3A_1622 = arith.addf %add3A_1612, %select_n3A_1621 : vector<128x128xf32>
    %reduce_sum3A_1623 = arith.constant dense<0.000000e+00> : vector<128xf32>
    %reduce_sum3A_1624 = vector.multi_reduction <add>, %add3A_1622, %reduce_sum3A_1623 [0] : vector<128x128xf32> to vector<128xf32>
    %broadcast_in_dim3A_1625 = vector.shape_cast %reduce_sum3A_1624 : vector<128xf32> to vector<1x128xf32>
    %add3A_1626 = arith.addf %add3A_1491, %broadcast_in_dim3A_1625 : vector<1x128xf32>
    %get3A_1627 = arith.constant 1536 : index
    %get3A_1628 = arith.constant 0 : index
    %get3A_1629 = vector.load %arg0[%get3A_1627, %get3A_1628] : memref<2056x16xf32, #tpu.memory_space<vmem>>, vector<128x16xf32>
    %dot_general3A_1630 = arith.constant dense<0.000000e+00> : vector<128x128xf32>
    %dot_general3A_1631 = tpu.matmul %get3A_1629, %get3A_4, %dot_general3A_1630 {dimension_numbers = #tpu.dot_dimension_numbers<[1], [0], [0], [1], [0, 0, 1, 1], [], []>, transpose_lhs_hint = false} : vector<128x16xf32>, vector<16x128xf32>, vector<128x128xf32> -> vector<128x128xf32>
    %get3A_1632 = arith.constant 1537 : index
    %get3A_1633 = arith.constant 0 : index
    %get3A_1634 = vector.load %arg0[%get3A_1632, %get3A_1633] : memref<2056x16xf32, #tpu.memory_space<vmem>>, vector<128x16xf32>
    %dot_general3A_1635 = arith.constant dense<0.000000e+00> : vector<128x128xf32>
    %dot_general3A_1636 = tpu.matmul %get3A_1634, %get3A_4, %dot_general3A_1635 {dimension_numbers = #tpu.dot_dimension_numbers<[1], [0], [0], [1], [0, 0, 1, 1], [], []>, transpose_lhs_hint = false} : vector<128x16xf32>, vector<16x128xf32>, vector<128x128xf32> -> vector<128x128xf32>
    %iota3A_1637 = tpu.iota {dimensions = array<i32: 0>} : vector<128x128xi32>
    %add3A_1638 = arith.constant 1536 : i32
    %add3A_1639 = vector.broadcast %add3A_1638 : i32 to vector<128x128xi32>
    %add3A_1640 = arith.addi %add3A_1639, %iota3A_1637 : vector<128x128xi32>
    %eq3A_1641 = arith.cmpf oeq, %convert_element_type3A, %dot_general3A_1631 : vector<128x128xf32>
    %convert_element_type3A_1642 = arith.extui %eq3A_1641 : vector<128x128xi1> to vector<128x128xi32>
    %convert_element_type3A_1643 = arith.sitofp %convert_element_type3A_1642 : vector<128x128xi32> to vector<128x128xf32>
    %eq3A_1644 = arith.cmpf oeq, %convert_element_type3A, %dot_general3A_1636 : vector<128x128xf32>
    %convert_element_type3A_1645 = arith.extui %eq3A_1644 : vector<128x128xi1> to vector<128x128xi32>
    %convert_element_type3A_1646 = arith.sitofp %convert_element_type3A_1645 : vector<128x128xi32> to vector<128x128xf32>
    %broadcast_in_dim3A_1647 = arith.constant 0.000000e+00 : f32
    %broadcast_in_dim3A_1648 = vector.broadcast %broadcast_in_dim3A_1647 : f32 to vector<128x128xf32>
    %eq3A_1649 = arith.constant 0.000000e+00 : f32
    %eq3A_1650 = vector.broadcast %eq3A_1649 : f32 to vector<128x128xf32>
    %eq3A_1651 = arith.cmpf oeq, %dot_general3A_1631, %eq3A_1650 : vector<128x128xf32>
    %slice3A_1652 = vector.extract_strided_slice %get3A_7 {offsets = [0, 0], sizes = [1, 128], strides = [1, 1]} : vector<8x128xf32> to vector<1x128xf32>
    %jit3A_1653 = arith.constant 0.000000e+00 : f32
    %broadcast_in_dim3A_1654 = vector.shape_cast %slice3A_1652 : vector<1x128xf32> to vector<1x128xf32>
    %broadcast_in_dim3A_1655 = vector.broadcast %broadcast_in_dim3A_1654 : vector<1x128xf32> to vector<128x128xf32>
    %broadcast_in_dim3A_1656 = vector.broadcast %jit3A_1653 : f32 to vector<128x128xf32>
    %select_n3A_1657 = arith.select %eq3A_1651, %broadcast_in_dim3A_1655, %broadcast_in_dim3A_1656 : vector<128x128xi1>, vector<128x128xf32>
    %add3A_1658 = arith.addf %broadcast_in_dim3A_1648, %select_n3A_1657 : vector<128x128xf32>
    %eq3A_1659 = arith.constant 1.000000e+00 : f32
    %eq3A_1660 = vector.broadcast %eq3A_1659 : f32 to vector<128x128xf32>
    %eq3A_1661 = arith.cmpf oeq, %dot_general3A_1631, %eq3A_1660 : vector<128x128xf32>
    %slice3A_1662 = vector.extract_strided_slice %get3A_7 {offsets = [1, 0], sizes = [1, 128], strides = [1, 1]} : vector<8x128xf32> to vector<1x128xf32>
    %jit3A_1663 = arith.constant 0.000000e+00 : f32
    %broadcast_in_dim3A_1664 = vector.shape_cast %slice3A_1662 : vector<1x128xf32> to vector<1x128xf32>
    %broadcast_in_dim3A_1665 = vector.broadcast %broadcast_in_dim3A_1664 : vector<1x128xf32> to vector<128x128xf32>
    %broadcast_in_dim3A_1666 = vector.broadcast %jit3A_1663 : f32 to vector<128x128xf32>
    %select_n3A_1667 = arith.select %eq3A_1661, %broadcast_in_dim3A_1665, %broadcast_in_dim3A_1666 : vector<128x128xi1>, vector<128x128xf32>
    %add3A_1668 = arith.addf %add3A_1658, %select_n3A_1667 : vector<128x128xf32>
    %eq3A_1669 = arith.constant 2.000000e+00 : f32
    %eq3A_1670 = vector.broadcast %eq3A_1669 : f32 to vector<128x128xf32>
    %eq3A_1671 = arith.cmpf oeq, %dot_general3A_1631, %eq3A_1670 : vector<128x128xf32>
    %slice3A_1672 = vector.extract_strided_slice %get3A_7 {offsets = [2, 0], sizes = [1, 128], strides = [1, 1]} : vector<8x128xf32> to vector<1x128xf32>
    %jit3A_1673 = arith.constant 0.000000e+00 : f32
    %broadcast_in_dim3A_1674 = vector.shape_cast %slice3A_1672 : vector<1x128xf32> to vector<1x128xf32>
    %broadcast_in_dim3A_1675 = vector.broadcast %broadcast_in_dim3A_1674 : vector<1x128xf32> to vector<128x128xf32>
    %broadcast_in_dim3A_1676 = vector.broadcast %jit3A_1673 : f32 to vector<128x128xf32>
    %select_n3A_1677 = arith.select %eq3A_1671, %broadcast_in_dim3A_1675, %broadcast_in_dim3A_1676 : vector<128x128xi1>, vector<128x128xf32>
    %add3A_1678 = arith.addf %add3A_1668, %select_n3A_1677 : vector<128x128xf32>
    %eq3A_1679 = arith.constant 3.000000e+00 : f32
    %eq3A_1680 = vector.broadcast %eq3A_1679 : f32 to vector<128x128xf32>
    %eq3A_1681 = arith.cmpf oeq, %dot_general3A_1631, %eq3A_1680 : vector<128x128xf32>
    %slice3A_1682 = vector.extract_strided_slice %get3A_7 {offsets = [3, 0], sizes = [1, 128], strides = [1, 1]} : vector<8x128xf32> to vector<1x128xf32>
    %jit3A_1683 = arith.constant 0.000000e+00 : f32
    %broadcast_in_dim3A_1684 = vector.shape_cast %slice3A_1682 : vector<1x128xf32> to vector<1x128xf32>
    %broadcast_in_dim3A_1685 = vector.broadcast %broadcast_in_dim3A_1684 : vector<1x128xf32> to vector<128x128xf32>
    %broadcast_in_dim3A_1686 = vector.broadcast %jit3A_1683 : f32 to vector<128x128xf32>
    %select_n3A_1687 = arith.select %eq3A_1681, %broadcast_in_dim3A_1685, %broadcast_in_dim3A_1686 : vector<128x128xi1>, vector<128x128xf32>
    %add3A_1688 = arith.addf %add3A_1678, %select_n3A_1687 : vector<128x128xf32>
    %eq3A_1689 = arith.constant 4.000000e+00 : f32
    %eq3A_1690 = vector.broadcast %eq3A_1689 : f32 to vector<128x128xf32>
    %eq3A_1691 = arith.cmpf oeq, %dot_general3A_1631, %eq3A_1690 : vector<128x128xf32>
    %slice3A_1692 = vector.extract_strided_slice %get3A_7 {offsets = [4, 0], sizes = [1, 128], strides = [1, 1]} : vector<8x128xf32> to vector<1x128xf32>
    %jit3A_1693 = arith.constant 0.000000e+00 : f32
    %broadcast_in_dim3A_1694 = vector.shape_cast %slice3A_1692 : vector<1x128xf32> to vector<1x128xf32>
    %broadcast_in_dim3A_1695 = vector.broadcast %broadcast_in_dim3A_1694 : vector<1x128xf32> to vector<128x128xf32>
    %broadcast_in_dim3A_1696 = vector.broadcast %jit3A_1693 : f32 to vector<128x128xf32>
    %select_n3A_1697 = arith.select %eq3A_1691, %broadcast_in_dim3A_1695, %broadcast_in_dim3A_1696 : vector<128x128xi1>, vector<128x128xf32>
    %add3A_1698 = arith.addf %add3A_1688, %select_n3A_1697 : vector<128x128xf32>
    %eq3A_1699 = arith.constant 5.000000e+00 : f32
    %eq3A_1700 = vector.broadcast %eq3A_1699 : f32 to vector<128x128xf32>
    %eq3A_1701 = arith.cmpf oeq, %dot_general3A_1631, %eq3A_1700 : vector<128x128xf32>
    %slice3A_1702 = vector.extract_strided_slice %get3A_7 {offsets = [5, 0], sizes = [1, 128], strides = [1, 1]} : vector<8x128xf32> to vector<1x128xf32>
    %jit3A_1703 = arith.constant 0.000000e+00 : f32
    %broadcast_in_dim3A_1704 = vector.shape_cast %slice3A_1702 : vector<1x128xf32> to vector<1x128xf32>
    %broadcast_in_dim3A_1705 = vector.broadcast %broadcast_in_dim3A_1704 : vector<1x128xf32> to vector<128x128xf32>
    %broadcast_in_dim3A_1706 = vector.broadcast %jit3A_1703 : f32 to vector<128x128xf32>
    %select_n3A_1707 = arith.select %eq3A_1701, %broadcast_in_dim3A_1705, %broadcast_in_dim3A_1706 : vector<128x128xi1>, vector<128x128xf32>
    %add3A_1708 = arith.addf %add3A_1698, %select_n3A_1707 : vector<128x128xf32>
    %eq3A_1709 = arith.constant 6.000000e+00 : f32
    %eq3A_1710 = vector.broadcast %eq3A_1709 : f32 to vector<128x128xf32>
    %eq3A_1711 = arith.cmpf oeq, %dot_general3A_1631, %eq3A_1710 : vector<128x128xf32>
    %slice3A_1712 = vector.extract_strided_slice %get3A_7 {offsets = [6, 0], sizes = [1, 128], strides = [1, 1]} : vector<8x128xf32> to vector<1x128xf32>
    %jit3A_1713 = arith.constant 0.000000e+00 : f32
    %broadcast_in_dim3A_1714 = vector.shape_cast %slice3A_1712 : vector<1x128xf32> to vector<1x128xf32>
    %broadcast_in_dim3A_1715 = vector.broadcast %broadcast_in_dim3A_1714 : vector<1x128xf32> to vector<128x128xf32>
    %broadcast_in_dim3A_1716 = vector.broadcast %jit3A_1713 : f32 to vector<128x128xf32>
    %select_n3A_1717 = arith.select %eq3A_1711, %broadcast_in_dim3A_1715, %broadcast_in_dim3A_1716 : vector<128x128xi1>, vector<128x128xf32>
    %add3A_1718 = arith.addf %add3A_1708, %select_n3A_1717 : vector<128x128xf32>
    %eq3A_1719 = arith.constant 7.000000e+00 : f32
    %eq3A_1720 = vector.broadcast %eq3A_1719 : f32 to vector<128x128xf32>
    %eq3A_1721 = arith.cmpf oeq, %dot_general3A_1631, %eq3A_1720 : vector<128x128xf32>
    %slice3A_1722 = vector.extract_strided_slice %get3A_7 {offsets = [7, 0], sizes = [1, 128], strides = [1, 1]} : vector<8x128xf32> to vector<1x128xf32>
    %jit3A_1723 = arith.constant 0.000000e+00 : f32
    %broadcast_in_dim3A_1724 = vector.shape_cast %slice3A_1722 : vector<1x128xf32> to vector<1x128xf32>
    %broadcast_in_dim3A_1725 = vector.broadcast %broadcast_in_dim3A_1724 : vector<1x128xf32> to vector<128x128xf32>
    %broadcast_in_dim3A_1726 = vector.broadcast %jit3A_1723 : f32 to vector<128x128xf32>
    %select_n3A_1727 = arith.select %eq3A_1721, %broadcast_in_dim3A_1725, %broadcast_in_dim3A_1726 : vector<128x128xi1>, vector<128x128xf32>
    %add3A_1728 = arith.addf %add3A_1718, %select_n3A_1727 : vector<128x128xf32>
    %eq3A_1729 = arith.constant 0 : i32
    %eq3A_1730 = vector.broadcast %eq3A_1729 : i32 to vector<128x128xi32>
    %eq3A_1731 = arith.cmpi eq, %add3A_1640, %eq3A_1730 : vector<128x128xi32>
    %mul3A_1732 = vector.broadcast %get3A_10 : vector<1x128xf32> to vector<128x128xf32>
    %mul3A_1733 = arith.mulf %mul3A_1732, %convert_element_type3A_1643 : vector<128x128xf32>
    %jit3A_1734 = arith.constant 0.000000e+00 : f32
    %broadcast_in_dim3A_1735 = vector.broadcast %jit3A_1734 : f32 to vector<128x128xf32>
    %select_n3A_1736 = arith.select %eq3A_1731, %mul3A_1733, %broadcast_in_dim3A_1735 : vector<128x128xi1>, vector<128x128xf32>
    %sub3A_1737 = arith.constant 1 : i32
    %sub3A_1738 = vector.broadcast %sub3A_1737 : i32 to vector<1x128xi32>
    %sub3A_1739 = arith.subi %get3A_1, %sub3A_1738 : vector<1x128xi32>
    %eq3A_1740 = vector.broadcast %sub3A_1739 : vector<1x128xi32> to vector<128x128xi32>
    %eq3A_1741 = arith.cmpi eq, %add3A_1640, %eq3A_1740 : vector<128x128xi32>
    %mul3A_1742 = vector.broadcast %get3A_13 : vector<1x128xf32> to vector<128x128xf32>
    %mul3A_1743 = arith.mulf %mul3A_1742, %convert_element_type3A_1643 : vector<128x128xf32>
    %jit3A_1744 = arith.constant 0.000000e+00 : f32
    %broadcast_in_dim3A_1745 = vector.broadcast %jit3A_1744 : f32 to vector<128x128xf32>
    %select_n3A_1746 = arith.select %eq3A_1741, %mul3A_1743, %broadcast_in_dim3A_1745 : vector<128x128xi1>, vector<128x128xf32>
    %add3A_1747 = arith.addf %select_n3A_1736, %select_n3A_1746 : vector<128x128xf32>
    %add3A_1748 = arith.constant 1 : i32
    %add3A_1749 = vector.broadcast %add3A_1748 : i32 to vector<128x128xi32>
    %add3A_1750 = arith.addi %add3A_1640, %add3A_1749 : vector<128x128xi32>
    %lt3A_1751 = vector.broadcast %get3A_1 : vector<1x128xi32> to vector<128x128xi32>
    %lt3A_1752 = arith.cmpi slt, %add3A_1750, %lt3A_1751 : vector<128x128xi32>
    %mul3A_1753 = arith.mulf %convert_element_type3A_1646, %add3A_1728 : vector<128x128xf32>
    %jit3A_1754 = arith.constant 0.000000e+00 : f32
    %broadcast_in_dim3A_1755 = vector.broadcast %jit3A_1754 : f32 to vector<128x128xf32>
    %select_n3A_1756 = arith.select %lt3A_1752, %mul3A_1753, %broadcast_in_dim3A_1755 : vector<128x128xi1>, vector<128x128xf32>
    %add3A_1757 = arith.addf %add3A_1747, %select_n3A_1756 : vector<128x128xf32>
    %reduce_sum3A_1758 = arith.constant dense<0.000000e+00> : vector<128xf32>
    %reduce_sum3A_1759 = vector.multi_reduction <add>, %add3A_1757, %reduce_sum3A_1758 [0] : vector<128x128xf32> to vector<128xf32>
    %broadcast_in_dim3A_1760 = vector.shape_cast %reduce_sum3A_1759 : vector<128xf32> to vector<1x128xf32>
    %add3A_1761 = arith.addf %add3A_1626, %broadcast_in_dim3A_1760 : vector<1x128xf32>
    %get3A_1762 = arith.constant 1664 : index
    %get3A_1763 = arith.constant 0 : index
    %get3A_1764 = vector.load %arg0[%get3A_1762, %get3A_1763] : memref<2056x16xf32, #tpu.memory_space<vmem>>, vector<128x16xf32>
    %dot_general3A_1765 = arith.constant dense<0.000000e+00> : vector<128x128xf32>
    %dot_general3A_1766 = tpu.matmul %get3A_1764, %get3A_4, %dot_general3A_1765 {dimension_numbers = #tpu.dot_dimension_numbers<[1], [0], [0], [1], [0, 0, 1, 1], [], []>, transpose_lhs_hint = false} : vector<128x16xf32>, vector<16x128xf32>, vector<128x128xf32> -> vector<128x128xf32>
    %get3A_1767 = arith.constant 1665 : index
    %get3A_1768 = arith.constant 0 : index
    %get3A_1769 = vector.load %arg0[%get3A_1767, %get3A_1768] : memref<2056x16xf32, #tpu.memory_space<vmem>>, vector<128x16xf32>
    %dot_general3A_1770 = arith.constant dense<0.000000e+00> : vector<128x128xf32>
    %dot_general3A_1771 = tpu.matmul %get3A_1769, %get3A_4, %dot_general3A_1770 {dimension_numbers = #tpu.dot_dimension_numbers<[1], [0], [0], [1], [0, 0, 1, 1], [], []>, transpose_lhs_hint = false} : vector<128x16xf32>, vector<16x128xf32>, vector<128x128xf32> -> vector<128x128xf32>
    %iota3A_1772 = tpu.iota {dimensions = array<i32: 0>} : vector<128x128xi32>
    %add3A_1773 = arith.constant 1664 : i32
    %add3A_1774 = vector.broadcast %add3A_1773 : i32 to vector<128x128xi32>
    %add3A_1775 = arith.addi %add3A_1774, %iota3A_1772 : vector<128x128xi32>
    %eq3A_1776 = arith.cmpf oeq, %convert_element_type3A, %dot_general3A_1766 : vector<128x128xf32>
    %convert_element_type3A_1777 = arith.extui %eq3A_1776 : vector<128x128xi1> to vector<128x128xi32>
    %convert_element_type3A_1778 = arith.sitofp %convert_element_type3A_1777 : vector<128x128xi32> to vector<128x128xf32>
    %eq3A_1779 = arith.cmpf oeq, %convert_element_type3A, %dot_general3A_1771 : vector<128x128xf32>
    %convert_element_type3A_1780 = arith.extui %eq3A_1779 : vector<128x128xi1> to vector<128x128xi32>
    %convert_element_type3A_1781 = arith.sitofp %convert_element_type3A_1780 : vector<128x128xi32> to vector<128x128xf32>
    %broadcast_in_dim3A_1782 = arith.constant 0.000000e+00 : f32
    %broadcast_in_dim3A_1783 = vector.broadcast %broadcast_in_dim3A_1782 : f32 to vector<128x128xf32>
    %eq3A_1784 = arith.constant 0.000000e+00 : f32
    %eq3A_1785 = vector.broadcast %eq3A_1784 : f32 to vector<128x128xf32>
    %eq3A_1786 = arith.cmpf oeq, %dot_general3A_1766, %eq3A_1785 : vector<128x128xf32>
    %slice3A_1787 = vector.extract_strided_slice %get3A_7 {offsets = [0, 0], sizes = [1, 128], strides = [1, 1]} : vector<8x128xf32> to vector<1x128xf32>
    %jit3A_1788 = arith.constant 0.000000e+00 : f32
    %broadcast_in_dim3A_1789 = vector.shape_cast %slice3A_1787 : vector<1x128xf32> to vector<1x128xf32>
    %broadcast_in_dim3A_1790 = vector.broadcast %broadcast_in_dim3A_1789 : vector<1x128xf32> to vector<128x128xf32>
    %broadcast_in_dim3A_1791 = vector.broadcast %jit3A_1788 : f32 to vector<128x128xf32>
    %select_n3A_1792 = arith.select %eq3A_1786, %broadcast_in_dim3A_1790, %broadcast_in_dim3A_1791 : vector<128x128xi1>, vector<128x128xf32>
    %add3A_1793 = arith.addf %broadcast_in_dim3A_1783, %select_n3A_1792 : vector<128x128xf32>
    %eq3A_1794 = arith.constant 1.000000e+00 : f32
    %eq3A_1795 = vector.broadcast %eq3A_1794 : f32 to vector<128x128xf32>
    %eq3A_1796 = arith.cmpf oeq, %dot_general3A_1766, %eq3A_1795 : vector<128x128xf32>
    %slice3A_1797 = vector.extract_strided_slice %get3A_7 {offsets = [1, 0], sizes = [1, 128], strides = [1, 1]} : vector<8x128xf32> to vector<1x128xf32>
    %jit3A_1798 = arith.constant 0.000000e+00 : f32
    %broadcast_in_dim3A_1799 = vector.shape_cast %slice3A_1797 : vector<1x128xf32> to vector<1x128xf32>
    %broadcast_in_dim3A_1800 = vector.broadcast %broadcast_in_dim3A_1799 : vector<1x128xf32> to vector<128x128xf32>
    %broadcast_in_dim3A_1801 = vector.broadcast %jit3A_1798 : f32 to vector<128x128xf32>
    %select_n3A_1802 = arith.select %eq3A_1796, %broadcast_in_dim3A_1800, %broadcast_in_dim3A_1801 : vector<128x128xi1>, vector<128x128xf32>
    %add3A_1803 = arith.addf %add3A_1793, %select_n3A_1802 : vector<128x128xf32>
    %eq3A_1804 = arith.constant 2.000000e+00 : f32
    %eq3A_1805 = vector.broadcast %eq3A_1804 : f32 to vector<128x128xf32>
    %eq3A_1806 = arith.cmpf oeq, %dot_general3A_1766, %eq3A_1805 : vector<128x128xf32>
    %slice3A_1807 = vector.extract_strided_slice %get3A_7 {offsets = [2, 0], sizes = [1, 128], strides = [1, 1]} : vector<8x128xf32> to vector<1x128xf32>
    %jit3A_1808 = arith.constant 0.000000e+00 : f32
    %broadcast_in_dim3A_1809 = vector.shape_cast %slice3A_1807 : vector<1x128xf32> to vector<1x128xf32>
    %broadcast_in_dim3A_1810 = vector.broadcast %broadcast_in_dim3A_1809 : vector<1x128xf32> to vector<128x128xf32>
    %broadcast_in_dim3A_1811 = vector.broadcast %jit3A_1808 : f32 to vector<128x128xf32>
    %select_n3A_1812 = arith.select %eq3A_1806, %broadcast_in_dim3A_1810, %broadcast_in_dim3A_1811 : vector<128x128xi1>, vector<128x128xf32>
    %add3A_1813 = arith.addf %add3A_1803, %select_n3A_1812 : vector<128x128xf32>
    %eq3A_1814 = arith.constant 3.000000e+00 : f32
    %eq3A_1815 = vector.broadcast %eq3A_1814 : f32 to vector<128x128xf32>
    %eq3A_1816 = arith.cmpf oeq, %dot_general3A_1766, %eq3A_1815 : vector<128x128xf32>
    %slice3A_1817 = vector.extract_strided_slice %get3A_7 {offsets = [3, 0], sizes = [1, 128], strides = [1, 1]} : vector<8x128xf32> to vector<1x128xf32>
    %jit3A_1818 = arith.constant 0.000000e+00 : f32
    %broadcast_in_dim3A_1819 = vector.shape_cast %slice3A_1817 : vector<1x128xf32> to vector<1x128xf32>
    %broadcast_in_dim3A_1820 = vector.broadcast %broadcast_in_dim3A_1819 : vector<1x128xf32> to vector<128x128xf32>
    %broadcast_in_dim3A_1821 = vector.broadcast %jit3A_1818 : f32 to vector<128x128xf32>
    %select_n3A_1822 = arith.select %eq3A_1816, %broadcast_in_dim3A_1820, %broadcast_in_dim3A_1821 : vector<128x128xi1>, vector<128x128xf32>
    %add3A_1823 = arith.addf %add3A_1813, %select_n3A_1822 : vector<128x128xf32>
    %eq3A_1824 = arith.constant 4.000000e+00 : f32
    %eq3A_1825 = vector.broadcast %eq3A_1824 : f32 to vector<128x128xf32>
    %eq3A_1826 = arith.cmpf oeq, %dot_general3A_1766, %eq3A_1825 : vector<128x128xf32>
    %slice3A_1827 = vector.extract_strided_slice %get3A_7 {offsets = [4, 0], sizes = [1, 128], strides = [1, 1]} : vector<8x128xf32> to vector<1x128xf32>
    %jit3A_1828 = arith.constant 0.000000e+00 : f32
    %broadcast_in_dim3A_1829 = vector.shape_cast %slice3A_1827 : vector<1x128xf32> to vector<1x128xf32>
    %broadcast_in_dim3A_1830 = vector.broadcast %broadcast_in_dim3A_1829 : vector<1x128xf32> to vector<128x128xf32>
    %broadcast_in_dim3A_1831 = vector.broadcast %jit3A_1828 : f32 to vector<128x128xf32>
    %select_n3A_1832 = arith.select %eq3A_1826, %broadcast_in_dim3A_1830, %broadcast_in_dim3A_1831 : vector<128x128xi1>, vector<128x128xf32>
    %add3A_1833 = arith.addf %add3A_1823, %select_n3A_1832 : vector<128x128xf32>
    %eq3A_1834 = arith.constant 5.000000e+00 : f32
    %eq3A_1835 = vector.broadcast %eq3A_1834 : f32 to vector<128x128xf32>
    %eq3A_1836 = arith.cmpf oeq, %dot_general3A_1766, %eq3A_1835 : vector<128x128xf32>
    %slice3A_1837 = vector.extract_strided_slice %get3A_7 {offsets = [5, 0], sizes = [1, 128], strides = [1, 1]} : vector<8x128xf32> to vector<1x128xf32>
    %jit3A_1838 = arith.constant 0.000000e+00 : f32
    %broadcast_in_dim3A_1839 = vector.shape_cast %slice3A_1837 : vector<1x128xf32> to vector<1x128xf32>
    %broadcast_in_dim3A_1840 = vector.broadcast %broadcast_in_dim3A_1839 : vector<1x128xf32> to vector<128x128xf32>
    %broadcast_in_dim3A_1841 = vector.broadcast %jit3A_1838 : f32 to vector<128x128xf32>
    %select_n3A_1842 = arith.select %eq3A_1836, %broadcast_in_dim3A_1840, %broadcast_in_dim3A_1841 : vector<128x128xi1>, vector<128x128xf32>
    %add3A_1843 = arith.addf %add3A_1833, %select_n3A_1842 : vector<128x128xf32>
    %eq3A_1844 = arith.constant 6.000000e+00 : f32
    %eq3A_1845 = vector.broadcast %eq3A_1844 : f32 to vector<128x128xf32>
    %eq3A_1846 = arith.cmpf oeq, %dot_general3A_1766, %eq3A_1845 : vector<128x128xf32>
    %slice3A_1847 = vector.extract_strided_slice %get3A_7 {offsets = [6, 0], sizes = [1, 128], strides = [1, 1]} : vector<8x128xf32> to vector<1x128xf32>
    %jit3A_1848 = arith.constant 0.000000e+00 : f32
    %broadcast_in_dim3A_1849 = vector.shape_cast %slice3A_1847 : vector<1x128xf32> to vector<1x128xf32>
    %broadcast_in_dim3A_1850 = vector.broadcast %broadcast_in_dim3A_1849 : vector<1x128xf32> to vector<128x128xf32>
    %broadcast_in_dim3A_1851 = vector.broadcast %jit3A_1848 : f32 to vector<128x128xf32>
    %select_n3A_1852 = arith.select %eq3A_1846, %broadcast_in_dim3A_1850, %broadcast_in_dim3A_1851 : vector<128x128xi1>, vector<128x128xf32>
    %add3A_1853 = arith.addf %add3A_1843, %select_n3A_1852 : vector<128x128xf32>
    %eq3A_1854 = arith.constant 7.000000e+00 : f32
    %eq3A_1855 = vector.broadcast %eq3A_1854 : f32 to vector<128x128xf32>
    %eq3A_1856 = arith.cmpf oeq, %dot_general3A_1766, %eq3A_1855 : vector<128x128xf32>
    %slice3A_1857 = vector.extract_strided_slice %get3A_7 {offsets = [7, 0], sizes = [1, 128], strides = [1, 1]} : vector<8x128xf32> to vector<1x128xf32>
    %jit3A_1858 = arith.constant 0.000000e+00 : f32
    %broadcast_in_dim3A_1859 = vector.shape_cast %slice3A_1857 : vector<1x128xf32> to vector<1x128xf32>
    %broadcast_in_dim3A_1860 = vector.broadcast %broadcast_in_dim3A_1859 : vector<1x128xf32> to vector<128x128xf32>
    %broadcast_in_dim3A_1861 = vector.broadcast %jit3A_1858 : f32 to vector<128x128xf32>
    %select_n3A_1862 = arith.select %eq3A_1856, %broadcast_in_dim3A_1860, %broadcast_in_dim3A_1861 : vector<128x128xi1>, vector<128x128xf32>
    %add3A_1863 = arith.addf %add3A_1853, %select_n3A_1862 : vector<128x128xf32>
    %eq3A_1864 = arith.constant 0 : i32
    %eq3A_1865 = vector.broadcast %eq3A_1864 : i32 to vector<128x128xi32>
    %eq3A_1866 = arith.cmpi eq, %add3A_1775, %eq3A_1865 : vector<128x128xi32>
    %mul3A_1867 = vector.broadcast %get3A_10 : vector<1x128xf32> to vector<128x128xf32>
    %mul3A_1868 = arith.mulf %mul3A_1867, %convert_element_type3A_1778 : vector<128x128xf32>
    %jit3A_1869 = arith.constant 0.000000e+00 : f32
    %broadcast_in_dim3A_1870 = vector.broadcast %jit3A_1869 : f32 to vector<128x128xf32>
    %select_n3A_1871 = arith.select %eq3A_1866, %mul3A_1868, %broadcast_in_dim3A_1870 : vector<128x128xi1>, vector<128x128xf32>
    %sub3A_1872 = arith.constant 1 : i32
    %sub3A_1873 = vector.broadcast %sub3A_1872 : i32 to vector<1x128xi32>
    %sub3A_1874 = arith.subi %get3A_1, %sub3A_1873 : vector<1x128xi32>
    %eq3A_1875 = vector.broadcast %sub3A_1874 : vector<1x128xi32> to vector<128x128xi32>
    %eq3A_1876 = arith.cmpi eq, %add3A_1775, %eq3A_1875 : vector<128x128xi32>
    %mul3A_1877 = vector.broadcast %get3A_13 : vector<1x128xf32> to vector<128x128xf32>
    %mul3A_1878 = arith.mulf %mul3A_1877, %convert_element_type3A_1778 : vector<128x128xf32>
    %jit3A_1879 = arith.constant 0.000000e+00 : f32
    %broadcast_in_dim3A_1880 = vector.broadcast %jit3A_1879 : f32 to vector<128x128xf32>
    %select_n3A_1881 = arith.select %eq3A_1876, %mul3A_1878, %broadcast_in_dim3A_1880 : vector<128x128xi1>, vector<128x128xf32>
    %add3A_1882 = arith.addf %select_n3A_1871, %select_n3A_1881 : vector<128x128xf32>
    %add3A_1883 = arith.constant 1 : i32
    %add3A_1884 = vector.broadcast %add3A_1883 : i32 to vector<128x128xi32>
    %add3A_1885 = arith.addi %add3A_1775, %add3A_1884 : vector<128x128xi32>
    %lt3A_1886 = vector.broadcast %get3A_1 : vector<1x128xi32> to vector<128x128xi32>
    %lt3A_1887 = arith.cmpi slt, %add3A_1885, %lt3A_1886 : vector<128x128xi32>
    %mul3A_1888 = arith.mulf %convert_element_type3A_1781, %add3A_1863 : vector<128x128xf32>
    %jit3A_1889 = arith.constant 0.000000e+00 : f32
    %broadcast_in_dim3A_1890 = vector.broadcast %jit3A_1889 : f32 to vector<128x128xf32>
    %select_n3A_1891 = arith.select %lt3A_1887, %mul3A_1888, %broadcast_in_dim3A_1890 : vector<128x128xi1>, vector<128x128xf32>
    %add3A_1892 = arith.addf %add3A_1882, %select_n3A_1891 : vector<128x128xf32>
    %reduce_sum3A_1893 = arith.constant dense<0.000000e+00> : vector<128xf32>
    %reduce_sum3A_1894 = vector.multi_reduction <add>, %add3A_1892, %reduce_sum3A_1893 [0] : vector<128x128xf32> to vector<128xf32>
    %broadcast_in_dim3A_1895 = vector.shape_cast %reduce_sum3A_1894 : vector<128xf32> to vector<1x128xf32>
    %add3A_1896 = arith.addf %add3A_1761, %broadcast_in_dim3A_1895 : vector<1x128xf32>
    %get3A_1897 = arith.constant 1792 : index
    %get3A_1898 = arith.constant 0 : index
    %get3A_1899 = vector.load %arg0[%get3A_1897, %get3A_1898] : memref<2056x16xf32, #tpu.memory_space<vmem>>, vector<128x16xf32>
    %dot_general3A_1900 = arith.constant dense<0.000000e+00> : vector<128x128xf32>
    %dot_general3A_1901 = tpu.matmul %get3A_1899, %get3A_4, %dot_general3A_1900 {dimension_numbers = #tpu.dot_dimension_numbers<[1], [0], [0], [1], [0, 0, 1, 1], [], []>, transpose_lhs_hint = false} : vector<128x16xf32>, vector<16x128xf32>, vector<128x128xf32> -> vector<128x128xf32>
    %get3A_1902 = arith.constant 1793 : index
    %get3A_1903 = arith.constant 0 : index
    %get3A_1904 = vector.load %arg0[%get3A_1902, %get3A_1903] : memref<2056x16xf32, #tpu.memory_space<vmem>>, vector<128x16xf32>
    %dot_general3A_1905 = arith.constant dense<0.000000e+00> : vector<128x128xf32>
    %dot_general3A_1906 = tpu.matmul %get3A_1904, %get3A_4, %dot_general3A_1905 {dimension_numbers = #tpu.dot_dimension_numbers<[1], [0], [0], [1], [0, 0, 1, 1], [], []>, transpose_lhs_hint = false} : vector<128x16xf32>, vector<16x128xf32>, vector<128x128xf32> -> vector<128x128xf32>
    %iota3A_1907 = tpu.iota {dimensions = array<i32: 0>} : vector<128x128xi32>
    %add3A_1908 = arith.constant 1792 : i32
    %add3A_1909 = vector.broadcast %add3A_1908 : i32 to vector<128x128xi32>
    %add3A_1910 = arith.addi %add3A_1909, %iota3A_1907 : vector<128x128xi32>
    %eq3A_1911 = arith.cmpf oeq, %convert_element_type3A, %dot_general3A_1901 : vector<128x128xf32>
    %convert_element_type3A_1912 = arith.extui %eq3A_1911 : vector<128x128xi1> to vector<128x128xi32>
    %convert_element_type3A_1913 = arith.sitofp %convert_element_type3A_1912 : vector<128x128xi32> to vector<128x128xf32>
    %eq3A_1914 = arith.cmpf oeq, %convert_element_type3A, %dot_general3A_1906 : vector<128x128xf32>
    %convert_element_type3A_1915 = arith.extui %eq3A_1914 : vector<128x128xi1> to vector<128x128xi32>
    %convert_element_type3A_1916 = arith.sitofp %convert_element_type3A_1915 : vector<128x128xi32> to vector<128x128xf32>
    %broadcast_in_dim3A_1917 = arith.constant 0.000000e+00 : f32
    %broadcast_in_dim3A_1918 = vector.broadcast %broadcast_in_dim3A_1917 : f32 to vector<128x128xf32>
    %eq3A_1919 = arith.constant 0.000000e+00 : f32
    %eq3A_1920 = vector.broadcast %eq3A_1919 : f32 to vector<128x128xf32>
    %eq3A_1921 = arith.cmpf oeq, %dot_general3A_1901, %eq3A_1920 : vector<128x128xf32>
    %slice3A_1922 = vector.extract_strided_slice %get3A_7 {offsets = [0, 0], sizes = [1, 128], strides = [1, 1]} : vector<8x128xf32> to vector<1x128xf32>
    %jit3A_1923 = arith.constant 0.000000e+00 : f32
    %broadcast_in_dim3A_1924 = vector.shape_cast %slice3A_1922 : vector<1x128xf32> to vector<1x128xf32>
    %broadcast_in_dim3A_1925 = vector.broadcast %broadcast_in_dim3A_1924 : vector<1x128xf32> to vector<128x128xf32>
    %broadcast_in_dim3A_1926 = vector.broadcast %jit3A_1923 : f32 to vector<128x128xf32>
    %select_n3A_1927 = arith.select %eq3A_1921, %broadcast_in_dim3A_1925, %broadcast_in_dim3A_1926 : vector<128x128xi1>, vector<128x128xf32>
    %add3A_1928 = arith.addf %broadcast_in_dim3A_1918, %select_n3A_1927 : vector<128x128xf32>
    %eq3A_1929 = arith.constant 1.000000e+00 : f32
    %eq3A_1930 = vector.broadcast %eq3A_1929 : f32 to vector<128x128xf32>
    %eq3A_1931 = arith.cmpf oeq, %dot_general3A_1901, %eq3A_1930 : vector<128x128xf32>
    %slice3A_1932 = vector.extract_strided_slice %get3A_7 {offsets = [1, 0], sizes = [1, 128], strides = [1, 1]} : vector<8x128xf32> to vector<1x128xf32>
    %jit3A_1933 = arith.constant 0.000000e+00 : f32
    %broadcast_in_dim3A_1934 = vector.shape_cast %slice3A_1932 : vector<1x128xf32> to vector<1x128xf32>
    %broadcast_in_dim3A_1935 = vector.broadcast %broadcast_in_dim3A_1934 : vector<1x128xf32> to vector<128x128xf32>
    %broadcast_in_dim3A_1936 = vector.broadcast %jit3A_1933 : f32 to vector<128x128xf32>
    %select_n3A_1937 = arith.select %eq3A_1931, %broadcast_in_dim3A_1935, %broadcast_in_dim3A_1936 : vector<128x128xi1>, vector<128x128xf32>
    %add3A_1938 = arith.addf %add3A_1928, %select_n3A_1937 : vector<128x128xf32>
    %eq3A_1939 = arith.constant 2.000000e+00 : f32
    %eq3A_1940 = vector.broadcast %eq3A_1939 : f32 to vector<128x128xf32>
    %eq3A_1941 = arith.cmpf oeq, %dot_general3A_1901, %eq3A_1940 : vector<128x128xf32>
    %slice3A_1942 = vector.extract_strided_slice %get3A_7 {offsets = [2, 0], sizes = [1, 128], strides = [1, 1]} : vector<8x128xf32> to vector<1x128xf32>
    %jit3A_1943 = arith.constant 0.000000e+00 : f32
    %broadcast_in_dim3A_1944 = vector.shape_cast %slice3A_1942 : vector<1x128xf32> to vector<1x128xf32>
    %broadcast_in_dim3A_1945 = vector.broadcast %broadcast_in_dim3A_1944 : vector<1x128xf32> to vector<128x128xf32>
    %broadcast_in_dim3A_1946 = vector.broadcast %jit3A_1943 : f32 to vector<128x128xf32>
    %select_n3A_1947 = arith.select %eq3A_1941, %broadcast_in_dim3A_1945, %broadcast_in_dim3A_1946 : vector<128x128xi1>, vector<128x128xf32>
    %add3A_1948 = arith.addf %add3A_1938, %select_n3A_1947 : vector<128x128xf32>
    %eq3A_1949 = arith.constant 3.000000e+00 : f32
    %eq3A_1950 = vector.broadcast %eq3A_1949 : f32 to vector<128x128xf32>
    %eq3A_1951 = arith.cmpf oeq, %dot_general3A_1901, %eq3A_1950 : vector<128x128xf32>
    %slice3A_1952 = vector.extract_strided_slice %get3A_7 {offsets = [3, 0], sizes = [1, 128], strides = [1, 1]} : vector<8x128xf32> to vector<1x128xf32>
    %jit3A_1953 = arith.constant 0.000000e+00 : f32
    %broadcast_in_dim3A_1954 = vector.shape_cast %slice3A_1952 : vector<1x128xf32> to vector<1x128xf32>
    %broadcast_in_dim3A_1955 = vector.broadcast %broadcast_in_dim3A_1954 : vector<1x128xf32> to vector<128x128xf32>
    %broadcast_in_dim3A_1956 = vector.broadcast %jit3A_1953 : f32 to vector<128x128xf32>
    %select_n3A_1957 = arith.select %eq3A_1951, %broadcast_in_dim3A_1955, %broadcast_in_dim3A_1956 : vector<128x128xi1>, vector<128x128xf32>
    %add3A_1958 = arith.addf %add3A_1948, %select_n3A_1957 : vector<128x128xf32>
    %eq3A_1959 = arith.constant 4.000000e+00 : f32
    %eq3A_1960 = vector.broadcast %eq3A_1959 : f32 to vector<128x128xf32>
    %eq3A_1961 = arith.cmpf oeq, %dot_general3A_1901, %eq3A_1960 : vector<128x128xf32>
    %slice3A_1962 = vector.extract_strided_slice %get3A_7 {offsets = [4, 0], sizes = [1, 128], strides = [1, 1]} : vector<8x128xf32> to vector<1x128xf32>
    %jit3A_1963 = arith.constant 0.000000e+00 : f32
    %broadcast_in_dim3A_1964 = vector.shape_cast %slice3A_1962 : vector<1x128xf32> to vector<1x128xf32>
    %broadcast_in_dim3A_1965 = vector.broadcast %broadcast_in_dim3A_1964 : vector<1x128xf32> to vector<128x128xf32>
    %broadcast_in_dim3A_1966 = vector.broadcast %jit3A_1963 : f32 to vector<128x128xf32>
    %select_n3A_1967 = arith.select %eq3A_1961, %broadcast_in_dim3A_1965, %broadcast_in_dim3A_1966 : vector<128x128xi1>, vector<128x128xf32>
    %add3A_1968 = arith.addf %add3A_1958, %select_n3A_1967 : vector<128x128xf32>
    %eq3A_1969 = arith.constant 5.000000e+00 : f32
    %eq3A_1970 = vector.broadcast %eq3A_1969 : f32 to vector<128x128xf32>
    %eq3A_1971 = arith.cmpf oeq, %dot_general3A_1901, %eq3A_1970 : vector<128x128xf32>
    %slice3A_1972 = vector.extract_strided_slice %get3A_7 {offsets = [5, 0], sizes = [1, 128], strides = [1, 1]} : vector<8x128xf32> to vector<1x128xf32>
    %jit3A_1973 = arith.constant 0.000000e+00 : f32
    %broadcast_in_dim3A_1974 = vector.shape_cast %slice3A_1972 : vector<1x128xf32> to vector<1x128xf32>
    %broadcast_in_dim3A_1975 = vector.broadcast %broadcast_in_dim3A_1974 : vector<1x128xf32> to vector<128x128xf32>
    %broadcast_in_dim3A_1976 = vector.broadcast %jit3A_1973 : f32 to vector<128x128xf32>
    %select_n3A_1977 = arith.select %eq3A_1971, %broadcast_in_dim3A_1975, %broadcast_in_dim3A_1976 : vector<128x128xi1>, vector<128x128xf32>
    %add3A_1978 = arith.addf %add3A_1968, %select_n3A_1977 : vector<128x128xf32>
    %eq3A_1979 = arith.constant 6.000000e+00 : f32
    %eq3A_1980 = vector.broadcast %eq3A_1979 : f32 to vector<128x128xf32>
    %eq3A_1981 = arith.cmpf oeq, %dot_general3A_1901, %eq3A_1980 : vector<128x128xf32>
    %slice3A_1982 = vector.extract_strided_slice %get3A_7 {offsets = [6, 0], sizes = [1, 128], strides = [1, 1]} : vector<8x128xf32> to vector<1x128xf32>
    %jit3A_1983 = arith.constant 0.000000e+00 : f32
    %broadcast_in_dim3A_1984 = vector.shape_cast %slice3A_1982 : vector<1x128xf32> to vector<1x128xf32>
    %broadcast_in_dim3A_1985 = vector.broadcast %broadcast_in_dim3A_1984 : vector<1x128xf32> to vector<128x128xf32>
    %broadcast_in_dim3A_1986 = vector.broadcast %jit3A_1983 : f32 to vector<128x128xf32>
    %select_n3A_1987 = arith.select %eq3A_1981, %broadcast_in_dim3A_1985, %broadcast_in_dim3A_1986 : vector<128x128xi1>, vector<128x128xf32>
    %add3A_1988 = arith.addf %add3A_1978, %select_n3A_1987 : vector<128x128xf32>
    %eq3A_1989 = arith.constant 7.000000e+00 : f32
    %eq3A_1990 = vector.broadcast %eq3A_1989 : f32 to vector<128x128xf32>
    %eq3A_1991 = arith.cmpf oeq, %dot_general3A_1901, %eq3A_1990 : vector<128x128xf32>
    %slice3A_1992 = vector.extract_strided_slice %get3A_7 {offsets = [7, 0], sizes = [1, 128], strides = [1, 1]} : vector<8x128xf32> to vector<1x128xf32>
    %jit3A_1993 = arith.constant 0.000000e+00 : f32
    %broadcast_in_dim3A_1994 = vector.shape_cast %slice3A_1992 : vector<1x128xf32> to vector<1x128xf32>
    %broadcast_in_dim3A_1995 = vector.broadcast %broadcast_in_dim3A_1994 : vector<1x128xf32> to vector<128x128xf32>
    %broadcast_in_dim3A_1996 = vector.broadcast %jit3A_1993 : f32 to vector<128x128xf32>
    %select_n3A_1997 = arith.select %eq3A_1991, %broadcast_in_dim3A_1995, %broadcast_in_dim3A_1996 : vector<128x128xi1>, vector<128x128xf32>
    %add3A_1998 = arith.addf %add3A_1988, %select_n3A_1997 : vector<128x128xf32>
    %eq3A_1999 = arith.constant 0 : i32
    %eq3A_2000 = vector.broadcast %eq3A_1999 : i32 to vector<128x128xi32>
    %eq3A_2001 = arith.cmpi eq, %add3A_1910, %eq3A_2000 : vector<128x128xi32>
    %mul3A_2002 = vector.broadcast %get3A_10 : vector<1x128xf32> to vector<128x128xf32>
    %mul3A_2003 = arith.mulf %mul3A_2002, %convert_element_type3A_1913 : vector<128x128xf32>
    %jit3A_2004 = arith.constant 0.000000e+00 : f32
    %broadcast_in_dim3A_2005 = vector.broadcast %jit3A_2004 : f32 to vector<128x128xf32>
    %select_n3A_2006 = arith.select %eq3A_2001, %mul3A_2003, %broadcast_in_dim3A_2005 : vector<128x128xi1>, vector<128x128xf32>
    %sub3A_2007 = arith.constant 1 : i32
    %sub3A_2008 = vector.broadcast %sub3A_2007 : i32 to vector<1x128xi32>
    %sub3A_2009 = arith.subi %get3A_1, %sub3A_2008 : vector<1x128xi32>
    %eq3A_2010 = vector.broadcast %sub3A_2009 : vector<1x128xi32> to vector<128x128xi32>
    %eq3A_2011 = arith.cmpi eq, %add3A_1910, %eq3A_2010 : vector<128x128xi32>
    %mul3A_2012 = vector.broadcast %get3A_13 : vector<1x128xf32> to vector<128x128xf32>
    %mul3A_2013 = arith.mulf %mul3A_2012, %convert_element_type3A_1913 : vector<128x128xf32>
    %jit3A_2014 = arith.constant 0.000000e+00 : f32
    %broadcast_in_dim3A_2015 = vector.broadcast %jit3A_2014 : f32 to vector<128x128xf32>
    %select_n3A_2016 = arith.select %eq3A_2011, %mul3A_2013, %broadcast_in_dim3A_2015 : vector<128x128xi1>, vector<128x128xf32>
    %add3A_2017 = arith.addf %select_n3A_2006, %select_n3A_2016 : vector<128x128xf32>
    %add3A_2018 = arith.constant 1 : i32
    %add3A_2019 = vector.broadcast %add3A_2018 : i32 to vector<128x128xi32>
    %add3A_2020 = arith.addi %add3A_1910, %add3A_2019 : vector<128x128xi32>
    %lt3A_2021 = vector.broadcast %get3A_1 : vector<1x128xi32> to vector<128x128xi32>
    %lt3A_2022 = arith.cmpi slt, %add3A_2020, %lt3A_2021 : vector<128x128xi32>
    %mul3A_2023 = arith.mulf %convert_element_type3A_1916, %add3A_1998 : vector<128x128xf32>
    %jit3A_2024 = arith.constant 0.000000e+00 : f32
    %broadcast_in_dim3A_2025 = vector.broadcast %jit3A_2024 : f32 to vector<128x128xf32>
    %select_n3A_2026 = arith.select %lt3A_2022, %mul3A_2023, %broadcast_in_dim3A_2025 : vector<128x128xi1>, vector<128x128xf32>
    %add3A_2027 = arith.addf %add3A_2017, %select_n3A_2026 : vector<128x128xf32>
    %reduce_sum3A_2028 = arith.constant dense<0.000000e+00> : vector<128xf32>
    %reduce_sum3A_2029 = vector.multi_reduction <add>, %add3A_2027, %reduce_sum3A_2028 [0] : vector<128x128xf32> to vector<128xf32>
    %broadcast_in_dim3A_2030 = vector.shape_cast %reduce_sum3A_2029 : vector<128xf32> to vector<1x128xf32>
    %add3A_2031 = arith.addf %add3A_1896, %broadcast_in_dim3A_2030 : vector<1x128xf32>
    %get3A_2032 = arith.constant 1920 : index
    %get3A_2033 = arith.constant 0 : index
    %get3A_2034 = vector.load %arg0[%get3A_2032, %get3A_2033] : memref<2056x16xf32, #tpu.memory_space<vmem>>, vector<128x16xf32>
    %dot_general3A_2035 = arith.constant dense<0.000000e+00> : vector<128x128xf32>
    %dot_general3A_2036 = tpu.matmul %get3A_2034, %get3A_4, %dot_general3A_2035 {dimension_numbers = #tpu.dot_dimension_numbers<[1], [0], [0], [1], [0, 0, 1, 1], [], []>, transpose_lhs_hint = false} : vector<128x16xf32>, vector<16x128xf32>, vector<128x128xf32> -> vector<128x128xf32>
    %get3A_2037 = arith.constant 1921 : index
    %get3A_2038 = arith.constant 0 : index
    %get3A_2039 = vector.load %arg0[%get3A_2037, %get3A_2038] : memref<2056x16xf32, #tpu.memory_space<vmem>>, vector<128x16xf32>
    %dot_general3A_2040 = arith.constant dense<0.000000e+00> : vector<128x128xf32>
    %dot_general3A_2041 = tpu.matmul %get3A_2039, %get3A_4, %dot_general3A_2040 {dimension_numbers = #tpu.dot_dimension_numbers<[1], [0], [0], [1], [0, 0, 1, 1], [], []>, transpose_lhs_hint = false} : vector<128x16xf32>, vector<16x128xf32>, vector<128x128xf32> -> vector<128x128xf32>
    %iota3A_2042 = tpu.iota {dimensions = array<i32: 0>} : vector<128x128xi32>
    %add3A_2043 = arith.constant 1920 : i32
    %add3A_2044 = vector.broadcast %add3A_2043 : i32 to vector<128x128xi32>
    %add3A_2045 = arith.addi %add3A_2044, %iota3A_2042 : vector<128x128xi32>
    %eq3A_2046 = arith.cmpf oeq, %convert_element_type3A, %dot_general3A_2036 : vector<128x128xf32>
    %convert_element_type3A_2047 = arith.extui %eq3A_2046 : vector<128x128xi1> to vector<128x128xi32>
    %convert_element_type3A_2048 = arith.sitofp %convert_element_type3A_2047 : vector<128x128xi32> to vector<128x128xf32>
    %eq3A_2049 = arith.cmpf oeq, %convert_element_type3A, %dot_general3A_2041 : vector<128x128xf32>
    %convert_element_type3A_2050 = arith.extui %eq3A_2049 : vector<128x128xi1> to vector<128x128xi32>
    %convert_element_type3A_2051 = arith.sitofp %convert_element_type3A_2050 : vector<128x128xi32> to vector<128x128xf32>
    %broadcast_in_dim3A_2052 = arith.constant 0.000000e+00 : f32
    %broadcast_in_dim3A_2053 = vector.broadcast %broadcast_in_dim3A_2052 : f32 to vector<128x128xf32>
    %eq3A_2054 = arith.constant 0.000000e+00 : f32
    %eq3A_2055 = vector.broadcast %eq3A_2054 : f32 to vector<128x128xf32>
    %eq3A_2056 = arith.cmpf oeq, %dot_general3A_2036, %eq3A_2055 : vector<128x128xf32>
    %slice3A_2057 = vector.extract_strided_slice %get3A_7 {offsets = [0, 0], sizes = [1, 128], strides = [1, 1]} : vector<8x128xf32> to vector<1x128xf32>
    %jit3A_2058 = arith.constant 0.000000e+00 : f32
    %broadcast_in_dim3A_2059 = vector.shape_cast %slice3A_2057 : vector<1x128xf32> to vector<1x128xf32>
    %broadcast_in_dim3A_2060 = vector.broadcast %broadcast_in_dim3A_2059 : vector<1x128xf32> to vector<128x128xf32>
    %broadcast_in_dim3A_2061 = vector.broadcast %jit3A_2058 : f32 to vector<128x128xf32>
    %select_n3A_2062 = arith.select %eq3A_2056, %broadcast_in_dim3A_2060, %broadcast_in_dim3A_2061 : vector<128x128xi1>, vector<128x128xf32>
    %add3A_2063 = arith.addf %broadcast_in_dim3A_2053, %select_n3A_2062 : vector<128x128xf32>
    %eq3A_2064 = arith.constant 1.000000e+00 : f32
    %eq3A_2065 = vector.broadcast %eq3A_2064 : f32 to vector<128x128xf32>
    %eq3A_2066 = arith.cmpf oeq, %dot_general3A_2036, %eq3A_2065 : vector<128x128xf32>
    %slice3A_2067 = vector.extract_strided_slice %get3A_7 {offsets = [1, 0], sizes = [1, 128], strides = [1, 1]} : vector<8x128xf32> to vector<1x128xf32>
    %jit3A_2068 = arith.constant 0.000000e+00 : f32
    %broadcast_in_dim3A_2069 = vector.shape_cast %slice3A_2067 : vector<1x128xf32> to vector<1x128xf32>
    %broadcast_in_dim3A_2070 = vector.broadcast %broadcast_in_dim3A_2069 : vector<1x128xf32> to vector<128x128xf32>
    %broadcast_in_dim3A_2071 = vector.broadcast %jit3A_2068 : f32 to vector<128x128xf32>
    %select_n3A_2072 = arith.select %eq3A_2066, %broadcast_in_dim3A_2070, %broadcast_in_dim3A_2071 : vector<128x128xi1>, vector<128x128xf32>
    %add3A_2073 = arith.addf %add3A_2063, %select_n3A_2072 : vector<128x128xf32>
    %eq3A_2074 = arith.constant 2.000000e+00 : f32
    %eq3A_2075 = vector.broadcast %eq3A_2074 : f32 to vector<128x128xf32>
    %eq3A_2076 = arith.cmpf oeq, %dot_general3A_2036, %eq3A_2075 : vector<128x128xf32>
    %slice3A_2077 = vector.extract_strided_slice %get3A_7 {offsets = [2, 0], sizes = [1, 128], strides = [1, 1]} : vector<8x128xf32> to vector<1x128xf32>
    %jit3A_2078 = arith.constant 0.000000e+00 : f32
    %broadcast_in_dim3A_2079 = vector.shape_cast %slice3A_2077 : vector<1x128xf32> to vector<1x128xf32>
    %broadcast_in_dim3A_2080 = vector.broadcast %broadcast_in_dim3A_2079 : vector<1x128xf32> to vector<128x128xf32>
    %broadcast_in_dim3A_2081 = vector.broadcast %jit3A_2078 : f32 to vector<128x128xf32>
    %select_n3A_2082 = arith.select %eq3A_2076, %broadcast_in_dim3A_2080, %broadcast_in_dim3A_2081 : vector<128x128xi1>, vector<128x128xf32>
    %add3A_2083 = arith.addf %add3A_2073, %select_n3A_2082 : vector<128x128xf32>
    %eq3A_2084 = arith.constant 3.000000e+00 : f32
    %eq3A_2085 = vector.broadcast %eq3A_2084 : f32 to vector<128x128xf32>
    %eq3A_2086 = arith.cmpf oeq, %dot_general3A_2036, %eq3A_2085 : vector<128x128xf32>
    %slice3A_2087 = vector.extract_strided_slice %get3A_7 {offsets = [3, 0], sizes = [1, 128], strides = [1, 1]} : vector<8x128xf32> to vector<1x128xf32>
    %jit3A_2088 = arith.constant 0.000000e+00 : f32
    %broadcast_in_dim3A_2089 = vector.shape_cast %slice3A_2087 : vector<1x128xf32> to vector<1x128xf32>
    %broadcast_in_dim3A_2090 = vector.broadcast %broadcast_in_dim3A_2089 : vector<1x128xf32> to vector<128x128xf32>
    %broadcast_in_dim3A_2091 = vector.broadcast %jit3A_2088 : f32 to vector<128x128xf32>
    %select_n3A_2092 = arith.select %eq3A_2086, %broadcast_in_dim3A_2090, %broadcast_in_dim3A_2091 : vector<128x128xi1>, vector<128x128xf32>
    %add3A_2093 = arith.addf %add3A_2083, %select_n3A_2092 : vector<128x128xf32>
    %eq3A_2094 = arith.constant 4.000000e+00 : f32
    %eq3A_2095 = vector.broadcast %eq3A_2094 : f32 to vector<128x128xf32>
    %eq3A_2096 = arith.cmpf oeq, %dot_general3A_2036, %eq3A_2095 : vector<128x128xf32>
    %slice3A_2097 = vector.extract_strided_slice %get3A_7 {offsets = [4, 0], sizes = [1, 128], strides = [1, 1]} : vector<8x128xf32> to vector<1x128xf32>
    %jit3A_2098 = arith.constant 0.000000e+00 : f32
    %broadcast_in_dim3A_2099 = vector.shape_cast %slice3A_2097 : vector<1x128xf32> to vector<1x128xf32>
    %broadcast_in_dim3A_2100 = vector.broadcast %broadcast_in_dim3A_2099 : vector<1x128xf32> to vector<128x128xf32>
    %broadcast_in_dim3A_2101 = vector.broadcast %jit3A_2098 : f32 to vector<128x128xf32>
    %select_n3A_2102 = arith.select %eq3A_2096, %broadcast_in_dim3A_2100, %broadcast_in_dim3A_2101 : vector<128x128xi1>, vector<128x128xf32>
    %add3A_2103 = arith.addf %add3A_2093, %select_n3A_2102 : vector<128x128xf32>
    %eq3A_2104 = arith.constant 5.000000e+00 : f32
    %eq3A_2105 = vector.broadcast %eq3A_2104 : f32 to vector<128x128xf32>
    %eq3A_2106 = arith.cmpf oeq, %dot_general3A_2036, %eq3A_2105 : vector<128x128xf32>
    %slice3A_2107 = vector.extract_strided_slice %get3A_7 {offsets = [5, 0], sizes = [1, 128], strides = [1, 1]} : vector<8x128xf32> to vector<1x128xf32>
    %jit3A_2108 = arith.constant 0.000000e+00 : f32
    %broadcast_in_dim3A_2109 = vector.shape_cast %slice3A_2107 : vector<1x128xf32> to vector<1x128xf32>
    %broadcast_in_dim3A_2110 = vector.broadcast %broadcast_in_dim3A_2109 : vector<1x128xf32> to vector<128x128xf32>
    %broadcast_in_dim3A_2111 = vector.broadcast %jit3A_2108 : f32 to vector<128x128xf32>
    %select_n3A_2112 = arith.select %eq3A_2106, %broadcast_in_dim3A_2110, %broadcast_in_dim3A_2111 : vector<128x128xi1>, vector<128x128xf32>
    %add3A_2113 = arith.addf %add3A_2103, %select_n3A_2112 : vector<128x128xf32>
    %eq3A_2114 = arith.constant 6.000000e+00 : f32
    %eq3A_2115 = vector.broadcast %eq3A_2114 : f32 to vector<128x128xf32>
    %eq3A_2116 = arith.cmpf oeq, %dot_general3A_2036, %eq3A_2115 : vector<128x128xf32>
    %slice3A_2117 = vector.extract_strided_slice %get3A_7 {offsets = [6, 0], sizes = [1, 128], strides = [1, 1]} : vector<8x128xf32> to vector<1x128xf32>
    %jit3A_2118 = arith.constant 0.000000e+00 : f32
    %broadcast_in_dim3A_2119 = vector.shape_cast %slice3A_2117 : vector<1x128xf32> to vector<1x128xf32>
    %broadcast_in_dim3A_2120 = vector.broadcast %broadcast_in_dim3A_2119 : vector<1x128xf32> to vector<128x128xf32>
    %broadcast_in_dim3A_2121 = vector.broadcast %jit3A_2118 : f32 to vector<128x128xf32>
    %select_n3A_2122 = arith.select %eq3A_2116, %broadcast_in_dim3A_2120, %broadcast_in_dim3A_2121 : vector<128x128xi1>, vector<128x128xf32>
    %add3A_2123 = arith.addf %add3A_2113, %select_n3A_2122 : vector<128x128xf32>
    %eq3A_2124 = arith.constant 7.000000e+00 : f32
    %eq3A_2125 = vector.broadcast %eq3A_2124 : f32 to vector<128x128xf32>
    %eq3A_2126 = arith.cmpf oeq, %dot_general3A_2036, %eq3A_2125 : vector<128x128xf32>
    %slice3A_2127 = vector.extract_strided_slice %get3A_7 {offsets = [7, 0], sizes = [1, 128], strides = [1, 1]} : vector<8x128xf32> to vector<1x128xf32>
    %jit3A_2128 = arith.constant 0.000000e+00 : f32
    %broadcast_in_dim3A_2129 = vector.shape_cast %slice3A_2127 : vector<1x128xf32> to vector<1x128xf32>
    %broadcast_in_dim3A_2130 = vector.broadcast %broadcast_in_dim3A_2129 : vector<1x128xf32> to vector<128x128xf32>
    %broadcast_in_dim3A_2131 = vector.broadcast %jit3A_2128 : f32 to vector<128x128xf32>
    %select_n3A_2132 = arith.select %eq3A_2126, %broadcast_in_dim3A_2130, %broadcast_in_dim3A_2131 : vector<128x128xi1>, vector<128x128xf32>
    %add3A_2133 = arith.addf %add3A_2123, %select_n3A_2132 : vector<128x128xf32>
    %eq3A_2134 = arith.constant 0 : i32
    %eq3A_2135 = vector.broadcast %eq3A_2134 : i32 to vector<128x128xi32>
    %eq3A_2136 = arith.cmpi eq, %add3A_2045, %eq3A_2135 : vector<128x128xi32>
    %mul3A_2137 = vector.broadcast %get3A_10 : vector<1x128xf32> to vector<128x128xf32>
    %mul3A_2138 = arith.mulf %mul3A_2137, %convert_element_type3A_2048 : vector<128x128xf32>
    %jit3A_2139 = arith.constant 0.000000e+00 : f32
    %broadcast_in_dim3A_2140 = vector.broadcast %jit3A_2139 : f32 to vector<128x128xf32>
    %select_n3A_2141 = arith.select %eq3A_2136, %mul3A_2138, %broadcast_in_dim3A_2140 : vector<128x128xi1>, vector<128x128xf32>
    %sub3A_2142 = arith.constant 1 : i32
    %sub3A_2143 = vector.broadcast %sub3A_2142 : i32 to vector<1x128xi32>
    %sub3A_2144 = arith.subi %get3A_1, %sub3A_2143 : vector<1x128xi32>
    %eq3A_2145 = vector.broadcast %sub3A_2144 : vector<1x128xi32> to vector<128x128xi32>
    %eq3A_2146 = arith.cmpi eq, %add3A_2045, %eq3A_2145 : vector<128x128xi32>
    %mul3A_2147 = vector.broadcast %get3A_13 : vector<1x128xf32> to vector<128x128xf32>
    %mul3A_2148 = arith.mulf %mul3A_2147, %convert_element_type3A_2048 : vector<128x128xf32>
    %jit3A_2149 = arith.constant 0.000000e+00 : f32
    %broadcast_in_dim3A_2150 = vector.broadcast %jit3A_2149 : f32 to vector<128x128xf32>
    %select_n3A_2151 = arith.select %eq3A_2146, %mul3A_2148, %broadcast_in_dim3A_2150 : vector<128x128xi1>, vector<128x128xf32>
    %add3A_2152 = arith.addf %select_n3A_2141, %select_n3A_2151 : vector<128x128xf32>
    %add3A_2153 = arith.constant 1 : i32
    %add3A_2154 = vector.broadcast %add3A_2153 : i32 to vector<128x128xi32>
    %add3A_2155 = arith.addi %add3A_2045, %add3A_2154 : vector<128x128xi32>
    %lt3A_2156 = vector.broadcast %get3A_1 : vector<1x128xi32> to vector<128x128xi32>
    %lt3A_2157 = arith.cmpi slt, %add3A_2155, %lt3A_2156 : vector<128x128xi32>
    %mul3A_2158 = arith.mulf %convert_element_type3A_2051, %add3A_2133 : vector<128x128xf32>
    %jit3A_2159 = arith.constant 0.000000e+00 : f32
    %broadcast_in_dim3A_2160 = vector.broadcast %jit3A_2159 : f32 to vector<128x128xf32>
    %select_n3A_2161 = arith.select %lt3A_2157, %mul3A_2158, %broadcast_in_dim3A_2160 : vector<128x128xi1>, vector<128x128xf32>
    %add3A_2162 = arith.addf %add3A_2152, %select_n3A_2161 : vector<128x128xf32>
    %reduce_sum3A_2163 = arith.constant dense<0.000000e+00> : vector<128xf32>
    %reduce_sum3A_2164 = vector.multi_reduction <add>, %add3A_2162, %reduce_sum3A_2163 [0] : vector<128x128xf32> to vector<128xf32>
    %broadcast_in_dim3A_2165 = vector.shape_cast %reduce_sum3A_2164 : vector<128xf32> to vector<1x128xf32>
    %add3A_2166 = arith.addf %add3A_2031, %broadcast_in_dim3A_2165 : vector<1x128xf32>
    %swap3A = arith.constant 0 : index
    %swap3A_2167 = arith.constant 0 : index
    %swap3A_2168 = vector.load %arg6[%swap3A, %swap3A_2167] : memref<1x128xf32, #tpu.memory_space<vmem>>, vector<1x128xf32>
    tpu.vector_store %arg6[%swap3A, %swap3A_2167], %add3A_2166 {strides = array<i32>} : memref<1x128xf32, #tpu.memory_space<vmem>>, vector<1x128xf32>,
    return
  }
}

module attributes {stable_mosaic.version = 14 : i64} {
  func.func @_crf_body(%arg0: memref<2048x128xf32, #tpu.memory_space<vmem>>, %arg1: memref<64x32x128xf32, #tpu.memory_space<vmem>>, %arg2: memref<2056x16xf32, #tpu.memory_space<vmem>>, %arg3: memref<1x128xf32, #tpu.memory_space<vmem>>, %arg4: memref<1x128xi32, #tpu.memory_space<vmem>>, %arg5: memref<128x128xf32, #tpu.memory_space<vmem>>, %arg6: memref<128x128xf32, #tpu.memory_space<vmem>>, %arg7: memref<16x128xf32, #tpu.memory_space<vmem>>, %arg8: memref<1x128xf32, #tpu.memory_space<vmem>>, %arg9: memref<1x128xf32, #tpu.memory_space<vmem>>, %arg10: memref<128x16xf32, #tpu.memory_space<vmem>>, %arg11: memref<1x16xf32, #tpu.memory_space<vmem>>) attributes {dimension_semantics = [], scalar_prefetch = 0 : i64, scratch_operands = 0 : i64, tpu.core_type = #tpu.core_type<tc>} {
    %get3A = arith.constant 0 : index
    %get3A_0 = arith.constant 0 : index
    %get3A_1 = vector.load %arg4[%get3A, %get3A_0] : memref<1x128xi32, #tpu.memory_space<vmem>>, vector<1x128xi32>
    %get3A_2 = arith.constant 0 : index
    %get3A_3 = arith.constant 0 : index
    %get3A_4 = vector.load %arg5[%get3A_2, %get3A_3] : memref<128x128xf32, #tpu.memory_space<vmem>>, vector<128x128xf32>
    %get3A_5 = arith.constant 0 : index
    %get3A_6 = arith.constant 0 : index
    %get3A_7 = vector.load %arg6[%get3A_5, %get3A_6] : memref<128x128xf32, #tpu.memory_space<vmem>>, vector<128x128xf32>
    %get3A_8 = arith.constant 0 : index
    %get3A_9 = arith.constant 0 : index
    %get3A_10 = vector.load %arg8[%get3A_8, %get3A_9] : memref<1x128xf32, #tpu.memory_space<vmem>>, vector<1x128xf32>
    %get3A_11 = arith.constant 0 : index
    %get3A_12 = arith.constant 0 : index
    %get3A_13 = vector.load %arg9[%get3A_11, %get3A_12] : memref<1x128xf32, #tpu.memory_space<vmem>>, vector<1x128xf32>
    %iota3A = tpu.iota {dimensions = array<i32: 1>} : vector<32x8x128xi32>
    %iota3A_14 = tpu.iota {dimensions = array<i32: 2>} : vector<32x8x128xi32>
    %and3A = arith.constant 7 : i32
    %and3A_15 = vector.broadcast %and3A : i32 to vector<32x8x128xi32>
    %and3A_16 = arith.andi %iota3A_14, %and3A_15 : vector<32x8x128xi32>
    %eq3A = arith.cmpi eq, %iota3A, %and3A_16 : vector<32x8x128xi32>
    %convert_element_type3A = arith.extui %eq3A : vector<32x8x128xi1> to vector<32x8x128xi32>
    %convert_element_type3A_17 = arith.sitofp %convert_element_type3A : vector<32x8x128xi32> to vector<32x8x128xf32>
    %broadcast_in_dim3A = arith.constant 0.000000e+00 : f32
    %broadcast_in_dim3A_18 = vector.broadcast %broadcast_in_dim3A : f32 to vector<32x128xf32>
    %iota3A_19 = tpu.iota {dimensions = array<i32: 0>} : vector<32x128xi32>
    %mul3A = arith.constant 64 : i32
    %mul3A_20 = vector.broadcast %mul3A : i32 to vector<32x128xi32>
    %mul3A_21 = arith.muli %mul3A_20, %iota3A_19 : vector<32x128xi32>
    %add3A = arith.constant 1 : i32
    %add3A_22 = vector.broadcast %add3A : i32 to vector<32x128xi32>
    %add3A_23 = arith.addi %add3A_22, %mul3A_21 : vector<32x128xi32>
    %scan3A = arith.constant 0 : i32
    %scan3A_24 = arith.constant 4 : i32
    %scan3A_25 = arith.addi %scan3A, %scan3A_24 : i32
    %scan3A_26 = arith.constant 1 : i32
    %scan3A_27:2 = scf.for %scan3A_963 = %scan3A to %scan3A_25 step %scan3A_26 iter_args(%scan3A_964 = %convert_element_type3A_17, %scan3A_965 = %broadcast_in_dim3A_18) -> (vector<32x8x128xf32>, vector<32x128xf32>)  : i32 {
      %mul3A_966 = arith.constant 16 : i32
      %mul3A_967 = arith.muli %scan3A_963, %mul3A_966 : i32
      %add3A_968 = arith.constant 0 : i32
      %add3A_969 = arith.addi %mul3A_967, %add3A_968 : i32
      %get3A_970 = arith.index_cast %add3A_969 : i32 to index
      %get3A_971 = arith.constant 0 : index
      %get3A_972 = arith.constant 0 : index
      %get3A_973 = vector.load %arg1[%get3A_970, %get3A_971, %get3A_972] : memref<64x32x128xf32, #tpu.memory_space<vmem>>, vector<1x32x128xf32>
      %get3A_974 = vector.shape_cast %get3A_973 : vector<1x32x128xf32> to vector<32x128xf32>
      %reshape3A_975 = vector.shape_cast %scan3A_964 : vector<32x8x128xf32> to vector<256x128xf32>
      %dot_general3A_976 = arith.constant dense<0.000000e+00> : vector<256x128xf32>
      %dot_general3A_977 = tpu.matmul %reshape3A_975, %get3A_4, %dot_general3A_976 {dimension_numbers = #tpu.dot_dimension_numbers<[1], [0], [0], [1], [0, 0, 1, 1], [], []>, transpose_lhs_hint = false} : vector<256x128xf32>, vector<128x128xf32>, vector<256x128xf32> -> vector<256x128xf32>
      %reshape3A_978 = vector.shape_cast %dot_general3A_977 : vector<256x128xf32> to vector<32x8x128xf32>
      %exp3A_979 = math.exp %get3A_974 : vector<32x128xf32>
      %broadcast_in_dim3A_980 = vector.shape_cast %exp3A_979 : vector<32x128xf32> to vector<32x1x128xf32>
      %mul3A_981 = vector.broadcast %broadcast_in_dim3A_980 : vector<32x1x128xf32> to vector<32x8x128xf32>
      %mul3A_982 = arith.mulf %reshape3A_978, %mul3A_981 : vector<32x8x128xf32>
      %add3A_983 = vector.broadcast %add3A_969 : i32 to vector<32x128xi32>
      %add3A_984 = arith.addi %add3A_23, %add3A_983 : vector<32x128xi32>
      %lt3A_985 = vector.broadcast %get3A_1 : vector<1x128xi32> to vector<32x128xi32>
      %lt3A_986 = arith.cmpi slt, %add3A_984, %lt3A_985 : vector<32x128xi32>
      %broadcast_in_dim3A_987 = vector.shape_cast %lt3A_986 : vector<32x128xi1> to vector<32x1x128xi1>
      %broadcast_in_dim3A_988 = vector.shape_cast %broadcast_in_dim3A_987 : vector<32x1x128xi1> to vector<32x1x128xi1>
      %broadcast_in_dim3A_989 = vector.broadcast %broadcast_in_dim3A_988 : vector<32x1x128xi1> to vector<32x8x128xi1>
      %select_n3A_990 = arith.select %broadcast_in_dim3A_989, %mul3A_982, %scan3A_964 : vector<32x8x128xi1>, vector<32x8x128xf32>
      %mul3A_991 = arith.constant 16 : i32
      %mul3A_992 = arith.muli %scan3A_963, %mul3A_991 : i32
      %add3A_993 = arith.constant 1 : i32
      %add3A_994 = arith.addi %mul3A_992, %add3A_993 : i32
      %get3A_995 = arith.index_cast %add3A_994 : i32 to index
      %get3A_996 = arith.constant 0 : index
      %get3A_997 = arith.constant 0 : index
      %get3A_998 = vector.load %arg1[%get3A_995, %get3A_996, %get3A_997] : memref<64x32x128xf32, #tpu.memory_space<vmem>>, vector<1x32x128xf32>
      %get3A_999 = vector.shape_cast %get3A_998 : vector<1x32x128xf32> to vector<32x128xf32>
      %reshape3A_1000 = vector.shape_cast %select_n3A_990 : vector<32x8x128xf32> to vector<256x128xf32>
      %dot_general3A_1001 = arith.constant dense<0.000000e+00> : vector<256x128xf32>
      %dot_general3A_1002 = tpu.matmul %reshape3A_1000, %get3A_4, %dot_general3A_1001 {dimension_numbers = #tpu.dot_dimension_numbers<[1], [0], [0], [1], [0, 0, 1, 1], [], []>, transpose_lhs_hint = false} : vector<256x128xf32>, vector<128x128xf32>, vector<256x128xf32> -> vector<256x128xf32>
      %reshape3A_1003 = vector.shape_cast %dot_general3A_1002 : vector<256x128xf32> to vector<32x8x128xf32>
      %exp3A_1004 = math.exp %get3A_999 : vector<32x128xf32>
      %broadcast_in_dim3A_1005 = vector.shape_cast %exp3A_1004 : vector<32x128xf32> to vector<32x1x128xf32>
      %mul3A_1006 = vector.broadcast %broadcast_in_dim3A_1005 : vector<32x1x128xf32> to vector<32x8x128xf32>
      %mul3A_1007 = arith.mulf %reshape3A_1003, %mul3A_1006 : vector<32x8x128xf32>
      %add3A_1008 = vector.broadcast %add3A_994 : i32 to vector<32x128xi32>
      %add3A_1009 = arith.addi %add3A_23, %add3A_1008 : vector<32x128xi32>
      %lt3A_1010 = vector.broadcast %get3A_1 : vector<1x128xi32> to vector<32x128xi32>
      %lt3A_1011 = arith.cmpi slt, %add3A_1009, %lt3A_1010 : vector<32x128xi32>
      %broadcast_in_dim3A_1012 = vector.shape_cast %lt3A_1011 : vector<32x128xi1> to vector<32x1x128xi1>
      %broadcast_in_dim3A_1013 = vector.shape_cast %broadcast_in_dim3A_1012 : vector<32x1x128xi1> to vector<32x1x128xi1>
      %broadcast_in_dim3A_1014 = vector.broadcast %broadcast_in_dim3A_1013 : vector<32x1x128xi1> to vector<32x8x128xi1>
      %select_n3A_1015 = arith.select %broadcast_in_dim3A_1014, %mul3A_1007, %select_n3A_990 : vector<32x8x128xi1>, vector<32x8x128xf32>
      %mul3A_1016 = arith.constant 16 : i32
      %mul3A_1017 = arith.muli %scan3A_963, %mul3A_1016 : i32
      %add3A_1018 = arith.constant 2 : i32
      %add3A_1019 = arith.addi %mul3A_1017, %add3A_1018 : i32
      %get3A_1020 = arith.index_cast %add3A_1019 : i32 to index
      %get3A_1021 = arith.constant 0 : index
      %get3A_1022 = arith.constant 0 : index
      %get3A_1023 = vector.load %arg1[%get3A_1020, %get3A_1021, %get3A_1022] : memref<64x32x128xf32, #tpu.memory_space<vmem>>, vector<1x32x128xf32>
      %get3A_1024 = vector.shape_cast %get3A_1023 : vector<1x32x128xf32> to vector<32x128xf32>
      %reshape3A_1025 = vector.shape_cast %select_n3A_1015 : vector<32x8x128xf32> to vector<256x128xf32>
      %dot_general3A_1026 = arith.constant dense<0.000000e+00> : vector<256x128xf32>
      %dot_general3A_1027 = tpu.matmul %reshape3A_1025, %get3A_4, %dot_general3A_1026 {dimension_numbers = #tpu.dot_dimension_numbers<[1], [0], [0], [1], [0, 0, 1, 1], [], []>, transpose_lhs_hint = false} : vector<256x128xf32>, vector<128x128xf32>, vector<256x128xf32> -> vector<256x128xf32>
      %reshape3A_1028 = vector.shape_cast %dot_general3A_1027 : vector<256x128xf32> to vector<32x8x128xf32>
      %exp3A_1029 = math.exp %get3A_1024 : vector<32x128xf32>
      %broadcast_in_dim3A_1030 = vector.shape_cast %exp3A_1029 : vector<32x128xf32> to vector<32x1x128xf32>
      %mul3A_1031 = vector.broadcast %broadcast_in_dim3A_1030 : vector<32x1x128xf32> to vector<32x8x128xf32>
      %mul3A_1032 = arith.mulf %reshape3A_1028, %mul3A_1031 : vector<32x8x128xf32>
      %add3A_1033 = vector.broadcast %add3A_1019 : i32 to vector<32x128xi32>
      %add3A_1034 = arith.addi %add3A_23, %add3A_1033 : vector<32x128xi32>
      %lt3A_1035 = vector.broadcast %get3A_1 : vector<1x128xi32> to vector<32x128xi32>
      %lt3A_1036 = arith.cmpi slt, %add3A_1034, %lt3A_1035 : vector<32x128xi32>
      %broadcast_in_dim3A_1037 = vector.shape_cast %lt3A_1036 : vector<32x128xi1> to vector<32x1x128xi1>
      %broadcast_in_dim3A_1038 = vector.shape_cast %broadcast_in_dim3A_1037 : vector<32x1x128xi1> to vector<32x1x128xi1>
      %broadcast_in_dim3A_1039 = vector.broadcast %broadcast_in_dim3A_1038 : vector<32x1x128xi1> to vector<32x8x128xi1>
      %select_n3A_1040 = arith.select %broadcast_in_dim3A_1039, %mul3A_1032, %select_n3A_1015 : vector<32x8x128xi1>, vector<32x8x128xf32>
      %mul3A_1041 = arith.constant 16 : i32
      %mul3A_1042 = arith.muli %scan3A_963, %mul3A_1041 : i32
      %add3A_1043 = arith.constant 3 : i32
      %add3A_1044 = arith.addi %mul3A_1042, %add3A_1043 : i32
      %get3A_1045 = arith.index_cast %add3A_1044 : i32 to index
      %get3A_1046 = arith.constant 0 : index
      %get3A_1047 = arith.constant 0 : index
      %get3A_1048 = vector.load %arg1[%get3A_1045, %get3A_1046, %get3A_1047] : memref<64x32x128xf32, #tpu.memory_space<vmem>>, vector<1x32x128xf32>
      %get3A_1049 = vector.shape_cast %get3A_1048 : vector<1x32x128xf32> to vector<32x128xf32>
      %reshape3A_1050 = vector.shape_cast %select_n3A_1040 : vector<32x8x128xf32> to vector<256x128xf32>
      %dot_general3A_1051 = arith.constant dense<0.000000e+00> : vector<256x128xf32>
      %dot_general3A_1052 = tpu.matmul %reshape3A_1050, %get3A_4, %dot_general3A_1051 {dimension_numbers = #tpu.dot_dimension_numbers<[1], [0], [0], [1], [0, 0, 1, 1], [], []>, transpose_lhs_hint = false} : vector<256x128xf32>, vector<128x128xf32>, vector<256x128xf32> -> vector<256x128xf32>
      %reshape3A_1053 = vector.shape_cast %dot_general3A_1052 : vector<256x128xf32> to vector<32x8x128xf32>
      %exp3A_1054 = math.exp %get3A_1049 : vector<32x128xf32>
      %broadcast_in_dim3A_1055 = vector.shape_cast %exp3A_1054 : vector<32x128xf32> to vector<32x1x128xf32>
      %mul3A_1056 = vector.broadcast %broadcast_in_dim3A_1055 : vector<32x1x128xf32> to vector<32x8x128xf32>
      %mul3A_1057 = arith.mulf %reshape3A_1053, %mul3A_1056 : vector<32x8x128xf32>
      %add3A_1058 = vector.broadcast %add3A_1044 : i32 to vector<32x128xi32>
      %add3A_1059 = arith.addi %add3A_23, %add3A_1058 : vector<32x128xi32>
      %lt3A_1060 = vector.broadcast %get3A_1 : vector<1x128xi32> to vector<32x128xi32>
      %lt3A_1061 = arith.cmpi slt, %add3A_1059, %lt3A_1060 : vector<32x128xi32>
      %broadcast_in_dim3A_1062 = vector.shape_cast %lt3A_1061 : vector<32x128xi1> to vector<32x1x128xi1>
      %broadcast_in_dim3A_1063 = vector.shape_cast %broadcast_in_dim3A_1062 : vector<32x1x128xi1> to vector<32x1x128xi1>
      %broadcast_in_dim3A_1064 = vector.broadcast %broadcast_in_dim3A_1063 : vector<32x1x128xi1> to vector<32x8x128xi1>
      %select_n3A_1065 = arith.select %broadcast_in_dim3A_1064, %mul3A_1057, %select_n3A_1040 : vector<32x8x128xi1>, vector<32x8x128xf32>
      %mul3A_1066 = arith.constant 16 : i32
      %mul3A_1067 = arith.muli %scan3A_963, %mul3A_1066 : i32
      %add3A_1068 = arith.constant 4 : i32
      %add3A_1069 = arith.addi %mul3A_1067, %add3A_1068 : i32
      %get3A_1070 = arith.index_cast %add3A_1069 : i32 to index
      %get3A_1071 = arith.constant 0 : index
      %get3A_1072 = arith.constant 0 : index
      %get3A_1073 = vector.load %arg1[%get3A_1070, %get3A_1071, %get3A_1072] : memref<64x32x128xf32, #tpu.memory_space<vmem>>, vector<1x32x128xf32>
      %get3A_1074 = vector.shape_cast %get3A_1073 : vector<1x32x128xf32> to vector<32x128xf32>
      %reshape3A_1075 = vector.shape_cast %select_n3A_1065 : vector<32x8x128xf32> to vector<256x128xf32>
      %dot_general3A_1076 = arith.constant dense<0.000000e+00> : vector<256x128xf32>
      %dot_general3A_1077 = tpu.matmul %reshape3A_1075, %get3A_4, %dot_general3A_1076 {dimension_numbers = #tpu.dot_dimension_numbers<[1], [0], [0], [1], [0, 0, 1, 1], [], []>, transpose_lhs_hint = false} : vector<256x128xf32>, vector<128x128xf32>, vector<256x128xf32> -> vector<256x128xf32>
      %reshape3A_1078 = vector.shape_cast %dot_general3A_1077 : vector<256x128xf32> to vector<32x8x128xf32>
      %exp3A_1079 = math.exp %get3A_1074 : vector<32x128xf32>
      %broadcast_in_dim3A_1080 = vector.shape_cast %exp3A_1079 : vector<32x128xf32> to vector<32x1x128xf32>
      %mul3A_1081 = vector.broadcast %broadcast_in_dim3A_1080 : vector<32x1x128xf32> to vector<32x8x128xf32>
      %mul3A_1082 = arith.mulf %reshape3A_1078, %mul3A_1081 : vector<32x8x128xf32>
      %add3A_1083 = vector.broadcast %add3A_1069 : i32 to vector<32x128xi32>
      %add3A_1084 = arith.addi %add3A_23, %add3A_1083 : vector<32x128xi32>
      %lt3A_1085 = vector.broadcast %get3A_1 : vector<1x128xi32> to vector<32x128xi32>
      %lt3A_1086 = arith.cmpi slt, %add3A_1084, %lt3A_1085 : vector<32x128xi32>
      %broadcast_in_dim3A_1087 = vector.shape_cast %lt3A_1086 : vector<32x128xi1> to vector<32x1x128xi1>
      %broadcast_in_dim3A_1088 = vector.shape_cast %broadcast_in_dim3A_1087 : vector<32x1x128xi1> to vector<32x1x128xi1>
      %broadcast_in_dim3A_1089 = vector.broadcast %broadcast_in_dim3A_1088 : vector<32x1x128xi1> to vector<32x8x128xi1>
      %select_n3A_1090 = arith.select %broadcast_in_dim3A_1089, %mul3A_1082, %select_n3A_1065 : vector<32x8x128xi1>, vector<32x8x128xf32>
      %mul3A_1091 = arith.constant 16 : i32
      %mul3A_1092 = arith.muli %scan3A_963, %mul3A_1091 : i32
      %add3A_1093 = arith.constant 5 : i32
      %add3A_1094 = arith.addi %mul3A_1092, %add3A_1093 : i32
      %get3A_1095 = arith.index_cast %add3A_1094 : i32 to index
      %get3A_1096 = arith.constant 0 : index
      %get3A_1097 = arith.constant 0 : index
      %get3A_1098 = vector.load %arg1[%get3A_1095, %get3A_1096, %get3A_1097] : memref<64x32x128xf32, #tpu.memory_space<vmem>>, vector<1x32x128xf32>
      %get3A_1099 = vector.shape_cast %get3A_1098 : vector<1x32x128xf32> to vector<32x128xf32>
      %reshape3A_1100 = vector.shape_cast %select_n3A_1090 : vector<32x8x128xf32> to vector<256x128xf32>
      %dot_general3A_1101 = arith.constant dense<0.000000e+00> : vector<256x128xf32>
      %dot_general3A_1102 = tpu.matmul %reshape3A_1100, %get3A_4, %dot_general3A_1101 {dimension_numbers = #tpu.dot_dimension_numbers<[1], [0], [0], [1], [0, 0, 1, 1], [], []>, transpose_lhs_hint = false} : vector<256x128xf32>, vector<128x128xf32>, vector<256x128xf32> -> vector<256x128xf32>
      %reshape3A_1103 = vector.shape_cast %dot_general3A_1102 : vector<256x128xf32> to vector<32x8x128xf32>
      %exp3A_1104 = math.exp %get3A_1099 : vector<32x128xf32>
      %broadcast_in_dim3A_1105 = vector.shape_cast %exp3A_1104 : vector<32x128xf32> to vector<32x1x128xf32>
      %mul3A_1106 = vector.broadcast %broadcast_in_dim3A_1105 : vector<32x1x128xf32> to vector<32x8x128xf32>
      %mul3A_1107 = arith.mulf %reshape3A_1103, %mul3A_1106 : vector<32x8x128xf32>
      %add3A_1108 = vector.broadcast %add3A_1094 : i32 to vector<32x128xi32>
      %add3A_1109 = arith.addi %add3A_23, %add3A_1108 : vector<32x128xi32>
      %lt3A_1110 = vector.broadcast %get3A_1 : vector<1x128xi32> to vector<32x128xi32>
      %lt3A_1111 = arith.cmpi slt, %add3A_1109, %lt3A_1110 : vector<32x128xi32>
      %broadcast_in_dim3A_1112 = vector.shape_cast %lt3A_1111 : vector<32x128xi1> to vector<32x1x128xi1>
      %broadcast_in_dim3A_1113 = vector.shape_cast %broadcast_in_dim3A_1112 : vector<32x1x128xi1> to vector<32x1x128xi1>
      %broadcast_in_dim3A_1114 = vector.broadcast %broadcast_in_dim3A_1113 : vector<32x1x128xi1> to vector<32x8x128xi1>
      %select_n3A_1115 = arith.select %broadcast_in_dim3A_1114, %mul3A_1107, %select_n3A_1090 : vector<32x8x128xi1>, vector<32x8x128xf32>
      %mul3A_1116 = arith.constant 16 : i32
      %mul3A_1117 = arith.muli %scan3A_963, %mul3A_1116 : i32
      %add3A_1118 = arith.constant 6 : i32
      %add3A_1119 = arith.addi %mul3A_1117, %add3A_1118 : i32
      %get3A_1120 = arith.index_cast %add3A_1119 : i32 to index
      %get3A_1121 = arith.constant 0 : index
      %get3A_1122 = arith.constant 0 : index
      %get3A_1123 = vector.load %arg1[%get3A_1120, %get3A_1121, %get3A_1122] : memref<64x32x128xf32, #tpu.memory_space<vmem>>, vector<1x32x128xf32>
      %get3A_1124 = vector.shape_cast %get3A_1123 : vector<1x32x128xf32> to vector<32x128xf32>
      %reshape3A_1125 = vector.shape_cast %select_n3A_1115 : vector<32x8x128xf32> to vector<256x128xf32>
      %dot_general3A_1126 = arith.constant dense<0.000000e+00> : vector<256x128xf32>
      %dot_general3A_1127 = tpu.matmul %reshape3A_1125, %get3A_4, %dot_general3A_1126 {dimension_numbers = #tpu.dot_dimension_numbers<[1], [0], [0], [1], [0, 0, 1, 1], [], []>, transpose_lhs_hint = false} : vector<256x128xf32>, vector<128x128xf32>, vector<256x128xf32> -> vector<256x128xf32>
      %reshape3A_1128 = vector.shape_cast %dot_general3A_1127 : vector<256x128xf32> to vector<32x8x128xf32>
      %exp3A_1129 = math.exp %get3A_1124 : vector<32x128xf32>
      %broadcast_in_dim3A_1130 = vector.shape_cast %exp3A_1129 : vector<32x128xf32> to vector<32x1x128xf32>
      %mul3A_1131 = vector.broadcast %broadcast_in_dim3A_1130 : vector<32x1x128xf32> to vector<32x8x128xf32>
      %mul3A_1132 = arith.mulf %reshape3A_1128, %mul3A_1131 : vector<32x8x128xf32>
      %add3A_1133 = vector.broadcast %add3A_1119 : i32 to vector<32x128xi32>
      %add3A_1134 = arith.addi %add3A_23, %add3A_1133 : vector<32x128xi32>
      %lt3A_1135 = vector.broadcast %get3A_1 : vector<1x128xi32> to vector<32x128xi32>
      %lt3A_1136 = arith.cmpi slt, %add3A_1134, %lt3A_1135 : vector<32x128xi32>
      %broadcast_in_dim3A_1137 = vector.shape_cast %lt3A_1136 : vector<32x128xi1> to vector<32x1x128xi1>
      %broadcast_in_dim3A_1138 = vector.shape_cast %broadcast_in_dim3A_1137 : vector<32x1x128xi1> to vector<32x1x128xi1>
      %broadcast_in_dim3A_1139 = vector.broadcast %broadcast_in_dim3A_1138 : vector<32x1x128xi1> to vector<32x8x128xi1>
      %select_n3A_1140 = arith.select %broadcast_in_dim3A_1139, %mul3A_1132, %select_n3A_1115 : vector<32x8x128xi1>, vector<32x8x128xf32>
      %mul3A_1141 = arith.constant 16 : i32
      %mul3A_1142 = arith.muli %scan3A_963, %mul3A_1141 : i32
      %add3A_1143 = arith.constant 7 : i32
      %add3A_1144 = arith.addi %mul3A_1142, %add3A_1143 : i32
      %get3A_1145 = arith.index_cast %add3A_1144 : i32 to index
      %get3A_1146 = arith.constant 0 : index
      %get3A_1147 = arith.constant 0 : index
      %get3A_1148 = vector.load %arg1[%get3A_1145, %get3A_1146, %get3A_1147] : memref<64x32x128xf32, #tpu.memory_space<vmem>>, vector<1x32x128xf32>
      %get3A_1149 = vector.shape_cast %get3A_1148 : vector<1x32x128xf32> to vector<32x128xf32>
      %reshape3A_1150 = vector.shape_cast %select_n3A_1140 : vector<32x8x128xf32> to vector<256x128xf32>
      %dot_general3A_1151 = arith.constant dense<0.000000e+00> : vector<256x128xf32>
      %dot_general3A_1152 = tpu.matmul %reshape3A_1150, %get3A_4, %dot_general3A_1151 {dimension_numbers = #tpu.dot_dimension_numbers<[1], [0], [0], [1], [0, 0, 1, 1], [], []>, transpose_lhs_hint = false} : vector<256x128xf32>, vector<128x128xf32>, vector<256x128xf32> -> vector<256x128xf32>
      %reshape3A_1153 = vector.shape_cast %dot_general3A_1152 : vector<256x128xf32> to vector<32x8x128xf32>
      %exp3A_1154 = math.exp %get3A_1149 : vector<32x128xf32>
      %broadcast_in_dim3A_1155 = vector.shape_cast %exp3A_1154 : vector<32x128xf32> to vector<32x1x128xf32>
      %mul3A_1156 = vector.broadcast %broadcast_in_dim3A_1155 : vector<32x1x128xf32> to vector<32x8x128xf32>
      %mul3A_1157 = arith.mulf %reshape3A_1153, %mul3A_1156 : vector<32x8x128xf32>
      %add3A_1158 = vector.broadcast %add3A_1144 : i32 to vector<32x128xi32>
      %add3A_1159 = arith.addi %add3A_23, %add3A_1158 : vector<32x128xi32>
      %lt3A_1160 = vector.broadcast %get3A_1 : vector<1x128xi32> to vector<32x128xi32>
      %lt3A_1161 = arith.cmpi slt, %add3A_1159, %lt3A_1160 : vector<32x128xi32>
      %broadcast_in_dim3A_1162 = vector.shape_cast %lt3A_1161 : vector<32x128xi1> to vector<32x1x128xi1>
      %broadcast_in_dim3A_1163 = vector.shape_cast %broadcast_in_dim3A_1162 : vector<32x1x128xi1> to vector<32x1x128xi1>
      %broadcast_in_dim3A_1164 = vector.broadcast %broadcast_in_dim3A_1163 : vector<32x1x128xi1> to vector<32x8x128xi1>
      %select_n3A_1165 = arith.select %broadcast_in_dim3A_1164, %mul3A_1157, %select_n3A_1140 : vector<32x8x128xi1>, vector<32x8x128xf32>
      %mul3A_1166 = arith.constant 16 : i32
      %mul3A_1167 = arith.muli %scan3A_963, %mul3A_1166 : i32
      %add3A_1168 = arith.constant 8 : i32
      %add3A_1169 = arith.addi %mul3A_1167, %add3A_1168 : i32
      %get3A_1170 = arith.index_cast %add3A_1169 : i32 to index
      %get3A_1171 = arith.constant 0 : index
      %get3A_1172 = arith.constant 0 : index
      %get3A_1173 = vector.load %arg1[%get3A_1170, %get3A_1171, %get3A_1172] : memref<64x32x128xf32, #tpu.memory_space<vmem>>, vector<1x32x128xf32>
      %get3A_1174 = vector.shape_cast %get3A_1173 : vector<1x32x128xf32> to vector<32x128xf32>
      %reshape3A_1175 = vector.shape_cast %select_n3A_1165 : vector<32x8x128xf32> to vector<256x128xf32>
      %dot_general3A_1176 = arith.constant dense<0.000000e+00> : vector<256x128xf32>
      %dot_general3A_1177 = tpu.matmul %reshape3A_1175, %get3A_4, %dot_general3A_1176 {dimension_numbers = #tpu.dot_dimension_numbers<[1], [0], [0], [1], [0, 0, 1, 1], [], []>, transpose_lhs_hint = false} : vector<256x128xf32>, vector<128x128xf32>, vector<256x128xf32> -> vector<256x128xf32>
      %reshape3A_1178 = vector.shape_cast %dot_general3A_1177 : vector<256x128xf32> to vector<32x8x128xf32>
      %exp3A_1179 = math.exp %get3A_1174 : vector<32x128xf32>
      %broadcast_in_dim3A_1180 = vector.shape_cast %exp3A_1179 : vector<32x128xf32> to vector<32x1x128xf32>
      %mul3A_1181 = vector.broadcast %broadcast_in_dim3A_1180 : vector<32x1x128xf32> to vector<32x8x128xf32>
      %mul3A_1182 = arith.mulf %reshape3A_1178, %mul3A_1181 : vector<32x8x128xf32>
      %add3A_1183 = vector.broadcast %add3A_1169 : i32 to vector<32x128xi32>
      %add3A_1184 = arith.addi %add3A_23, %add3A_1183 : vector<32x128xi32>
      %lt3A_1185 = vector.broadcast %get3A_1 : vector<1x128xi32> to vector<32x128xi32>
      %lt3A_1186 = arith.cmpi slt, %add3A_1184, %lt3A_1185 : vector<32x128xi32>
      %broadcast_in_dim3A_1187 = vector.shape_cast %lt3A_1186 : vector<32x128xi1> to vector<32x1x128xi1>
      %broadcast_in_dim3A_1188 = vector.shape_cast %broadcast_in_dim3A_1187 : vector<32x1x128xi1> to vector<32x1x128xi1>
      %broadcast_in_dim3A_1189 = vector.broadcast %broadcast_in_dim3A_1188 : vector<32x1x128xi1> to vector<32x8x128xi1>
      %select_n3A_1190 = arith.select %broadcast_in_dim3A_1189, %mul3A_1182, %select_n3A_1165 : vector<32x8x128xi1>, vector<32x8x128xf32>
      %mul3A_1191 = arith.constant 16 : i32
      %mul3A_1192 = arith.muli %scan3A_963, %mul3A_1191 : i32
      %add3A_1193 = arith.constant 9 : i32
      %add3A_1194 = arith.addi %mul3A_1192, %add3A_1193 : i32
      %get3A_1195 = arith.index_cast %add3A_1194 : i32 to index
      %get3A_1196 = arith.constant 0 : index
      %get3A_1197 = arith.constant 0 : index
      %get3A_1198 = vector.load %arg1[%get3A_1195, %get3A_1196, %get3A_1197] : memref<64x32x128xf32, #tpu.memory_space<vmem>>, vector<1x32x128xf32>
      %get3A_1199 = vector.shape_cast %get3A_1198 : vector<1x32x128xf32> to vector<32x128xf32>
      %reshape3A_1200 = vector.shape_cast %select_n3A_1190 : vector<32x8x128xf32> to vector<256x128xf32>
      %dot_general3A_1201 = arith.constant dense<0.000000e+00> : vector<256x128xf32>
      %dot_general3A_1202 = tpu.matmul %reshape3A_1200, %get3A_4, %dot_general3A_1201 {dimension_numbers = #tpu.dot_dimension_numbers<[1], [0], [0], [1], [0, 0, 1, 1], [], []>, transpose_lhs_hint = false} : vector<256x128xf32>, vector<128x128xf32>, vector<256x128xf32> -> vector<256x128xf32>
      %reshape3A_1203 = vector.shape_cast %dot_general3A_1202 : vector<256x128xf32> to vector<32x8x128xf32>
      %exp3A_1204 = math.exp %get3A_1199 : vector<32x128xf32>
      %broadcast_in_dim3A_1205 = vector.shape_cast %exp3A_1204 : vector<32x128xf32> to vector<32x1x128xf32>
      %mul3A_1206 = vector.broadcast %broadcast_in_dim3A_1205 : vector<32x1x128xf32> to vector<32x8x128xf32>
      %mul3A_1207 = arith.mulf %reshape3A_1203, %mul3A_1206 : vector<32x8x128xf32>
      %add3A_1208 = vector.broadcast %add3A_1194 : i32 to vector<32x128xi32>
      %add3A_1209 = arith.addi %add3A_23, %add3A_1208 : vector<32x128xi32>
      %lt3A_1210 = vector.broadcast %get3A_1 : vector<1x128xi32> to vector<32x128xi32>
      %lt3A_1211 = arith.cmpi slt, %add3A_1209, %lt3A_1210 : vector<32x128xi32>
      %broadcast_in_dim3A_1212 = vector.shape_cast %lt3A_1211 : vector<32x128xi1> to vector<32x1x128xi1>
      %broadcast_in_dim3A_1213 = vector.shape_cast %broadcast_in_dim3A_1212 : vector<32x1x128xi1> to vector<32x1x128xi1>
      %broadcast_in_dim3A_1214 = vector.broadcast %broadcast_in_dim3A_1213 : vector<32x1x128xi1> to vector<32x8x128xi1>
      %select_n3A_1215 = arith.select %broadcast_in_dim3A_1214, %mul3A_1207, %select_n3A_1190 : vector<32x8x128xi1>, vector<32x8x128xf32>
      %mul3A_1216 = arith.constant 16 : i32
      %mul3A_1217 = arith.muli %scan3A_963, %mul3A_1216 : i32
      %add3A_1218 = arith.constant 10 : i32
      %add3A_1219 = arith.addi %mul3A_1217, %add3A_1218 : i32
      %get3A_1220 = arith.index_cast %add3A_1219 : i32 to index
      %get3A_1221 = arith.constant 0 : index
      %get3A_1222 = arith.constant 0 : index
      %get3A_1223 = vector.load %arg1[%get3A_1220, %get3A_1221, %get3A_1222] : memref<64x32x128xf32, #tpu.memory_space<vmem>>, vector<1x32x128xf32>
      %get3A_1224 = vector.shape_cast %get3A_1223 : vector<1x32x128xf32> to vector<32x128xf32>
      %reshape3A_1225 = vector.shape_cast %select_n3A_1215 : vector<32x8x128xf32> to vector<256x128xf32>
      %dot_general3A_1226 = arith.constant dense<0.000000e+00> : vector<256x128xf32>
      %dot_general3A_1227 = tpu.matmul %reshape3A_1225, %get3A_4, %dot_general3A_1226 {dimension_numbers = #tpu.dot_dimension_numbers<[1], [0], [0], [1], [0, 0, 1, 1], [], []>, transpose_lhs_hint = false} : vector<256x128xf32>, vector<128x128xf32>, vector<256x128xf32> -> vector<256x128xf32>
      %reshape3A_1228 = vector.shape_cast %dot_general3A_1227 : vector<256x128xf32> to vector<32x8x128xf32>
      %exp3A_1229 = math.exp %get3A_1224 : vector<32x128xf32>
      %broadcast_in_dim3A_1230 = vector.shape_cast %exp3A_1229 : vector<32x128xf32> to vector<32x1x128xf32>
      %mul3A_1231 = vector.broadcast %broadcast_in_dim3A_1230 : vector<32x1x128xf32> to vector<32x8x128xf32>
      %mul3A_1232 = arith.mulf %reshape3A_1228, %mul3A_1231 : vector<32x8x128xf32>
      %add3A_1233 = vector.broadcast %add3A_1219 : i32 to vector<32x128xi32>
      %add3A_1234 = arith.addi %add3A_23, %add3A_1233 : vector<32x128xi32>
      %lt3A_1235 = vector.broadcast %get3A_1 : vector<1x128xi32> to vector<32x128xi32>
      %lt3A_1236 = arith.cmpi slt, %add3A_1234, %lt3A_1235 : vector<32x128xi32>
      %broadcast_in_dim3A_1237 = vector.shape_cast %lt3A_1236 : vector<32x128xi1> to vector<32x1x128xi1>
      %broadcast_in_dim3A_1238 = vector.shape_cast %broadcast_in_dim3A_1237 : vector<32x1x128xi1> to vector<32x1x128xi1>
      %broadcast_in_dim3A_1239 = vector.broadcast %broadcast_in_dim3A_1238 : vector<32x1x128xi1> to vector<32x8x128xi1>
      %select_n3A_1240 = arith.select %broadcast_in_dim3A_1239, %mul3A_1232, %select_n3A_1215 : vector<32x8x128xi1>, vector<32x8x128xf32>
      %mul3A_1241 = arith.constant 16 : i32
      %mul3A_1242 = arith.muli %scan3A_963, %mul3A_1241 : i32
      %add3A_1243 = arith.constant 11 : i32
      %add3A_1244 = arith.addi %mul3A_1242, %add3A_1243 : i32
      %get3A_1245 = arith.index_cast %add3A_1244 : i32 to index
      %get3A_1246 = arith.constant 0 : index
      %get3A_1247 = arith.constant 0 : index
      %get3A_1248 = vector.load %arg1[%get3A_1245, %get3A_1246, %get3A_1247] : memref<64x32x128xf32, #tpu.memory_space<vmem>>, vector<1x32x128xf32>
      %get3A_1249 = vector.shape_cast %get3A_1248 : vector<1x32x128xf32> to vector<32x128xf32>
      %reshape3A_1250 = vector.shape_cast %select_n3A_1240 : vector<32x8x128xf32> to vector<256x128xf32>
      %dot_general3A_1251 = arith.constant dense<0.000000e+00> : vector<256x128xf32>
      %dot_general3A_1252 = tpu.matmul %reshape3A_1250, %get3A_4, %dot_general3A_1251 {dimension_numbers = #tpu.dot_dimension_numbers<[1], [0], [0], [1], [0, 0, 1, 1], [], []>, transpose_lhs_hint = false} : vector<256x128xf32>, vector<128x128xf32>, vector<256x128xf32> -> vector<256x128xf32>
      %reshape3A_1253 = vector.shape_cast %dot_general3A_1252 : vector<256x128xf32> to vector<32x8x128xf32>
      %exp3A_1254 = math.exp %get3A_1249 : vector<32x128xf32>
      %broadcast_in_dim3A_1255 = vector.shape_cast %exp3A_1254 : vector<32x128xf32> to vector<32x1x128xf32>
      %mul3A_1256 = vector.broadcast %broadcast_in_dim3A_1255 : vector<32x1x128xf32> to vector<32x8x128xf32>
      %mul3A_1257 = arith.mulf %reshape3A_1253, %mul3A_1256 : vector<32x8x128xf32>
      %add3A_1258 = vector.broadcast %add3A_1244 : i32 to vector<32x128xi32>
      %add3A_1259 = arith.addi %add3A_23, %add3A_1258 : vector<32x128xi32>
      %lt3A_1260 = vector.broadcast %get3A_1 : vector<1x128xi32> to vector<32x128xi32>
      %lt3A_1261 = arith.cmpi slt, %add3A_1259, %lt3A_1260 : vector<32x128xi32>
      %broadcast_in_dim3A_1262 = vector.shape_cast %lt3A_1261 : vector<32x128xi1> to vector<32x1x128xi1>
      %broadcast_in_dim3A_1263 = vector.shape_cast %broadcast_in_dim3A_1262 : vector<32x1x128xi1> to vector<32x1x128xi1>
      %broadcast_in_dim3A_1264 = vector.broadcast %broadcast_in_dim3A_1263 : vector<32x1x128xi1> to vector<32x8x128xi1>
      %select_n3A_1265 = arith.select %broadcast_in_dim3A_1264, %mul3A_1257, %select_n3A_1240 : vector<32x8x128xi1>, vector<32x8x128xf32>
      %mul3A_1266 = arith.constant 16 : i32
      %mul3A_1267 = arith.muli %scan3A_963, %mul3A_1266 : i32
      %add3A_1268 = arith.constant 12 : i32
      %add3A_1269 = arith.addi %mul3A_1267, %add3A_1268 : i32
      %get3A_1270 = arith.index_cast %add3A_1269 : i32 to index
      %get3A_1271 = arith.constant 0 : index
      %get3A_1272 = arith.constant 0 : index
      %get3A_1273 = vector.load %arg1[%get3A_1270, %get3A_1271, %get3A_1272] : memref<64x32x128xf32, #tpu.memory_space<vmem>>, vector<1x32x128xf32>
      %get3A_1274 = vector.shape_cast %get3A_1273 : vector<1x32x128xf32> to vector<32x128xf32>
      %reshape3A_1275 = vector.shape_cast %select_n3A_1265 : vector<32x8x128xf32> to vector<256x128xf32>
      %dot_general3A_1276 = arith.constant dense<0.000000e+00> : vector<256x128xf32>
      %dot_general3A_1277 = tpu.matmul %reshape3A_1275, %get3A_4, %dot_general3A_1276 {dimension_numbers = #tpu.dot_dimension_numbers<[1], [0], [0], [1], [0, 0, 1, 1], [], []>, transpose_lhs_hint = false} : vector<256x128xf32>, vector<128x128xf32>, vector<256x128xf32> -> vector<256x128xf32>
      %reshape3A_1278 = vector.shape_cast %dot_general3A_1277 : vector<256x128xf32> to vector<32x8x128xf32>
      %exp3A_1279 = math.exp %get3A_1274 : vector<32x128xf32>
      %broadcast_in_dim3A_1280 = vector.shape_cast %exp3A_1279 : vector<32x128xf32> to vector<32x1x128xf32>
      %mul3A_1281 = vector.broadcast %broadcast_in_dim3A_1280 : vector<32x1x128xf32> to vector<32x8x128xf32>
      %mul3A_1282 = arith.mulf %reshape3A_1278, %mul3A_1281 : vector<32x8x128xf32>
      %add3A_1283 = vector.broadcast %add3A_1269 : i32 to vector<32x128xi32>
      %add3A_1284 = arith.addi %add3A_23, %add3A_1283 : vector<32x128xi32>
      %lt3A_1285 = vector.broadcast %get3A_1 : vector<1x128xi32> to vector<32x128xi32>
      %lt3A_1286 = arith.cmpi slt, %add3A_1284, %lt3A_1285 : vector<32x128xi32>
      %broadcast_in_dim3A_1287 = vector.shape_cast %lt3A_1286 : vector<32x128xi1> to vector<32x1x128xi1>
      %broadcast_in_dim3A_1288 = vector.shape_cast %broadcast_in_dim3A_1287 : vector<32x1x128xi1> to vector<32x1x128xi1>
      %broadcast_in_dim3A_1289 = vector.broadcast %broadcast_in_dim3A_1288 : vector<32x1x128xi1> to vector<32x8x128xi1>
      %select_n3A_1290 = arith.select %broadcast_in_dim3A_1289, %mul3A_1282, %select_n3A_1265 : vector<32x8x128xi1>, vector<32x8x128xf32>
      %mul3A_1291 = arith.constant 16 : i32
      %mul3A_1292 = arith.muli %scan3A_963, %mul3A_1291 : i32
      %add3A_1293 = arith.constant 13 : i32
      %add3A_1294 = arith.addi %mul3A_1292, %add3A_1293 : i32
      %get3A_1295 = arith.index_cast %add3A_1294 : i32 to index
      %get3A_1296 = arith.constant 0 : index
      %get3A_1297 = arith.constant 0 : index
      %get3A_1298 = vector.load %arg1[%get3A_1295, %get3A_1296, %get3A_1297] : memref<64x32x128xf32, #tpu.memory_space<vmem>>, vector<1x32x128xf32>
      %get3A_1299 = vector.shape_cast %get3A_1298 : vector<1x32x128xf32> to vector<32x128xf32>
      %reshape3A_1300 = vector.shape_cast %select_n3A_1290 : vector<32x8x128xf32> to vector<256x128xf32>
      %dot_general3A_1301 = arith.constant dense<0.000000e+00> : vector<256x128xf32>
      %dot_general3A_1302 = tpu.matmul %reshape3A_1300, %get3A_4, %dot_general3A_1301 {dimension_numbers = #tpu.dot_dimension_numbers<[1], [0], [0], [1], [0, 0, 1, 1], [], []>, transpose_lhs_hint = false} : vector<256x128xf32>, vector<128x128xf32>, vector<256x128xf32> -> vector<256x128xf32>
      %reshape3A_1303 = vector.shape_cast %dot_general3A_1302 : vector<256x128xf32> to vector<32x8x128xf32>
      %exp3A_1304 = math.exp %get3A_1299 : vector<32x128xf32>
      %broadcast_in_dim3A_1305 = vector.shape_cast %exp3A_1304 : vector<32x128xf32> to vector<32x1x128xf32>
      %mul3A_1306 = vector.broadcast %broadcast_in_dim3A_1305 : vector<32x1x128xf32> to vector<32x8x128xf32>
      %mul3A_1307 = arith.mulf %reshape3A_1303, %mul3A_1306 : vector<32x8x128xf32>
      %add3A_1308 = vector.broadcast %add3A_1294 : i32 to vector<32x128xi32>
      %add3A_1309 = arith.addi %add3A_23, %add3A_1308 : vector<32x128xi32>
      %lt3A_1310 = vector.broadcast %get3A_1 : vector<1x128xi32> to vector<32x128xi32>
      %lt3A_1311 = arith.cmpi slt, %add3A_1309, %lt3A_1310 : vector<32x128xi32>
      %broadcast_in_dim3A_1312 = vector.shape_cast %lt3A_1311 : vector<32x128xi1> to vector<32x1x128xi1>
      %broadcast_in_dim3A_1313 = vector.shape_cast %broadcast_in_dim3A_1312 : vector<32x1x128xi1> to vector<32x1x128xi1>
      %broadcast_in_dim3A_1314 = vector.broadcast %broadcast_in_dim3A_1313 : vector<32x1x128xi1> to vector<32x8x128xi1>
      %select_n3A_1315 = arith.select %broadcast_in_dim3A_1314, %mul3A_1307, %select_n3A_1290 : vector<32x8x128xi1>, vector<32x8x128xf32>
      %mul3A_1316 = arith.constant 16 : i32
      %mul3A_1317 = arith.muli %scan3A_963, %mul3A_1316 : i32
      %add3A_1318 = arith.constant 14 : i32
      %add3A_1319 = arith.addi %mul3A_1317, %add3A_1318 : i32
      %get3A_1320 = arith.index_cast %add3A_1319 : i32 to index
      %get3A_1321 = arith.constant 0 : index
      %get3A_1322 = arith.constant 0 : index
      %get3A_1323 = vector.load %arg1[%get3A_1320, %get3A_1321, %get3A_1322] : memref<64x32x128xf32, #tpu.memory_space<vmem>>, vector<1x32x128xf32>
      %get3A_1324 = vector.shape_cast %get3A_1323 : vector<1x32x128xf32> to vector<32x128xf32>
      %reshape3A_1325 = vector.shape_cast %select_n3A_1315 : vector<32x8x128xf32> to vector<256x128xf32>
      %dot_general3A_1326 = arith.constant dense<0.000000e+00> : vector<256x128xf32>
      %dot_general3A_1327 = tpu.matmul %reshape3A_1325, %get3A_4, %dot_general3A_1326 {dimension_numbers = #tpu.dot_dimension_numbers<[1], [0], [0], [1], [0, 0, 1, 1], [], []>, transpose_lhs_hint = false} : vector<256x128xf32>, vector<128x128xf32>, vector<256x128xf32> -> vector<256x128xf32>
      %reshape3A_1328 = vector.shape_cast %dot_general3A_1327 : vector<256x128xf32> to vector<32x8x128xf32>
      %exp3A_1329 = math.exp %get3A_1324 : vector<32x128xf32>
      %broadcast_in_dim3A_1330 = vector.shape_cast %exp3A_1329 : vector<32x128xf32> to vector<32x1x128xf32>
      %mul3A_1331 = vector.broadcast %broadcast_in_dim3A_1330 : vector<32x1x128xf32> to vector<32x8x128xf32>
      %mul3A_1332 = arith.mulf %reshape3A_1328, %mul3A_1331 : vector<32x8x128xf32>
      %add3A_1333 = vector.broadcast %add3A_1319 : i32 to vector<32x128xi32>
      %add3A_1334 = arith.addi %add3A_23, %add3A_1333 : vector<32x128xi32>
      %lt3A_1335 = vector.broadcast %get3A_1 : vector<1x128xi32> to vector<32x128xi32>
      %lt3A_1336 = arith.cmpi slt, %add3A_1334, %lt3A_1335 : vector<32x128xi32>
      %broadcast_in_dim3A_1337 = vector.shape_cast %lt3A_1336 : vector<32x128xi1> to vector<32x1x128xi1>
      %broadcast_in_dim3A_1338 = vector.shape_cast %broadcast_in_dim3A_1337 : vector<32x1x128xi1> to vector<32x1x128xi1>
      %broadcast_in_dim3A_1339 = vector.broadcast %broadcast_in_dim3A_1338 : vector<32x1x128xi1> to vector<32x8x128xi1>
      %select_n3A_1340 = arith.select %broadcast_in_dim3A_1339, %mul3A_1332, %select_n3A_1315 : vector<32x8x128xi1>, vector<32x8x128xf32>
      %mul3A_1341 = arith.constant 16 : i32
      %mul3A_1342 = arith.muli %scan3A_963, %mul3A_1341 : i32
      %add3A_1343 = arith.constant 15 : i32
      %add3A_1344 = arith.addi %mul3A_1342, %add3A_1343 : i32
      %get3A_1345 = arith.index_cast %add3A_1344 : i32 to index
      %get3A_1346 = arith.constant 0 : index
      %get3A_1347 = arith.constant 0 : index
      %get3A_1348 = vector.load %arg1[%get3A_1345, %get3A_1346, %get3A_1347] : memref<64x32x128xf32, #tpu.memory_space<vmem>>, vector<1x32x128xf32>
      %get3A_1349 = vector.shape_cast %get3A_1348 : vector<1x32x128xf32> to vector<32x128xf32>
      %reshape3A_1350 = vector.shape_cast %select_n3A_1340 : vector<32x8x128xf32> to vector<256x128xf32>
      %dot_general3A_1351 = arith.constant dense<0.000000e+00> : vector<256x128xf32>
      %dot_general3A_1352 = tpu.matmul %reshape3A_1350, %get3A_4, %dot_general3A_1351 {dimension_numbers = #tpu.dot_dimension_numbers<[1], [0], [0], [1], [0, 0, 1, 1], [], []>, transpose_lhs_hint = false} : vector<256x128xf32>, vector<128x128xf32>, vector<256x128xf32> -> vector<256x128xf32>
      %reshape3A_1353 = vector.shape_cast %dot_general3A_1352 : vector<256x128xf32> to vector<32x8x128xf32>
      %exp3A_1354 = math.exp %get3A_1349 : vector<32x128xf32>
      %broadcast_in_dim3A_1355 = vector.shape_cast %exp3A_1354 : vector<32x128xf32> to vector<32x1x128xf32>
      %mul3A_1356 = vector.broadcast %broadcast_in_dim3A_1355 : vector<32x1x128xf32> to vector<32x8x128xf32>
      %mul3A_1357 = arith.mulf %reshape3A_1353, %mul3A_1356 : vector<32x8x128xf32>
      %add3A_1358 = vector.broadcast %add3A_1344 : i32 to vector<32x128xi32>
      %add3A_1359 = arith.addi %add3A_23, %add3A_1358 : vector<32x128xi32>
      %lt3A_1360 = vector.broadcast %get3A_1 : vector<1x128xi32> to vector<32x128xi32>
      %lt3A_1361 = arith.cmpi slt, %add3A_1359, %lt3A_1360 : vector<32x128xi32>
      %broadcast_in_dim3A_1362 = vector.shape_cast %lt3A_1361 : vector<32x128xi1> to vector<32x1x128xi1>
      %broadcast_in_dim3A_1363 = vector.shape_cast %broadcast_in_dim3A_1362 : vector<32x1x128xi1> to vector<32x1x128xi1>
      %broadcast_in_dim3A_1364 = vector.broadcast %broadcast_in_dim3A_1363 : vector<32x1x128xi1> to vector<32x8x128xi1>
      %select_n3A_1365 = arith.select %broadcast_in_dim3A_1364, %mul3A_1357, %select_n3A_1340 : vector<32x8x128xi1>, vector<32x8x128xf32>
      %reduce_sum3A_1366 = arith.constant dense<0.000000e+00> : vector<32x128xf32>
      %reduce_sum3A_1367 = vector.multi_reduction <add>, %select_n3A_1365, %reduce_sum3A_1366 [1] : vector<32x8x128xf32> to vector<32x128xf32>
      %dot_general3A_1368 = arith.constant dense<0.000000e+00> : vector<32x128xf32>
      %dot_general3A_1369 = tpu.matmul %reduce_sum3A_1367, %get3A_7, %dot_general3A_1368 {dimension_numbers = #tpu.dot_dimension_numbers<[1], [0], [0], [1], [0, 0, 1, 1], [], []>, transpose_lhs_hint = false} : vector<32x128xf32>, vector<128x128xf32>, vector<32x128xf32> -> vector<32x128xf32>
      %broadcast_in_dim3A_1370 = vector.shape_cast %dot_general3A_1369 : vector<32x128xf32> to vector<32x1x128xf32>
      %div3A_1371 = vector.broadcast %broadcast_in_dim3A_1370 : vector<32x1x128xf32> to vector<32x8x128xf32>
      %div3A_1372 = arith.divf %select_n3A_1365, %div3A_1371 : vector<32x8x128xf32>
      %log3A_1373 = math.log %dot_general3A_1369 : vector<32x128xf32>
      %add3A_1374 = arith.addf %scan3A_965, %log3A_1373 : vector<32x128xf32>
      scf.yield %div3A_1372, %add3A_1374 : vector<32x8x128xf32>, vector<32x128xf32>
    }
    %scan3A_28 = arith.constant 4 : i32
    %get3A_29 = arith.constant 0 : index
    %get3A_30 = arith.constant 0 : index
    %get3A_31 = vector.load %arg0[%get3A_29, %get3A_30] : memref<2048x128xf32, #tpu.memory_space<vmem>>, vector<1x128xf32>
    %add3A_32 = arith.addf %get3A_31, %get3A_10 : vector<1x128xf32>
    %exp3A = math.exp %add3A_32 : vector<1x128xf32>
    %broadcast_in_dim3A_33 = arith.constant 0.000000e+00 : f32
    %broadcast_in_dim3A_34 = vector.broadcast %broadcast_in_dim3A_33 : f32 to vector<1x128xf32>
    %slice3A = vector.extract_strided_slice %scan3A_27#0 {offsets = [0, 0, 0], sizes = [1, 8, 128], strides = [1, 1, 1]} : vector<32x8x128xf32> to vector<1x8x128xf32>
    %squeeze3A = vector.shape_cast %slice3A : vector<1x8x128xf32> to vector<8x128xf32>
    %broadcast_in_dim3A_35 = vector.shape_cast %squeeze3A : vector<8x128xf32> to vector<1x8x128xf32>
    %broadcast_in_dim3A_36 = vector.shape_cast %broadcast_in_dim3A_35 : vector<1x8x128xf32> to vector<1x8x128xf32>
    %broadcast_in_dim3A_37 = vector.broadcast %broadcast_in_dim3A_36 : vector<1x8x128xf32> to vector<16x8x128xf32>
    %reshape3A = vector.shape_cast %broadcast_in_dim3A_37 : vector<16x8x128xf32> to vector<128x128xf32>
    %mul3A_38 = arith.mulf %reshape3A, %get3A_7 : vector<128x128xf32>
    %dot_general3A = arith.constant dense<0.000000e+00> : vector<1x128xf32>
    %dot_general3A_39 = tpu.matmul %exp3A, %mul3A_38, %dot_general3A {dimension_numbers = #tpu.dot_dimension_numbers<[1], [0], [0], [1], [0, 0, 1, 1], [], []>, transpose_lhs_hint = false} : vector<1x128xf32>, vector<128x128xf32>, vector<1x128xf32> -> vector<1x128xf32>
    %dot_general3A_40 = arith.constant dense<0.000000e+00> : vector<1x128xf32>
    %dot_general3A_41 = tpu.matmul %dot_general3A_39, %get3A_7, %dot_general3A_40 {dimension_numbers = #tpu.dot_dimension_numbers<[1], [0], [0], [1], [0, 0, 1, 1], [], []>, transpose_lhs_hint = false} : vector<1x128xf32>, vector<128x128xf32>, vector<1x128xf32> -> vector<1x128xf32>
    %div3A = arith.divf %dot_general3A_39, %dot_general3A_41 : vector<1x128xf32>
    %slice3A_42 = vector.extract_strided_slice %scan3A_27#1 {offsets = [0, 0], sizes = [1, 128], strides = [1, 1]} : vector<32x128xf32> to vector<1x128xf32>
    %add3A_43 = arith.addf %broadcast_in_dim3A_34, %slice3A_42 : vector<1x128xf32>
    %log3A = math.log %dot_general3A_41 : vector<1x128xf32>
    %add3A_44 = arith.addf %add3A_43, %log3A : vector<1x128xf32>
    %slice3A_45 = vector.extract_strided_slice %scan3A_27#0 {offsets = [1, 0, 0], sizes = [1, 8, 128], strides = [1, 1, 1]} : vector<32x8x128xf32> to vector<1x8x128xf32>
    %squeeze3A_46 = vector.shape_cast %slice3A_45 : vector<1x8x128xf32> to vector<8x128xf32>
    %broadcast_in_dim3A_47 = vector.shape_cast %squeeze3A_46 : vector<8x128xf32> to vector<1x8x128xf32>
    %broadcast_in_dim3A_48 = vector.shape_cast %broadcast_in_dim3A_47 : vector<1x8x128xf32> to vector<1x8x128xf32>
    %broadcast_in_dim3A_49 = vector.broadcast %broadcast_in_dim3A_48 : vector<1x8x128xf32> to vector<16x8x128xf32>
    %reshape3A_50 = vector.shape_cast %broadcast_in_dim3A_49 : vector<16x8x128xf32> to vector<128x128xf32>
    %mul3A_51 = arith.mulf %reshape3A_50, %get3A_7 : vector<128x128xf32>
    %dot_general3A_52 = arith.constant dense<0.000000e+00> : vector<1x128xf32>
    %dot_general3A_53 = tpu.matmul %div3A, %mul3A_51, %dot_general3A_52 {dimension_numbers = #tpu.dot_dimension_numbers<[1], [0], [0], [1], [0, 0, 1, 1], [], []>, transpose_lhs_hint = false} : vector<1x128xf32>, vector<128x128xf32>, vector<1x128xf32> -> vector<1x128xf32>
    %dot_general3A_54 = arith.constant dense<0.000000e+00> : vector<1x128xf32>
    %dot_general3A_55 = tpu.matmul %dot_general3A_53, %get3A_7, %dot_general3A_54 {dimension_numbers = #tpu.dot_dimension_numbers<[1], [0], [0], [1], [0, 0, 1, 1], [], []>, transpose_lhs_hint = false} : vector<1x128xf32>, vector<128x128xf32>, vector<1x128xf32> -> vector<1x128xf32>
    %div3A_56 = arith.divf %dot_general3A_53, %dot_general3A_55 : vector<1x128xf32>
    %slice3A_57 = vector.extract_strided_slice %scan3A_27#1 {offsets = [1, 0], sizes = [1, 128], strides = [1, 1]} : vector<32x128xf32> to vector<1x128xf32>
    %add3A_58 = arith.addf %add3A_44, %slice3A_57 : vector<1x128xf32>
    %log3A_59 = math.log %dot_general3A_55 : vector<1x128xf32>
    %add3A_60 = arith.addf %add3A_58, %log3A_59 : vector<1x128xf32>
    %slice3A_61 = vector.extract_strided_slice %scan3A_27#0 {offsets = [2, 0, 0], sizes = [1, 8, 128], strides = [1, 1, 1]} : vector<32x8x128xf32> to vector<1x8x128xf32>
    %squeeze3A_62 = vector.shape_cast %slice3A_61 : vector<1x8x128xf32> to vector<8x128xf32>
    %broadcast_in_dim3A_63 = vector.shape_cast %squeeze3A_62 : vector<8x128xf32> to vector<1x8x128xf32>
    %broadcast_in_dim3A_64 = vector.shape_cast %broadcast_in_dim3A_63 : vector<1x8x128xf32> to vector<1x8x128xf32>
    %broadcast_in_dim3A_65 = vector.broadcast %broadcast_in_dim3A_64 : vector<1x8x128xf32> to vector<16x8x128xf32>
    %reshape3A_66 = vector.shape_cast %broadcast_in_dim3A_65 : vector<16x8x128xf32> to vector<128x128xf32>
    %mul3A_67 = arith.mulf %reshape3A_66, %get3A_7 : vector<128x128xf32>
    %dot_general3A_68 = arith.constant dense<0.000000e+00> : vector<1x128xf32>
    %dot_general3A_69 = tpu.matmul %div3A_56, %mul3A_67, %dot_general3A_68 {dimension_numbers = #tpu.dot_dimension_numbers<[1], [0], [0], [1], [0, 0, 1, 1], [], []>, transpose_lhs_hint = false} : vector<1x128xf32>, vector<128x128xf32>, vector<1x128xf32> -> vector<1x128xf32>
    %dot_general3A_70 = arith.constant dense<0.000000e+00> : vector<1x128xf32>
    %dot_general3A_71 = tpu.matmul %dot_general3A_69, %get3A_7, %dot_general3A_70 {dimension_numbers = #tpu.dot_dimension_numbers<[1], [0], [0], [1], [0, 0, 1, 1], [], []>, transpose_lhs_hint = false} : vector<1x128xf32>, vector<128x128xf32>, vector<1x128xf32> -> vector<1x128xf32>
    %div3A_72 = arith.divf %dot_general3A_69, %dot_general3A_71 : vector<1x128xf32>
    %slice3A_73 = vector.extract_strided_slice %scan3A_27#1 {offsets = [2, 0], sizes = [1, 128], strides = [1, 1]} : vector<32x128xf32> to vector<1x128xf32>
    %add3A_74 = arith.addf %add3A_60, %slice3A_73 : vector<1x128xf32>
    %log3A_75 = math.log %dot_general3A_71 : vector<1x128xf32>
    %add3A_76 = arith.addf %add3A_74, %log3A_75 : vector<1x128xf32>
    %slice3A_77 = vector.extract_strided_slice %scan3A_27#0 {offsets = [3, 0, 0], sizes = [1, 8, 128], strides = [1, 1, 1]} : vector<32x8x128xf32> to vector<1x8x128xf32>
    %squeeze3A_78 = vector.shape_cast %slice3A_77 : vector<1x8x128xf32> to vector<8x128xf32>
    %broadcast_in_dim3A_79 = vector.shape_cast %squeeze3A_78 : vector<8x128xf32> to vector<1x8x128xf32>
    %broadcast_in_dim3A_80 = vector.shape_cast %broadcast_in_dim3A_79 : vector<1x8x128xf32> to vector<1x8x128xf32>
    %broadcast_in_dim3A_81 = vector.broadcast %broadcast_in_dim3A_80 : vector<1x8x128xf32> to vector<16x8x128xf32>
    %reshape3A_82 = vector.shape_cast %broadcast_in_dim3A_81 : vector<16x8x128xf32> to vector<128x128xf32>
    %mul3A_83 = arith.mulf %reshape3A_82, %get3A_7 : vector<128x128xf32>
    %dot_general3A_84 = arith.constant dense<0.000000e+00> : vector<1x128xf32>
    %dot_general3A_85 = tpu.matmul %div3A_72, %mul3A_83, %dot_general3A_84 {dimension_numbers = #tpu.dot_dimension_numbers<[1], [0], [0], [1], [0, 0, 1, 1], [], []>, transpose_lhs_hint = false} : vector<1x128xf32>, vector<128x128xf32>, vector<1x128xf32> -> vector<1x128xf32>
    %dot_general3A_86 = arith.constant dense<0.000000e+00> : vector<1x128xf32>
    %dot_general3A_87 = tpu.matmul %dot_general3A_85, %get3A_7, %dot_general3A_86 {dimension_numbers = #tpu.dot_dimension_numbers<[1], [0], [0], [1], [0, 0, 1, 1], [], []>, transpose_lhs_hint = false} : vector<1x128xf32>, vector<128x128xf32>, vector<1x128xf32> -> vector<1x128xf32>
    %div3A_88 = arith.divf %dot_general3A_85, %dot_general3A_87 : vector<1x128xf32>
    %slice3A_89 = vector.extract_strided_slice %scan3A_27#1 {offsets = [3, 0], sizes = [1, 128], strides = [1, 1]} : vector<32x128xf32> to vector<1x128xf32>
    %add3A_90 = arith.addf %add3A_76, %slice3A_89 : vector<1x128xf32>
    %log3A_91 = math.log %dot_general3A_87 : vector<1x128xf32>
    %add3A_92 = arith.addf %add3A_90, %log3A_91 : vector<1x128xf32>
    %slice3A_93 = vector.extract_strided_slice %scan3A_27#0 {offsets = [4, 0, 0], sizes = [1, 8, 128], strides = [1, 1, 1]} : vector<32x8x128xf32> to vector<1x8x128xf32>
    %squeeze3A_94 = vector.shape_cast %slice3A_93 : vector<1x8x128xf32> to vector<8x128xf32>
    %broadcast_in_dim3A_95 = vector.shape_cast %squeeze3A_94 : vector<8x128xf32> to vector<1x8x128xf32>
    %broadcast_in_dim3A_96 = vector.shape_cast %broadcast_in_dim3A_95 : vector<1x8x128xf32> to vector<1x8x128xf32>
    %broadcast_in_dim3A_97 = vector.broadcast %broadcast_in_dim3A_96 : vector<1x8x128xf32> to vector<16x8x128xf32>
    %reshape3A_98 = vector.shape_cast %broadcast_in_dim3A_97 : vector<16x8x128xf32> to vector<128x128xf32>
    %mul3A_99 = arith.mulf %reshape3A_98, %get3A_7 : vector<128x128xf32>
    %dot_general3A_100 = arith.constant dense<0.000000e+00> : vector<1x128xf32>
    %dot_general3A_101 = tpu.matmul %div3A_88, %mul3A_99, %dot_general3A_100 {dimension_numbers = #tpu.dot_dimension_numbers<[1], [0], [0], [1], [0, 0, 1, 1], [], []>, transpose_lhs_hint = false} : vector<1x128xf32>, vector<128x128xf32>, vector<1x128xf32> -> vector<1x128xf32>
    %dot_general3A_102 = arith.constant dense<0.000000e+00> : vector<1x128xf32>
    %dot_general3A_103 = tpu.matmul %dot_general3A_101, %get3A_7, %dot_general3A_102 {dimension_numbers = #tpu.dot_dimension_numbers<[1], [0], [0], [1], [0, 0, 1, 1], [], []>, transpose_lhs_hint = false} : vector<1x128xf32>, vector<128x128xf32>, vector<1x128xf32> -> vector<1x128xf32>
    %div3A_104 = arith.divf %dot_general3A_101, %dot_general3A_103 : vector<1x128xf32>
    %slice3A_105 = vector.extract_strided_slice %scan3A_27#1 {offsets = [4, 0], sizes = [1, 128], strides = [1, 1]} : vector<32x128xf32> to vector<1x128xf32>
    %add3A_106 = arith.addf %add3A_92, %slice3A_105 : vector<1x128xf32>
    %log3A_107 = math.log %dot_general3A_103 : vector<1x128xf32>
    %add3A_108 = arith.addf %add3A_106, %log3A_107 : vector<1x128xf32>
    %slice3A_109 = vector.extract_strided_slice %scan3A_27#0 {offsets = [5, 0, 0], sizes = [1, 8, 128], strides = [1, 1, 1]} : vector<32x8x128xf32> to vector<1x8x128xf32>
    %squeeze3A_110 = vector.shape_cast %slice3A_109 : vector<1x8x128xf32> to vector<8x128xf32>
    %broadcast_in_dim3A_111 = vector.shape_cast %squeeze3A_110 : vector<8x128xf32> to vector<1x8x128xf32>
    %broadcast_in_dim3A_112 = vector.shape_cast %broadcast_in_dim3A_111 : vector<1x8x128xf32> to vector<1x8x128xf32>
    %broadcast_in_dim3A_113 = vector.broadcast %broadcast_in_dim3A_112 : vector<1x8x128xf32> to vector<16x8x128xf32>
    %reshape3A_114 = vector.shape_cast %broadcast_in_dim3A_113 : vector<16x8x128xf32> to vector<128x128xf32>
    %mul3A_115 = arith.mulf %reshape3A_114, %get3A_7 : vector<128x128xf32>
    %dot_general3A_116 = arith.constant dense<0.000000e+00> : vector<1x128xf32>
    %dot_general3A_117 = tpu.matmul %div3A_104, %mul3A_115, %dot_general3A_116 {dimension_numbers = #tpu.dot_dimension_numbers<[1], [0], [0], [1], [0, 0, 1, 1], [], []>, transpose_lhs_hint = false} : vector<1x128xf32>, vector<128x128xf32>, vector<1x128xf32> -> vector<1x128xf32>
    %dot_general3A_118 = arith.constant dense<0.000000e+00> : vector<1x128xf32>
    %dot_general3A_119 = tpu.matmul %dot_general3A_117, %get3A_7, %dot_general3A_118 {dimension_numbers = #tpu.dot_dimension_numbers<[1], [0], [0], [1], [0, 0, 1, 1], [], []>, transpose_lhs_hint = false} : vector<1x128xf32>, vector<128x128xf32>, vector<1x128xf32> -> vector<1x128xf32>
    %div3A_120 = arith.divf %dot_general3A_117, %dot_general3A_119 : vector<1x128xf32>
    %slice3A_121 = vector.extract_strided_slice %scan3A_27#1 {offsets = [5, 0], sizes = [1, 128], strides = [1, 1]} : vector<32x128xf32> to vector<1x128xf32>
    %add3A_122 = arith.addf %add3A_108, %slice3A_121 : vector<1x128xf32>
    %log3A_123 = math.log %dot_general3A_119 : vector<1x128xf32>
    %add3A_124 = arith.addf %add3A_122, %log3A_123 : vector<1x128xf32>
    %slice3A_125 = vector.extract_strided_slice %scan3A_27#0 {offsets = [6, 0, 0], sizes = [1, 8, 128], strides = [1, 1, 1]} : vector<32x8x128xf32> to vector<1x8x128xf32>
    %squeeze3A_126 = vector.shape_cast %slice3A_125 : vector<1x8x128xf32> to vector<8x128xf32>
    %broadcast_in_dim3A_127 = vector.shape_cast %squeeze3A_126 : vector<8x128xf32> to vector<1x8x128xf32>
    %broadcast_in_dim3A_128 = vector.shape_cast %broadcast_in_dim3A_127 : vector<1x8x128xf32> to vector<1x8x128xf32>
    %broadcast_in_dim3A_129 = vector.broadcast %broadcast_in_dim3A_128 : vector<1x8x128xf32> to vector<16x8x128xf32>
    %reshape3A_130 = vector.shape_cast %broadcast_in_dim3A_129 : vector<16x8x128xf32> to vector<128x128xf32>
    %mul3A_131 = arith.mulf %reshape3A_130, %get3A_7 : vector<128x128xf32>
    %dot_general3A_132 = arith.constant dense<0.000000e+00> : vector<1x128xf32>
    %dot_general3A_133 = tpu.matmul %div3A_120, %mul3A_131, %dot_general3A_132 {dimension_numbers = #tpu.dot_dimension_numbers<[1], [0], [0], [1], [0, 0, 1, 1], [], []>, transpose_lhs_hint = false} : vector<1x128xf32>, vector<128x128xf32>, vector<1x128xf32> -> vector<1x128xf32>
    %dot_general3A_134 = arith.constant dense<0.000000e+00> : vector<1x128xf32>
    %dot_general3A_135 = tpu.matmul %dot_general3A_133, %get3A_7, %dot_general3A_134 {dimension_numbers = #tpu.dot_dimension_numbers<[1], [0], [0], [1], [0, 0, 1, 1], [], []>, transpose_lhs_hint = false} : vector<1x128xf32>, vector<128x128xf32>, vector<1x128xf32> -> vector<1x128xf32>
    %div3A_136 = arith.divf %dot_general3A_133, %dot_general3A_135 : vector<1x128xf32>
    %slice3A_137 = vector.extract_strided_slice %scan3A_27#1 {offsets = [6, 0], sizes = [1, 128], strides = [1, 1]} : vector<32x128xf32> to vector<1x128xf32>
    %add3A_138 = arith.addf %add3A_124, %slice3A_137 : vector<1x128xf32>
    %log3A_139 = math.log %dot_general3A_135 : vector<1x128xf32>
    %add3A_140 = arith.addf %add3A_138, %log3A_139 : vector<1x128xf32>
    %slice3A_141 = vector.extract_strided_slice %scan3A_27#0 {offsets = [7, 0, 0], sizes = [1, 8, 128], strides = [1, 1, 1]} : vector<32x8x128xf32> to vector<1x8x128xf32>
    %squeeze3A_142 = vector.shape_cast %slice3A_141 : vector<1x8x128xf32> to vector<8x128xf32>
    %broadcast_in_dim3A_143 = vector.shape_cast %squeeze3A_142 : vector<8x128xf32> to vector<1x8x128xf32>
    %broadcast_in_dim3A_144 = vector.shape_cast %broadcast_in_dim3A_143 : vector<1x8x128xf32> to vector<1x8x128xf32>
    %broadcast_in_dim3A_145 = vector.broadcast %broadcast_in_dim3A_144 : vector<1x8x128xf32> to vector<16x8x128xf32>
    %reshape3A_146 = vector.shape_cast %broadcast_in_dim3A_145 : vector<16x8x128xf32> to vector<128x128xf32>
    %mul3A_147 = arith.mulf %reshape3A_146, %get3A_7 : vector<128x128xf32>
    %dot_general3A_148 = arith.constant dense<0.000000e+00> : vector<1x128xf32>
    %dot_general3A_149 = tpu.matmul %div3A_136, %mul3A_147, %dot_general3A_148 {dimension_numbers = #tpu.dot_dimension_numbers<[1], [0], [0], [1], [0, 0, 1, 1], [], []>, transpose_lhs_hint = false} : vector<1x128xf32>, vector<128x128xf32>, vector<1x128xf32> -> vector<1x128xf32>
    %dot_general3A_150 = arith.constant dense<0.000000e+00> : vector<1x128xf32>
    %dot_general3A_151 = tpu.matmul %dot_general3A_149, %get3A_7, %dot_general3A_150 {dimension_numbers = #tpu.dot_dimension_numbers<[1], [0], [0], [1], [0, 0, 1, 1], [], []>, transpose_lhs_hint = false} : vector<1x128xf32>, vector<128x128xf32>, vector<1x128xf32> -> vector<1x128xf32>
    %div3A_152 = arith.divf %dot_general3A_149, %dot_general3A_151 : vector<1x128xf32>
    %slice3A_153 = vector.extract_strided_slice %scan3A_27#1 {offsets = [7, 0], sizes = [1, 128], strides = [1, 1]} : vector<32x128xf32> to vector<1x128xf32>
    %add3A_154 = arith.addf %add3A_140, %slice3A_153 : vector<1x128xf32>
    %log3A_155 = math.log %dot_general3A_151 : vector<1x128xf32>
    %add3A_156 = arith.addf %add3A_154, %log3A_155 : vector<1x128xf32>
    %slice3A_157 = vector.extract_strided_slice %scan3A_27#0 {offsets = [8, 0, 0], sizes = [1, 8, 128], strides = [1, 1, 1]} : vector<32x8x128xf32> to vector<1x8x128xf32>
    %squeeze3A_158 = vector.shape_cast %slice3A_157 : vector<1x8x128xf32> to vector<8x128xf32>
    %broadcast_in_dim3A_159 = vector.shape_cast %squeeze3A_158 : vector<8x128xf32> to vector<1x8x128xf32>
    %broadcast_in_dim3A_160 = vector.shape_cast %broadcast_in_dim3A_159 : vector<1x8x128xf32> to vector<1x8x128xf32>
    %broadcast_in_dim3A_161 = vector.broadcast %broadcast_in_dim3A_160 : vector<1x8x128xf32> to vector<16x8x128xf32>
    %reshape3A_162 = vector.shape_cast %broadcast_in_dim3A_161 : vector<16x8x128xf32> to vector<128x128xf32>
    %mul3A_163 = arith.mulf %reshape3A_162, %get3A_7 : vector<128x128xf32>
    %dot_general3A_164 = arith.constant dense<0.000000e+00> : vector<1x128xf32>
    %dot_general3A_165 = tpu.matmul %div3A_152, %mul3A_163, %dot_general3A_164 {dimension_numbers = #tpu.dot_dimension_numbers<[1], [0], [0], [1], [0, 0, 1, 1], [], []>, transpose_lhs_hint = false} : vector<1x128xf32>, vector<128x128xf32>, vector<1x128xf32> -> vector<1x128xf32>
    %dot_general3A_166 = arith.constant dense<0.000000e+00> : vector<1x128xf32>
    %dot_general3A_167 = tpu.matmul %dot_general3A_165, %get3A_7, %dot_general3A_166 {dimension_numbers = #tpu.dot_dimension_numbers<[1], [0], [0], [1], [0, 0, 1, 1], [], []>, transpose_lhs_hint = false} : vector<1x128xf32>, vector<128x128xf32>, vector<1x128xf32> -> vector<1x128xf32>
    %div3A_168 = arith.divf %dot_general3A_165, %dot_general3A_167 : vector<1x128xf32>
    %slice3A_169 = vector.extract_strided_slice %scan3A_27#1 {offsets = [8, 0], sizes = [1, 128], strides = [1, 1]} : vector<32x128xf32> to vector<1x128xf32>
    %add3A_170 = arith.addf %add3A_156, %slice3A_169 : vector<1x128xf32>
    %log3A_171 = math.log %dot_general3A_167 : vector<1x128xf32>
    %add3A_172 = arith.addf %add3A_170, %log3A_171 : vector<1x128xf32>
    %slice3A_173 = vector.extract_strided_slice %scan3A_27#0 {offsets = [9, 0, 0], sizes = [1, 8, 128], strides = [1, 1, 1]} : vector<32x8x128xf32> to vector<1x8x128xf32>
    %squeeze3A_174 = vector.shape_cast %slice3A_173 : vector<1x8x128xf32> to vector<8x128xf32>
    %broadcast_in_dim3A_175 = vector.shape_cast %squeeze3A_174 : vector<8x128xf32> to vector<1x8x128xf32>
    %broadcast_in_dim3A_176 = vector.shape_cast %broadcast_in_dim3A_175 : vector<1x8x128xf32> to vector<1x8x128xf32>
    %broadcast_in_dim3A_177 = vector.broadcast %broadcast_in_dim3A_176 : vector<1x8x128xf32> to vector<16x8x128xf32>
    %reshape3A_178 = vector.shape_cast %broadcast_in_dim3A_177 : vector<16x8x128xf32> to vector<128x128xf32>
    %mul3A_179 = arith.mulf %reshape3A_178, %get3A_7 : vector<128x128xf32>
    %dot_general3A_180 = arith.constant dense<0.000000e+00> : vector<1x128xf32>
    %dot_general3A_181 = tpu.matmul %div3A_168, %mul3A_179, %dot_general3A_180 {dimension_numbers = #tpu.dot_dimension_numbers<[1], [0], [0], [1], [0, 0, 1, 1], [], []>, transpose_lhs_hint = false} : vector<1x128xf32>, vector<128x128xf32>, vector<1x128xf32> -> vector<1x128xf32>
    %dot_general3A_182 = arith.constant dense<0.000000e+00> : vector<1x128xf32>
    %dot_general3A_183 = tpu.matmul %dot_general3A_181, %get3A_7, %dot_general3A_182 {dimension_numbers = #tpu.dot_dimension_numbers<[1], [0], [0], [1], [0, 0, 1, 1], [], []>, transpose_lhs_hint = false} : vector<1x128xf32>, vector<128x128xf32>, vector<1x128xf32> -> vector<1x128xf32>
    %div3A_184 = arith.divf %dot_general3A_181, %dot_general3A_183 : vector<1x128xf32>
    %slice3A_185 = vector.extract_strided_slice %scan3A_27#1 {offsets = [9, 0], sizes = [1, 128], strides = [1, 1]} : vector<32x128xf32> to vector<1x128xf32>
    %add3A_186 = arith.addf %add3A_172, %slice3A_185 : vector<1x128xf32>
    %log3A_187 = math.log %dot_general3A_183 : vector<1x128xf32>
    %add3A_188 = arith.addf %add3A_186, %log3A_187 : vector<1x128xf32>
    %slice3A_189 = vector.extract_strided_slice %scan3A_27#0 {offsets = [10, 0, 0], sizes = [1, 8, 128], strides = [1, 1, 1]} : vector<32x8x128xf32> to vector<1x8x128xf32>
    %squeeze3A_190 = vector.shape_cast %slice3A_189 : vector<1x8x128xf32> to vector<8x128xf32>
    %broadcast_in_dim3A_191 = vector.shape_cast %squeeze3A_190 : vector<8x128xf32> to vector<1x8x128xf32>
    %broadcast_in_dim3A_192 = vector.shape_cast %broadcast_in_dim3A_191 : vector<1x8x128xf32> to vector<1x8x128xf32>
    %broadcast_in_dim3A_193 = vector.broadcast %broadcast_in_dim3A_192 : vector<1x8x128xf32> to vector<16x8x128xf32>
    %reshape3A_194 = vector.shape_cast %broadcast_in_dim3A_193 : vector<16x8x128xf32> to vector<128x128xf32>
    %mul3A_195 = arith.mulf %reshape3A_194, %get3A_7 : vector<128x128xf32>
    %dot_general3A_196 = arith.constant dense<0.000000e+00> : vector<1x128xf32>
    %dot_general3A_197 = tpu.matmul %div3A_184, %mul3A_195, %dot_general3A_196 {dimension_numbers = #tpu.dot_dimension_numbers<[1], [0], [0], [1], [0, 0, 1, 1], [], []>, transpose_lhs_hint = false} : vector<1x128xf32>, vector<128x128xf32>, vector<1x128xf32> -> vector<1x128xf32>
    %dot_general3A_198 = arith.constant dense<0.000000e+00> : vector<1x128xf32>
    %dot_general3A_199 = tpu.matmul %dot_general3A_197, %get3A_7, %dot_general3A_198 {dimension_numbers = #tpu.dot_dimension_numbers<[1], [0], [0], [1], [0, 0, 1, 1], [], []>, transpose_lhs_hint = false} : vector<1x128xf32>, vector<128x128xf32>, vector<1x128xf32> -> vector<1x128xf32>
    %div3A_200 = arith.divf %dot_general3A_197, %dot_general3A_199 : vector<1x128xf32>
    %slice3A_201 = vector.extract_strided_slice %scan3A_27#1 {offsets = [10, 0], sizes = [1, 128], strides = [1, 1]} : vector<32x128xf32> to vector<1x128xf32>
    %add3A_202 = arith.addf %add3A_188, %slice3A_201 : vector<1x128xf32>
    %log3A_203 = math.log %dot_general3A_199 : vector<1x128xf32>
    %add3A_204 = arith.addf %add3A_202, %log3A_203 : vector<1x128xf32>
    %slice3A_205 = vector.extract_strided_slice %scan3A_27#0 {offsets = [11, 0, 0], sizes = [1, 8, 128], strides = [1, 1, 1]} : vector<32x8x128xf32> to vector<1x8x128xf32>
    %squeeze3A_206 = vector.shape_cast %slice3A_205 : vector<1x8x128xf32> to vector<8x128xf32>
    %broadcast_in_dim3A_207 = vector.shape_cast %squeeze3A_206 : vector<8x128xf32> to vector<1x8x128xf32>
    %broadcast_in_dim3A_208 = vector.shape_cast %broadcast_in_dim3A_207 : vector<1x8x128xf32> to vector<1x8x128xf32>
    %broadcast_in_dim3A_209 = vector.broadcast %broadcast_in_dim3A_208 : vector<1x8x128xf32> to vector<16x8x128xf32>
    %reshape3A_210 = vector.shape_cast %broadcast_in_dim3A_209 : vector<16x8x128xf32> to vector<128x128xf32>
    %mul3A_211 = arith.mulf %reshape3A_210, %get3A_7 : vector<128x128xf32>
    %dot_general3A_212 = arith.constant dense<0.000000e+00> : vector<1x128xf32>
    %dot_general3A_213 = tpu.matmul %div3A_200, %mul3A_211, %dot_general3A_212 {dimension_numbers = #tpu.dot_dimension_numbers<[1], [0], [0], [1], [0, 0, 1, 1], [], []>, transpose_lhs_hint = false} : vector<1x128xf32>, vector<128x128xf32>, vector<1x128xf32> -> vector<1x128xf32>
    %dot_general3A_214 = arith.constant dense<0.000000e+00> : vector<1x128xf32>
    %dot_general3A_215 = tpu.matmul %dot_general3A_213, %get3A_7, %dot_general3A_214 {dimension_numbers = #tpu.dot_dimension_numbers<[1], [0], [0], [1], [0, 0, 1, 1], [], []>, transpose_lhs_hint = false} : vector<1x128xf32>, vector<128x128xf32>, vector<1x128xf32> -> vector<1x128xf32>
    %div3A_216 = arith.divf %dot_general3A_213, %dot_general3A_215 : vector<1x128xf32>
    %slice3A_217 = vector.extract_strided_slice %scan3A_27#1 {offsets = [11, 0], sizes = [1, 128], strides = [1, 1]} : vector<32x128xf32> to vector<1x128xf32>
    %add3A_218 = arith.addf %add3A_204, %slice3A_217 : vector<1x128xf32>
    %log3A_219 = math.log %dot_general3A_215 : vector<1x128xf32>
    %add3A_220 = arith.addf %add3A_218, %log3A_219 : vector<1x128xf32>
    %slice3A_221 = vector.extract_strided_slice %scan3A_27#0 {offsets = [12, 0, 0], sizes = [1, 8, 128], strides = [1, 1, 1]} : vector<32x8x128xf32> to vector<1x8x128xf32>
    %squeeze3A_222 = vector.shape_cast %slice3A_221 : vector<1x8x128xf32> to vector<8x128xf32>
    %broadcast_in_dim3A_223 = vector.shape_cast %squeeze3A_222 : vector<8x128xf32> to vector<1x8x128xf32>
    %broadcast_in_dim3A_224 = vector.shape_cast %broadcast_in_dim3A_223 : vector<1x8x128xf32> to vector<1x8x128xf32>
    %broadcast_in_dim3A_225 = vector.broadcast %broadcast_in_dim3A_224 : vector<1x8x128xf32> to vector<16x8x128xf32>
    %reshape3A_226 = vector.shape_cast %broadcast_in_dim3A_225 : vector<16x8x128xf32> to vector<128x128xf32>
    %mul3A_227 = arith.mulf %reshape3A_226, %get3A_7 : vector<128x128xf32>
    %dot_general3A_228 = arith.constant dense<0.000000e+00> : vector<1x128xf32>
    %dot_general3A_229 = tpu.matmul %div3A_216, %mul3A_227, %dot_general3A_228 {dimension_numbers = #tpu.dot_dimension_numbers<[1], [0], [0], [1], [0, 0, 1, 1], [], []>, transpose_lhs_hint = false} : vector<1x128xf32>, vector<128x128xf32>, vector<1x128xf32> -> vector<1x128xf32>
    %dot_general3A_230 = arith.constant dense<0.000000e+00> : vector<1x128xf32>
    %dot_general3A_231 = tpu.matmul %dot_general3A_229, %get3A_7, %dot_general3A_230 {dimension_numbers = #tpu.dot_dimension_numbers<[1], [0], [0], [1], [0, 0, 1, 1], [], []>, transpose_lhs_hint = false} : vector<1x128xf32>, vector<128x128xf32>, vector<1x128xf32> -> vector<1x128xf32>
    %div3A_232 = arith.divf %dot_general3A_229, %dot_general3A_231 : vector<1x128xf32>
    %slice3A_233 = vector.extract_strided_slice %scan3A_27#1 {offsets = [12, 0], sizes = [1, 128], strides = [1, 1]} : vector<32x128xf32> to vector<1x128xf32>
    %add3A_234 = arith.addf %add3A_220, %slice3A_233 : vector<1x128xf32>
    %log3A_235 = math.log %dot_general3A_231 : vector<1x128xf32>
    %add3A_236 = arith.addf %add3A_234, %log3A_235 : vector<1x128xf32>
    %slice3A_237 = vector.extract_strided_slice %scan3A_27#0 {offsets = [13, 0, 0], sizes = [1, 8, 128], strides = [1, 1, 1]} : vector<32x8x128xf32> to vector<1x8x128xf32>
    %squeeze3A_238 = vector.shape_cast %slice3A_237 : vector<1x8x128xf32> to vector<8x128xf32>
    %broadcast_in_dim3A_239 = vector.shape_cast %squeeze3A_238 : vector<8x128xf32> to vector<1x8x128xf32>
    %broadcast_in_dim3A_240 = vector.shape_cast %broadcast_in_dim3A_239 : vector<1x8x128xf32> to vector<1x8x128xf32>
    %broadcast_in_dim3A_241 = vector.broadcast %broadcast_in_dim3A_240 : vector<1x8x128xf32> to vector<16x8x128xf32>
    %reshape3A_242 = vector.shape_cast %broadcast_in_dim3A_241 : vector<16x8x128xf32> to vector<128x128xf32>
    %mul3A_243 = arith.mulf %reshape3A_242, %get3A_7 : vector<128x128xf32>
    %dot_general3A_244 = arith.constant dense<0.000000e+00> : vector<1x128xf32>
    %dot_general3A_245 = tpu.matmul %div3A_232, %mul3A_243, %dot_general3A_244 {dimension_numbers = #tpu.dot_dimension_numbers<[1], [0], [0], [1], [0, 0, 1, 1], [], []>, transpose_lhs_hint = false} : vector<1x128xf32>, vector<128x128xf32>, vector<1x128xf32> -> vector<1x128xf32>
    %dot_general3A_246 = arith.constant dense<0.000000e+00> : vector<1x128xf32>
    %dot_general3A_247 = tpu.matmul %dot_general3A_245, %get3A_7, %dot_general3A_246 {dimension_numbers = #tpu.dot_dimension_numbers<[1], [0], [0], [1], [0, 0, 1, 1], [], []>, transpose_lhs_hint = false} : vector<1x128xf32>, vector<128x128xf32>, vector<1x128xf32> -> vector<1x128xf32>
    %div3A_248 = arith.divf %dot_general3A_245, %dot_general3A_247 : vector<1x128xf32>
    %slice3A_249 = vector.extract_strided_slice %scan3A_27#1 {offsets = [13, 0], sizes = [1, 128], strides = [1, 1]} : vector<32x128xf32> to vector<1x128xf32>
    %add3A_250 = arith.addf %add3A_236, %slice3A_249 : vector<1x128xf32>
    %log3A_251 = math.log %dot_general3A_247 : vector<1x128xf32>
    %add3A_252 = arith.addf %add3A_250, %log3A_251 : vector<1x128xf32>
    %slice3A_253 = vector.extract_strided_slice %scan3A_27#0 {offsets = [14, 0, 0], sizes = [1, 8, 128], strides = [1, 1, 1]} : vector<32x8x128xf32> to vector<1x8x128xf32>
    %squeeze3A_254 = vector.shape_cast %slice3A_253 : vector<1x8x128xf32> to vector<8x128xf32>
    %broadcast_in_dim3A_255 = vector.shape_cast %squeeze3A_254 : vector<8x128xf32> to vector<1x8x128xf32>
    %broadcast_in_dim3A_256 = vector.shape_cast %broadcast_in_dim3A_255 : vector<1x8x128xf32> to vector<1x8x128xf32>
    %broadcast_in_dim3A_257 = vector.broadcast %broadcast_in_dim3A_256 : vector<1x8x128xf32> to vector<16x8x128xf32>
    %reshape3A_258 = vector.shape_cast %broadcast_in_dim3A_257 : vector<16x8x128xf32> to vector<128x128xf32>
    %mul3A_259 = arith.mulf %reshape3A_258, %get3A_7 : vector<128x128xf32>
    %dot_general3A_260 = arith.constant dense<0.000000e+00> : vector<1x128xf32>
    %dot_general3A_261 = tpu.matmul %div3A_248, %mul3A_259, %dot_general3A_260 {dimension_numbers = #tpu.dot_dimension_numbers<[1], [0], [0], [1], [0, 0, 1, 1], [], []>, transpose_lhs_hint = false} : vector<1x128xf32>, vector<128x128xf32>, vector<1x128xf32> -> vector<1x128xf32>
    %dot_general3A_262 = arith.constant dense<0.000000e+00> : vector<1x128xf32>
    %dot_general3A_263 = tpu.matmul %dot_general3A_261, %get3A_7, %dot_general3A_262 {dimension_numbers = #tpu.dot_dimension_numbers<[1], [0], [0], [1], [0, 0, 1, 1], [], []>, transpose_lhs_hint = false} : vector<1x128xf32>, vector<128x128xf32>, vector<1x128xf32> -> vector<1x128xf32>
    %div3A_264 = arith.divf %dot_general3A_261, %dot_general3A_263 : vector<1x128xf32>
    %slice3A_265 = vector.extract_strided_slice %scan3A_27#1 {offsets = [14, 0], sizes = [1, 128], strides = [1, 1]} : vector<32x128xf32> to vector<1x128xf32>
    %add3A_266 = arith.addf %add3A_252, %slice3A_265 : vector<1x128xf32>
    %log3A_267 = math.log %dot_general3A_263 : vector<1x128xf32>
    %add3A_268 = arith.addf %add3A_266, %log3A_267 : vector<1x128xf32>
    %slice3A_269 = vector.extract_strided_slice %scan3A_27#0 {offsets = [15, 0, 0], sizes = [1, 8, 128], strides = [1, 1, 1]} : vector<32x8x128xf32> to vector<1x8x128xf32>
    %squeeze3A_270 = vector.shape_cast %slice3A_269 : vector<1x8x128xf32> to vector<8x128xf32>
    %broadcast_in_dim3A_271 = vector.shape_cast %squeeze3A_270 : vector<8x128xf32> to vector<1x8x128xf32>
    %broadcast_in_dim3A_272 = vector.shape_cast %broadcast_in_dim3A_271 : vector<1x8x128xf32> to vector<1x8x128xf32>
    %broadcast_in_dim3A_273 = vector.broadcast %broadcast_in_dim3A_272 : vector<1x8x128xf32> to vector<16x8x128xf32>
    %reshape3A_274 = vector.shape_cast %broadcast_in_dim3A_273 : vector<16x8x128xf32> to vector<128x128xf32>
    %mul3A_275 = arith.mulf %reshape3A_274, %get3A_7 : vector<128x128xf32>
    %dot_general3A_276 = arith.constant dense<0.000000e+00> : vector<1x128xf32>
    %dot_general3A_277 = tpu.matmul %div3A_264, %mul3A_275, %dot_general3A_276 {dimension_numbers = #tpu.dot_dimension_numbers<[1], [0], [0], [1], [0, 0, 1, 1], [], []>, transpose_lhs_hint = false} : vector<1x128xf32>, vector<128x128xf32>, vector<1x128xf32> -> vector<1x128xf32>
    %dot_general3A_278 = arith.constant dense<0.000000e+00> : vector<1x128xf32>
    %dot_general3A_279 = tpu.matmul %dot_general3A_277, %get3A_7, %dot_general3A_278 {dimension_numbers = #tpu.dot_dimension_numbers<[1], [0], [0], [1], [0, 0, 1, 1], [], []>, transpose_lhs_hint = false} : vector<1x128xf32>, vector<128x128xf32>, vector<1x128xf32> -> vector<1x128xf32>
    %div3A_280 = arith.divf %dot_general3A_277, %dot_general3A_279 : vector<1x128xf32>
    %slice3A_281 = vector.extract_strided_slice %scan3A_27#1 {offsets = [15, 0], sizes = [1, 128], strides = [1, 1]} : vector<32x128xf32> to vector<1x128xf32>
    %add3A_282 = arith.addf %add3A_268, %slice3A_281 : vector<1x128xf32>
    %log3A_283 = math.log %dot_general3A_279 : vector<1x128xf32>
    %add3A_284 = arith.addf %add3A_282, %log3A_283 : vector<1x128xf32>
    %slice3A_285 = vector.extract_strided_slice %scan3A_27#0 {offsets = [16, 0, 0], sizes = [1, 8, 128], strides = [1, 1, 1]} : vector<32x8x128xf32> to vector<1x8x128xf32>
    %squeeze3A_286 = vector.shape_cast %slice3A_285 : vector<1x8x128xf32> to vector<8x128xf32>
    %broadcast_in_dim3A_287 = vector.shape_cast %squeeze3A_286 : vector<8x128xf32> to vector<1x8x128xf32>
    %broadcast_in_dim3A_288 = vector.shape_cast %broadcast_in_dim3A_287 : vector<1x8x128xf32> to vector<1x8x128xf32>
    %broadcast_in_dim3A_289 = vector.broadcast %broadcast_in_dim3A_288 : vector<1x8x128xf32> to vector<16x8x128xf32>
    %reshape3A_290 = vector.shape_cast %broadcast_in_dim3A_289 : vector<16x8x128xf32> to vector<128x128xf32>
    %mul3A_291 = arith.mulf %reshape3A_290, %get3A_7 : vector<128x128xf32>
    %dot_general3A_292 = arith.constant dense<0.000000e+00> : vector<1x128xf32>
    %dot_general3A_293 = tpu.matmul %div3A_280, %mul3A_291, %dot_general3A_292 {dimension_numbers = #tpu.dot_dimension_numbers<[1], [0], [0], [1], [0, 0, 1, 1], [], []>, transpose_lhs_hint = false} : vector<1x128xf32>, vector<128x128xf32>, vector<1x128xf32> -> vector<1x128xf32>
    %dot_general3A_294 = arith.constant dense<0.000000e+00> : vector<1x128xf32>
    %dot_general3A_295 = tpu.matmul %dot_general3A_293, %get3A_7, %dot_general3A_294 {dimension_numbers = #tpu.dot_dimension_numbers<[1], [0], [0], [1], [0, 0, 1, 1], [], []>, transpose_lhs_hint = false} : vector<1x128xf32>, vector<128x128xf32>, vector<1x128xf32> -> vector<1x128xf32>
    %div3A_296 = arith.divf %dot_general3A_293, %dot_general3A_295 : vector<1x128xf32>
    %slice3A_297 = vector.extract_strided_slice %scan3A_27#1 {offsets = [16, 0], sizes = [1, 128], strides = [1, 1]} : vector<32x128xf32> to vector<1x128xf32>
    %add3A_298 = arith.addf %add3A_284, %slice3A_297 : vector<1x128xf32>
    %log3A_299 = math.log %dot_general3A_295 : vector<1x128xf32>
    %add3A_300 = arith.addf %add3A_298, %log3A_299 : vector<1x128xf32>
    %slice3A_301 = vector.extract_strided_slice %scan3A_27#0 {offsets = [17, 0, 0], sizes = [1, 8, 128], strides = [1, 1, 1]} : vector<32x8x128xf32> to vector<1x8x128xf32>
    %squeeze3A_302 = vector.shape_cast %slice3A_301 : vector<1x8x128xf32> to vector<8x128xf32>
    %broadcast_in_dim3A_303 = vector.shape_cast %squeeze3A_302 : vector<8x128xf32> to vector<1x8x128xf32>
    %broadcast_in_dim3A_304 = vector.shape_cast %broadcast_in_dim3A_303 : vector<1x8x128xf32> to vector<1x8x128xf32>
    %broadcast_in_dim3A_305 = vector.broadcast %broadcast_in_dim3A_304 : vector<1x8x128xf32> to vector<16x8x128xf32>
    %reshape3A_306 = vector.shape_cast %broadcast_in_dim3A_305 : vector<16x8x128xf32> to vector<128x128xf32>
    %mul3A_307 = arith.mulf %reshape3A_306, %get3A_7 : vector<128x128xf32>
    %dot_general3A_308 = arith.constant dense<0.000000e+00> : vector<1x128xf32>
    %dot_general3A_309 = tpu.matmul %div3A_296, %mul3A_307, %dot_general3A_308 {dimension_numbers = #tpu.dot_dimension_numbers<[1], [0], [0], [1], [0, 0, 1, 1], [], []>, transpose_lhs_hint = false} : vector<1x128xf32>, vector<128x128xf32>, vector<1x128xf32> -> vector<1x128xf32>
    %dot_general3A_310 = arith.constant dense<0.000000e+00> : vector<1x128xf32>
    %dot_general3A_311 = tpu.matmul %dot_general3A_309, %get3A_7, %dot_general3A_310 {dimension_numbers = #tpu.dot_dimension_numbers<[1], [0], [0], [1], [0, 0, 1, 1], [], []>, transpose_lhs_hint = false} : vector<1x128xf32>, vector<128x128xf32>, vector<1x128xf32> -> vector<1x128xf32>
    %div3A_312 = arith.divf %dot_general3A_309, %dot_general3A_311 : vector<1x128xf32>
    %slice3A_313 = vector.extract_strided_slice %scan3A_27#1 {offsets = [17, 0], sizes = [1, 128], strides = [1, 1]} : vector<32x128xf32> to vector<1x128xf32>
    %add3A_314 = arith.addf %add3A_300, %slice3A_313 : vector<1x128xf32>
    %log3A_315 = math.log %dot_general3A_311 : vector<1x128xf32>
    %add3A_316 = arith.addf %add3A_314, %log3A_315 : vector<1x128xf32>
    %slice3A_317 = vector.extract_strided_slice %scan3A_27#0 {offsets = [18, 0, 0], sizes = [1, 8, 128], strides = [1, 1, 1]} : vector<32x8x128xf32> to vector<1x8x128xf32>
    %squeeze3A_318 = vector.shape_cast %slice3A_317 : vector<1x8x128xf32> to vector<8x128xf32>
    %broadcast_in_dim3A_319 = vector.shape_cast %squeeze3A_318 : vector<8x128xf32> to vector<1x8x128xf32>
    %broadcast_in_dim3A_320 = vector.shape_cast %broadcast_in_dim3A_319 : vector<1x8x128xf32> to vector<1x8x128xf32>
    %broadcast_in_dim3A_321 = vector.broadcast %broadcast_in_dim3A_320 : vector<1x8x128xf32> to vector<16x8x128xf32>
    %reshape3A_322 = vector.shape_cast %broadcast_in_dim3A_321 : vector<16x8x128xf32> to vector<128x128xf32>
    %mul3A_323 = arith.mulf %reshape3A_322, %get3A_7 : vector<128x128xf32>
    %dot_general3A_324 = arith.constant dense<0.000000e+00> : vector<1x128xf32>
    %dot_general3A_325 = tpu.matmul %div3A_312, %mul3A_323, %dot_general3A_324 {dimension_numbers = #tpu.dot_dimension_numbers<[1], [0], [0], [1], [0, 0, 1, 1], [], []>, transpose_lhs_hint = false} : vector<1x128xf32>, vector<128x128xf32>, vector<1x128xf32> -> vector<1x128xf32>
    %dot_general3A_326 = arith.constant dense<0.000000e+00> : vector<1x128xf32>
    %dot_general3A_327 = tpu.matmul %dot_general3A_325, %get3A_7, %dot_general3A_326 {dimension_numbers = #tpu.dot_dimension_numbers<[1], [0], [0], [1], [0, 0, 1, 1], [], []>, transpose_lhs_hint = false} : vector<1x128xf32>, vector<128x128xf32>, vector<1x128xf32> -> vector<1x128xf32>
    %div3A_328 = arith.divf %dot_general3A_325, %dot_general3A_327 : vector<1x128xf32>
    %slice3A_329 = vector.extract_strided_slice %scan3A_27#1 {offsets = [18, 0], sizes = [1, 128], strides = [1, 1]} : vector<32x128xf32> to vector<1x128xf32>
    %add3A_330 = arith.addf %add3A_316, %slice3A_329 : vector<1x128xf32>
    %log3A_331 = math.log %dot_general3A_327 : vector<1x128xf32>
    %add3A_332 = arith.addf %add3A_330, %log3A_331 : vector<1x128xf32>
    %slice3A_333 = vector.extract_strided_slice %scan3A_27#0 {offsets = [19, 0, 0], sizes = [1, 8, 128], strides = [1, 1, 1]} : vector<32x8x128xf32> to vector<1x8x128xf32>
    %squeeze3A_334 = vector.shape_cast %slice3A_333 : vector<1x8x128xf32> to vector<8x128xf32>
    %broadcast_in_dim3A_335 = vector.shape_cast %squeeze3A_334 : vector<8x128xf32> to vector<1x8x128xf32>
    %broadcast_in_dim3A_336 = vector.shape_cast %broadcast_in_dim3A_335 : vector<1x8x128xf32> to vector<1x8x128xf32>
    %broadcast_in_dim3A_337 = vector.broadcast %broadcast_in_dim3A_336 : vector<1x8x128xf32> to vector<16x8x128xf32>
    %reshape3A_338 = vector.shape_cast %broadcast_in_dim3A_337 : vector<16x8x128xf32> to vector<128x128xf32>
    %mul3A_339 = arith.mulf %reshape3A_338, %get3A_7 : vector<128x128xf32>
    %dot_general3A_340 = arith.constant dense<0.000000e+00> : vector<1x128xf32>
    %dot_general3A_341 = tpu.matmul %div3A_328, %mul3A_339, %dot_general3A_340 {dimension_numbers = #tpu.dot_dimension_numbers<[1], [0], [0], [1], [0, 0, 1, 1], [], []>, transpose_lhs_hint = false} : vector<1x128xf32>, vector<128x128xf32>, vector<1x128xf32> -> vector<1x128xf32>
    %dot_general3A_342 = arith.constant dense<0.000000e+00> : vector<1x128xf32>
    %dot_general3A_343 = tpu.matmul %dot_general3A_341, %get3A_7, %dot_general3A_342 {dimension_numbers = #tpu.dot_dimension_numbers<[1], [0], [0], [1], [0, 0, 1, 1], [], []>, transpose_lhs_hint = false} : vector<1x128xf32>, vector<128x128xf32>, vector<1x128xf32> -> vector<1x128xf32>
    %div3A_344 = arith.divf %dot_general3A_341, %dot_general3A_343 : vector<1x128xf32>
    %slice3A_345 = vector.extract_strided_slice %scan3A_27#1 {offsets = [19, 0], sizes = [1, 128], strides = [1, 1]} : vector<32x128xf32> to vector<1x128xf32>
    %add3A_346 = arith.addf %add3A_332, %slice3A_345 : vector<1x128xf32>
    %log3A_347 = math.log %dot_general3A_343 : vector<1x128xf32>
    %add3A_348 = arith.addf %add3A_346, %log3A_347 : vector<1x128xf32>
    %slice3A_349 = vector.extract_strided_slice %scan3A_27#0 {offsets = [20, 0, 0], sizes = [1, 8, 128], strides = [1, 1, 1]} : vector<32x8x128xf32> to vector<1x8x128xf32>
    %squeeze3A_350 = vector.shape_cast %slice3A_349 : vector<1x8x128xf32> to vector<8x128xf32>
    %broadcast_in_dim3A_351 = vector.shape_cast %squeeze3A_350 : vector<8x128xf32> to vector<1x8x128xf32>
    %broadcast_in_dim3A_352 = vector.shape_cast %broadcast_in_dim3A_351 : vector<1x8x128xf32> to vector<1x8x128xf32>
    %broadcast_in_dim3A_353 = vector.broadcast %broadcast_in_dim3A_352 : vector<1x8x128xf32> to vector<16x8x128xf32>
    %reshape3A_354 = vector.shape_cast %broadcast_in_dim3A_353 : vector<16x8x128xf32> to vector<128x128xf32>
    %mul3A_355 = arith.mulf %reshape3A_354, %get3A_7 : vector<128x128xf32>
    %dot_general3A_356 = arith.constant dense<0.000000e+00> : vector<1x128xf32>
    %dot_general3A_357 = tpu.matmul %div3A_344, %mul3A_355, %dot_general3A_356 {dimension_numbers = #tpu.dot_dimension_numbers<[1], [0], [0], [1], [0, 0, 1, 1], [], []>, transpose_lhs_hint = false} : vector<1x128xf32>, vector<128x128xf32>, vector<1x128xf32> -> vector<1x128xf32>
    %dot_general3A_358 = arith.constant dense<0.000000e+00> : vector<1x128xf32>
    %dot_general3A_359 = tpu.matmul %dot_general3A_357, %get3A_7, %dot_general3A_358 {dimension_numbers = #tpu.dot_dimension_numbers<[1], [0], [0], [1], [0, 0, 1, 1], [], []>, transpose_lhs_hint = false} : vector<1x128xf32>, vector<128x128xf32>, vector<1x128xf32> -> vector<1x128xf32>
    %div3A_360 = arith.divf %dot_general3A_357, %dot_general3A_359 : vector<1x128xf32>
    %slice3A_361 = vector.extract_strided_slice %scan3A_27#1 {offsets = [20, 0], sizes = [1, 128], strides = [1, 1]} : vector<32x128xf32> to vector<1x128xf32>
    %add3A_362 = arith.addf %add3A_348, %slice3A_361 : vector<1x128xf32>
    %log3A_363 = math.log %dot_general3A_359 : vector<1x128xf32>
    %add3A_364 = arith.addf %add3A_362, %log3A_363 : vector<1x128xf32>
    %slice3A_365 = vector.extract_strided_slice %scan3A_27#0 {offsets = [21, 0, 0], sizes = [1, 8, 128], strides = [1, 1, 1]} : vector<32x8x128xf32> to vector<1x8x128xf32>
    %squeeze3A_366 = vector.shape_cast %slice3A_365 : vector<1x8x128xf32> to vector<8x128xf32>
    %broadcast_in_dim3A_367 = vector.shape_cast %squeeze3A_366 : vector<8x128xf32> to vector<1x8x128xf32>
    %broadcast_in_dim3A_368 = vector.shape_cast %broadcast_in_dim3A_367 : vector<1x8x128xf32> to vector<1x8x128xf32>
    %broadcast_in_dim3A_369 = vector.broadcast %broadcast_in_dim3A_368 : vector<1x8x128xf32> to vector<16x8x128xf32>
    %reshape3A_370 = vector.shape_cast %broadcast_in_dim3A_369 : vector<16x8x128xf32> to vector<128x128xf32>
    %mul3A_371 = arith.mulf %reshape3A_370, %get3A_7 : vector<128x128xf32>
    %dot_general3A_372 = arith.constant dense<0.000000e+00> : vector<1x128xf32>
    %dot_general3A_373 = tpu.matmul %div3A_360, %mul3A_371, %dot_general3A_372 {dimension_numbers = #tpu.dot_dimension_numbers<[1], [0], [0], [1], [0, 0, 1, 1], [], []>, transpose_lhs_hint = false} : vector<1x128xf32>, vector<128x128xf32>, vector<1x128xf32> -> vector<1x128xf32>
    %dot_general3A_374 = arith.constant dense<0.000000e+00> : vector<1x128xf32>
    %dot_general3A_375 = tpu.matmul %dot_general3A_373, %get3A_7, %dot_general3A_374 {dimension_numbers = #tpu.dot_dimension_numbers<[1], [0], [0], [1], [0, 0, 1, 1], [], []>, transpose_lhs_hint = false} : vector<1x128xf32>, vector<128x128xf32>, vector<1x128xf32> -> vector<1x128xf32>
    %div3A_376 = arith.divf %dot_general3A_373, %dot_general3A_375 : vector<1x128xf32>
    %slice3A_377 = vector.extract_strided_slice %scan3A_27#1 {offsets = [21, 0], sizes = [1, 128], strides = [1, 1]} : vector<32x128xf32> to vector<1x128xf32>
    %add3A_378 = arith.addf %add3A_364, %slice3A_377 : vector<1x128xf32>
    %log3A_379 = math.log %dot_general3A_375 : vector<1x128xf32>
    %add3A_380 = arith.addf %add3A_378, %log3A_379 : vector<1x128xf32>
    %slice3A_381 = vector.extract_strided_slice %scan3A_27#0 {offsets = [22, 0, 0], sizes = [1, 8, 128], strides = [1, 1, 1]} : vector<32x8x128xf32> to vector<1x8x128xf32>
    %squeeze3A_382 = vector.shape_cast %slice3A_381 : vector<1x8x128xf32> to vector<8x128xf32>
    %broadcast_in_dim3A_383 = vector.shape_cast %squeeze3A_382 : vector<8x128xf32> to vector<1x8x128xf32>
    %broadcast_in_dim3A_384 = vector.shape_cast %broadcast_in_dim3A_383 : vector<1x8x128xf32> to vector<1x8x128xf32>
    %broadcast_in_dim3A_385 = vector.broadcast %broadcast_in_dim3A_384 : vector<1x8x128xf32> to vector<16x8x128xf32>
    %reshape3A_386 = vector.shape_cast %broadcast_in_dim3A_385 : vector<16x8x128xf32> to vector<128x128xf32>
    %mul3A_387 = arith.mulf %reshape3A_386, %get3A_7 : vector<128x128xf32>
    %dot_general3A_388 = arith.constant dense<0.000000e+00> : vector<1x128xf32>
    %dot_general3A_389 = tpu.matmul %div3A_376, %mul3A_387, %dot_general3A_388 {dimension_numbers = #tpu.dot_dimension_numbers<[1], [0], [0], [1], [0, 0, 1, 1], [], []>, transpose_lhs_hint = false} : vector<1x128xf32>, vector<128x128xf32>, vector<1x128xf32> -> vector<1x128xf32>
    %dot_general3A_390 = arith.constant dense<0.000000e+00> : vector<1x128xf32>
    %dot_general3A_391 = tpu.matmul %dot_general3A_389, %get3A_7, %dot_general3A_390 {dimension_numbers = #tpu.dot_dimension_numbers<[1], [0], [0], [1], [0, 0, 1, 1], [], []>, transpose_lhs_hint = false} : vector<1x128xf32>, vector<128x128xf32>, vector<1x128xf32> -> vector<1x128xf32>
    %div3A_392 = arith.divf %dot_general3A_389, %dot_general3A_391 : vector<1x128xf32>
    %slice3A_393 = vector.extract_strided_slice %scan3A_27#1 {offsets = [22, 0], sizes = [1, 128], strides = [1, 1]} : vector<32x128xf32> to vector<1x128xf32>
    %add3A_394 = arith.addf %add3A_380, %slice3A_393 : vector<1x128xf32>
    %log3A_395 = math.log %dot_general3A_391 : vector<1x128xf32>
    %add3A_396 = arith.addf %add3A_394, %log3A_395 : vector<1x128xf32>
    %slice3A_397 = vector.extract_strided_slice %scan3A_27#0 {offsets = [23, 0, 0], sizes = [1, 8, 128], strides = [1, 1, 1]} : vector<32x8x128xf32> to vector<1x8x128xf32>
    %squeeze3A_398 = vector.shape_cast %slice3A_397 : vector<1x8x128xf32> to vector<8x128xf32>
    %broadcast_in_dim3A_399 = vector.shape_cast %squeeze3A_398 : vector<8x128xf32> to vector<1x8x128xf32>
    %broadcast_in_dim3A_400 = vector.shape_cast %broadcast_in_dim3A_399 : vector<1x8x128xf32> to vector<1x8x128xf32>
    %broadcast_in_dim3A_401 = vector.broadcast %broadcast_in_dim3A_400 : vector<1x8x128xf32> to vector<16x8x128xf32>
    %reshape3A_402 = vector.shape_cast %broadcast_in_dim3A_401 : vector<16x8x128xf32> to vector<128x128xf32>
    %mul3A_403 = arith.mulf %reshape3A_402, %get3A_7 : vector<128x128xf32>
    %dot_general3A_404 = arith.constant dense<0.000000e+00> : vector<1x128xf32>
    %dot_general3A_405 = tpu.matmul %div3A_392, %mul3A_403, %dot_general3A_404 {dimension_numbers = #tpu.dot_dimension_numbers<[1], [0], [0], [1], [0, 0, 1, 1], [], []>, transpose_lhs_hint = false} : vector<1x128xf32>, vector<128x128xf32>, vector<1x128xf32> -> vector<1x128xf32>
    %dot_general3A_406 = arith.constant dense<0.000000e+00> : vector<1x128xf32>
    %dot_general3A_407 = tpu.matmul %dot_general3A_405, %get3A_7, %dot_general3A_406 {dimension_numbers = #tpu.dot_dimension_numbers<[1], [0], [0], [1], [0, 0, 1, 1], [], []>, transpose_lhs_hint = false} : vector<1x128xf32>, vector<128x128xf32>, vector<1x128xf32> -> vector<1x128xf32>
    %div3A_408 = arith.divf %dot_general3A_405, %dot_general3A_407 : vector<1x128xf32>
    %slice3A_409 = vector.extract_strided_slice %scan3A_27#1 {offsets = [23, 0], sizes = [1, 128], strides = [1, 1]} : vector<32x128xf32> to vector<1x128xf32>
    %add3A_410 = arith.addf %add3A_396, %slice3A_409 : vector<1x128xf32>
    %log3A_411 = math.log %dot_general3A_407 : vector<1x128xf32>
    %add3A_412 = arith.addf %add3A_410, %log3A_411 : vector<1x128xf32>
    %slice3A_413 = vector.extract_strided_slice %scan3A_27#0 {offsets = [24, 0, 0], sizes = [1, 8, 128], strides = [1, 1, 1]} : vector<32x8x128xf32> to vector<1x8x128xf32>
    %squeeze3A_414 = vector.shape_cast %slice3A_413 : vector<1x8x128xf32> to vector<8x128xf32>
    %broadcast_in_dim3A_415 = vector.shape_cast %squeeze3A_414 : vector<8x128xf32> to vector<1x8x128xf32>
    %broadcast_in_dim3A_416 = vector.shape_cast %broadcast_in_dim3A_415 : vector<1x8x128xf32> to vector<1x8x128xf32>
    %broadcast_in_dim3A_417 = vector.broadcast %broadcast_in_dim3A_416 : vector<1x8x128xf32> to vector<16x8x128xf32>
    %reshape3A_418 = vector.shape_cast %broadcast_in_dim3A_417 : vector<16x8x128xf32> to vector<128x128xf32>
    %mul3A_419 = arith.mulf %reshape3A_418, %get3A_7 : vector<128x128xf32>
    %dot_general3A_420 = arith.constant dense<0.000000e+00> : vector<1x128xf32>
    %dot_general3A_421 = tpu.matmul %div3A_408, %mul3A_419, %dot_general3A_420 {dimension_numbers = #tpu.dot_dimension_numbers<[1], [0], [0], [1], [0, 0, 1, 1], [], []>, transpose_lhs_hint = false} : vector<1x128xf32>, vector<128x128xf32>, vector<1x128xf32> -> vector<1x128xf32>
    %dot_general3A_422 = arith.constant dense<0.000000e+00> : vector<1x128xf32>
    %dot_general3A_423 = tpu.matmul %dot_general3A_421, %get3A_7, %dot_general3A_422 {dimension_numbers = #tpu.dot_dimension_numbers<[1], [0], [0], [1], [0, 0, 1, 1], [], []>, transpose_lhs_hint = false} : vector<1x128xf32>, vector<128x128xf32>, vector<1x128xf32> -> vector<1x128xf32>
    %div3A_424 = arith.divf %dot_general3A_421, %dot_general3A_423 : vector<1x128xf32>
    %slice3A_425 = vector.extract_strided_slice %scan3A_27#1 {offsets = [24, 0], sizes = [1, 128], strides = [1, 1]} : vector<32x128xf32> to vector<1x128xf32>
    %add3A_426 = arith.addf %add3A_412, %slice3A_425 : vector<1x128xf32>
    %log3A_427 = math.log %dot_general3A_423 : vector<1x128xf32>
    %add3A_428 = arith.addf %add3A_426, %log3A_427 : vector<1x128xf32>
    %slice3A_429 = vector.extract_strided_slice %scan3A_27#0 {offsets = [25, 0, 0], sizes = [1, 8, 128], strides = [1, 1, 1]} : vector<32x8x128xf32> to vector<1x8x128xf32>
    %squeeze3A_430 = vector.shape_cast %slice3A_429 : vector<1x8x128xf32> to vector<8x128xf32>
    %broadcast_in_dim3A_431 = vector.shape_cast %squeeze3A_430 : vector<8x128xf32> to vector<1x8x128xf32>
    %broadcast_in_dim3A_432 = vector.shape_cast %broadcast_in_dim3A_431 : vector<1x8x128xf32> to vector<1x8x128xf32>
    %broadcast_in_dim3A_433 = vector.broadcast %broadcast_in_dim3A_432 : vector<1x8x128xf32> to vector<16x8x128xf32>
    %reshape3A_434 = vector.shape_cast %broadcast_in_dim3A_433 : vector<16x8x128xf32> to vector<128x128xf32>
    %mul3A_435 = arith.mulf %reshape3A_434, %get3A_7 : vector<128x128xf32>
    %dot_general3A_436 = arith.constant dense<0.000000e+00> : vector<1x128xf32>
    %dot_general3A_437 = tpu.matmul %div3A_424, %mul3A_435, %dot_general3A_436 {dimension_numbers = #tpu.dot_dimension_numbers<[1], [0], [0], [1], [0, 0, 1, 1], [], []>, transpose_lhs_hint = false} : vector<1x128xf32>, vector<128x128xf32>, vector<1x128xf32> -> vector<1x128xf32>
    %dot_general3A_438 = arith.constant dense<0.000000e+00> : vector<1x128xf32>
    %dot_general3A_439 = tpu.matmul %dot_general3A_437, %get3A_7, %dot_general3A_438 {dimension_numbers = #tpu.dot_dimension_numbers<[1], [0], [0], [1], [0, 0, 1, 1], [], []>, transpose_lhs_hint = false} : vector<1x128xf32>, vector<128x128xf32>, vector<1x128xf32> -> vector<1x128xf32>
    %div3A_440 = arith.divf %dot_general3A_437, %dot_general3A_439 : vector<1x128xf32>
    %slice3A_441 = vector.extract_strided_slice %scan3A_27#1 {offsets = [25, 0], sizes = [1, 128], strides = [1, 1]} : vector<32x128xf32> to vector<1x128xf32>
    %add3A_442 = arith.addf %add3A_428, %slice3A_441 : vector<1x128xf32>
    %log3A_443 = math.log %dot_general3A_439 : vector<1x128xf32>
    %add3A_444 = arith.addf %add3A_442, %log3A_443 : vector<1x128xf32>
    %slice3A_445 = vector.extract_strided_slice %scan3A_27#0 {offsets = [26, 0, 0], sizes = [1, 8, 128], strides = [1, 1, 1]} : vector<32x8x128xf32> to vector<1x8x128xf32>
    %squeeze3A_446 = vector.shape_cast %slice3A_445 : vector<1x8x128xf32> to vector<8x128xf32>
    %broadcast_in_dim3A_447 = vector.shape_cast %squeeze3A_446 : vector<8x128xf32> to vector<1x8x128xf32>
    %broadcast_in_dim3A_448 = vector.shape_cast %broadcast_in_dim3A_447 : vector<1x8x128xf32> to vector<1x8x128xf32>
    %broadcast_in_dim3A_449 = vector.broadcast %broadcast_in_dim3A_448 : vector<1x8x128xf32> to vector<16x8x128xf32>
    %reshape3A_450 = vector.shape_cast %broadcast_in_dim3A_449 : vector<16x8x128xf32> to vector<128x128xf32>
    %mul3A_451 = arith.mulf %reshape3A_450, %get3A_7 : vector<128x128xf32>
    %dot_general3A_452 = arith.constant dense<0.000000e+00> : vector<1x128xf32>
    %dot_general3A_453 = tpu.matmul %div3A_440, %mul3A_451, %dot_general3A_452 {dimension_numbers = #tpu.dot_dimension_numbers<[1], [0], [0], [1], [0, 0, 1, 1], [], []>, transpose_lhs_hint = false} : vector<1x128xf32>, vector<128x128xf32>, vector<1x128xf32> -> vector<1x128xf32>
    %dot_general3A_454 = arith.constant dense<0.000000e+00> : vector<1x128xf32>
    %dot_general3A_455 = tpu.matmul %dot_general3A_453, %get3A_7, %dot_general3A_454 {dimension_numbers = #tpu.dot_dimension_numbers<[1], [0], [0], [1], [0, 0, 1, 1], [], []>, transpose_lhs_hint = false} : vector<1x128xf32>, vector<128x128xf32>, vector<1x128xf32> -> vector<1x128xf32>
    %div3A_456 = arith.divf %dot_general3A_453, %dot_general3A_455 : vector<1x128xf32>
    %slice3A_457 = vector.extract_strided_slice %scan3A_27#1 {offsets = [26, 0], sizes = [1, 128], strides = [1, 1]} : vector<32x128xf32> to vector<1x128xf32>
    %add3A_458 = arith.addf %add3A_444, %slice3A_457 : vector<1x128xf32>
    %log3A_459 = math.log %dot_general3A_455 : vector<1x128xf32>
    %add3A_460 = arith.addf %add3A_458, %log3A_459 : vector<1x128xf32>
    %slice3A_461 = vector.extract_strided_slice %scan3A_27#0 {offsets = [27, 0, 0], sizes = [1, 8, 128], strides = [1, 1, 1]} : vector<32x8x128xf32> to vector<1x8x128xf32>
    %squeeze3A_462 = vector.shape_cast %slice3A_461 : vector<1x8x128xf32> to vector<8x128xf32>
    %broadcast_in_dim3A_463 = vector.shape_cast %squeeze3A_462 : vector<8x128xf32> to vector<1x8x128xf32>
    %broadcast_in_dim3A_464 = vector.shape_cast %broadcast_in_dim3A_463 : vector<1x8x128xf32> to vector<1x8x128xf32>
    %broadcast_in_dim3A_465 = vector.broadcast %broadcast_in_dim3A_464 : vector<1x8x128xf32> to vector<16x8x128xf32>
    %reshape3A_466 = vector.shape_cast %broadcast_in_dim3A_465 : vector<16x8x128xf32> to vector<128x128xf32>
    %mul3A_467 = arith.mulf %reshape3A_466, %get3A_7 : vector<128x128xf32>
    %dot_general3A_468 = arith.constant dense<0.000000e+00> : vector<1x128xf32>
    %dot_general3A_469 = tpu.matmul %div3A_456, %mul3A_467, %dot_general3A_468 {dimension_numbers = #tpu.dot_dimension_numbers<[1], [0], [0], [1], [0, 0, 1, 1], [], []>, transpose_lhs_hint = false} : vector<1x128xf32>, vector<128x128xf32>, vector<1x128xf32> -> vector<1x128xf32>
    %dot_general3A_470 = arith.constant dense<0.000000e+00> : vector<1x128xf32>
    %dot_general3A_471 = tpu.matmul %dot_general3A_469, %get3A_7, %dot_general3A_470 {dimension_numbers = #tpu.dot_dimension_numbers<[1], [0], [0], [1], [0, 0, 1, 1], [], []>, transpose_lhs_hint = false} : vector<1x128xf32>, vector<128x128xf32>, vector<1x128xf32> -> vector<1x128xf32>
    %div3A_472 = arith.divf %dot_general3A_469, %dot_general3A_471 : vector<1x128xf32>
    %slice3A_473 = vector.extract_strided_slice %scan3A_27#1 {offsets = [27, 0], sizes = [1, 128], strides = [1, 1]} : vector<32x128xf32> to vector<1x128xf32>
    %add3A_474 = arith.addf %add3A_460, %slice3A_473 : vector<1x128xf32>
    %log3A_475 = math.log %dot_general3A_471 : vector<1x128xf32>
    %add3A_476 = arith.addf %add3A_474, %log3A_475 : vector<1x128xf32>
    %slice3A_477 = vector.extract_strided_slice %scan3A_27#0 {offsets = [28, 0, 0], sizes = [1, 8, 128], strides = [1, 1, 1]} : vector<32x8x128xf32> to vector<1x8x128xf32>
    %squeeze3A_478 = vector.shape_cast %slice3A_477 : vector<1x8x128xf32> to vector<8x128xf32>
    %broadcast_in_dim3A_479 = vector.shape_cast %squeeze3A_478 : vector<8x128xf32> to vector<1x8x128xf32>
    %broadcast_in_dim3A_480 = vector.shape_cast %broadcast_in_dim3A_479 : vector<1x8x128xf32> to vector<1x8x128xf32>
    %broadcast_in_dim3A_481 = vector.broadcast %broadcast_in_dim3A_480 : vector<1x8x128xf32> to vector<16x8x128xf32>
    %reshape3A_482 = vector.shape_cast %broadcast_in_dim3A_481 : vector<16x8x128xf32> to vector<128x128xf32>
    %mul3A_483 = arith.mulf %reshape3A_482, %get3A_7 : vector<128x128xf32>
    %dot_general3A_484 = arith.constant dense<0.000000e+00> : vector<1x128xf32>
    %dot_general3A_485 = tpu.matmul %div3A_472, %mul3A_483, %dot_general3A_484 {dimension_numbers = #tpu.dot_dimension_numbers<[1], [0], [0], [1], [0, 0, 1, 1], [], []>, transpose_lhs_hint = false} : vector<1x128xf32>, vector<128x128xf32>, vector<1x128xf32> -> vector<1x128xf32>
    %dot_general3A_486 = arith.constant dense<0.000000e+00> : vector<1x128xf32>
    %dot_general3A_487 = tpu.matmul %dot_general3A_485, %get3A_7, %dot_general3A_486 {dimension_numbers = #tpu.dot_dimension_numbers<[1], [0], [0], [1], [0, 0, 1, 1], [], []>, transpose_lhs_hint = false} : vector<1x128xf32>, vector<128x128xf32>, vector<1x128xf32> -> vector<1x128xf32>
    %div3A_488 = arith.divf %dot_general3A_485, %dot_general3A_487 : vector<1x128xf32>
    %slice3A_489 = vector.extract_strided_slice %scan3A_27#1 {offsets = [28, 0], sizes = [1, 128], strides = [1, 1]} : vector<32x128xf32> to vector<1x128xf32>
    %add3A_490 = arith.addf %add3A_476, %slice3A_489 : vector<1x128xf32>
    %log3A_491 = math.log %dot_general3A_487 : vector<1x128xf32>
    %add3A_492 = arith.addf %add3A_490, %log3A_491 : vector<1x128xf32>
    %slice3A_493 = vector.extract_strided_slice %scan3A_27#0 {offsets = [29, 0, 0], sizes = [1, 8, 128], strides = [1, 1, 1]} : vector<32x8x128xf32> to vector<1x8x128xf32>
    %squeeze3A_494 = vector.shape_cast %slice3A_493 : vector<1x8x128xf32> to vector<8x128xf32>
    %broadcast_in_dim3A_495 = vector.shape_cast %squeeze3A_494 : vector<8x128xf32> to vector<1x8x128xf32>
    %broadcast_in_dim3A_496 = vector.shape_cast %broadcast_in_dim3A_495 : vector<1x8x128xf32> to vector<1x8x128xf32>
    %broadcast_in_dim3A_497 = vector.broadcast %broadcast_in_dim3A_496 : vector<1x8x128xf32> to vector<16x8x128xf32>
    %reshape3A_498 = vector.shape_cast %broadcast_in_dim3A_497 : vector<16x8x128xf32> to vector<128x128xf32>
    %mul3A_499 = arith.mulf %reshape3A_498, %get3A_7 : vector<128x128xf32>
    %dot_general3A_500 = arith.constant dense<0.000000e+00> : vector<1x128xf32>
    %dot_general3A_501 = tpu.matmul %div3A_488, %mul3A_499, %dot_general3A_500 {dimension_numbers = #tpu.dot_dimension_numbers<[1], [0], [0], [1], [0, 0, 1, 1], [], []>, transpose_lhs_hint = false} : vector<1x128xf32>, vector<128x128xf32>, vector<1x128xf32> -> vector<1x128xf32>
    %dot_general3A_502 = arith.constant dense<0.000000e+00> : vector<1x128xf32>
    %dot_general3A_503 = tpu.matmul %dot_general3A_501, %get3A_7, %dot_general3A_502 {dimension_numbers = #tpu.dot_dimension_numbers<[1], [0], [0], [1], [0, 0, 1, 1], [], []>, transpose_lhs_hint = false} : vector<1x128xf32>, vector<128x128xf32>, vector<1x128xf32> -> vector<1x128xf32>
    %div3A_504 = arith.divf %dot_general3A_501, %dot_general3A_503 : vector<1x128xf32>
    %slice3A_505 = vector.extract_strided_slice %scan3A_27#1 {offsets = [29, 0], sizes = [1, 128], strides = [1, 1]} : vector<32x128xf32> to vector<1x128xf32>
    %add3A_506 = arith.addf %add3A_492, %slice3A_505 : vector<1x128xf32>
    %log3A_507 = math.log %dot_general3A_503 : vector<1x128xf32>
    %add3A_508 = arith.addf %add3A_506, %log3A_507 : vector<1x128xf32>
    %slice3A_509 = vector.extract_strided_slice %scan3A_27#0 {offsets = [30, 0, 0], sizes = [1, 8, 128], strides = [1, 1, 1]} : vector<32x8x128xf32> to vector<1x8x128xf32>
    %squeeze3A_510 = vector.shape_cast %slice3A_509 : vector<1x8x128xf32> to vector<8x128xf32>
    %broadcast_in_dim3A_511 = vector.shape_cast %squeeze3A_510 : vector<8x128xf32> to vector<1x8x128xf32>
    %broadcast_in_dim3A_512 = vector.shape_cast %broadcast_in_dim3A_511 : vector<1x8x128xf32> to vector<1x8x128xf32>
    %broadcast_in_dim3A_513 = vector.broadcast %broadcast_in_dim3A_512 : vector<1x8x128xf32> to vector<16x8x128xf32>
    %reshape3A_514 = vector.shape_cast %broadcast_in_dim3A_513 : vector<16x8x128xf32> to vector<128x128xf32>
    %mul3A_515 = arith.mulf %reshape3A_514, %get3A_7 : vector<128x128xf32>
    %dot_general3A_516 = arith.constant dense<0.000000e+00> : vector<1x128xf32>
    %dot_general3A_517 = tpu.matmul %div3A_504, %mul3A_515, %dot_general3A_516 {dimension_numbers = #tpu.dot_dimension_numbers<[1], [0], [0], [1], [0, 0, 1, 1], [], []>, transpose_lhs_hint = false} : vector<1x128xf32>, vector<128x128xf32>, vector<1x128xf32> -> vector<1x128xf32>
    %dot_general3A_518 = arith.constant dense<0.000000e+00> : vector<1x128xf32>
    %dot_general3A_519 = tpu.matmul %dot_general3A_517, %get3A_7, %dot_general3A_518 {dimension_numbers = #tpu.dot_dimension_numbers<[1], [0], [0], [1], [0, 0, 1, 1], [], []>, transpose_lhs_hint = false} : vector<1x128xf32>, vector<128x128xf32>, vector<1x128xf32> -> vector<1x128xf32>
    %div3A_520 = arith.divf %dot_general3A_517, %dot_general3A_519 : vector<1x128xf32>
    %slice3A_521 = vector.extract_strided_slice %scan3A_27#1 {offsets = [30, 0], sizes = [1, 128], strides = [1, 1]} : vector<32x128xf32> to vector<1x128xf32>
    %add3A_522 = arith.addf %add3A_508, %slice3A_521 : vector<1x128xf32>
    %log3A_523 = math.log %dot_general3A_519 : vector<1x128xf32>
    %add3A_524 = arith.addf %add3A_522, %log3A_523 : vector<1x128xf32>
    %slice3A_525 = vector.extract_strided_slice %scan3A_27#0 {offsets = [31, 0, 0], sizes = [1, 8, 128], strides = [1, 1, 1]} : vector<32x8x128xf32> to vector<1x8x128xf32>
    %squeeze3A_526 = vector.shape_cast %slice3A_525 : vector<1x8x128xf32> to vector<8x128xf32>
    %broadcast_in_dim3A_527 = vector.shape_cast %squeeze3A_526 : vector<8x128xf32> to vector<1x8x128xf32>
    %broadcast_in_dim3A_528 = vector.shape_cast %broadcast_in_dim3A_527 : vector<1x8x128xf32> to vector<1x8x128xf32>
    %broadcast_in_dim3A_529 = vector.broadcast %broadcast_in_dim3A_528 : vector<1x8x128xf32> to vector<16x8x128xf32>
    %reshape3A_530 = vector.shape_cast %broadcast_in_dim3A_529 : vector<16x8x128xf32> to vector<128x128xf32>
    %mul3A_531 = arith.mulf %reshape3A_530, %get3A_7 : vector<128x128xf32>
    %dot_general3A_532 = arith.constant dense<0.000000e+00> : vector<1x128xf32>
    %dot_general3A_533 = tpu.matmul %div3A_520, %mul3A_531, %dot_general3A_532 {dimension_numbers = #tpu.dot_dimension_numbers<[1], [0], [0], [1], [0, 0, 1, 1], [], []>, transpose_lhs_hint = false} : vector<1x128xf32>, vector<128x128xf32>, vector<1x128xf32> -> vector<1x128xf32>
    %dot_general3A_534 = arith.constant dense<0.000000e+00> : vector<1x128xf32>
    %dot_general3A_535 = tpu.matmul %dot_general3A_533, %get3A_7, %dot_general3A_534 {dimension_numbers = #tpu.dot_dimension_numbers<[1], [0], [0], [1], [0, 0, 1, 1], [], []>, transpose_lhs_hint = false} : vector<1x128xf32>, vector<128x128xf32>, vector<1x128xf32> -> vector<1x128xf32>
    %div3A_536 = arith.divf %dot_general3A_533, %dot_general3A_535 : vector<1x128xf32>
    %slice3A_537 = vector.extract_strided_slice %scan3A_27#1 {offsets = [31, 0], sizes = [1, 128], strides = [1, 1]} : vector<32x128xf32> to vector<1x128xf32>
    %add3A_538 = arith.addf %add3A_524, %slice3A_537 : vector<1x128xf32>
    %log3A_539 = math.log %dot_general3A_535 : vector<1x128xf32>
    %add3A_540 = arith.addf %add3A_538, %log3A_539 : vector<1x128xf32>
    %exp3A_541 = math.exp %get3A_13 : vector<1x128xf32>
    %mul3A_542 = arith.mulf %div3A_536, %exp3A_541 : vector<1x128xf32>
    %dot_general3A_543 = arith.constant dense<0.000000e+00> : vector<1x128xf32>
    %dot_general3A_544 = tpu.matmul %mul3A_542, %get3A_7, %dot_general3A_543 {dimension_numbers = #tpu.dot_dimension_numbers<[1], [0], [0], [1], [0, 0, 1, 1], [], []>, transpose_lhs_hint = false} : vector<1x128xf32>, vector<128x128xf32>, vector<1x128xf32> -> vector<1x128xf32>
    %log3A_545 = math.log %dot_general3A_544 : vector<1x128xf32>
    %add3A_546 = arith.addf %log3A_545, %add3A_540 : vector<1x128xf32>
    %get3A_547 = arith.constant 0 : index
    %get3A_548 = arith.constant 0 : index
    %get3A_549 = vector.load %arg7[%get3A_547, %get3A_548] : memref<16x128xf32, #tpu.memory_space<vmem>>, vector<16x128xf32>
    %iota3A_550 = tpu.iota {dimensions = array<i32: 1>} : vector<128x128xi32>
    %and3A_551 = arith.constant 7 : i32
    %and3A_552 = vector.broadcast %and3A_551 : i32 to vector<128x128xi32>
    %and3A_553 = arith.andi %iota3A_550, %and3A_552 : vector<128x128xi32>
    %convert_element_type3A_554 = arith.sitofp %and3A_553 : vector<128x128xi32> to vector<128x128xf32>
    %get3A_555 = arith.constant 0 : index
    %get3A_556 = arith.constant 0 : index
    %get3A_557 = vector.load %arg3[%get3A_555, %get3A_556] : memref<1x128xf32, #tpu.memory_space<vmem>>, vector<1x128xf32>
    %get3A_558 = arith.constant 0 : index
    %get3A_559 = arith.constant 0 : index
    %get3A_560 = vector.load %arg2[%get3A_558, %get3A_559] : memref<2056x16xf32, #tpu.memory_space<vmem>>, vector<128x16xf32>
    %dot_general3A_561 = arith.constant dense<0.000000e+00> : vector<128x128xf32>
    %dot_general3A_562 = tpu.matmul %get3A_560, %get3A_549, %dot_general3A_561 {dimension_numbers = #tpu.dot_dimension_numbers<[1], [0], [0], [1], [0, 0, 1, 1], [], []>, transpose_lhs_hint = false} : vector<128x16xf32>, vector<16x128xf32>, vector<128x128xf32> -> vector<128x128xf32>
    %get3A_563 = arith.constant 0 : index
    %get3A_564 = arith.constant 0 : index
    %get3A_565 = vector.load %arg0[%get3A_563, %get3A_564] : memref<2048x128xf32, #tpu.memory_space<vmem>>, vector<128x128xf32>
    %iota3A_566 = tpu.iota {dimensions = array<i32: 0>} : vector<128x128xi32>
    %add3A_567 = arith.constant 0 : i32
    %add3A_568 = vector.broadcast %add3A_567 : i32 to vector<128x128xi32>
    %add3A_569 = arith.addi %add3A_568, %iota3A_566 : vector<128x128xi32>
    %eq3A_570 = arith.cmpf oeq, %convert_element_type3A_554, %dot_general3A_562 : vector<128x128xf32>
    %convert_element_type3A_571 = arith.extui %eq3A_570 : vector<128x128xi1> to vector<128x128xi32>
    %convert_element_type3A_572 = arith.sitofp %convert_element_type3A_571 : vector<128x128xi32> to vector<128x128xf32>
    %lt3A = vector.broadcast %get3A_1 : vector<1x128xi32> to vector<128x128xi32>
    %lt3A_573 = arith.cmpi slt, %add3A_569, %lt3A : vector<128x128xi32>
    %mul3A_574 = arith.mulf %get3A_565, %convert_element_type3A_572 : vector<128x128xf32>
    %jit3A = arith.constant 0.000000e+00 : f32
    %broadcast_in_dim3A_575 = vector.broadcast %jit3A : f32 to vector<128x128xf32>
    %select_n3A = arith.select %lt3A_573, %mul3A_574, %broadcast_in_dim3A_575 : vector<128x128xi1>, vector<128x128xf32>
    %reduce_sum3A = arith.constant dense<0.000000e+00> : vector<128xf32>
    %reduce_sum3A_576 = vector.multi_reduction <add>, %select_n3A, %reduce_sum3A [0] : vector<128x128xf32> to vector<128xf32>
    %broadcast_in_dim3A_577 = vector.shape_cast %reduce_sum3A_576 : vector<128xf32> to vector<1x128xf32>
    %add3A_578 = arith.addf %get3A_557, %broadcast_in_dim3A_577 : vector<1x128xf32>
    %get3A_579 = arith.constant 128 : index
    %get3A_580 = arith.constant 0 : index
    %get3A_581 = vector.load %arg2[%get3A_579, %get3A_580] : memref<2056x16xf32, #tpu.memory_space<vmem>>, vector<128x16xf32>
    %dot_general3A_582 = arith.constant dense<0.000000e+00> : vector<128x128xf32>
    %dot_general3A_583 = tpu.matmul %get3A_581, %get3A_549, %dot_general3A_582 {dimension_numbers = #tpu.dot_dimension_numbers<[1], [0], [0], [1], [0, 0, 1, 1], [], []>, transpose_lhs_hint = false} : vector<128x16xf32>, vector<16x128xf32>, vector<128x128xf32> -> vector<128x128xf32>
    %get3A_584 = arith.constant 128 : index
    %get3A_585 = arith.constant 0 : index
    %get3A_586 = vector.load %arg0[%get3A_584, %get3A_585] : memref<2048x128xf32, #tpu.memory_space<vmem>>, vector<128x128xf32>
    %iota3A_587 = tpu.iota {dimensions = array<i32: 0>} : vector<128x128xi32>
    %add3A_588 = arith.constant 128 : i32
    %add3A_589 = vector.broadcast %add3A_588 : i32 to vector<128x128xi32>
    %add3A_590 = arith.addi %add3A_589, %iota3A_587 : vector<128x128xi32>
    %eq3A_591 = arith.cmpf oeq, %convert_element_type3A_554, %dot_general3A_583 : vector<128x128xf32>
    %convert_element_type3A_592 = arith.extui %eq3A_591 : vector<128x128xi1> to vector<128x128xi32>
    %convert_element_type3A_593 = arith.sitofp %convert_element_type3A_592 : vector<128x128xi32> to vector<128x128xf32>
    %lt3A_594 = vector.broadcast %get3A_1 : vector<1x128xi32> to vector<128x128xi32>
    %lt3A_595 = arith.cmpi slt, %add3A_590, %lt3A_594 : vector<128x128xi32>
    %mul3A_596 = arith.mulf %get3A_586, %convert_element_type3A_593 : vector<128x128xf32>
    %jit3A_597 = arith.constant 0.000000e+00 : f32
    %broadcast_in_dim3A_598 = vector.broadcast %jit3A_597 : f32 to vector<128x128xf32>
    %select_n3A_599 = arith.select %lt3A_595, %mul3A_596, %broadcast_in_dim3A_598 : vector<128x128xi1>, vector<128x128xf32>
    %reduce_sum3A_600 = arith.constant dense<0.000000e+00> : vector<128xf32>
    %reduce_sum3A_601 = vector.multi_reduction <add>, %select_n3A_599, %reduce_sum3A_600 [0] : vector<128x128xf32> to vector<128xf32>
    %broadcast_in_dim3A_602 = vector.shape_cast %reduce_sum3A_601 : vector<128xf32> to vector<1x128xf32>
    %add3A_603 = arith.addf %add3A_578, %broadcast_in_dim3A_602 : vector<1x128xf32>
    %get3A_604 = arith.constant 256 : index
    %get3A_605 = arith.constant 0 : index
    %get3A_606 = vector.load %arg2[%get3A_604, %get3A_605] : memref<2056x16xf32, #tpu.memory_space<vmem>>, vector<128x16xf32>
    %dot_general3A_607 = arith.constant dense<0.000000e+00> : vector<128x128xf32>
    %dot_general3A_608 = tpu.matmul %get3A_606, %get3A_549, %dot_general3A_607 {dimension_numbers = #tpu.dot_dimension_numbers<[1], [0], [0], [1], [0, 0, 1, 1], [], []>, transpose_lhs_hint = false} : vector<128x16xf32>, vector<16x128xf32>, vector<128x128xf32> -> vector<128x128xf32>
    %get3A_609 = arith.constant 256 : index
    %get3A_610 = arith.constant 0 : index
    %get3A_611 = vector.load %arg0[%get3A_609, %get3A_610] : memref<2048x128xf32, #tpu.memory_space<vmem>>, vector<128x128xf32>
    %iota3A_612 = tpu.iota {dimensions = array<i32: 0>} : vector<128x128xi32>
    %add3A_613 = arith.constant 256 : i32
    %add3A_614 = vector.broadcast %add3A_613 : i32 to vector<128x128xi32>
    %add3A_615 = arith.addi %add3A_614, %iota3A_612 : vector<128x128xi32>
    %eq3A_616 = arith.cmpf oeq, %convert_element_type3A_554, %dot_general3A_608 : vector<128x128xf32>
    %convert_element_type3A_617 = arith.extui %eq3A_616 : vector<128x128xi1> to vector<128x128xi32>
    %convert_element_type3A_618 = arith.sitofp %convert_element_type3A_617 : vector<128x128xi32> to vector<128x128xf32>
    %lt3A_619 = vector.broadcast %get3A_1 : vector<1x128xi32> to vector<128x128xi32>
    %lt3A_620 = arith.cmpi slt, %add3A_615, %lt3A_619 : vector<128x128xi32>
    %mul3A_621 = arith.mulf %get3A_611, %convert_element_type3A_618 : vector<128x128xf32>
    %jit3A_622 = arith.constant 0.000000e+00 : f32
    %broadcast_in_dim3A_623 = vector.broadcast %jit3A_622 : f32 to vector<128x128xf32>
    %select_n3A_624 = arith.select %lt3A_620, %mul3A_621, %broadcast_in_dim3A_623 : vector<128x128xi1>, vector<128x128xf32>
    %reduce_sum3A_625 = arith.constant dense<0.000000e+00> : vector<128xf32>
    %reduce_sum3A_626 = vector.multi_reduction <add>, %select_n3A_624, %reduce_sum3A_625 [0] : vector<128x128xf32> to vector<128xf32>
    %broadcast_in_dim3A_627 = vector.shape_cast %reduce_sum3A_626 : vector<128xf32> to vector<1x128xf32>
    %add3A_628 = arith.addf %add3A_603, %broadcast_in_dim3A_627 : vector<1x128xf32>
    %get3A_629 = arith.constant 384 : index
    %get3A_630 = arith.constant 0 : index
    %get3A_631 = vector.load %arg2[%get3A_629, %get3A_630] : memref<2056x16xf32, #tpu.memory_space<vmem>>, vector<128x16xf32>
    %dot_general3A_632 = arith.constant dense<0.000000e+00> : vector<128x128xf32>
    %dot_general3A_633 = tpu.matmul %get3A_631, %get3A_549, %dot_general3A_632 {dimension_numbers = #tpu.dot_dimension_numbers<[1], [0], [0], [1], [0, 0, 1, 1], [], []>, transpose_lhs_hint = false} : vector<128x16xf32>, vector<16x128xf32>, vector<128x128xf32> -> vector<128x128xf32>
    %get3A_634 = arith.constant 384 : index
    %get3A_635 = arith.constant 0 : index
    %get3A_636 = vector.load %arg0[%get3A_634, %get3A_635] : memref<2048x128xf32, #tpu.memory_space<vmem>>, vector<128x128xf32>
    %iota3A_637 = tpu.iota {dimensions = array<i32: 0>} : vector<128x128xi32>
    %add3A_638 = arith.constant 384 : i32
    %add3A_639 = vector.broadcast %add3A_638 : i32 to vector<128x128xi32>
    %add3A_640 = arith.addi %add3A_639, %iota3A_637 : vector<128x128xi32>
    %eq3A_641 = arith.cmpf oeq, %convert_element_type3A_554, %dot_general3A_633 : vector<128x128xf32>
    %convert_element_type3A_642 = arith.extui %eq3A_641 : vector<128x128xi1> to vector<128x128xi32>
    %convert_element_type3A_643 = arith.sitofp %convert_element_type3A_642 : vector<128x128xi32> to vector<128x128xf32>
    %lt3A_644 = vector.broadcast %get3A_1 : vector<1x128xi32> to vector<128x128xi32>
    %lt3A_645 = arith.cmpi slt, %add3A_640, %lt3A_644 : vector<128x128xi32>
    %mul3A_646 = arith.mulf %get3A_636, %convert_element_type3A_643 : vector<128x128xf32>
    %jit3A_647 = arith.constant 0.000000e+00 : f32
    %broadcast_in_dim3A_648 = vector.broadcast %jit3A_647 : f32 to vector<128x128xf32>
    %select_n3A_649 = arith.select %lt3A_645, %mul3A_646, %broadcast_in_dim3A_648 : vector<128x128xi1>, vector<128x128xf32>
    %reduce_sum3A_650 = arith.constant dense<0.000000e+00> : vector<128xf32>
    %reduce_sum3A_651 = vector.multi_reduction <add>, %select_n3A_649, %reduce_sum3A_650 [0] : vector<128x128xf32> to vector<128xf32>
    %broadcast_in_dim3A_652 = vector.shape_cast %reduce_sum3A_651 : vector<128xf32> to vector<1x128xf32>
    %add3A_653 = arith.addf %add3A_628, %broadcast_in_dim3A_652 : vector<1x128xf32>
    %get3A_654 = arith.constant 512 : index
    %get3A_655 = arith.constant 0 : index
    %get3A_656 = vector.load %arg2[%get3A_654, %get3A_655] : memref<2056x16xf32, #tpu.memory_space<vmem>>, vector<128x16xf32>
    %dot_general3A_657 = arith.constant dense<0.000000e+00> : vector<128x128xf32>
    %dot_general3A_658 = tpu.matmul %get3A_656, %get3A_549, %dot_general3A_657 {dimension_numbers = #tpu.dot_dimension_numbers<[1], [0], [0], [1], [0, 0, 1, 1], [], []>, transpose_lhs_hint = false} : vector<128x16xf32>, vector<16x128xf32>, vector<128x128xf32> -> vector<128x128xf32>
    %get3A_659 = arith.constant 512 : index
    %get3A_660 = arith.constant 0 : index
    %get3A_661 = vector.load %arg0[%get3A_659, %get3A_660] : memref<2048x128xf32, #tpu.memory_space<vmem>>, vector<128x128xf32>
    %iota3A_662 = tpu.iota {dimensions = array<i32: 0>} : vector<128x128xi32>
    %add3A_663 = arith.constant 512 : i32
    %add3A_664 = vector.broadcast %add3A_663 : i32 to vector<128x128xi32>
    %add3A_665 = arith.addi %add3A_664, %iota3A_662 : vector<128x128xi32>
    %eq3A_666 = arith.cmpf oeq, %convert_element_type3A_554, %dot_general3A_658 : vector<128x128xf32>
    %convert_element_type3A_667 = arith.extui %eq3A_666 : vector<128x128xi1> to vector<128x128xi32>
    %convert_element_type3A_668 = arith.sitofp %convert_element_type3A_667 : vector<128x128xi32> to vector<128x128xf32>
    %lt3A_669 = vector.broadcast %get3A_1 : vector<1x128xi32> to vector<128x128xi32>
    %lt3A_670 = arith.cmpi slt, %add3A_665, %lt3A_669 : vector<128x128xi32>
    %mul3A_671 = arith.mulf %get3A_661, %convert_element_type3A_668 : vector<128x128xf32>
    %jit3A_672 = arith.constant 0.000000e+00 : f32
    %broadcast_in_dim3A_673 = vector.broadcast %jit3A_672 : f32 to vector<128x128xf32>
    %select_n3A_674 = arith.select %lt3A_670, %mul3A_671, %broadcast_in_dim3A_673 : vector<128x128xi1>, vector<128x128xf32>
    %reduce_sum3A_675 = arith.constant dense<0.000000e+00> : vector<128xf32>
    %reduce_sum3A_676 = vector.multi_reduction <add>, %select_n3A_674, %reduce_sum3A_675 [0] : vector<128x128xf32> to vector<128xf32>
    %broadcast_in_dim3A_677 = vector.shape_cast %reduce_sum3A_676 : vector<128xf32> to vector<1x128xf32>
    %add3A_678 = arith.addf %add3A_653, %broadcast_in_dim3A_677 : vector<1x128xf32>
    %get3A_679 = arith.constant 640 : index
    %get3A_680 = arith.constant 0 : index
    %get3A_681 = vector.load %arg2[%get3A_679, %get3A_680] : memref<2056x16xf32, #tpu.memory_space<vmem>>, vector<128x16xf32>
    %dot_general3A_682 = arith.constant dense<0.000000e+00> : vector<128x128xf32>
    %dot_general3A_683 = tpu.matmul %get3A_681, %get3A_549, %dot_general3A_682 {dimension_numbers = #tpu.dot_dimension_numbers<[1], [0], [0], [1], [0, 0, 1, 1], [], []>, transpose_lhs_hint = false} : vector<128x16xf32>, vector<16x128xf32>, vector<128x128xf32> -> vector<128x128xf32>
    %get3A_684 = arith.constant 640 : index
    %get3A_685 = arith.constant 0 : index
    %get3A_686 = vector.load %arg0[%get3A_684, %get3A_685] : memref<2048x128xf32, #tpu.memory_space<vmem>>, vector<128x128xf32>
    %iota3A_687 = tpu.iota {dimensions = array<i32: 0>} : vector<128x128xi32>
    %add3A_688 = arith.constant 640 : i32
    %add3A_689 = vector.broadcast %add3A_688 : i32 to vector<128x128xi32>
    %add3A_690 = arith.addi %add3A_689, %iota3A_687 : vector<128x128xi32>
    %eq3A_691 = arith.cmpf oeq, %convert_element_type3A_554, %dot_general3A_683 : vector<128x128xf32>
    %convert_element_type3A_692 = arith.extui %eq3A_691 : vector<128x128xi1> to vector<128x128xi32>
    %convert_element_type3A_693 = arith.sitofp %convert_element_type3A_692 : vector<128x128xi32> to vector<128x128xf32>
    %lt3A_694 = vector.broadcast %get3A_1 : vector<1x128xi32> to vector<128x128xi32>
    %lt3A_695 = arith.cmpi slt, %add3A_690, %lt3A_694 : vector<128x128xi32>
    %mul3A_696 = arith.mulf %get3A_686, %convert_element_type3A_693 : vector<128x128xf32>
    %jit3A_697 = arith.constant 0.000000e+00 : f32
    %broadcast_in_dim3A_698 = vector.broadcast %jit3A_697 : f32 to vector<128x128xf32>
    %select_n3A_699 = arith.select %lt3A_695, %mul3A_696, %broadcast_in_dim3A_698 : vector<128x128xi1>, vector<128x128xf32>
    %reduce_sum3A_700 = arith.constant dense<0.000000e+00> : vector<128xf32>
    %reduce_sum3A_701 = vector.multi_reduction <add>, %select_n3A_699, %reduce_sum3A_700 [0] : vector<128x128xf32> to vector<128xf32>
    %broadcast_in_dim3A_702 = vector.shape_cast %reduce_sum3A_701 : vector<128xf32> to vector<1x128xf32>
    %add3A_703 = arith.addf %add3A_678, %broadcast_in_dim3A_702 : vector<1x128xf32>
    %get3A_704 = arith.constant 768 : index
    %get3A_705 = arith.constant 0 : index
    %get3A_706 = vector.load %arg2[%get3A_704, %get3A_705] : memref<2056x16xf32, #tpu.memory_space<vmem>>, vector<128x16xf32>
    %dot_general3A_707 = arith.constant dense<0.000000e+00> : vector<128x128xf32>
    %dot_general3A_708 = tpu.matmul %get3A_706, %get3A_549, %dot_general3A_707 {dimension_numbers = #tpu.dot_dimension_numbers<[1], [0], [0], [1], [0, 0, 1, 1], [], []>, transpose_lhs_hint = false} : vector<128x16xf32>, vector<16x128xf32>, vector<128x128xf32> -> vector<128x128xf32>
    %get3A_709 = arith.constant 768 : index
    %get3A_710 = arith.constant 0 : index
    %get3A_711 = vector.load %arg0[%get3A_709, %get3A_710] : memref<2048x128xf32, #tpu.memory_space<vmem>>, vector<128x128xf32>
    %iota3A_712 = tpu.iota {dimensions = array<i32: 0>} : vector<128x128xi32>
    %add3A_713 = arith.constant 768 : i32
    %add3A_714 = vector.broadcast %add3A_713 : i32 to vector<128x128xi32>
    %add3A_715 = arith.addi %add3A_714, %iota3A_712 : vector<128x128xi32>
    %eq3A_716 = arith.cmpf oeq, %convert_element_type3A_554, %dot_general3A_708 : vector<128x128xf32>
    %convert_element_type3A_717 = arith.extui %eq3A_716 : vector<128x128xi1> to vector<128x128xi32>
    %convert_element_type3A_718 = arith.sitofp %convert_element_type3A_717 : vector<128x128xi32> to vector<128x128xf32>
    %lt3A_719 = vector.broadcast %get3A_1 : vector<1x128xi32> to vector<128x128xi32>
    %lt3A_720 = arith.cmpi slt, %add3A_715, %lt3A_719 : vector<128x128xi32>
    %mul3A_721 = arith.mulf %get3A_711, %convert_element_type3A_718 : vector<128x128xf32>
    %jit3A_722 = arith.constant 0.000000e+00 : f32
    %broadcast_in_dim3A_723 = vector.broadcast %jit3A_722 : f32 to vector<128x128xf32>
    %select_n3A_724 = arith.select %lt3A_720, %mul3A_721, %broadcast_in_dim3A_723 : vector<128x128xi1>, vector<128x128xf32>
    %reduce_sum3A_725 = arith.constant dense<0.000000e+00> : vector<128xf32>
    %reduce_sum3A_726 = vector.multi_reduction <add>, %select_n3A_724, %reduce_sum3A_725 [0] : vector<128x128xf32> to vector<128xf32>
    %broadcast_in_dim3A_727 = vector.shape_cast %reduce_sum3A_726 : vector<128xf32> to vector<1x128xf32>
    %add3A_728 = arith.addf %add3A_703, %broadcast_in_dim3A_727 : vector<1x128xf32>
    %get3A_729 = arith.constant 896 : index
    %get3A_730 = arith.constant 0 : index
    %get3A_731 = vector.load %arg2[%get3A_729, %get3A_730] : memref<2056x16xf32, #tpu.memory_space<vmem>>, vector<128x16xf32>
    %dot_general3A_732 = arith.constant dense<0.000000e+00> : vector<128x128xf32>
    %dot_general3A_733 = tpu.matmul %get3A_731, %get3A_549, %dot_general3A_732 {dimension_numbers = #tpu.dot_dimension_numbers<[1], [0], [0], [1], [0, 0, 1, 1], [], []>, transpose_lhs_hint = false} : vector<128x16xf32>, vector<16x128xf32>, vector<128x128xf32> -> vector<128x128xf32>
    %get3A_734 = arith.constant 896 : index
    %get3A_735 = arith.constant 0 : index
    %get3A_736 = vector.load %arg0[%get3A_734, %get3A_735] : memref<2048x128xf32, #tpu.memory_space<vmem>>, vector<128x128xf32>
    %iota3A_737 = tpu.iota {dimensions = array<i32: 0>} : vector<128x128xi32>
    %add3A_738 = arith.constant 896 : i32
    %add3A_739 = vector.broadcast %add3A_738 : i32 to vector<128x128xi32>
    %add3A_740 = arith.addi %add3A_739, %iota3A_737 : vector<128x128xi32>
    %eq3A_741 = arith.cmpf oeq, %convert_element_type3A_554, %dot_general3A_733 : vector<128x128xf32>
    %convert_element_type3A_742 = arith.extui %eq3A_741 : vector<128x128xi1> to vector<128x128xi32>
    %convert_element_type3A_743 = arith.sitofp %convert_element_type3A_742 : vector<128x128xi32> to vector<128x128xf32>
    %lt3A_744 = vector.broadcast %get3A_1 : vector<1x128xi32> to vector<128x128xi32>
    %lt3A_745 = arith.cmpi slt, %add3A_740, %lt3A_744 : vector<128x128xi32>
    %mul3A_746 = arith.mulf %get3A_736, %convert_element_type3A_743 : vector<128x128xf32>
    %jit3A_747 = arith.constant 0.000000e+00 : f32
    %broadcast_in_dim3A_748 = vector.broadcast %jit3A_747 : f32 to vector<128x128xf32>
    %select_n3A_749 = arith.select %lt3A_745, %mul3A_746, %broadcast_in_dim3A_748 : vector<128x128xi1>, vector<128x128xf32>
    %reduce_sum3A_750 = arith.constant dense<0.000000e+00> : vector<128xf32>
    %reduce_sum3A_751 = vector.multi_reduction <add>, %select_n3A_749, %reduce_sum3A_750 [0] : vector<128x128xf32> to vector<128xf32>
    %broadcast_in_dim3A_752 = vector.shape_cast %reduce_sum3A_751 : vector<128xf32> to vector<1x128xf32>
    %add3A_753 = arith.addf %add3A_728, %broadcast_in_dim3A_752 : vector<1x128xf32>
    %get3A_754 = arith.constant 1024 : index
    %get3A_755 = arith.constant 0 : index
    %get3A_756 = vector.load %arg2[%get3A_754, %get3A_755] : memref<2056x16xf32, #tpu.memory_space<vmem>>, vector<128x16xf32>
    %dot_general3A_757 = arith.constant dense<0.000000e+00> : vector<128x128xf32>
    %dot_general3A_758 = tpu.matmul %get3A_756, %get3A_549, %dot_general3A_757 {dimension_numbers = #tpu.dot_dimension_numbers<[1], [0], [0], [1], [0, 0, 1, 1], [], []>, transpose_lhs_hint = false} : vector<128x16xf32>, vector<16x128xf32>, vector<128x128xf32> -> vector<128x128xf32>
    %get3A_759 = arith.constant 1024 : index
    %get3A_760 = arith.constant 0 : index
    %get3A_761 = vector.load %arg0[%get3A_759, %get3A_760] : memref<2048x128xf32, #tpu.memory_space<vmem>>, vector<128x128xf32>
    %iota3A_762 = tpu.iota {dimensions = array<i32: 0>} : vector<128x128xi32>
    %add3A_763 = arith.constant 1024 : i32
    %add3A_764 = vector.broadcast %add3A_763 : i32 to vector<128x128xi32>
    %add3A_765 = arith.addi %add3A_764, %iota3A_762 : vector<128x128xi32>
    %eq3A_766 = arith.cmpf oeq, %convert_element_type3A_554, %dot_general3A_758 : vector<128x128xf32>
    %convert_element_type3A_767 = arith.extui %eq3A_766 : vector<128x128xi1> to vector<128x128xi32>
    %convert_element_type3A_768 = arith.sitofp %convert_element_type3A_767 : vector<128x128xi32> to vector<128x128xf32>
    %lt3A_769 = vector.broadcast %get3A_1 : vector<1x128xi32> to vector<128x128xi32>
    %lt3A_770 = arith.cmpi slt, %add3A_765, %lt3A_769 : vector<128x128xi32>
    %mul3A_771 = arith.mulf %get3A_761, %convert_element_type3A_768 : vector<128x128xf32>
    %jit3A_772 = arith.constant 0.000000e+00 : f32
    %broadcast_in_dim3A_773 = vector.broadcast %jit3A_772 : f32 to vector<128x128xf32>
    %select_n3A_774 = arith.select %lt3A_770, %mul3A_771, %broadcast_in_dim3A_773 : vector<128x128xi1>, vector<128x128xf32>
    %reduce_sum3A_775 = arith.constant dense<0.000000e+00> : vector<128xf32>
    %reduce_sum3A_776 = vector.multi_reduction <add>, %select_n3A_774, %reduce_sum3A_775 [0] : vector<128x128xf32> to vector<128xf32>
    %broadcast_in_dim3A_777 = vector.shape_cast %reduce_sum3A_776 : vector<128xf32> to vector<1x128xf32>
    %add3A_778 = arith.addf %add3A_753, %broadcast_in_dim3A_777 : vector<1x128xf32>
    %get3A_779 = arith.constant 1152 : index
    %get3A_780 = arith.constant 0 : index
    %get3A_781 = vector.load %arg2[%get3A_779, %get3A_780] : memref<2056x16xf32, #tpu.memory_space<vmem>>, vector<128x16xf32>
    %dot_general3A_782 = arith.constant dense<0.000000e+00> : vector<128x128xf32>
    %dot_general3A_783 = tpu.matmul %get3A_781, %get3A_549, %dot_general3A_782 {dimension_numbers = #tpu.dot_dimension_numbers<[1], [0], [0], [1], [0, 0, 1, 1], [], []>, transpose_lhs_hint = false} : vector<128x16xf32>, vector<16x128xf32>, vector<128x128xf32> -> vector<128x128xf32>
    %get3A_784 = arith.constant 1152 : index
    %get3A_785 = arith.constant 0 : index
    %get3A_786 = vector.load %arg0[%get3A_784, %get3A_785] : memref<2048x128xf32, #tpu.memory_space<vmem>>, vector<128x128xf32>
    %iota3A_787 = tpu.iota {dimensions = array<i32: 0>} : vector<128x128xi32>
    %add3A_788 = arith.constant 1152 : i32
    %add3A_789 = vector.broadcast %add3A_788 : i32 to vector<128x128xi32>
    %add3A_790 = arith.addi %add3A_789, %iota3A_787 : vector<128x128xi32>
    %eq3A_791 = arith.cmpf oeq, %convert_element_type3A_554, %dot_general3A_783 : vector<128x128xf32>
    %convert_element_type3A_792 = arith.extui %eq3A_791 : vector<128x128xi1> to vector<128x128xi32>
    %convert_element_type3A_793 = arith.sitofp %convert_element_type3A_792 : vector<128x128xi32> to vector<128x128xf32>
    %lt3A_794 = vector.broadcast %get3A_1 : vector<1x128xi32> to vector<128x128xi32>
    %lt3A_795 = arith.cmpi slt, %add3A_790, %lt3A_794 : vector<128x128xi32>
    %mul3A_796 = arith.mulf %get3A_786, %convert_element_type3A_793 : vector<128x128xf32>
    %jit3A_797 = arith.constant 0.000000e+00 : f32
    %broadcast_in_dim3A_798 = vector.broadcast %jit3A_797 : f32 to vector<128x128xf32>
    %select_n3A_799 = arith.select %lt3A_795, %mul3A_796, %broadcast_in_dim3A_798 : vector<128x128xi1>, vector<128x128xf32>
    %reduce_sum3A_800 = arith.constant dense<0.000000e+00> : vector<128xf32>
    %reduce_sum3A_801 = vector.multi_reduction <add>, %select_n3A_799, %reduce_sum3A_800 [0] : vector<128x128xf32> to vector<128xf32>
    %broadcast_in_dim3A_802 = vector.shape_cast %reduce_sum3A_801 : vector<128xf32> to vector<1x128xf32>
    %add3A_803 = arith.addf %add3A_778, %broadcast_in_dim3A_802 : vector<1x128xf32>
    %get3A_804 = arith.constant 1280 : index
    %get3A_805 = arith.constant 0 : index
    %get3A_806 = vector.load %arg2[%get3A_804, %get3A_805] : memref<2056x16xf32, #tpu.memory_space<vmem>>, vector<128x16xf32>
    %dot_general3A_807 = arith.constant dense<0.000000e+00> : vector<128x128xf32>
    %dot_general3A_808 = tpu.matmul %get3A_806, %get3A_549, %dot_general3A_807 {dimension_numbers = #tpu.dot_dimension_numbers<[1], [0], [0], [1], [0, 0, 1, 1], [], []>, transpose_lhs_hint = false} : vector<128x16xf32>, vector<16x128xf32>, vector<128x128xf32> -> vector<128x128xf32>
    %get3A_809 = arith.constant 1280 : index
    %get3A_810 = arith.constant 0 : index
    %get3A_811 = vector.load %arg0[%get3A_809, %get3A_810] : memref<2048x128xf32, #tpu.memory_space<vmem>>, vector<128x128xf32>
    %iota3A_812 = tpu.iota {dimensions = array<i32: 0>} : vector<128x128xi32>
    %add3A_813 = arith.constant 1280 : i32
    %add3A_814 = vector.broadcast %add3A_813 : i32 to vector<128x128xi32>
    %add3A_815 = arith.addi %add3A_814, %iota3A_812 : vector<128x128xi32>
    %eq3A_816 = arith.cmpf oeq, %convert_element_type3A_554, %dot_general3A_808 : vector<128x128xf32>
    %convert_element_type3A_817 = arith.extui %eq3A_816 : vector<128x128xi1> to vector<128x128xi32>
    %convert_element_type3A_818 = arith.sitofp %convert_element_type3A_817 : vector<128x128xi32> to vector<128x128xf32>
    %lt3A_819 = vector.broadcast %get3A_1 : vector<1x128xi32> to vector<128x128xi32>
    %lt3A_820 = arith.cmpi slt, %add3A_815, %lt3A_819 : vector<128x128xi32>
    %mul3A_821 = arith.mulf %get3A_811, %convert_element_type3A_818 : vector<128x128xf32>
    %jit3A_822 = arith.constant 0.000000e+00 : f32
    %broadcast_in_dim3A_823 = vector.broadcast %jit3A_822 : f32 to vector<128x128xf32>
    %select_n3A_824 = arith.select %lt3A_820, %mul3A_821, %broadcast_in_dim3A_823 : vector<128x128xi1>, vector<128x128xf32>
    %reduce_sum3A_825 = arith.constant dense<0.000000e+00> : vector<128xf32>
    %reduce_sum3A_826 = vector.multi_reduction <add>, %select_n3A_824, %reduce_sum3A_825 [0] : vector<128x128xf32> to vector<128xf32>
    %broadcast_in_dim3A_827 = vector.shape_cast %reduce_sum3A_826 : vector<128xf32> to vector<1x128xf32>
    %add3A_828 = arith.addf %add3A_803, %broadcast_in_dim3A_827 : vector<1x128xf32>
    %get3A_829 = arith.constant 1408 : index
    %get3A_830 = arith.constant 0 : index
    %get3A_831 = vector.load %arg2[%get3A_829, %get3A_830] : memref<2056x16xf32, #tpu.memory_space<vmem>>, vector<128x16xf32>
    %dot_general3A_832 = arith.constant dense<0.000000e+00> : vector<128x128xf32>
    %dot_general3A_833 = tpu.matmul %get3A_831, %get3A_549, %dot_general3A_832 {dimension_numbers = #tpu.dot_dimension_numbers<[1], [0], [0], [1], [0, 0, 1, 1], [], []>, transpose_lhs_hint = false} : vector<128x16xf32>, vector<16x128xf32>, vector<128x128xf32> -> vector<128x128xf32>
    %get3A_834 = arith.constant 1408 : index
    %get3A_835 = arith.constant 0 : index
    %get3A_836 = vector.load %arg0[%get3A_834, %get3A_835] : memref<2048x128xf32, #tpu.memory_space<vmem>>, vector<128x128xf32>
    %iota3A_837 = tpu.iota {dimensions = array<i32: 0>} : vector<128x128xi32>
    %add3A_838 = arith.constant 1408 : i32
    %add3A_839 = vector.broadcast %add3A_838 : i32 to vector<128x128xi32>
    %add3A_840 = arith.addi %add3A_839, %iota3A_837 : vector<128x128xi32>
    %eq3A_841 = arith.cmpf oeq, %convert_element_type3A_554, %dot_general3A_833 : vector<128x128xf32>
    %convert_element_type3A_842 = arith.extui %eq3A_841 : vector<128x128xi1> to vector<128x128xi32>
    %convert_element_type3A_843 = arith.sitofp %convert_element_type3A_842 : vector<128x128xi32> to vector<128x128xf32>
    %lt3A_844 = vector.broadcast %get3A_1 : vector<1x128xi32> to vector<128x128xi32>
    %lt3A_845 = arith.cmpi slt, %add3A_840, %lt3A_844 : vector<128x128xi32>
    %mul3A_846 = arith.mulf %get3A_836, %convert_element_type3A_843 : vector<128x128xf32>
    %jit3A_847 = arith.constant 0.000000e+00 : f32
    %broadcast_in_dim3A_848 = vector.broadcast %jit3A_847 : f32 to vector<128x128xf32>
    %select_n3A_849 = arith.select %lt3A_845, %mul3A_846, %broadcast_in_dim3A_848 : vector<128x128xi1>, vector<128x128xf32>
    %reduce_sum3A_850 = arith.constant dense<0.000000e+00> : vector<128xf32>
    %reduce_sum3A_851 = vector.multi_reduction <add>, %select_n3A_849, %reduce_sum3A_850 [0] : vector<128x128xf32> to vector<128xf32>
    %broadcast_in_dim3A_852 = vector.shape_cast %reduce_sum3A_851 : vector<128xf32> to vector<1x128xf32>
    %add3A_853 = arith.addf %add3A_828, %broadcast_in_dim3A_852 : vector<1x128xf32>
    %get3A_854 = arith.constant 1536 : index
    %get3A_855 = arith.constant 0 : index
    %get3A_856 = vector.load %arg2[%get3A_854, %get3A_855] : memref<2056x16xf32, #tpu.memory_space<vmem>>, vector<128x16xf32>
    %dot_general3A_857 = arith.constant dense<0.000000e+00> : vector<128x128xf32>
    %dot_general3A_858 = tpu.matmul %get3A_856, %get3A_549, %dot_general3A_857 {dimension_numbers = #tpu.dot_dimension_numbers<[1], [0], [0], [1], [0, 0, 1, 1], [], []>, transpose_lhs_hint = false} : vector<128x16xf32>, vector<16x128xf32>, vector<128x128xf32> -> vector<128x128xf32>
    %get3A_859 = arith.constant 1536 : index
    %get3A_860 = arith.constant 0 : index
    %get3A_861 = vector.load %arg0[%get3A_859, %get3A_860] : memref<2048x128xf32, #tpu.memory_space<vmem>>, vector<128x128xf32>
    %iota3A_862 = tpu.iota {dimensions = array<i32: 0>} : vector<128x128xi32>
    %add3A_863 = arith.constant 1536 : i32
    %add3A_864 = vector.broadcast %add3A_863 : i32 to vector<128x128xi32>
    %add3A_865 = arith.addi %add3A_864, %iota3A_862 : vector<128x128xi32>
    %eq3A_866 = arith.cmpf oeq, %convert_element_type3A_554, %dot_general3A_858 : vector<128x128xf32>
    %convert_element_type3A_867 = arith.extui %eq3A_866 : vector<128x128xi1> to vector<128x128xi32>
    %convert_element_type3A_868 = arith.sitofp %convert_element_type3A_867 : vector<128x128xi32> to vector<128x128xf32>
    %lt3A_869 = vector.broadcast %get3A_1 : vector<1x128xi32> to vector<128x128xi32>
    %lt3A_870 = arith.cmpi slt, %add3A_865, %lt3A_869 : vector<128x128xi32>
    %mul3A_871 = arith.mulf %get3A_861, %convert_element_type3A_868 : vector<128x128xf32>
    %jit3A_872 = arith.constant 0.000000e+00 : f32
    %broadcast_in_dim3A_873 = vector.broadcast %jit3A_872 : f32 to vector<128x128xf32>
    %select_n3A_874 = arith.select %lt3A_870, %mul3A_871, %broadcast_in_dim3A_873 : vector<128x128xi1>, vector<128x128xf32>
    %reduce_sum3A_875 = arith.constant dense<0.000000e+00> : vector<128xf32>
    %reduce_sum3A_876 = vector.multi_reduction <add>, %select_n3A_874, %reduce_sum3A_875 [0] : vector<128x128xf32> to vector<128xf32>
    %broadcast_in_dim3A_877 = vector.shape_cast %reduce_sum3A_876 : vector<128xf32> to vector<1x128xf32>
    %add3A_878 = arith.addf %add3A_853, %broadcast_in_dim3A_877 : vector<1x128xf32>
    %get3A_879 = arith.constant 1664 : index
    %get3A_880 = arith.constant 0 : index
    %get3A_881 = vector.load %arg2[%get3A_879, %get3A_880] : memref<2056x16xf32, #tpu.memory_space<vmem>>, vector<128x16xf32>
    %dot_general3A_882 = arith.constant dense<0.000000e+00> : vector<128x128xf32>
    %dot_general3A_883 = tpu.matmul %get3A_881, %get3A_549, %dot_general3A_882 {dimension_numbers = #tpu.dot_dimension_numbers<[1], [0], [0], [1], [0, 0, 1, 1], [], []>, transpose_lhs_hint = false} : vector<128x16xf32>, vector<16x128xf32>, vector<128x128xf32> -> vector<128x128xf32>
    %get3A_884 = arith.constant 1664 : index
    %get3A_885 = arith.constant 0 : index
    %get3A_886 = vector.load %arg0[%get3A_884, %get3A_885] : memref<2048x128xf32, #tpu.memory_space<vmem>>, vector<128x128xf32>
    %iota3A_887 = tpu.iota {dimensions = array<i32: 0>} : vector<128x128xi32>
    %add3A_888 = arith.constant 1664 : i32
    %add3A_889 = vector.broadcast %add3A_888 : i32 to vector<128x128xi32>
    %add3A_890 = arith.addi %add3A_889, %iota3A_887 : vector<128x128xi32>
    %eq3A_891 = arith.cmpf oeq, %convert_element_type3A_554, %dot_general3A_883 : vector<128x128xf32>
    %convert_element_type3A_892 = arith.extui %eq3A_891 : vector<128x128xi1> to vector<128x128xi32>
    %convert_element_type3A_893 = arith.sitofp %convert_element_type3A_892 : vector<128x128xi32> to vector<128x128xf32>
    %lt3A_894 = vector.broadcast %get3A_1 : vector<1x128xi32> to vector<128x128xi32>
    %lt3A_895 = arith.cmpi slt, %add3A_890, %lt3A_894 : vector<128x128xi32>
    %mul3A_896 = arith.mulf %get3A_886, %convert_element_type3A_893 : vector<128x128xf32>
    %jit3A_897 = arith.constant 0.000000e+00 : f32
    %broadcast_in_dim3A_898 = vector.broadcast %jit3A_897 : f32 to vector<128x128xf32>
    %select_n3A_899 = arith.select %lt3A_895, %mul3A_896, %broadcast_in_dim3A_898 : vector<128x128xi1>, vector<128x128xf32>
    %reduce_sum3A_900 = arith.constant dense<0.000000e+00> : vector<128xf32>
    %reduce_sum3A_901 = vector.multi_reduction <add>, %select_n3A_899, %reduce_sum3A_900 [0] : vector<128x128xf32> to vector<128xf32>
    %broadcast_in_dim3A_902 = vector.shape_cast %reduce_sum3A_901 : vector<128xf32> to vector<1x128xf32>
    %add3A_903 = arith.addf %add3A_878, %broadcast_in_dim3A_902 : vector<1x128xf32>
    %get3A_904 = arith.constant 1792 : index
    %get3A_905 = arith.constant 0 : index
    %get3A_906 = vector.load %arg2[%get3A_904, %get3A_905] : memref<2056x16xf32, #tpu.memory_space<vmem>>, vector<128x16xf32>
    %dot_general3A_907 = arith.constant dense<0.000000e+00> : vector<128x128xf32>
    %dot_general3A_908 = tpu.matmul %get3A_906, %get3A_549, %dot_general3A_907 {dimension_numbers = #tpu.dot_dimension_numbers<[1], [0], [0], [1], [0, 0, 1, 1], [], []>, transpose_lhs_hint = false} : vector<128x16xf32>, vector<16x128xf32>, vector<128x128xf32> -> vector<128x128xf32>
    %get3A_909 = arith.constant 1792 : index
    %get3A_910 = arith.constant 0 : index
    %get3A_911 = vector.load %arg0[%get3A_909, %get3A_910] : memref<2048x128xf32, #tpu.memory_space<vmem>>, vector<128x128xf32>
    %iota3A_912 = tpu.iota {dimensions = array<i32: 0>} : vector<128x128xi32>
    %add3A_913 = arith.constant 1792 : i32
    %add3A_914 = vector.broadcast %add3A_913 : i32 to vector<128x128xi32>
    %add3A_915 = arith.addi %add3A_914, %iota3A_912 : vector<128x128xi32>
    %eq3A_916 = arith.cmpf oeq, %convert_element_type3A_554, %dot_general3A_908 : vector<128x128xf32>
    %convert_element_type3A_917 = arith.extui %eq3A_916 : vector<128x128xi1> to vector<128x128xi32>
    %convert_element_type3A_918 = arith.sitofp %convert_element_type3A_917 : vector<128x128xi32> to vector<128x128xf32>
    %lt3A_919 = vector.broadcast %get3A_1 : vector<1x128xi32> to vector<128x128xi32>
    %lt3A_920 = arith.cmpi slt, %add3A_915, %lt3A_919 : vector<128x128xi32>
    %mul3A_921 = arith.mulf %get3A_911, %convert_element_type3A_918 : vector<128x128xf32>
    %jit3A_922 = arith.constant 0.000000e+00 : f32
    %broadcast_in_dim3A_923 = vector.broadcast %jit3A_922 : f32 to vector<128x128xf32>
    %select_n3A_924 = arith.select %lt3A_920, %mul3A_921, %broadcast_in_dim3A_923 : vector<128x128xi1>, vector<128x128xf32>
    %reduce_sum3A_925 = arith.constant dense<0.000000e+00> : vector<128xf32>
    %reduce_sum3A_926 = vector.multi_reduction <add>, %select_n3A_924, %reduce_sum3A_925 [0] : vector<128x128xf32> to vector<128xf32>
    %broadcast_in_dim3A_927 = vector.shape_cast %reduce_sum3A_926 : vector<128xf32> to vector<1x128xf32>
    %add3A_928 = arith.addf %add3A_903, %broadcast_in_dim3A_927 : vector<1x128xf32>
    %get3A_929 = arith.constant 1920 : index
    %get3A_930 = arith.constant 0 : index
    %get3A_931 = vector.load %arg2[%get3A_929, %get3A_930] : memref<2056x16xf32, #tpu.memory_space<vmem>>, vector<128x16xf32>
    %dot_general3A_932 = arith.constant dense<0.000000e+00> : vector<128x128xf32>
    %dot_general3A_933 = tpu.matmul %get3A_931, %get3A_549, %dot_general3A_932 {dimension_numbers = #tpu.dot_dimension_numbers<[1], [0], [0], [1], [0, 0, 1, 1], [], []>, transpose_lhs_hint = false} : vector<128x16xf32>, vector<16x128xf32>, vector<128x128xf32> -> vector<128x128xf32>
    %get3A_934 = arith.constant 1920 : index
    %get3A_935 = arith.constant 0 : index
    %get3A_936 = vector.load %arg0[%get3A_934, %get3A_935] : memref<2048x128xf32, #tpu.memory_space<vmem>>, vector<128x128xf32>
    %iota3A_937 = tpu.iota {dimensions = array<i32: 0>} : vector<128x128xi32>
    %add3A_938 = arith.constant 1920 : i32
    %add3A_939 = vector.broadcast %add3A_938 : i32 to vector<128x128xi32>
    %add3A_940 = arith.addi %add3A_939, %iota3A_937 : vector<128x128xi32>
    %eq3A_941 = arith.cmpf oeq, %convert_element_type3A_554, %dot_general3A_933 : vector<128x128xf32>
    %convert_element_type3A_942 = arith.extui %eq3A_941 : vector<128x128xi1> to vector<128x128xi32>
    %convert_element_type3A_943 = arith.sitofp %convert_element_type3A_942 : vector<128x128xi32> to vector<128x128xf32>
    %lt3A_944 = vector.broadcast %get3A_1 : vector<1x128xi32> to vector<128x128xi32>
    %lt3A_945 = arith.cmpi slt, %add3A_940, %lt3A_944 : vector<128x128xi32>
    %mul3A_946 = arith.mulf %get3A_936, %convert_element_type3A_943 : vector<128x128xf32>
    %jit3A_947 = arith.constant 0.000000e+00 : f32
    %broadcast_in_dim3A_948 = vector.broadcast %jit3A_947 : f32 to vector<128x128xf32>
    %select_n3A_949 = arith.select %lt3A_945, %mul3A_946, %broadcast_in_dim3A_948 : vector<128x128xi1>, vector<128x128xf32>
    %reduce_sum3A_950 = arith.constant dense<0.000000e+00> : vector<128xf32>
    %reduce_sum3A_951 = vector.multi_reduction <add>, %select_n3A_949, %reduce_sum3A_950 [0] : vector<128x128xf32> to vector<128xf32>
    %broadcast_in_dim3A_952 = vector.shape_cast %reduce_sum3A_951 : vector<128xf32> to vector<1x128xf32>
    %add3A_953 = arith.addf %add3A_928, %broadcast_in_dim3A_952 : vector<1x128xf32>
    %dot_general3A_954 = arith.constant dense<0.000000e+00> : vector<1x128xf32>
    %dot_general3A_955 = tpu.matmul %add3A_953, %get3A_7, %dot_general3A_954 {dimension_numbers = #tpu.dot_dimension_numbers<[1], [0], [0], [1], [0, 0, 1, 1], [], []>, transpose_lhs_hint = false} : vector<1x128xf32>, vector<128x128xf32>, vector<1x128xf32> -> vector<1x128xf32>
    %sub3A = arith.subf %add3A_546, %dot_general3A_955 : vector<1x128xf32>
    %get3A_956 = arith.constant 0 : index
    %get3A_957 = arith.constant 0 : index
    %get3A_958 = vector.load %arg10[%get3A_956, %get3A_957] : memref<128x16xf32, #tpu.memory_space<vmem>>, vector<128x16xf32>
    %dot_general3A_959 = arith.constant dense<0.000000e+00> : vector<1x16xf32>
    %dot_general3A_960 = tpu.matmul %sub3A, %get3A_958, %dot_general3A_959 {dimension_numbers = #tpu.dot_dimension_numbers<[1], [0], [0], [1], [0, 0, 1, 1], [], []>, transpose_lhs_hint = false} : vector<1x128xf32>, vector<128x16xf32>, vector<1x16xf32> -> vector<1x16xf32>
    %swap3A = arith.constant 0 : index
    %swap3A_961 = arith.constant 0 : index
    %swap3A_962 = vector.load %arg11[%swap3A, %swap3A_961] : memref<1x16xf32, #tpu.memory_space<vmem>>, vector<1x16xf32>
    tpu.vector_store %arg11[%swap3A, %swap3A_961], %dot_general3A_960 {strides = array<i32>} : memref<1x16xf32, #tpu.memory_space<vmem>>, vector<1x16xf32>,
    return
  }
}

</mosaic_0001>

<sc_bundles>
// kernel: kernel.6.cloned.1.call-start
scs
__scs_entry_jumppad:
0x0: {  	(pc) =	sbr.rel $0x88, $3  }
0x1: {  	(tag) =	ssettag $0x0;
	lr =	simm.s32 $0x1  }
0x2: {  	[smem:$0x3F94] =	sst lr;
	_ =	strace $0xD0000000  }
0x3: {  	_ = 	snop  }
0x4: {  	_ = 	snop  }
0x5: {  	_ = 	snop  }
0x6: {  	_ = 	snop  }
0x7: {  	_ = 	snop  }
__scs_overlays_trampoline_lowered:
0x8: {  	[smem:$0x3FA3] =	sst s0  }
0x9: {  	[smem:$0x3FA4] =	sst s1  }
0xa: {  	[smem:$0x3FA5] =	sst s2  }
0xb: {  	[smem:$0x3FA6] =	sst s3  }
0xc: {  	[smem:$0x3FA7] =	sst s4  }
0xd: {  	[smem:$0x3FA8] =	sst s5  }
0xe: {  	[smem:$0x3FA9] =	sst s6  }
0xf: {  	[smem:$0x3FAA] =	sst s7  }
0x10: {  	[smem:$0x3FAB] =	sst s8  }
0x11: {  	[smem:$0x3FAC] =	sst s9;
	s0 =	simm.s32 @!p0 $0x0  }
0x12: {  	s1 =	sld [smem:$0x3F92];
	s0 =	simm.s32 @p0 $0x1  }
0x13: {  	[smem:$0x3FAD] =	sst s0;
	s0 =	simm.s32 @!p1 $0x0  }
0x14: {  	s2 =	sld [smem:$0x3F91];
	s0 =	simm.s32 @p1 $0x1  }
0x15: {  	[smem:$0x3FAE] =	sst s0;
	s0 =	simm.s32 @!p2 $0x0  }
0x16: {  	s3 =	sld [smem:$0x3FDB];
	s0 =	simm.s32 @p2 $0x1  }
0x17: {  	s4 =	simm.s32 $0x1BF5;
	[smem:$0x3FB0] =	sst s0  }
0x18: {  	s0 =	sld [smem:$0x3F93];
	_ =	swait.ge [sflag:s4], $0x0  }
0x19: {  	s7 =	sld [smem:$0x3F94]  }
0x1a: {  	s8 =	sadd.s32 $0xFFFFE003, lr  }
0x1b: {  	s9 =	sadd.s32 $0xFFFFFEF7, lr;
	s5 =	simm.s32 $0xFFFFFFFF;
	p2 =	slt.u32 s8, $0xFFFFF086  }
0x1c: {  	p1 =	slt.u32 s9, $0xF7A;
	s5 =	simm.s32 @!p2 $0x0  }
0x1d: {  	s5 =	simm.s32 @p1 $0x1;
	p0 =	seq.s32 s7, s2  }
0x1e: {  	s7 =	smul.u32 @!p0 $0xF7A, s2;
	p2 =	seq.s32 @!p0 s5, $0x0  }
0x1f: {  	s9 =	smul.u32 $0xF7A, s1;
	s8 =	simm.s32 @!p0 $0x1BF5;
	p2 =	por !p2, p0  }
0x20: {  	[sflag:s8] =	ssyncset.s32 @!p0 $0xFFFFF086;
	s6 =	sadd.s32 @!p0 s3, s7;
	s7 =	simm.s32 @!p0 $0x108  }
0x21: {  	s3 =	sadd.s32 s3, s9;
	s6 =	sadd.s32 @!p0 $0x88, s6;
	s7 =	simm.s32 @p2 $0x1082  }
0x22: {  	[simem:s7], [sflag:s8] =	dma.local @!p0 [hbm:s6], $0xF7A  }
0x23: {  	s9 =	sor.u32 $0xD0000000, s2;
	s6 =	simm.s32 $0x108;
	_ =	swait.ge @!p0 [sflag:s8], $0x0  }
0x24: {  	s3 =	sadd.s32 $0x88, s3;
	s6 =	simm.s32 @!p1 $0x1082;
	[sflag:s4] =	ssyncset.s32 $0xFFFFF086  }
0x25: {  	[simem:s6], [sflag:s4] =	dma.local [hbm:s3], $0xF7A  }
0x26: {  	[smem:$0x3F94] =	sst s1;
	(tag) =	ssettag s2;
	_ =	strace s9  }
0x27: {  	s1 =	sld [smem:$0x3FA4]  }
0x28: {  	s2 =	sld [smem:$0x3FA5]  }
0x29: {  	s4 =	sld [smem:$0x3FA7]  }
0x2a: {  	p0 =	seq.s32 s5, $0x0;
	s5 =	sld [smem:$0x3FA8]  }
0x2b: {  	s6 =	sld [smem:$0x3FA9]  }
0x2c: {  	s7 =	sld [smem:$0x3FAA]  }
0x2d: {  	s3 =	simm.s32 $0x108;
	s8 =	sld [smem:$0x3FAB]  }
0x2e: {  	s3 =	simm.s32 @!p0 $0x1082;
	s9 =	sld [smem:$0x3FAC]  }
0x2f: {  	lr =	sadd.s32 s0, s3;
	s0 =	sld [smem:$0x3FA3]  }
0x30: {  	s3 =	sld [smem:$0x3FA6]  }
0x31: {  	[smem:$0x3FAF] =	sst s10  }
0x32: {  	s10 =	sld [smem:$0x3FAD];
	_ =	sdelay $0x3  }
0x33: {  	p0 =	seq.s32 s10, $0x1;
	s10 =	sld [smem:$0x3FAF];
	_ =	sdelay $0x3  }
0x34: {  	[smem:$0x3FAF] =	sst s10  }
0x35: {  	s10 =	sld [smem:$0x3FAE];
	_ =	sdelay $0x3  }
0x36: {  	p1 =	seq.s32 s10, $0x1;
	s10 =	sld [smem:$0x3FAF];
	_ =	sdelay $0x3  }
0x37: {  	[smem:$0x3FAF] =	sst s10  }
0x38: {  	s10 =	sld [smem:$0x3FB0]  }
0x39: {  	_ = 	snop;
	(pc) =	sbr.ind lr, $3  }
0x3a: {  	_ = 	snop  }
0x3b: {  	_ = 	snop  }
0x3c: {  	p2 =	seq.s32 s10, $0x1;
	s10 =	sld [smem:$0x3FAF]  }
0x3d: {  	_ =	shalt  }
0x3e: {  	_ =	shalt  }
0x3f: {  	_ =	shalt  }
0x40: {  	_ =	shalt  }
0x41: {  	_ =	shalt  }
0x42: {  	_ =	shalt  }
0x43: {  	_ =	shalt  }
0x44: {  	_ =	shalt  }
0x45: {  	_ =	shalt  }
0x46: {  	_ =	shalt  }
0x47: {  	_ =	shalt  }
0x48: {  	_ =	shalt  }
0x49: {  	_ =	shalt  }
0x4a: {  	_ =	shalt  }
0x4b: {  	_ =	shalt  }
0x4c: {  	_ =	shalt  }
0x4d: {  	_ =	shalt  }
0x4e: {  	_ =	shalt  }
0x4f: {  	_ =	shalt  }
0x50: {  	_ =	shalt  }
0x51: {  	_ =	shalt  }
0x52: {  	_ =	shalt  }
0x53: {  	_ =	shalt  }
0x54: {  	_ =	shalt  }
0x55: {  	_ =	shalt  }
0x56: {  	_ =	shalt  }
0x57: {  	_ =	shalt  }
0x58: {  	_ =	shalt  }
0x59: {  	_ =	shalt  }
0x5a: {  	_ =	shalt  }
0x5b: {  	_ =	shalt  }
0x5c: {  	_ =	shalt  }
0x5d: {  	_ =	shalt  }
0x5e: {  	_ =	shalt  }
0x5f: {  	_ =	shalt  }
0x60: {  	_ =	shalt  }
0x61: {  	_ =	shalt  }
0x62: {  	_ =	shalt  }
0x63: {  	_ =	shalt  }
0x64: {  	_ =	shalt  }
0x65: {  	_ =	shalt  }
0x66: {  	_ =	shalt  }
0x67: {  	_ =	shalt  }
0x68: {  	_ =	shalt  }
0x69: {  	_ =	shalt  }
0x6a: {  	_ =	shalt  }
0x6b: {  	_ =	shalt  }
0x6c: {  	_ =	shalt  }
0x6d: {  	_ =	shalt  }
0x6e: {  	_ =	shalt  }
0x6f: {  	_ =	shalt  }
0x70: {  	_ =	shalt  }
0x71: {  	_ =	shalt  }
0x72: {  	_ =	shalt  }
0x73: {  	_ =	shalt  }
0x74: {  	_ =	shalt  }
0x75: {  	_ =	shalt  }
0x76: {  	_ =	shalt  }
0x77: {  	_ =	shalt  }
0x78: {  	_ =	shalt  }
0x79: {  	_ =	shalt  }
0x7a: {  	_ =	shalt  }
0x7b: {  	_ =	shalt  }
0x7c: {  	_ =	shalt  }
0x7d: {  	_ =	shalt  }
0x7e: {  	_ =	shalt  }
0x7f: {  	_ =	shalt  }
0x80: {  	_ =	shalt  }
0x81: {  	_ =	shalt  }
0x82: {  	_ =	shalt  }
0x83: {  	_ =	shalt  }
0x84: {  	_ =	shalt  }
0x85: {  	_ =	shalt  }
0x86: {  	_ =	shalt  }
0x87: {  	_ =	shalt  }
.Lfunc_end0:
.L_simem_size_0:
called_computation_lowered:
.L_overlay_start_0:
0x88: {  	s2 =	sld [smem:$0x3FD9]  }
0x89: {  	s3 =	sld [smem:$0x3FFE];
	_ =	sdelay $0x1  }
0x8a: {  	s1 =	srdreg.scid  }
0x8b: {  	s0 =	sand.u32 $0x1, s1  }
0x8c: {  	s16 =	sshll.u32 s0, $0xA;
	s2 =	sadd.s32 s3, s2  }
0x8d: {  	s2 =	sadd.s32 s2, s16  }
0x8e: {  	[smem:$0x3FBB] =	sst s2  }
0x8f: {  	_ = 	snop  }
0x90: {  	(tm) =	ssettm $0x1  }
0x91: {  	s17 =	sld [smem:$0x3FFB];
	_ =	sdelay $0x3  }
0x92: {  	_ =	strace s17  }
0x93: {  	s2 =	sld [smem:$0x3FFC];
	_ =	sdelay $0x3  }
0x94: {  	_ =	strace s2  }
0x95: {  	s2 =	sld [smem:$0x3FFD];
	_ =	sdelay $0x3  }
0x96: {  	_ =	strace s2  }
0x97: {  	_ =	strace $0x8FFFFFFF  }
0x98: {  	s18 =	sld [smem:$0x3FDB];
	_ =	sdelay $0x1  }
0x99: {  	s19 =	simm.s32 $_scs_section_size  }
0x9a: {  	s4 =	simm.s32 $_size__tile_overlayer_lowered;
	s5 =	simm.s32 $_tile_overlayer_lowered  }
0x9b: {  	s22 =	simm.s32 $0x1BFF;
	s21 =	sshll.u32 s5, $0x1;
	s2 =	sadd.s32 s19, s18  }
0x9c: {  	s6 =	simm.s32 $0x0;
	s20 =	sshll.u32 s4, $0x1;
	s4 =	sadd.s32 s21, s2  }
0x9d: {  	[timem:s6], [sflag:s22] =	dma.local [hbm:s4], s20  }
0x9e: {  	_ =	swait.ge [sflag:s22], s20  }
0x9f: {  	s3 =	ssub.s32 $0x0, s20;
	[sflag:s22] =	ssyncset.done $0x0  }
0xa0: {  	[sflag:s22] =	ssyncadd.s32 s3;
	_ =	sdelay $0x1  }
0xa1: {  	s23 =	simm.s32 $0x1B8B  }
0xa2: {  	_ =	swait.ge [sflag:s23], $0x1  }
0xa3: {  	[sflag:s23] =	ssyncset.done $0x0  }
0xa4: {  	s25 =	simm.s32 $0x1B8E;
	s24 =	sld [smem:$0x3FFE];
	[sflag:s23] =	ssyncadd.s32 $0xFFFFFFFF  }
0xa5: {  	s26 =	simm.s32 $execute0_lowered;
	[smem:$0x3FD2] =	sst s25  }
0xa6: {  	s4 =	sshll.u32 s26, $0x1;
	_ =	strace $0x80000046;
	[dreg:$0x1] =	wrdreg $0xFFFFFFFF  }
0xa7: {  	s28 =	simm.s32 $_size_execute0_lowered;
	s2 =	sadd.s32 s2, s4;
	[dreg:$0x0] =	wrdreg $0x0  }
0xa8: {  	s4 =	sshll.u32 s28, $0x1;
	[dreg:$0x2] =	wrdreg s2  }
0xa9: {  	[dreg:$0x3] =	wrdreg s4  }
0xaa: {  	[dreg:$0x4] =	wrdreg $0xC0  }
0xab: {  	_ =	task [dreg:s6], $0x5FFFF  }
0xac: {  	[dreg:$0x1] =	wrdreg $0xFFFFFFFF  }
0xad: {  	[dreg:$0x0] =	wrdreg $0x60  }
0xae: {  	[dreg:$0x2] =	wrdreg s24  }
0xaf: {  	[dreg:$0x3] =	wrdreg $0x9  }
0xb0: {  	_ =	task.clear_ibuf [dreg:s6], $0x4FFFF;
	_ =	strace $0x90000046  }
0xb1: {  	s29 =	simm.s32 $0x9;
	_ =	strace $0x80000048  }
0xb2: {  	_ =	swait.ge [sflag:s29], $0x1  }
0xb3: {  	[sflag:s29] =	ssyncadd.s32 $0xFFFFFFFF  }
0xb4: {  	_ =	strace $0x90000048  }
0xb5: {  	_ =	sfence  }
0xb6: {  	s30 =	sld [smem:$0x0];
	_ =	sdelay $0x2  }
0xb7: {  	s31 =	sshll.u32 s1, $0xD;
	s1 =	sshrl.u32 s1, $0x2  }
0xb8: {  	s3 =	sand.u32 $0x4000, s31;
	s1 =	sadd.s32 s1, s30  }
0xb9: {  	s0 =	sor.u32 s3, s0;
	s1 =	sshll.u32 s1, $0x11  }
0xba: {  	s0 =	sor.u32 s1, s0  }
0xbb: {  	s0 =	sadd.s32 $0x8F2B, s0  }
0xbc: {  	[sflag:s0] =	ssyncadd.remote.s32 $0x1  }
0xbd: {  	_ =	sfence.sel $0xFFFF  }
0xbe: {  	[dreg:$0x0] =	wrdreg $0xFFFFFFFF;
	(pc) =	sbr.abs _section_cstart, $3  }
0xbf: {  	[dreg:$0x1] =	wrdreg $0xFFFFFFFF  }
0xc0: {  	_ =	task.clear_ibuf [dreg:s6], $0x2FFFF;
	_ =	strace $0x9FFFFFFF  }
0xc1: {  	(tm) =	ssettm $0x7FFFFFFF  }
tec
execute0_lowered:
.L_overlay_start_1:
0x0: {  	(tag) =	ssettag $0x1  }
0x1: {  	s1 =	srdreg.scid  }
0x2: {  	s0 =	stileid.u32;
	s6 =	sand.u32 $0x1, s1  }
0x3: {  	s30 =	sshll.u32 s0, $0xB;
	s2 =	sshll.u32 s6, $0xA  }
0x4: {  	s8 =	rddreg [dreg:$0x0];
	s7 =	simm.s32 $0x1;
	s9 =	sor.u32 s2, s30  }
0x5: {  	s1 =	rddreg [dreg:$0x1];
	s2 =	simm.s32 $0x0;
	s3 =	sshrl.u32 s9, $0x3  }
0x6: {  	s10 =	ssub.s32 $0x2, s6;
	[smem:$0x7FF] =	sst s2;
	s3 =	sadd.s32 s3, s8  }
0x7: {  	_ =	strace $0x80000047;
	s4 =	sadd.s32 $0x1A00, s3;
	s3 =	simm.s32 $0x2  }
0x8: {  	[tilespmem:s2], [sflag:$0x2] =	stream.linear.gather [hbm4b:s4+s2], $0x400, $0x38;
	[tilespmem:$0x2400] =	vst v63  }
0x9: {  	s5 =	sadd.s32 $0x2A00, s8;
	s11 =	sshrl.u32 s10, $0x1;
	_ =	swait.ge [sflag:s3], $0x400  }
0xa: {  	s6 =	simm.s32 $0x400;
	s31 =	ssub.s32 s10, s11;
	[sflag:s3] =	ssyncset.done $0x0  }
0xb: {  	s8 =	sadd.s32 s9, s8;
	s9 =	smax.u32 s31, $0x1;
	[sflag:s3] =	ssyncadd.s32 $0xFFFFFC00  }
0xc: {  	[tilespmem:s6], [sflag:$0x1] =	stream.indirect.gather [hbm4b:s5+s6], $0x8, s2, s6, $0xb8;
	[tilespmem:$0x2400] =	vst v63  }
0xd: {  	p0 =	sne.s32 s9, $0x1;
	_ =	swait.ge [sflag:s7], $0x2000  }
.Ltmp0:
0xe: {  	[sflag:s7] =	ssyncset.done $0x0;
	(pc) =	sbr.rel @!p0 .LBB2_2-.Ltmp0, $4  }
0xf: {  	s8 =	sadd.s32 $0x7A00, s8;
	[sflag:s7] =	ssyncadd.s32 $0xFFFFE000  }
0x10: {  	[hbm4b:s8+s2] =	stream.linear.scatter [tilespmem:s6], [sflag:$0x2], $0x2000, $0x38;
	[tilespmem:$0x2400] =	vst v63  }
0x11: {  	_ =	swait.ge [sflag:s3], $0x2000  }
0x12: {  	s9 =	sadd.s32 $0xFFFFFFFF, s9;
	[sflag:s3] =	ssyncset.done $0x0  }
.LBB2_1:
0x13: {  	p0 =	sne.s32 s9, $0x1;
	s9 =	sadd.s32 $0xFFFFFFFF, s9;
	[sflag:s3] =	ssyncadd.s32 $0xFFFFE000  }
0x14: {  	[tilespmem:s2], [sflag:$0x2] =	stream.linear.gather [hbm4b:s4+s2], $0x400, $0x38;
	[tilespmem:$0x2400] =	vst v63  }
0x15: {  	_ =	swait.ge [sflag:s3], $0x400  }
0x16: {  	[sflag:s3] =	ssyncset.done $0x0  }
0x17: {  	[sflag:s3] =	ssyncadd.s32 $0xFFFFFC00  }
0x18: {  	[tilespmem:s6], [sflag:$0x1] =	stream.indirect.gather [hbm4b:s5+s6], $0x8, s2, s6, $0xb8;
	[tilespmem:$0x2400] =	vst v63  }
0x19: {  	_ =	swait.ge [sflag:s7], $0x2000  }
.Ltmp1:
0x1a: {  	[sflag:s7] =	ssyncset.done $0x0;
	(pc) =	sbr.rel @p0 .LBB2_1-.Ltmp1, $4  }
0x1b: {  	[sflag:s7] =	ssyncadd.s32 $0xFFFFE000  }
0x1c: {  	[hbm4b:s8+s2] =	stream.linear.scatter [tilespmem:s6], [sflag:$0x2], $0x2000, $0x38;
	[tilespmem:$0x2400] =	vst v63  }
0x1d: {  	_ =	swait.ge [sflag:s3], $0x2000  }
0x1e: {  	[sflag:s3] =	ssyncset.done $0x0  }
.LBB2_2:
0x1f: {  	[sflag:s3] =	ssyncadd.s32 $0xFFFFE000  }
0x20: {  	_ =	sfence.sel $0x180000  }
0x21: {  	[bflag:$0x0] =	sbarrier.arrive $0xFFFF  }
0x22: {  	p0 =	sne.s32 s0, $0x0;
	_ =	strace $0x90000047  }
0x23: {  	s0 =	sadd.s32 @!p0 $0x100000, s1;
	[bflag:$0x2] =	sbarrier.arrive $0xFFFF  }
0x24: {  	[sflag:s0] =	ssyncadd.tile.s32 @!p0 $0x1;
	_ =	shalt  }
.Lfunc_end2:
_tile_overlayer_lowered:
.L_overlay_start_2:
0x25: {  	(tag) =	ssettag $0x2  }
0x26: {  	s0 =	rddreg [dreg:$0x0];
	s2 =	stileid.u32  }
0x27: {  	s1 =	rddreg [dreg:$0x1];
	p0 =	sne.s32 s2, $0x0  }
0x28: {  	s3 =	rddreg [dreg:$0x2];
	[bflag:$0x3] =	sbarrier.arrive $0xFFFF;
	s2 =	simm.s32 @!p0 $0x1C02  }
0x29: {  	[timem:s3], [sflag:s2] =	dma.local @!p0 [hbm:s0], s1  }
0x2a: {  	s0 =	simm.s32 @!p0 $0x2  }
0x2b: {  	_ =	swait.ge @!p0 [sflag:s0], s1  }
0x2c: {  	s1 =	ssub.s32 @!p0 $0x0, s1;
	[sflag:s0] =	ssyncset.done @!p0 $0x0  }
0x2d: {  	[sflag:s0] =	ssyncadd.s32 @!p0 s1  }
0x2e: {  	[bflag:$0x3] =	sbarrier.arrive $0xFFFF  }
0x2f: {  	_ =	shalt  }

</sc_bundles>
